<compile_context>
chip_gen: v7x
topology: tpu7x:2x2x1
jax: 0.10.2.dev20260603
libtpu: 0.0.44.dev20260713+nightly
codegen_flags: <defaults>
</compile_context>

<pallas_src>
import functools
import math

import jax
import jax.numpy as jnp
from jax import lax
from jax.experimental import pallas as pl
from jax.experimental.pallas import tpu as pltpu
from jax.experimental.pallas import tpu_sc as plsc

EMB_DIM = 64
LANES = 16
NBUF = 8
BPAD = 1


def _emb_kernel(hist, bpw, nc, xt_hbm, table_hbm, out_hbm, *refs):
    idx_v = refs[0]
    bufs = refs[1:1 + NBUF]
    tiles = refs[1 + NBUF:3 + NBUF]
    gsems = refs[3 + NBUF:3 + 2 * NBUF]
    osems = refs[3 + 2 * NBUF:5 + 2 * NBUF]

    wid = lax.axis_index("s") * nc + lax.axis_index("c")
    b0 = wid * bpw
    pltpu.sync_copy(xt_hbm.at[:, pl.ds(b0, bpw)], idx_v)

    iota = lax.iota(jnp.int32, LANES)
    row_const = []
    d8_const = []
    for k in range(EMB_DIM // LANES):
        d = iota + (LANES * k)
        row_const.append(lax.shift_right_logical(d, 3))
        d8_const.append(jnp.bitwise_and(d, 7))

    def gather(h, buf, sem):
        return pltpu.make_async_copy(table_hbm.at[idx_v.at[h]], buf, sem)

    def outcopy(h, tile, sem):
        return pltpu.make_async_copy(tile.at[:, :, pl.ds(0, bpw)],
                                     out_hbm.at[h, :, wid], sem)

    def process(buf, tile):
        @plsc.parallel_loop(0, bpw, unroll=8)
        def _row(r):
            bvec = jnp.full((LANES,), r, jnp.int32)
            for k in range(EMB_DIM // LANES):
                v = buf[r, pl.ds(LANES * k, LANES)] * 8.0
                plsc.store_scatter(tile, [row_const[k], d8_const[k], bvec], v)

    for j in range(NBUF):
        gather(j, bufs[j], gsems[j]).start()

    n_steps = hist // NBUF

    def step(s, _):
        for j in range(NBUF):
            h = s * NBUF + j
            gather(h, bufs[j], gsems[j]).wait()
            p = j % 2
            if j >= 2:
                outcopy(h - 2, tiles[p], osems[p]).wait()
            else:
                @pl.when(s > 0)
                def _():
                    outcopy(h - 2, tiles[p], osems[p]).wait()
            process(bufs[j], tiles[p])
            outcopy(h, tiles[p], osems[p]).start()

            @pl.when(s < n_steps - 1)
            def _():
                gather(h + NBUF, bufs[j], gsems[j]).start()
        return 0

    lax.fori_loop(0, n_steps, step, 0)
    outcopy(hist - 2, tiles[0], osems[0]).wait()
    outcopy(hist - 1, tiles[1], osems[1]).wait()


def kernel(x, table):
    batch, hist = x.shape
    vocab, dim = table.shape
    assert dim == EMB_DIM
    info = plsc.get_sparse_core_info()
    nc, ns = info.num_cores, info.num_subcores
    nw = nc * ns
    bpw = batch // nw
    assert bpw * nw == batch and bpw % 128 == 0 and hist % NBUF == 0

    mesh = plsc.VectorSubcoreMesh(core_axis_name="c", subcore_axis_name="s")
    run = pl.kernel(
        functools.partial(_emb_kernel, hist, bpw, nc),
        mesh=mesh,
        compiler_params=pltpu.CompilerParams(
            use_tc_tiling_on_sc=False, needs_layout_passes=False),
        out_type=jax.ShapeDtypeStruct(
            (hist, dim // 8, nw, 8, bpw), jnp.float32),
        scratch_types=(
            [pltpu.VMEM((hist, bpw), jnp.int32)]
            + [pltpu.VMEM((bpw, dim), jnp.float32) for _ in range(NBUF)]
            + [pltpu.VMEM((dim // 8, 8, bpw + BPAD), jnp.float32)
               for _ in range(2)]
            + [pltpu.SemaphoreType.DMA for _ in range(NBUF + 2)]
        ),
    )
    out = run(x.T, table)
    return out.transpose(2, 4, 0, 1, 3).reshape(batch, hist, dim)

# --- scband reference (transcript-rebuilt; emitter-appended) ---
"""Pipeline reference for scband-embedding-76433237999852 (READ-ONLY COPY).

The authoritative reference and input builder live on the scoring server;
editing this copy changes nothing except your own understanding.
"""

import math
import jax, jax.numpy as jnp
import numpy as np

VOCAB = 1000000
EMB_DIM = 64
BATCH = 4096
HIST = 200

def setup_inputs(seed: int = 0) -> dict:
    key = jax.random.key(seed)
    k_idx, k_tab = jax.random.split(key)
    x = jax.random.randint(k_idx, (BATCH, HIST), 0, VOCAB, dtype=jnp.int64 if jax.config.jax_enable_x64 else jnp.int32)
    table = jax.random.normal(k_tab, (VOCAB, EMB_DIM), dtype=jnp.float32)
    return {"x": x, "table": table}

def reference(x, table):
    # emb_layer(x) * sqrt(emb_dim)
    emb = jnp.take(table, x, axis=0)
    return emb * math.sqrt(EMB_DIM)

if __name__ == "__main__":
    import jax
    _d = setup_inputs()
    print(jax.jit(kernel)(*tuple(_d.values())))

</pallas_src>

<mosaic_0001>
#map = affine_map<(d0, d1) -> (0, 0)>
#map1 = affine_map<(d0, d1) -> (0, 0, 0, 0, 0)>
module attributes {stable_mosaic.version = 14 : i64} {
  func.func @_emb_kernel(%arg0: i32, %arg1: i32, %arg2: memref<200x4096xi32, #tpu.memory_space<hbm>>, %arg3: memref<1000000x64xf32, #tpu.memory_space<hbm>>, %arg4: memref<200x8x32x8x128xf32, #tpu.memory_space<hbm>>, %arg5: memref<200x128xi32, #tpu.memory_space<vmem>>, %arg6: memref<128x64xf32, #tpu.memory_space<vmem>>, %arg7: memref<128x64xf32, #tpu.memory_space<vmem>>, %arg8: memref<128x64xf32, #tpu.memory_space<vmem>>, %arg9: memref<128x64xf32, #tpu.memory_space<vmem>>, %arg10: memref<128x64xf32, #tpu.memory_space<vmem>>, %arg11: memref<128x64xf32, #tpu.memory_space<vmem>>, %arg12: memref<128x64xf32, #tpu.memory_space<vmem>>, %arg13: memref<128x64xf32, #tpu.memory_space<vmem>>, %arg14: memref<8x8x129xf32, #tpu.memory_space<vmem>>, %arg15: memref<8x8x129xf32, #tpu.memory_space<vmem>>, %arg16: memref<!tpu.dma_semaphore, #tpu.memory_space<semaphore_mem>>, %arg17: memref<!tpu.dma_semaphore, #tpu.memory_space<semaphore_mem>>, %arg18: memref<!tpu.dma_semaphore, #tpu.memory_space<semaphore_mem>>, %arg19: memref<!tpu.dma_semaphore, #tpu.memory_space<semaphore_mem>>, %arg20: memref<!tpu.dma_semaphore, #tpu.memory_space<semaphore_mem>>, %arg21: memref<!tpu.dma_semaphore, #tpu.memory_space<semaphore_mem>>, %arg22: memref<!tpu.dma_semaphore, #tpu.memory_space<semaphore_mem>>, %arg23: memref<!tpu.dma_semaphore, #tpu.memory_space<semaphore_mem>>, %arg24: memref<!tpu.dma_semaphore, #tpu.memory_space<semaphore_mem>>, %arg25: memref<!tpu.dma_semaphore, #tpu.memory_space<semaphore_mem>>) attributes {dimension_semantics = [#tpu.dimension_semantics<core_parallel>, #tpu.dimension_semantics<subcore_parallel>], iteration_bounds = array<i64: 2, 16>, scalar_prefetch = 0 : i64, scratch_operands = 21 : i64, tpu.core_type = #tpu.core_type<sc_vector_subcore>, window_params = [{transform_indices = #map}, {transform_indices = #map}, {transform_indices = #map1}]} {
    %mul3A = arith.constant 2 : i32
    %mul3A_0 = arith.muli %arg1, %mul3A : i32
    %add3A = arith.addi %mul3A_0, %arg0 : i32
    %mul3A_1 = arith.constant 128 : i32
    %mul3A_2 = arith.muli %add3A, %mul3A_1 : i32
    "tpu.region"() ({
      %run_scoped3A = tpu.sem_alloc : memref<!tpu.dma_semaphore, #tpu.memory_space<semaphore_mem>>
      %dma_start3A_135 = arith.constant 0 : i32
      %dma_start3A_136 = tpu.memref_slice %arg2[%dma_start3A_135, %mul3A_2] : memref<200x4096xi32, #tpu.memory_space<hbm>> -> memref<200x128xi32, #tpu.memory_space<hbm>>
      %dma_start3A_137 = arith.constant 0 : i32
      %dma_start3A_138 = tpu.memref_slice %arg2[%dma_start3A_137, %mul3A_2] : memref<200x4096xi32, #tpu.memory_space<hbm>> -> memref<200x128xi32, #tpu.memory_space<hbm>>
      tpu.enqueue_dma source(%dma_start3A_138 : memref<200x128xi32, #tpu.memory_space<hbm>>) target(%arg5 : memref<200x128xi32, #tpu.memory_space<vmem>>) target_semaphore(%run_scoped3A : memref<!tpu.dma_semaphore, #tpu.memory_space<semaphore_mem>>)
      %dma_wait3A_139 = arith.constant 0 : i32
      %dma_wait3A_140 = tpu.memref_slice %arg2[%dma_wait3A_139, %mul3A_2] : memref<200x4096xi32, #tpu.memory_space<hbm>> -> memref<200x128xi32, #tpu.memory_space<hbm>>
      %dma_wait3A_141 = arith.constant 0 : i32
      %dma_wait3A_142 = tpu.memref_slice %arg2[%dma_wait3A_141, %mul3A_2] : memref<200x4096xi32, #tpu.memory_space<hbm>> -> memref<200x128xi32, #tpu.memory_space<hbm>>
      tpu.wait_dma2 semaphore(%run_scoped3A : memref<!tpu.dma_semaphore, #tpu.memory_space<semaphore_mem>>) src(%dma_wait3A_142 : memref<200x128xi32, #tpu.memory_space<hbm>>) dst(%arg5 : memref<200x128xi32, #tpu.memory_space<vmem>>)
      tpu.yield
    }) : () -> ()
    %iota3A = tpu.iota {dimensions = array<i32: 0>} : vector<16xi32>
    %add3A_3 = arith.constant 0 : i32
    %add3A_4 = vector.broadcast %add3A_3 : i32 to vector<16xi32>
    %add3A_5 = arith.addi %iota3A, %add3A_4 : vector<16xi32>
    %shift_right_logical3A = arith.constant 3 : i32
    %shift_right_logical3A_6 = vector.broadcast %shift_right_logical3A : i32 to vector<16xi32>
    %shift_right_logical3A_7 = arith.shrui %add3A_5, %shift_right_logical3A_6 : vector<16xi32>
    %and3A = arith.constant 7 : i32
    %and3A_8 = vector.broadcast %and3A : i32 to vector<16xi32>
    %and3A_9 = arith.andi %add3A_5, %and3A_8 : vector<16xi32>
    %add3A_10 = arith.constant 16 : i32
    %add3A_11 = vector.broadcast %add3A_10 : i32 to vector<16xi32>
    %add3A_12 = arith.addi %iota3A, %add3A_11 : vector<16xi32>
    %shift_right_logical3A_13 = arith.constant 3 : i32
    %shift_right_logical3A_14 = vector.broadcast %shift_right_logical3A_13 : i32 to vector<16xi32>
    %shift_right_logical3A_15 = arith.shrui %add3A_12, %shift_right_logical3A_14 : vector<16xi32>
    %and3A_16 = arith.constant 7 : i32
    %and3A_17 = vector.broadcast %and3A_16 : i32 to vector<16xi32>
    %and3A_18 = arith.andi %add3A_12, %and3A_17 : vector<16xi32>
    %add3A_19 = arith.constant 32 : i32
    %add3A_20 = vector.broadcast %add3A_19 : i32 to vector<16xi32>
    %add3A_21 = arith.addi %iota3A, %add3A_20 : vector<16xi32>
    %shift_right_logical3A_22 = arith.constant 3 : i32
    %shift_right_logical3A_23 = vector.broadcast %shift_right_logical3A_22 : i32 to vector<16xi32>
    %shift_right_logical3A_24 = arith.shrui %add3A_21, %shift_right_logical3A_23 : vector<16xi32>
    %and3A_25 = arith.constant 7 : i32
    %and3A_26 = vector.broadcast %and3A_25 : i32 to vector<16xi32>
    %and3A_27 = arith.andi %add3A_21, %and3A_26 : vector<16xi32>
    %add3A_28 = arith.constant 48 : i32
    %add3A_29 = vector.broadcast %add3A_28 : i32 to vector<16xi32>
    %add3A_30 = arith.addi %iota3A, %add3A_29 : vector<16xi32>
    %shift_right_logical3A_31 = arith.constant 3 : i32
    %shift_right_logical3A_32 = vector.broadcast %shift_right_logical3A_31 : i32 to vector<16xi32>
    %shift_right_logical3A_33 = arith.shrui %add3A_30, %shift_right_logical3A_32 : vector<16xi32>
    %and3A_34 = arith.constant 7 : i32
    %and3A_35 = vector.broadcast %and3A_34 : i32 to vector<16xi32>
    %and3A_36 = arith.andi %add3A_30, %and3A_35 : vector<16xi32>
    %dma_start3A = arith.constant 0 : i32
    %dma_start3A_37 = arith.constant 0 : i32
    %dma_start3A_38 = tpu.memref_slice %arg5[%dma_start3A, %dma_start3A_37] : memref<200x128xi32, #tpu.memory_space<vmem>> -> memref<1x128xi32, #tpu.memory_space<vmem>>
    %dma_start3A_39 = tpu.memref_squeeze %dma_start3A_38 : memref<1x128xi32, #tpu.memory_space<vmem>> -> memref<128xi32, #tpu.memory_space<vmem>>
    %dma_start3A_40 = arith.constant 0 : i32
    %dma_start3A_41 = arith.constant 0 : i32
    %dma_start3A_42 = tpu.memref_slice %arg3[%dma_start3A_40, %dma_start3A_41] : memref<1000000x64xf32, #tpu.memory_space<hbm>> -> memref<1000000x64xf32, #tpu.memory_space<hbm>>
    tpu.enqueue_indirect_dma source(%dma_start3A_42 : memref<1000000x64xf32, #tpu.memory_space<hbm>>) target(%arg6 : memref<128x64xf32, #tpu.memory_space<vmem>>) offsets(%dma_start3A_39 : memref<128xi32, #tpu.memory_space<vmem>>) semaphore(%arg16 : memref<!tpu.dma_semaphore, #tpu.memory_space<semaphore_mem>>)
    %dma_start3A_43 = arith.constant 1 : i32
    %dma_start3A_44 = arith.constant 0 : i32
    %dma_start3A_45 = tpu.memref_slice %arg5[%dma_start3A_43, %dma_start3A_44] : memref<200x128xi32, #tpu.memory_space<vmem>> -> memref<1x128xi32, #tpu.memory_space<vmem>>
    %dma_start3A_46 = tpu.memref_squeeze %dma_start3A_45 : memref<1x128xi32, #tpu.memory_space<vmem>> -> memref<128xi32, #tpu.memory_space<vmem>>
    %dma_start3A_47 = arith.constant 0 : i32
    %dma_start3A_48 = arith.constant 0 : i32
    %dma_start3A_49 = tpu.memref_slice %arg3[%dma_start3A_47, %dma_start3A_48] : memref<1000000x64xf32, #tpu.memory_space<hbm>> -> memref<1000000x64xf32, #tpu.memory_space<hbm>>
    tpu.enqueue_indirect_dma source(%dma_start3A_49 : memref<1000000x64xf32, #tpu.memory_space<hbm>>) target(%arg7 : memref<128x64xf32, #tpu.memory_space<vmem>>) offsets(%dma_start3A_46 : memref<128xi32, #tpu.memory_space<vmem>>) semaphore(%arg17 : memref<!tpu.dma_semaphore, #tpu.memory_space<semaphore_mem>>)
    %dma_start3A_50 = arith.constant 2 : i32
    %dma_start3A_51 = arith.constant 0 : i32
    %dma_start3A_52 = tpu.memref_slice %arg5[%dma_start3A_50, %dma_start3A_51] : memref<200x128xi32, #tpu.memory_space<vmem>> -> memref<1x128xi32, #tpu.memory_space<vmem>>
    %dma_start3A_53 = tpu.memref_squeeze %dma_start3A_52 : memref<1x128xi32, #tpu.memory_space<vmem>> -> memref<128xi32, #tpu.memory_space<vmem>>
    %dma_start3A_54 = arith.constant 0 : i32
    %dma_start3A_55 = arith.constant 0 : i32
    %dma_start3A_56 = tpu.memref_slice %arg3[%dma_start3A_54, %dma_start3A_55] : memref<1000000x64xf32, #tpu.memory_space<hbm>> -> memref<1000000x64xf32, #tpu.memory_space<hbm>>
    tpu.enqueue_indirect_dma source(%dma_start3A_56 : memref<1000000x64xf32, #tpu.memory_space<hbm>>) target(%arg8 : memref<128x64xf32, #tpu.memory_space<vmem>>) offsets(%dma_start3A_53 : memref<128xi32, #tpu.memory_space<vmem>>) semaphore(%arg18 : memref<!tpu.dma_semaphore, #tpu.memory_space<semaphore_mem>>)
    %dma_start3A_57 = arith.constant 3 : i32
    %dma_start3A_58 = arith.constant 0 : i32
    %dma_start3A_59 = tpu.memref_slice %arg5[%dma_start3A_57, %dma_start3A_58] : memref<200x128xi32, #tpu.memory_space<vmem>> -> memref<1x128xi32, #tpu.memory_space<vmem>>
    %dma_start3A_60 = tpu.memref_squeeze %dma_start3A_59 : memref<1x128xi32, #tpu.memory_space<vmem>> -> memref<128xi32, #tpu.memory_space<vmem>>
    %dma_start3A_61 = arith.constant 0 : i32
    %dma_start3A_62 = arith.constant 0 : i32
    %dma_start3A_63 = tpu.memref_slice %arg3[%dma_start3A_61, %dma_start3A_62] : memref<1000000x64xf32, #tpu.memory_space<hbm>> -> memref<1000000x64xf32, #tpu.memory_space<hbm>>
    tpu.enqueue_indirect_dma source(%dma_start3A_63 : memref<1000000x64xf32, #tpu.memory_space<hbm>>) target(%arg9 : memref<128x64xf32, #tpu.memory_space<vmem>>) offsets(%dma_start3A_60 : memref<128xi32, #tpu.memory_space<vmem>>) semaphore(%arg19 : memref<!tpu.dma_semaphore, #tpu.memory_space<semaphore_mem>>)
    %dma_start3A_64 = arith.constant 4 : i32
    %dma_start3A_65 = arith.constant 0 : i32
    %dma_start3A_66 = tpu.memref_slice %arg5[%dma_start3A_64, %dma_start3A_65] : memref<200x128xi32, #tpu.memory_space<vmem>> -> memref<1x128xi32, #tpu.memory_space<vmem>>
    %dma_start3A_67 = tpu.memref_squeeze %dma_start3A_66 : memref<1x128xi32, #tpu.memory_space<vmem>> -> memref<128xi32, #tpu.memory_space<vmem>>
    %dma_start3A_68 = arith.constant 0 : i32
    %dma_start3A_69 = arith.constant 0 : i32
    %dma_start3A_70 = tpu.memref_slice %arg3[%dma_start3A_68, %dma_start3A_69] : memref<1000000x64xf32, #tpu.memory_space<hbm>> -> memref<1000000x64xf32, #tpu.memory_space<hbm>>
    tpu.enqueue_indirect_dma source(%dma_start3A_70 : memref<1000000x64xf32, #tpu.memory_space<hbm>>) target(%arg10 : memref<128x64xf32, #tpu.memory_space<vmem>>) offsets(%dma_start3A_67 : memref<128xi32, #tpu.memory_space<vmem>>) semaphore(%arg20 : memref<!tpu.dma_semaphore, #tpu.memory_space<semaphore_mem>>)
    %dma_start3A_71 = arith.constant 5 : i32
    %dma_start3A_72 = arith.constant 0 : i32
    %dma_start3A_73 = tpu.memref_slice %arg5[%dma_start3A_71, %dma_start3A_72] : memref<200x128xi32, #tpu.memory_space<vmem>> -> memref<1x128xi32, #tpu.memory_space<vmem>>
    %dma_start3A_74 = tpu.memref_squeeze %dma_start3A_73 : memref<1x128xi32, #tpu.memory_space<vmem>> -> memref<128xi32, #tpu.memory_space<vmem>>
    %dma_start3A_75 = arith.constant 0 : i32
    %dma_start3A_76 = arith.constant 0 : i32
    %dma_start3A_77 = tpu.memref_slice %arg3[%dma_start3A_75, %dma_start3A_76] : memref<1000000x64xf32, #tpu.memory_space<hbm>> -> memref<1000000x64xf32, #tpu.memory_space<hbm>>
    tpu.enqueue_indirect_dma source(%dma_start3A_77 : memref<1000000x64xf32, #tpu.memory_space<hbm>>) target(%arg11 : memref<128x64xf32, #tpu.memory_space<vmem>>) offsets(%dma_start3A_74 : memref<128xi32, #tpu.memory_space<vmem>>) semaphore(%arg21 : memref<!tpu.dma_semaphore, #tpu.memory_space<semaphore_mem>>)
    %dma_start3A_78 = arith.constant 6 : i32
    %dma_start3A_79 = arith.constant 0 : i32
    %dma_start3A_80 = tpu.memref_slice %arg5[%dma_start3A_78, %dma_start3A_79] : memref<200x128xi32, #tpu.memory_space<vmem>> -> memref<1x128xi32, #tpu.memory_space<vmem>>
    %dma_start3A_81 = tpu.memref_squeeze %dma_start3A_80 : memref<1x128xi32, #tpu.memory_space<vmem>> -> memref<128xi32, #tpu.memory_space<vmem>>
    %dma_start3A_82 = arith.constant 0 : i32
    %dma_start3A_83 = arith.constant 0 : i32
    %dma_start3A_84 = tpu.memref_slice %arg3[%dma_start3A_82, %dma_start3A_83] : memref<1000000x64xf32, #tpu.memory_space<hbm>> -> memref<1000000x64xf32, #tpu.memory_space<hbm>>
    tpu.enqueue_indirect_dma source(%dma_start3A_84 : memref<1000000x64xf32, #tpu.memory_space<hbm>>) target(%arg12 : memref<128x64xf32, #tpu.memory_space<vmem>>) offsets(%dma_start3A_81 : memref<128xi32, #tpu.memory_space<vmem>>) semaphore(%arg22 : memref<!tpu.dma_semaphore, #tpu.memory_space<semaphore_mem>>)
    %dma_start3A_85 = arith.constant 7 : i32
    %dma_start3A_86 = arith.constant 0 : i32
    %dma_start3A_87 = tpu.memref_slice %arg5[%dma_start3A_85, %dma_start3A_86] : memref<200x128xi32, #tpu.memory_space<vmem>> -> memref<1x128xi32, #tpu.memory_space<vmem>>
    %dma_start3A_88 = tpu.memref_squeeze %dma_start3A_87 : memref<1x128xi32, #tpu.memory_space<vmem>> -> memref<128xi32, #tpu.memory_space<vmem>>
    %dma_start3A_89 = arith.constant 0 : i32
    %dma_start3A_90 = arith.constant 0 : i32
    %dma_start3A_91 = tpu.memref_slice %arg3[%dma_start3A_89, %dma_start3A_90] : memref<1000000x64xf32, #tpu.memory_space<hbm>> -> memref<1000000x64xf32, #tpu.memory_space<hbm>>
    tpu.enqueue_indirect_dma source(%dma_start3A_91 : memref<1000000x64xf32, #tpu.memory_space<hbm>>) target(%arg13 : memref<128x64xf32, #tpu.memory_space<vmem>>) offsets(%dma_start3A_88 : memref<128xi32, #tpu.memory_space<vmem>>) semaphore(%arg23 : memref<!tpu.dma_semaphore, #tpu.memory_space<semaphore_mem>>)
    %scan3A = arith.constant 0 : i32
    %scan3A_92 = arith.constant 0 : i32
    %scan3A_93 = arith.constant 25 : i32
    %scan3A_94 = arith.addi %scan3A_92, %scan3A_93 : i32
    %scan3A_95 = arith.constant 1 : i32
    %scan3A_96 = scf.for %scan3A_135 = %scan3A_92 to %scan3A_94 step %scan3A_95 iter_args(%scan3A_136 = %scan3A) -> (i32)  : i32 {
      %mul3A_137 = arith.constant 8 : i32
      %mul3A_138 = arith.muli %scan3A_135, %mul3A_137 : i32
      %add3A_139 = arith.constant 0 : i32
      %add3A_140 = arith.addi %mul3A_138, %add3A_139 : i32
      %dma_wait3A_141 = arith.constant 0 : i32
      %dma_wait3A_142 = tpu.memref_slice %arg5[%add3A_140, %dma_wait3A_141] : memref<200x128xi32, #tpu.memory_space<vmem>> -> memref<1x128xi32, #tpu.memory_space<vmem>>
      %dma_wait3A_143 = tpu.memref_squeeze %dma_wait3A_142 : memref<1x128xi32, #tpu.memory_space<vmem>> -> memref<128xi32, #tpu.memory_space<vmem>>
      %dma_wait3A_144 = arith.constant 0 : i32
      %dma_wait3A_145 = arith.constant 0 : i32
      %dma_wait3A_146 = tpu.memref_slice %arg3[%dma_wait3A_144, %dma_wait3A_145] : memref<1000000x64xf32, #tpu.memory_space<hbm>> -> memref<1000000x64xf32, #tpu.memory_space<hbm>>
      tpu.wait_indirect_dma semaphore(%arg16 : memref<!tpu.dma_semaphore, #tpu.memory_space<semaphore_mem>>) src(%dma_wait3A_146 : memref<1000000x64xf32, #tpu.memory_space<hbm>>) dst(%arg6 : memref<128x64xf32, #tpu.memory_space<vmem>>)
      %gt3A = arith.constant 0 : i32
      %gt3A_147 = arith.cmpi sgt, %scan3A_135, %gt3A : i32
      %convert_element_type3A = arith.extui %gt3A_147 : i1 to i32
      %cond3A = arith.constant 0 : i32
      %cond3A_148 = arith.cmpi ne, %convert_element_type3A, %cond3A : i32
      scf.if %cond3A_148 {
        %sub3A_550 = arith.constant 2 : i32
        %sub3A_551 = arith.subi %add3A_140, %sub3A_550 : i32
        %dma_wait3A_552 = arith.constant 0 : i32
        %dma_wait3A_553 = arith.constant 0 : i32
        %dma_wait3A_554 = arith.constant 0 : i32
        %dma_wait3A_555 = tpu.memref_slice %arg14[%dma_wait3A_552, %dma_wait3A_553, %dma_wait3A_554] : memref<8x8x129xf32, #tpu.memory_space<vmem>> -> memref<8x8x128xf32, #tpu.memory_space<vmem>>
        %dma_wait3A_556 = arith.constant 0 : i32
        %dma_wait3A_557 = arith.constant 0 : i32
        %dma_wait3A_558 = arith.constant 0 : i32
        %dma_wait3A_559 = tpu.memref_slice %arg4[%sub3A_551, %dma_wait3A_556, %add3A, %dma_wait3A_557, %dma_wait3A_558] : memref<200x8x32x8x128xf32, #tpu.memory_space<hbm>> -> memref<1x8x1x8x128xf32, #tpu.memory_space<hbm>>
        %dma_wait3A_560 = tpu.memref_squeeze %dma_wait3A_559 : memref<1x8x1x8x128xf32, #tpu.memory_space<hbm>> -> memref<8x8x128xf32, #tpu.memory_space<hbm>>
        %dma_wait3A_561 = arith.constant 0 : i32
        %dma_wait3A_562 = arith.constant 0 : i32
        %dma_wait3A_563 = arith.constant 0 : i32
        %dma_wait3A_564 = tpu.memref_slice %arg4[%sub3A_551, %dma_wait3A_561, %add3A, %dma_wait3A_562, %dma_wait3A_563] : memref<200x8x32x8x128xf32, #tpu.memory_space<hbm>> -> memref<1x8x1x8x128xf32, #tpu.memory_space<hbm>>
        %dma_wait3A_565 = tpu.memref_squeeze %dma_wait3A_564 : memref<1x8x1x8x128xf32, #tpu.memory_space<hbm>> -> memref<8x8x128xf32, #tpu.memory_space<hbm>>
        %dma_wait3A_566 = arith.constant 0 : i32
        %dma_wait3A_567 = arith.constant 0 : i32
        %dma_wait3A_568 = arith.constant 0 : i32
        %dma_wait3A_569 = tpu.memref_slice %arg14[%dma_wait3A_566, %dma_wait3A_567, %dma_wait3A_568] : memref<8x8x129xf32, #tpu.memory_space<vmem>> -> memref<8x8x128xf32, #tpu.memory_space<vmem>>
        tpu.wait_dma2 semaphore(%arg24 : memref<!tpu.dma_semaphore, #tpu.memory_space<semaphore_mem>>) src(%dma_wait3A_569 : memref<8x8x128xf32, #tpu.memory_space<vmem>>) dst(%dma_wait3A_565 : memref<8x8x128xf32, #tpu.memory_space<hbm>>)
      } else {
      }
      %parallel_loop3A = arith.constant 0 : i32
      %parallel_loop3A_149 = arith.constant 128 : i32
      %parallel_loop3A_150 = arith.constant 1 : i32
      scf.for %parallel_loop3A_550 = %parallel_loop3A to %parallel_loop3A_149 step %parallel_loop3A_150  : i32 {
        %parallel_loop3A_551 = vector.broadcast %parallel_loop3A_550 : i32 to vector<16xi32>
        %parallel_loop3A_552 = arith.index_cast %parallel_loop3A_550 : i32 to index
        %parallel_loop3A_553 = arith.constant 0 : index
        %parallel_loop3A_554 = tpu.vector_load %arg6[%parallel_loop3A_552, %parallel_loop3A_553] {strides = array<i32>} : memref<128x64xf32, #tpu.memory_space<vmem>>, vector<16xf32>,
        %parallel_loop3A_555 = arith.constant 8.000000e+00 : f32
        %parallel_loop3A_556 = vector.broadcast %parallel_loop3A_555 : f32 to vector<16xf32>
        %parallel_loop3A_557 = arith.mulf %parallel_loop3A_554, %parallel_loop3A_556 : vector<16xf32>
        tpu.vector_store_idx %arg14[%shift_right_logical3A_7, %and3A_9, %parallel_loop3A_551], %parallel_loop3A_557 : memref<8x8x129xf32, #tpu.memory_space<vmem>>[vector<16xi32>, vector<16xi32>, vector<16xi32>], vector<16xf32>,
        %parallel_loop3A_558 = arith.index_cast %parallel_loop3A_550 : i32 to index
        %parallel_loop3A_559 = arith.constant 16 : index
        %parallel_loop3A_560 = tpu.vector_load %arg6[%parallel_loop3A_558, %parallel_loop3A_559] {strides = array<i32>} : memref<128x64xf32, #tpu.memory_space<vmem>>, vector<16xf32>,
        %parallel_loop3A_561 = arith.constant 8.000000e+00 : f32
        %parallel_loop3A_562 = vector.broadcast %parallel_loop3A_561 : f32 to vector<16xf32>
        %parallel_loop3A_563 = arith.mulf %parallel_loop3A_560, %parallel_loop3A_562 : vector<16xf32>
        tpu.vector_store_idx %arg14[%shift_right_logical3A_15, %and3A_18, %parallel_loop3A_551], %parallel_loop3A_563 : memref<8x8x129xf32, #tpu.memory_space<vmem>>[vector<16xi32>, vector<16xi32>, vector<16xi32>], vector<16xf32>,
        %parallel_loop3A_564 = arith.index_cast %parallel_loop3A_550 : i32 to index
        %parallel_loop3A_565 = arith.constant 32 : index
        %parallel_loop3A_566 = tpu.vector_load %arg6[%parallel_loop3A_564, %parallel_loop3A_565] {strides = array<i32>} : memref<128x64xf32, #tpu.memory_space<vmem>>, vector<16xf32>,
        %parallel_loop3A_567 = arith.constant 8.000000e+00 : f32
        %parallel_loop3A_568 = vector.broadcast %parallel_loop3A_567 : f32 to vector<16xf32>
        %parallel_loop3A_569 = arith.mulf %parallel_loop3A_566, %parallel_loop3A_568 : vector<16xf32>
        tpu.vector_store_idx %arg14[%shift_right_logical3A_24, %and3A_27, %parallel_loop3A_551], %parallel_loop3A_569 : memref<8x8x129xf32, #tpu.memory_space<vmem>>[vector<16xi32>, vector<16xi32>, vector<16xi32>], vector<16xf32>,
        %parallel_loop3A_570 = arith.index_cast %parallel_loop3A_550 : i32 to index
        %parallel_loop3A_571 = arith.constant 48 : index
        %parallel_loop3A_572 = tpu.vector_load %arg6[%parallel_loop3A_570, %parallel_loop3A_571] {strides = array<i32>} : memref<128x64xf32, #tpu.memory_space<vmem>>, vector<16xf32>,
        %parallel_loop3A_573 = arith.constant 8.000000e+00 : f32
        %parallel_loop3A_574 = vector.broadcast %parallel_loop3A_573 : f32 to vector<16xf32>
        %parallel_loop3A_575 = arith.mulf %parallel_loop3A_572, %parallel_loop3A_574 : vector<16xf32>
        tpu.vector_store_idx %arg14[%shift_right_logical3A_33, %and3A_36, %parallel_loop3A_551], %parallel_loop3A_575 : memref<8x8x129xf32, #tpu.memory_space<vmem>>[vector<16xi32>, vector<16xi32>, vector<16xi32>], vector<16xf32>,
      } {sc.loop_unroll_factor = 8 : i64, sc.parallel_access}
      %dma_start3A_151 = arith.constant 0 : i32
      %dma_start3A_152 = arith.constant 0 : i32
      %dma_start3A_153 = arith.constant 0 : i32
      %dma_start3A_154 = tpu.memref_slice %arg14[%dma_start3A_151, %dma_start3A_152, %dma_start3A_153] : memref<8x8x129xf32, #tpu.memory_space<vmem>> -> memref<8x8x128xf32, #tpu.memory_space<vmem>>
      %dma_start3A_155 = arith.constant 0 : i32
      %dma_start3A_156 = arith.constant 0 : i32
      %dma_start3A_157 = arith.constant 0 : i32
      %dma_start3A_158 = tpu.memref_slice %arg4[%add3A_140, %dma_start3A_155, %add3A, %dma_start3A_156, %dma_start3A_157] : memref<200x8x32x8x128xf32, #tpu.memory_space<hbm>> -> memref<1x8x1x8x128xf32, #tpu.memory_space<hbm>>
      %dma_start3A_159 = tpu.memref_squeeze %dma_start3A_158 : memref<1x8x1x8x128xf32, #tpu.memory_space<hbm>> -> memref<8x8x128xf32, #tpu.memory_space<hbm>>
      %dma_start3A_160 = arith.constant 0 : i32
      %dma_start3A_161 = arith.constant 0 : i32
      %dma_start3A_162 = arith.constant 0 : i32
      %dma_start3A_163 = tpu.memref_slice %arg4[%add3A_140, %dma_start3A_160, %add3A, %dma_start3A_161, %dma_start3A_162] : memref<200x8x32x8x128xf32, #tpu.memory_space<hbm>> -> memref<1x8x1x8x128xf32, #tpu.memory_space<hbm>>
      %dma_start3A_164 = tpu.memref_squeeze %dma_start3A_163 : memref<1x8x1x8x128xf32, #tpu.memory_space<hbm>> -> memref<8x8x128xf32, #tpu.memory_space<hbm>>
      %dma_start3A_165 = arith.constant 0 : i32
      %dma_start3A_166 = arith.constant 0 : i32
      %dma_start3A_167 = arith.constant 0 : i32
      %dma_start3A_168 = tpu.memref_slice %arg14[%dma_start3A_165, %dma_start3A_166, %dma_start3A_167] : memref<8x8x129xf32, #tpu.memory_space<vmem>> -> memref<8x8x128xf32, #tpu.memory_space<vmem>>
      tpu.enqueue_dma source(%dma_start3A_168 : memref<8x8x128xf32, #tpu.memory_space<vmem>>) target(%dma_start3A_164 : memref<8x8x128xf32, #tpu.memory_space<hbm>>) target_semaphore(%arg24 : memref<!tpu.dma_semaphore, #tpu.memory_space<semaphore_mem>>)
      %lt3A = arith.constant 24 : i32
      %lt3A_169 = arith.cmpi slt, %scan3A_135, %lt3A : i32
      %convert_element_type3A_170 = arith.extui %lt3A_169 : i1 to i32
      %cond3A_171 = arith.constant 0 : i32
      %cond3A_172 = arith.cmpi ne, %convert_element_type3A_170, %cond3A_171 : i32
      scf.if %cond3A_172 {
        %add3A_550 = arith.constant 8 : i32
        %add3A_551 = arith.addi %add3A_140, %add3A_550 : i32
        %dma_start3A_552 = arith.constant 0 : i32
        %dma_start3A_553 = tpu.memref_slice %arg5[%add3A_551, %dma_start3A_552] : memref<200x128xi32, #tpu.memory_space<vmem>> -> memref<1x128xi32, #tpu.memory_space<vmem>>
        %dma_start3A_554 = tpu.memref_squeeze %dma_start3A_553 : memref<1x128xi32, #tpu.memory_space<vmem>> -> memref<128xi32, #tpu.memory_space<vmem>>
        %dma_start3A_555 = arith.constant 0 : i32
        %dma_start3A_556 = arith.constant 0 : i32
        %dma_start3A_557 = tpu.memref_slice %arg3[%dma_start3A_555, %dma_start3A_556] : memref<1000000x64xf32, #tpu.memory_space<hbm>> -> memref<1000000x64xf32, #tpu.memory_space<hbm>>
        tpu.enqueue_indirect_dma source(%dma_start3A_557 : memref<1000000x64xf32, #tpu.memory_space<hbm>>) target(%arg6 : memref<128x64xf32, #tpu.memory_space<vmem>>) offsets(%dma_start3A_554 : memref<128xi32, #tpu.memory_space<vmem>>) semaphore(%arg16 : memref<!tpu.dma_semaphore, #tpu.memory_space<semaphore_mem>>)
      } else {
      }
      %mul3A_173 = arith.constant 8 : i32
      %mul3A_174 = arith.muli %scan3A_135, %mul3A_173 : i32
      %add3A_175 = arith.constant 1 : i32
      %add3A_176 = arith.addi %mul3A_174, %add3A_175 : i32
      %dma_wait3A_177 = arith.constant 0 : i32
      %dma_wait3A_178 = tpu.memref_slice %arg5[%add3A_176, %dma_wait3A_177] : memref<200x128xi32, #tpu.memory_space<vmem>> -> memref<1x128xi32, #tpu.memory_space<vmem>>
      %dma_wait3A_179 = tpu.memref_squeeze %dma_wait3A_178 : memref<1x128xi32, #tpu.memory_space<vmem>> -> memref<128xi32, #tpu.memory_space<vmem>>
      %dma_wait3A_180 = arith.constant 0 : i32
      %dma_wait3A_181 = arith.constant 0 : i32
      %dma_wait3A_182 = tpu.memref_slice %arg3[%dma_wait3A_180, %dma_wait3A_181] : memref<1000000x64xf32, #tpu.memory_space<hbm>> -> memref<1000000x64xf32, #tpu.memory_space<hbm>>
      tpu.wait_indirect_dma semaphore(%arg17 : memref<!tpu.dma_semaphore, #tpu.memory_space<semaphore_mem>>) src(%dma_wait3A_182 : memref<1000000x64xf32, #tpu.memory_space<hbm>>) dst(%arg7 : memref<128x64xf32, #tpu.memory_space<vmem>>)
      %gt3A_183 = arith.constant 0 : i32
      %gt3A_184 = arith.cmpi sgt, %scan3A_135, %gt3A_183 : i32
      %convert_element_type3A_185 = arith.extui %gt3A_184 : i1 to i32
      %cond3A_186 = arith.constant 0 : i32
      %cond3A_187 = arith.cmpi ne, %convert_element_type3A_185, %cond3A_186 : i32
      scf.if %cond3A_187 {
        %sub3A_550 = arith.constant 2 : i32
        %sub3A_551 = arith.subi %add3A_176, %sub3A_550 : i32
        %dma_wait3A_552 = arith.constant 0 : i32
        %dma_wait3A_553 = arith.constant 0 : i32
        %dma_wait3A_554 = arith.constant 0 : i32
        %dma_wait3A_555 = tpu.memref_slice %arg15[%dma_wait3A_552, %dma_wait3A_553, %dma_wait3A_554] : memref<8x8x129xf32, #tpu.memory_space<vmem>> -> memref<8x8x128xf32, #tpu.memory_space<vmem>>
        %dma_wait3A_556 = arith.constant 0 : i32
        %dma_wait3A_557 = arith.constant 0 : i32
        %dma_wait3A_558 = arith.constant 0 : i32
        %dma_wait3A_559 = tpu.memref_slice %arg4[%sub3A_551, %dma_wait3A_556, %add3A, %dma_wait3A_557, %dma_wait3A_558] : memref<200x8x32x8x128xf32, #tpu.memory_space<hbm>> -> memref<1x8x1x8x128xf32, #tpu.memory_space<hbm>>
        %dma_wait3A_560 = tpu.memref_squeeze %dma_wait3A_559 : memref<1x8x1x8x128xf32, #tpu.memory_space<hbm>> -> memref<8x8x128xf32, #tpu.memory_space<hbm>>
        %dma_wait3A_561 = arith.constant 0 : i32
        %dma_wait3A_562 = arith.constant 0 : i32
        %dma_wait3A_563 = arith.constant 0 : i32
        %dma_wait3A_564 = tpu.memref_slice %arg4[%sub3A_551, %dma_wait3A_561, %add3A, %dma_wait3A_562, %dma_wait3A_563] : memref<200x8x32x8x128xf32, #tpu.memory_space<hbm>> -> memref<1x8x1x8x128xf32, #tpu.memory_space<hbm>>
        %dma_wait3A_565 = tpu.memref_squeeze %dma_wait3A_564 : memref<1x8x1x8x128xf32, #tpu.memory_space<hbm>> -> memref<8x8x128xf32, #tpu.memory_space<hbm>>
        %dma_wait3A_566 = arith.constant 0 : i32
        %dma_wait3A_567 = arith.constant 0 : i32
        %dma_wait3A_568 = arith.constant 0 : i32
        %dma_wait3A_569 = tpu.memref_slice %arg15[%dma_wait3A_566, %dma_wait3A_567, %dma_wait3A_568] : memref<8x8x129xf32, #tpu.memory_space<vmem>> -> memref<8x8x128xf32, #tpu.memory_space<vmem>>
        tpu.wait_dma2 semaphore(%arg25 : memref<!tpu.dma_semaphore, #tpu.memory_space<semaphore_mem>>) src(%dma_wait3A_569 : memref<8x8x128xf32, #tpu.memory_space<vmem>>) dst(%dma_wait3A_565 : memref<8x8x128xf32, #tpu.memory_space<hbm>>)
      } else {
      }
      %parallel_loop3A_188 = arith.constant 0 : i32
      %parallel_loop3A_189 = arith.constant 128 : i32
      %parallel_loop3A_190 = arith.constant 1 : i32
      scf.for %parallel_loop3A_550 = %parallel_loop3A_188 to %parallel_loop3A_189 step %parallel_loop3A_190  : i32 {
        %parallel_loop3A_551 = vector.broadcast %parallel_loop3A_550 : i32 to vector<16xi32>
        %parallel_loop3A_552 = arith.index_cast %parallel_loop3A_550 : i32 to index
        %parallel_loop3A_553 = arith.constant 0 : index
        %parallel_loop3A_554 = tpu.vector_load %arg7[%parallel_loop3A_552, %parallel_loop3A_553] {strides = array<i32>} : memref<128x64xf32, #tpu.memory_space<vmem>>, vector<16xf32>,
        %parallel_loop3A_555 = arith.constant 8.000000e+00 : f32
        %parallel_loop3A_556 = vector.broadcast %parallel_loop3A_555 : f32 to vector<16xf32>
        %parallel_loop3A_557 = arith.mulf %parallel_loop3A_554, %parallel_loop3A_556 : vector<16xf32>
        tpu.vector_store_idx %arg15[%shift_right_logical3A_7, %and3A_9, %parallel_loop3A_551], %parallel_loop3A_557 : memref<8x8x129xf32, #tpu.memory_space<vmem>>[vector<16xi32>, vector<16xi32>, vector<16xi32>], vector<16xf32>,
        %parallel_loop3A_558 = arith.index_cast %parallel_loop3A_550 : i32 to index
        %parallel_loop3A_559 = arith.constant 16 : index
        %parallel_loop3A_560 = tpu.vector_load %arg7[%parallel_loop3A_558, %parallel_loop3A_559] {strides = array<i32>} : memref<128x64xf32, #tpu.memory_space<vmem>>, vector<16xf32>,
        %parallel_loop3A_561 = arith.constant 8.000000e+00 : f32
        %parallel_loop3A_562 = vector.broadcast %parallel_loop3A_561 : f32 to vector<16xf32>
        %parallel_loop3A_563 = arith.mulf %parallel_loop3A_560, %parallel_loop3A_562 : vector<16xf32>
        tpu.vector_store_idx %arg15[%shift_right_logical3A_15, %and3A_18, %parallel_loop3A_551], %parallel_loop3A_563 : memref<8x8x129xf32, #tpu.memory_space<vmem>>[vector<16xi32>, vector<16xi32>, vector<16xi32>], vector<16xf32>,
        %parallel_loop3A_564 = arith.index_cast %parallel_loop3A_550 : i32 to index
        %parallel_loop3A_565 = arith.constant 32 : index
        %parallel_loop3A_566 = tpu.vector_load %arg7[%parallel_loop3A_564, %parallel_loop3A_565] {strides = array<i32>} : memref<128x64xf32, #tpu.memory_space<vmem>>, vector<16xf32>,
        %parallel_loop3A_567 = arith.constant 8.000000e+00 : f32
        %parallel_loop3A_568 = vector.broadcast %parallel_loop3A_567 : f32 to vector<16xf32>
        %parallel_loop3A_569 = arith.mulf %parallel_loop3A_566, %parallel_loop3A_568 : vector<16xf32>
        tpu.vector_store_idx %arg15[%shift_right_logical3A_24, %and3A_27, %parallel_loop3A_551], %parallel_loop3A_569 : memref<8x8x129xf32, #tpu.memory_space<vmem>>[vector<16xi32>, vector<16xi32>, vector<16xi32>], vector<16xf32>,
        %parallel_loop3A_570 = arith.index_cast %parallel_loop3A_550 : i32 to index
        %parallel_loop3A_571 = arith.constant 48 : index
        %parallel_loop3A_572 = tpu.vector_load %arg7[%parallel_loop3A_570, %parallel_loop3A_571] {strides = array<i32>} : memref<128x64xf32, #tpu.memory_space<vmem>>, vector<16xf32>,
        %parallel_loop3A_573 = arith.constant 8.000000e+00 : f32
        %parallel_loop3A_574 = vector.broadcast %parallel_loop3A_573 : f32 to vector<16xf32>
        %parallel_loop3A_575 = arith.mulf %parallel_loop3A_572, %parallel_loop3A_574 : vector<16xf32>
        tpu.vector_store_idx %arg15[%shift_right_logical3A_33, %and3A_36, %parallel_loop3A_551], %parallel_loop3A_575 : memref<8x8x129xf32, #tpu.memory_space<vmem>>[vector<16xi32>, vector<16xi32>, vector<16xi32>], vector<16xf32>,
      } {sc.loop_unroll_factor = 8 : i64, sc.parallel_access}
      %dma_start3A_191 = arith.constant 0 : i32
      %dma_start3A_192 = arith.constant 0 : i32
      %dma_start3A_193 = arith.constant 0 : i32
      %dma_start3A_194 = tpu.memref_slice %arg15[%dma_start3A_191, %dma_start3A_192, %dma_start3A_193] : memref<8x8x129xf32, #tpu.memory_space<vmem>> -> memref<8x8x128xf32, #tpu.memory_space<vmem>>
      %dma_start3A_195 = arith.constant 0 : i32
      %dma_start3A_196 = arith.constant 0 : i32
      %dma_start3A_197 = arith.constant 0 : i32
      %dma_start3A_198 = tpu.memref_slice %arg4[%add3A_176, %dma_start3A_195, %add3A, %dma_start3A_196, %dma_start3A_197] : memref<200x8x32x8x128xf32, #tpu.memory_space<hbm>> -> memref<1x8x1x8x128xf32, #tpu.memory_space<hbm>>
      %dma_start3A_199 = tpu.memref_squeeze %dma_start3A_198 : memref<1x8x1x8x128xf32, #tpu.memory_space<hbm>> -> memref<8x8x128xf32, #tpu.memory_space<hbm>>
      %dma_start3A_200 = arith.constant 0 : i32
      %dma_start3A_201 = arith.constant 0 : i32
      %dma_start3A_202 = arith.constant 0 : i32
      %dma_start3A_203 = tpu.memref_slice %arg4[%add3A_176, %dma_start3A_200, %add3A, %dma_start3A_201, %dma_start3A_202] : memref<200x8x32x8x128xf32, #tpu.memory_space<hbm>> -> memref<1x8x1x8x128xf32, #tpu.memory_space<hbm>>
      %dma_start3A_204 = tpu.memref_squeeze %dma_start3A_203 : memref<1x8x1x8x128xf32, #tpu.memory_space<hbm>> -> memref<8x8x128xf32, #tpu.memory_space<hbm>>
      %dma_start3A_205 = arith.constant 0 : i32
      %dma_start3A_206 = arith.constant 0 : i32
      %dma_start3A_207 = arith.constant 0 : i32
      %dma_start3A_208 = tpu.memref_slice %arg15[%dma_start3A_205, %dma_start3A_206, %dma_start3A_207] : memref<8x8x129xf32, #tpu.memory_space<vmem>> -> memref<8x8x128xf32, #tpu.memory_space<vmem>>
      tpu.enqueue_dma source(%dma_start3A_208 : memref<8x8x128xf32, #tpu.memory_space<vmem>>) target(%dma_start3A_204 : memref<8x8x128xf32, #tpu.memory_space<hbm>>) target_semaphore(%arg25 : memref<!tpu.dma_semaphore, #tpu.memory_space<semaphore_mem>>)
      %lt3A_209 = arith.constant 24 : i32
      %lt3A_210 = arith.cmpi slt, %scan3A_135, %lt3A_209 : i32
      %convert_element_type3A_211 = arith.extui %lt3A_210 : i1 to i32
      %cond3A_212 = arith.constant 0 : i32
      %cond3A_213 = arith.cmpi ne, %convert_element_type3A_211, %cond3A_212 : i32
      scf.if %cond3A_213 {
        %add3A_550 = arith.constant 8 : i32
        %add3A_551 = arith.addi %add3A_176, %add3A_550 : i32
        %dma_start3A_552 = arith.constant 0 : i32
        %dma_start3A_553 = tpu.memref_slice %arg5[%add3A_551, %dma_start3A_552] : memref<200x128xi32, #tpu.memory_space<vmem>> -> memref<1x128xi32, #tpu.memory_space<vmem>>
        %dma_start3A_554 = tpu.memref_squeeze %dma_start3A_553 : memref<1x128xi32, #tpu.memory_space<vmem>> -> memref<128xi32, #tpu.memory_space<vmem>>
        %dma_start3A_555 = arith.constant 0 : i32
        %dma_start3A_556 = arith.constant 0 : i32
        %dma_start3A_557 = tpu.memref_slice %arg3[%dma_start3A_555, %dma_start3A_556] : memref<1000000x64xf32, #tpu.memory_space<hbm>> -> memref<1000000x64xf32, #tpu.memory_space<hbm>>
        tpu.enqueue_indirect_dma source(%dma_start3A_557 : memref<1000000x64xf32, #tpu.memory_space<hbm>>) target(%arg7 : memref<128x64xf32, #tpu.memory_space<vmem>>) offsets(%dma_start3A_554 : memref<128xi32, #tpu.memory_space<vmem>>) semaphore(%arg17 : memref<!tpu.dma_semaphore, #tpu.memory_space<semaphore_mem>>)
      } else {
      }
      %mul3A_214 = arith.constant 8 : i32
      %mul3A_215 = arith.muli %scan3A_135, %mul3A_214 : i32
      %add3A_216 = arith.constant 2 : i32
      %add3A_217 = arith.addi %mul3A_215, %add3A_216 : i32
      %dma_wait3A_218 = arith.constant 0 : i32
      %dma_wait3A_219 = tpu.memref_slice %arg5[%add3A_217, %dma_wait3A_218] : memref<200x128xi32, #tpu.memory_space<vmem>> -> memref<1x128xi32, #tpu.memory_space<vmem>>
      %dma_wait3A_220 = tpu.memref_squeeze %dma_wait3A_219 : memref<1x128xi32, #tpu.memory_space<vmem>> -> memref<128xi32, #tpu.memory_space<vmem>>
      %dma_wait3A_221 = arith.constant 0 : i32
      %dma_wait3A_222 = arith.constant 0 : i32
      %dma_wait3A_223 = tpu.memref_slice %arg3[%dma_wait3A_221, %dma_wait3A_222] : memref<1000000x64xf32, #tpu.memory_space<hbm>> -> memref<1000000x64xf32, #tpu.memory_space<hbm>>
      tpu.wait_indirect_dma semaphore(%arg18 : memref<!tpu.dma_semaphore, #tpu.memory_space<semaphore_mem>>) src(%dma_wait3A_223 : memref<1000000x64xf32, #tpu.memory_space<hbm>>) dst(%arg8 : memref<128x64xf32, #tpu.memory_space<vmem>>)
      %sub3A = arith.constant 2 : i32
      %sub3A_224 = arith.subi %add3A_217, %sub3A : i32
      %dma_wait3A_225 = arith.constant 0 : i32
      %dma_wait3A_226 = arith.constant 0 : i32
      %dma_wait3A_227 = arith.constant 0 : i32
      %dma_wait3A_228 = tpu.memref_slice %arg14[%dma_wait3A_225, %dma_wait3A_226, %dma_wait3A_227] : memref<8x8x129xf32, #tpu.memory_space<vmem>> -> memref<8x8x128xf32, #tpu.memory_space<vmem>>
      %dma_wait3A_229 = arith.constant 0 : i32
      %dma_wait3A_230 = arith.constant 0 : i32
      %dma_wait3A_231 = arith.constant 0 : i32
      %dma_wait3A_232 = tpu.memref_slice %arg4[%sub3A_224, %dma_wait3A_229, %add3A, %dma_wait3A_230, %dma_wait3A_231] : memref<200x8x32x8x128xf32, #tpu.memory_space<hbm>> -> memref<1x8x1x8x128xf32, #tpu.memory_space<hbm>>
      %dma_wait3A_233 = tpu.memref_squeeze %dma_wait3A_232 : memref<1x8x1x8x128xf32, #tpu.memory_space<hbm>> -> memref<8x8x128xf32, #tpu.memory_space<hbm>>
      %dma_wait3A_234 = arith.constant 0 : i32
      %dma_wait3A_235 = arith.constant 0 : i32
      %dma_wait3A_236 = arith.constant 0 : i32
      %dma_wait3A_237 = tpu.memref_slice %arg4[%sub3A_224, %dma_wait3A_234, %add3A, %dma_wait3A_235, %dma_wait3A_236] : memref<200x8x32x8x128xf32, #tpu.memory_space<hbm>> -> memref<1x8x1x8x128xf32, #tpu.memory_space<hbm>>
      %dma_wait3A_238 = tpu.memref_squeeze %dma_wait3A_237 : memref<1x8x1x8x128xf32, #tpu.memory_space<hbm>> -> memref<8x8x128xf32, #tpu.memory_space<hbm>>
      %dma_wait3A_239 = arith.constant 0 : i32
      %dma_wait3A_240 = arith.constant 0 : i32
      %dma_wait3A_241 = arith.constant 0 : i32
      %dma_wait3A_242 = tpu.memref_slice %arg14[%dma_wait3A_239, %dma_wait3A_240, %dma_wait3A_241] : memref<8x8x129xf32, #tpu.memory_space<vmem>> -> memref<8x8x128xf32, #tpu.memory_space<vmem>>
      tpu.wait_dma2 semaphore(%arg24 : memref<!tpu.dma_semaphore, #tpu.memory_space<semaphore_mem>>) src(%dma_wait3A_242 : memref<8x8x128xf32, #tpu.memory_space<vmem>>) dst(%dma_wait3A_238 : memref<8x8x128xf32, #tpu.memory_space<hbm>>)
      %parallel_loop3A_243 = arith.constant 0 : i32
      %parallel_loop3A_244 = arith.constant 128 : i32
      %parallel_loop3A_245 = arith.constant 1 : i32
      scf.for %parallel_loop3A_550 = %parallel_loop3A_243 to %parallel_loop3A_244 step %parallel_loop3A_245  : i32 {
        %parallel_loop3A_551 = vector.broadcast %parallel_loop3A_550 : i32 to vector<16xi32>
        %parallel_loop3A_552 = arith.index_cast %parallel_loop3A_550 : i32 to index
        %parallel_loop3A_553 = arith.constant 0 : index
        %parallel_loop3A_554 = tpu.vector_load %arg8[%parallel_loop3A_552, %parallel_loop3A_553] {strides = array<i32>} : memref<128x64xf32, #tpu.memory_space<vmem>>, vector<16xf32>,
        %parallel_loop3A_555 = arith.constant 8.000000e+00 : f32
        %parallel_loop3A_556 = vector.broadcast %parallel_loop3A_555 : f32 to vector<16xf32>
        %parallel_loop3A_557 = arith.mulf %parallel_loop3A_554, %parallel_loop3A_556 : vector<16xf32>
        tpu.vector_store_idx %arg14[%shift_right_logical3A_7, %and3A_9, %parallel_loop3A_551], %parallel_loop3A_557 : memref<8x8x129xf32, #tpu.memory_space<vmem>>[vector<16xi32>, vector<16xi32>, vector<16xi32>], vector<16xf32>,
        %parallel_loop3A_558 = arith.index_cast %parallel_loop3A_550 : i32 to index
        %parallel_loop3A_559 = arith.constant 16 : index
        %parallel_loop3A_560 = tpu.vector_load %arg8[%parallel_loop3A_558, %parallel_loop3A_559] {strides = array<i32>} : memref<128x64xf32, #tpu.memory_space<vmem>>, vector<16xf32>,
        %parallel_loop3A_561 = arith.constant 8.000000e+00 : f32
        %parallel_loop3A_562 = vector.broadcast %parallel_loop3A_561 : f32 to vector<16xf32>
        %parallel_loop3A_563 = arith.mulf %parallel_loop3A_560, %parallel_loop3A_562 : vector<16xf32>
        tpu.vector_store_idx %arg14[%shift_right_logical3A_15, %and3A_18, %parallel_loop3A_551], %parallel_loop3A_563 : memref<8x8x129xf32, #tpu.memory_space<vmem>>[vector<16xi32>, vector<16xi32>, vector<16xi32>], vector<16xf32>,
        %parallel_loop3A_564 = arith.index_cast %parallel_loop3A_550 : i32 to index
        %parallel_loop3A_565 = arith.constant 32 : index
        %parallel_loop3A_566 = tpu.vector_load %arg8[%parallel_loop3A_564, %parallel_loop3A_565] {strides = array<i32>} : memref<128x64xf32, #tpu.memory_space<vmem>>, vector<16xf32>,
        %parallel_loop3A_567 = arith.constant 8.000000e+00 : f32
        %parallel_loop3A_568 = vector.broadcast %parallel_loop3A_567 : f32 to vector<16xf32>
        %parallel_loop3A_569 = arith.mulf %parallel_loop3A_566, %parallel_loop3A_568 : vector<16xf32>
        tpu.vector_store_idx %arg14[%shift_right_logical3A_24, %and3A_27, %parallel_loop3A_551], %parallel_loop3A_569 : memref<8x8x129xf32, #tpu.memory_space<vmem>>[vector<16xi32>, vector<16xi32>, vector<16xi32>], vector<16xf32>,
        %parallel_loop3A_570 = arith.index_cast %parallel_loop3A_550 : i32 to index
        %parallel_loop3A_571 = arith.constant 48 : index
        %parallel_loop3A_572 = tpu.vector_load %arg8[%parallel_loop3A_570, %parallel_loop3A_571] {strides = array<i32>} : memref<128x64xf32, #tpu.memory_space<vmem>>, vector<16xf32>,
        %parallel_loop3A_573 = arith.constant 8.000000e+00 : f32
        %parallel_loop3A_574 = vector.broadcast %parallel_loop3A_573 : f32 to vector<16xf32>
        %parallel_loop3A_575 = arith.mulf %parallel_loop3A_572, %parallel_loop3A_574 : vector<16xf32>
        tpu.vector_store_idx %arg14[%shift_right_logical3A_33, %and3A_36, %parallel_loop3A_551], %parallel_loop3A_575 : memref<8x8x129xf32, #tpu.memory_space<vmem>>[vector<16xi32>, vector<16xi32>, vector<16xi32>], vector<16xf32>,
      } {sc.loop_unroll_factor = 8 : i64, sc.parallel_access}
      %dma_start3A_246 = arith.constant 0 : i32
      %dma_start3A_247 = arith.constant 0 : i32
      %dma_start3A_248 = arith.constant 0 : i32
      %dma_start3A_249 = tpu.memref_slice %arg14[%dma_start3A_246, %dma_start3A_247, %dma_start3A_248] : memref<8x8x129xf32, #tpu.memory_space<vmem>> -> memref<8x8x128xf32, #tpu.memory_space<vmem>>
      %dma_start3A_250 = arith.constant 0 : i32
      %dma_start3A_251 = arith.constant 0 : i32
      %dma_start3A_252 = arith.constant 0 : i32
      %dma_start3A_253 = tpu.memref_slice %arg4[%add3A_217, %dma_start3A_250, %add3A, %dma_start3A_251, %dma_start3A_252] : memref<200x8x32x8x128xf32, #tpu.memory_space<hbm>> -> memref<1x8x1x8x128xf32, #tpu.memory_space<hbm>>
      %dma_start3A_254 = tpu.memref_squeeze %dma_start3A_253 : memref<1x8x1x8x128xf32, #tpu.memory_space<hbm>> -> memref<8x8x128xf32, #tpu.memory_space<hbm>>
      %dma_start3A_255 = arith.constant 0 : i32
      %dma_start3A_256 = arith.constant 0 : i32
      %dma_start3A_257 = arith.constant 0 : i32
      %dma_start3A_258 = tpu.memref_slice %arg4[%add3A_217, %dma_start3A_255, %add3A, %dma_start3A_256, %dma_start3A_257] : memref<200x8x32x8x128xf32, #tpu.memory_space<hbm>> -> memref<1x8x1x8x128xf32, #tpu.memory_space<hbm>>
      %dma_start3A_259 = tpu.memref_squeeze %dma_start3A_258 : memref<1x8x1x8x128xf32, #tpu.memory_space<hbm>> -> memref<8x8x128xf32, #tpu.memory_space<hbm>>
      %dma_start3A_260 = arith.constant 0 : i32
      %dma_start3A_261 = arith.constant 0 : i32
      %dma_start3A_262 = arith.constant 0 : i32
      %dma_start3A_263 = tpu.memref_slice %arg14[%dma_start3A_260, %dma_start3A_261, %dma_start3A_262] : memref<8x8x129xf32, #tpu.memory_space<vmem>> -> memref<8x8x128xf32, #tpu.memory_space<vmem>>
      tpu.enqueue_dma source(%dma_start3A_263 : memref<8x8x128xf32, #tpu.memory_space<vmem>>) target(%dma_start3A_259 : memref<8x8x128xf32, #tpu.memory_space<hbm>>) target_semaphore(%arg24 : memref<!tpu.dma_semaphore, #tpu.memory_space<semaphore_mem>>)
      %lt3A_264 = arith.constant 24 : i32
      %lt3A_265 = arith.cmpi slt, %scan3A_135, %lt3A_264 : i32
      %convert_element_type3A_266 = arith.extui %lt3A_265 : i1 to i32
      %cond3A_267 = arith.constant 0 : i32
      %cond3A_268 = arith.cmpi ne, %convert_element_type3A_266, %cond3A_267 : i32
      scf.if %cond3A_268 {
        %add3A_550 = arith.constant 8 : i32
        %add3A_551 = arith.addi %add3A_217, %add3A_550 : i32
        %dma_start3A_552 = arith.constant 0 : i32
        %dma_start3A_553 = tpu.memref_slice %arg5[%add3A_551, %dma_start3A_552] : memref<200x128xi32, #tpu.memory_space<vmem>> -> memref<1x128xi32, #tpu.memory_space<vmem>>
        %dma_start3A_554 = tpu.memref_squeeze %dma_start3A_553 : memref<1x128xi32, #tpu.memory_space<vmem>> -> memref<128xi32, #tpu.memory_space<vmem>>
        %dma_start3A_555 = arith.constant 0 : i32
        %dma_start3A_556 = arith.constant 0 : i32
        %dma_start3A_557 = tpu.memref_slice %arg3[%dma_start3A_555, %dma_start3A_556] : memref<1000000x64xf32, #tpu.memory_space<hbm>> -> memref<1000000x64xf32, #tpu.memory_space<hbm>>
        tpu.enqueue_indirect_dma source(%dma_start3A_557 : memref<1000000x64xf32, #tpu.memory_space<hbm>>) target(%arg8 : memref<128x64xf32, #tpu.memory_space<vmem>>) offsets(%dma_start3A_554 : memref<128xi32, #tpu.memory_space<vmem>>) semaphore(%arg18 : memref<!tpu.dma_semaphore, #tpu.memory_space<semaphore_mem>>)
      } else {
      }
      %mul3A_269 = arith.constant 8 : i32
      %mul3A_270 = arith.muli %scan3A_135, %mul3A_269 : i32
      %add3A_271 = arith.constant 3 : i32
      %add3A_272 = arith.addi %mul3A_270, %add3A_271 : i32
      %dma_wait3A_273 = arith.constant 0 : i32
      %dma_wait3A_274 = tpu.memref_slice %arg5[%add3A_272, %dma_wait3A_273] : memref<200x128xi32, #tpu.memory_space<vmem>> -> memref<1x128xi32, #tpu.memory_space<vmem>>
      %dma_wait3A_275 = tpu.memref_squeeze %dma_wait3A_274 : memref<1x128xi32, #tpu.memory_space<vmem>> -> memref<128xi32, #tpu.memory_space<vmem>>
      %dma_wait3A_276 = arith.constant 0 : i32
      %dma_wait3A_277 = arith.constant 0 : i32
      %dma_wait3A_278 = tpu.memref_slice %arg3[%dma_wait3A_276, %dma_wait3A_277] : memref<1000000x64xf32, #tpu.memory_space<hbm>> -> memref<1000000x64xf32, #tpu.memory_space<hbm>>
      tpu.wait_indirect_dma semaphore(%arg19 : memref<!tpu.dma_semaphore, #tpu.memory_space<semaphore_mem>>) src(%dma_wait3A_278 : memref<1000000x64xf32, #tpu.memory_space<hbm>>) dst(%arg9 : memref<128x64xf32, #tpu.memory_space<vmem>>)
      %sub3A_279 = arith.constant 2 : i32
      %sub3A_280 = arith.subi %add3A_272, %sub3A_279 : i32
      %dma_wait3A_281 = arith.constant 0 : i32
      %dma_wait3A_282 = arith.constant 0 : i32
      %dma_wait3A_283 = arith.constant 0 : i32
      %dma_wait3A_284 = tpu.memref_slice %arg15[%dma_wait3A_281, %dma_wait3A_282, %dma_wait3A_283] : memref<8x8x129xf32, #tpu.memory_space<vmem>> -> memref<8x8x128xf32, #tpu.memory_space<vmem>>
      %dma_wait3A_285 = arith.constant 0 : i32
      %dma_wait3A_286 = arith.constant 0 : i32
      %dma_wait3A_287 = arith.constant 0 : i32
      %dma_wait3A_288 = tpu.memref_slice %arg4[%sub3A_280, %dma_wait3A_285, %add3A, %dma_wait3A_286, %dma_wait3A_287] : memref<200x8x32x8x128xf32, #tpu.memory_space<hbm>> -> memref<1x8x1x8x128xf32, #tpu.memory_space<hbm>>
      %dma_wait3A_289 = tpu.memref_squeeze %dma_wait3A_288 : memref<1x8x1x8x128xf32, #tpu.memory_space<hbm>> -> memref<8x8x128xf32, #tpu.memory_space<hbm>>
      %dma_wait3A_290 = arith.constant 0 : i32
      %dma_wait3A_291 = arith.constant 0 : i32
      %dma_wait3A_292 = arith.constant 0 : i32
      %dma_wait3A_293 = tpu.memref_slice %arg4[%sub3A_280, %dma_wait3A_290, %add3A, %dma_wait3A_291, %dma_wait3A_292] : memref<200x8x32x8x128xf32, #tpu.memory_space<hbm>> -> memref<1x8x1x8x128xf32, #tpu.memory_space<hbm>>
      %dma_wait3A_294 = tpu.memref_squeeze %dma_wait3A_293 : memref<1x8x1x8x128xf32, #tpu.memory_space<hbm>> -> memref<8x8x128xf32, #tpu.memory_space<hbm>>
      %dma_wait3A_295 = arith.constant 0 : i32
      %dma_wait3A_296 = arith.constant 0 : i32
      %dma_wait3A_297 = arith.constant 0 : i32
      %dma_wait3A_298 = tpu.memref_slice %arg15[%dma_wait3A_295, %dma_wait3A_296, %dma_wait3A_297] : memref<8x8x129xf32, #tpu.memory_space<vmem>> -> memref<8x8x128xf32, #tpu.memory_space<vmem>>
      tpu.wait_dma2 semaphore(%arg25 : memref<!tpu.dma_semaphore, #tpu.memory_space<semaphore_mem>>) src(%dma_wait3A_298 : memref<8x8x128xf32, #tpu.memory_space<vmem>>) dst(%dma_wait3A_294 : memref<8x8x128xf32, #tpu.memory_space<hbm>>)
      %parallel_loop3A_299 = arith.constant 0 : i32
      %parallel_loop3A_300 = arith.constant 128 : i32
      %parallel_loop3A_301 = arith.constant 1 : i32
      scf.for %parallel_loop3A_550 = %parallel_loop3A_299 to %parallel_loop3A_300 step %parallel_loop3A_301  : i32 {
        %parallel_loop3A_551 = vector.broadcast %parallel_loop3A_550 : i32 to vector<16xi32>
        %parallel_loop3A_552 = arith.index_cast %parallel_loop3A_550 : i32 to index
        %parallel_loop3A_553 = arith.constant 0 : index
        %parallel_loop3A_554 = tpu.vector_load %arg9[%parallel_loop3A_552, %parallel_loop3A_553] {strides = array<i32>} : memref<128x64xf32, #tpu.memory_space<vmem>>, vector<16xf32>,
        %parallel_loop3A_555 = arith.constant 8.000000e+00 : f32
        %parallel_loop3A_556 = vector.broadcast %parallel_loop3A_555 : f32 to vector<16xf32>
        %parallel_loop3A_557 = arith.mulf %parallel_loop3A_554, %parallel_loop3A_556 : vector<16xf32>
        tpu.vector_store_idx %arg15[%shift_right_logical3A_7, %and3A_9, %parallel_loop3A_551], %parallel_loop3A_557 : memref<8x8x129xf32, #tpu.memory_space<vmem>>[vector<16xi32>, vector<16xi32>, vector<16xi32>], vector<16xf32>,
        %parallel_loop3A_558 = arith.index_cast %parallel_loop3A_550 : i32 to index
        %parallel_loop3A_559 = arith.constant 16 : index
        %parallel_loop3A_560 = tpu.vector_load %arg9[%parallel_loop3A_558, %parallel_loop3A_559] {strides = array<i32>} : memref<128x64xf32, #tpu.memory_space<vmem>>, vector<16xf32>,
        %parallel_loop3A_561 = arith.constant 8.000000e+00 : f32
        %parallel_loop3A_562 = vector.broadcast %parallel_loop3A_561 : f32 to vector<16xf32>
        %parallel_loop3A_563 = arith.mulf %parallel_loop3A_560, %parallel_loop3A_562 : vector<16xf32>
        tpu.vector_store_idx %arg15[%shift_right_logical3A_15, %and3A_18, %parallel_loop3A_551], %parallel_loop3A_563 : memref<8x8x129xf32, #tpu.memory_space<vmem>>[vector<16xi32>, vector<16xi32>, vector<16xi32>], vector<16xf32>,
        %parallel_loop3A_564 = arith.index_cast %parallel_loop3A_550 : i32 to index
        %parallel_loop3A_565 = arith.constant 32 : index
        %parallel_loop3A_566 = tpu.vector_load %arg9[%parallel_loop3A_564, %parallel_loop3A_565] {strides = array<i32>} : memref<128x64xf32, #tpu.memory_space<vmem>>, vector<16xf32>,
        %parallel_loop3A_567 = arith.constant 8.000000e+00 : f32
        %parallel_loop3A_568 = vector.broadcast %parallel_loop3A_567 : f32 to vector<16xf32>
        %parallel_loop3A_569 = arith.mulf %parallel_loop3A_566, %parallel_loop3A_568 : vector<16xf32>
        tpu.vector_store_idx %arg15[%shift_right_logical3A_24, %and3A_27, %parallel_loop3A_551], %parallel_loop3A_569 : memref<8x8x129xf32, #tpu.memory_space<vmem>>[vector<16xi32>, vector<16xi32>, vector<16xi32>], vector<16xf32>,
        %parallel_loop3A_570 = arith.index_cast %parallel_loop3A_550 : i32 to index
        %parallel_loop3A_571 = arith.constant 48 : index
        %parallel_loop3A_572 = tpu.vector_load %arg9[%parallel_loop3A_570, %parallel_loop3A_571] {strides = array<i32>} : memref<128x64xf32, #tpu.memory_space<vmem>>, vector<16xf32>,
        %parallel_loop3A_573 = arith.constant 8.000000e+00 : f32
        %parallel_loop3A_574 = vector.broadcast %parallel_loop3A_573 : f32 to vector<16xf32>
        %parallel_loop3A_575 = arith.mulf %parallel_loop3A_572, %parallel_loop3A_574 : vector<16xf32>
        tpu.vector_store_idx %arg15[%shift_right_logical3A_33, %and3A_36, %parallel_loop3A_551], %parallel_loop3A_575 : memref<8x8x129xf32, #tpu.memory_space<vmem>>[vector<16xi32>, vector<16xi32>, vector<16xi32>], vector<16xf32>,
      } {sc.loop_unroll_factor = 8 : i64, sc.parallel_access}
      %dma_start3A_302 = arith.constant 0 : i32
      %dma_start3A_303 = arith.constant 0 : i32
      %dma_start3A_304 = arith.constant 0 : i32
      %dma_start3A_305 = tpu.memref_slice %arg15[%dma_start3A_302, %dma_start3A_303, %dma_start3A_304] : memref<8x8x129xf32, #tpu.memory_space<vmem>> -> memref<8x8x128xf32, #tpu.memory_space<vmem>>
      %dma_start3A_306 = arith.constant 0 : i32
      %dma_start3A_307 = arith.constant 0 : i32
      %dma_start3A_308 = arith.constant 0 : i32
      %dma_start3A_309 = tpu.memref_slice %arg4[%add3A_272, %dma_start3A_306, %add3A, %dma_start3A_307, %dma_start3A_308] : memref<200x8x32x8x128xf32, #tpu.memory_space<hbm>> -> memref<1x8x1x8x128xf32, #tpu.memory_space<hbm>>
      %dma_start3A_310 = tpu.memref_squeeze %dma_start3A_309 : memref<1x8x1x8x128xf32, #tpu.memory_space<hbm>> -> memref<8x8x128xf32, #tpu.memory_space<hbm>>
      %dma_start3A_311 = arith.constant 0 : i32
      %dma_start3A_312 = arith.constant 0 : i32
      %dma_start3A_313 = arith.constant 0 : i32
      %dma_start3A_314 = tpu.memref_slice %arg4[%add3A_272, %dma_start3A_311, %add3A, %dma_start3A_312, %dma_start3A_313] : memref<200x8x32x8x128xf32, #tpu.memory_space<hbm>> -> memref<1x8x1x8x128xf32, #tpu.memory_space<hbm>>
      %dma_start3A_315 = tpu.memref_squeeze %dma_start3A_314 : memref<1x8x1x8x128xf32, #tpu.memory_space<hbm>> -> memref<8x8x128xf32, #tpu.memory_space<hbm>>
      %dma_start3A_316 = arith.constant 0 : i32
      %dma_start3A_317 = arith.constant 0 : i32
      %dma_start3A_318 = arith.constant 0 : i32
      %dma_start3A_319 = tpu.memref_slice %arg15[%dma_start3A_316, %dma_start3A_317, %dma_start3A_318] : memref<8x8x129xf32, #tpu.memory_space<vmem>> -> memref<8x8x128xf32, #tpu.memory_space<vmem>>
      tpu.enqueue_dma source(%dma_start3A_319 : memref<8x8x128xf32, #tpu.memory_space<vmem>>) target(%dma_start3A_315 : memref<8x8x128xf32, #tpu.memory_space<hbm>>) target_semaphore(%arg25 : memref<!tpu.dma_semaphore, #tpu.memory_space<semaphore_mem>>)
      %lt3A_320 = arith.constant 24 : i32
      %lt3A_321 = arith.cmpi slt, %scan3A_135, %lt3A_320 : i32
      %convert_element_type3A_322 = arith.extui %lt3A_321 : i1 to i32
      %cond3A_323 = arith.constant 0 : i32
      %cond3A_324 = arith.cmpi ne, %convert_element_type3A_322, %cond3A_323 : i32
      scf.if %cond3A_324 {
        %add3A_550 = arith.constant 8 : i32
        %add3A_551 = arith.addi %add3A_272, %add3A_550 : i32
        %dma_start3A_552 = arith.constant 0 : i32
        %dma_start3A_553 = tpu.memref_slice %arg5[%add3A_551, %dma_start3A_552] : memref<200x128xi32, #tpu.memory_space<vmem>> -> memref<1x128xi32, #tpu.memory_space<vmem>>
        %dma_start3A_554 = tpu.memref_squeeze %dma_start3A_553 : memref<1x128xi32, #tpu.memory_space<vmem>> -> memref<128xi32, #tpu.memory_space<vmem>>
        %dma_start3A_555 = arith.constant 0 : i32
        %dma_start3A_556 = arith.constant 0 : i32
        %dma_start3A_557 = tpu.memref_slice %arg3[%dma_start3A_555, %dma_start3A_556] : memref<1000000x64xf32, #tpu.memory_space<hbm>> -> memref<1000000x64xf32, #tpu.memory_space<hbm>>
        tpu.enqueue_indirect_dma source(%dma_start3A_557 : memref<1000000x64xf32, #tpu.memory_space<hbm>>) target(%arg9 : memref<128x64xf32, #tpu.memory_space<vmem>>) offsets(%dma_start3A_554 : memref<128xi32, #tpu.memory_space<vmem>>) semaphore(%arg19 : memref<!tpu.dma_semaphore, #tpu.memory_space<semaphore_mem>>)
      } else {
      }
      %mul3A_325 = arith.constant 8 : i32
      %mul3A_326 = arith.muli %scan3A_135, %mul3A_325 : i32
      %add3A_327 = arith.constant 4 : i32
      %add3A_328 = arith.addi %mul3A_326, %add3A_327 : i32
      %dma_wait3A_329 = arith.constant 0 : i32
      %dma_wait3A_330 = tpu.memref_slice %arg5[%add3A_328, %dma_wait3A_329] : memref<200x128xi32, #tpu.memory_space<vmem>> -> memref<1x128xi32, #tpu.memory_space<vmem>>
      %dma_wait3A_331 = tpu.memref_squeeze %dma_wait3A_330 : memref<1x128xi32, #tpu.memory_space<vmem>> -> memref<128xi32, #tpu.memory_space<vmem>>
      %dma_wait3A_332 = arith.constant 0 : i32
      %dma_wait3A_333 = arith.constant 0 : i32
      %dma_wait3A_334 = tpu.memref_slice %arg3[%dma_wait3A_332, %dma_wait3A_333] : memref<1000000x64xf32, #tpu.memory_space<hbm>> -> memref<1000000x64xf32, #tpu.memory_space<hbm>>
      tpu.wait_indirect_dma semaphore(%arg20 : memref<!tpu.dma_semaphore, #tpu.memory_space<semaphore_mem>>) src(%dma_wait3A_334 : memref<1000000x64xf32, #tpu.memory_space<hbm>>) dst(%arg10 : memref<128x64xf32, #tpu.memory_space<vmem>>)
      %sub3A_335 = arith.constant 2 : i32
      %sub3A_336 = arith.subi %add3A_328, %sub3A_335 : i32
      %dma_wait3A_337 = arith.constant 0 : i32
      %dma_wait3A_338 = arith.constant 0 : i32
      %dma_wait3A_339 = arith.constant 0 : i32
      %dma_wait3A_340 = tpu.memref_slice %arg14[%dma_wait3A_337, %dma_wait3A_338, %dma_wait3A_339] : memref<8x8x129xf32, #tpu.memory_space<vmem>> -> memref<8x8x128xf32, #tpu.memory_space<vmem>>
      %dma_wait3A_341 = arith.constant 0 : i32
      %dma_wait3A_342 = arith.constant 0 : i32
      %dma_wait3A_343 = arith.constant 0 : i32
      %dma_wait3A_344 = tpu.memref_slice %arg4[%sub3A_336, %dma_wait3A_341, %add3A, %dma_wait3A_342, %dma_wait3A_343] : memref<200x8x32x8x128xf32, #tpu.memory_space<hbm>> -> memref<1x8x1x8x128xf32, #tpu.memory_space<hbm>>
      %dma_wait3A_345 = tpu.memref_squeeze %dma_wait3A_344 : memref<1x8x1x8x128xf32, #tpu.memory_space<hbm>> -> memref<8x8x128xf32, #tpu.memory_space<hbm>>
      %dma_wait3A_346 = arith.constant 0 : i32
      %dma_wait3A_347 = arith.constant 0 : i32
      %dma_wait3A_348 = arith.constant 0 : i32
      %dma_wait3A_349 = tpu.memref_slice %arg4[%sub3A_336, %dma_wait3A_346, %add3A, %dma_wait3A_347, %dma_wait3A_348] : memref<200x8x32x8x128xf32, #tpu.memory_space<hbm>> -> memref<1x8x1x8x128xf32, #tpu.memory_space<hbm>>
      %dma_wait3A_350 = tpu.memref_squeeze %dma_wait3A_349 : memref<1x8x1x8x128xf32, #tpu.memory_space<hbm>> -> memref<8x8x128xf32, #tpu.memory_space<hbm>>
      %dma_wait3A_351 = arith.constant 0 : i32
      %dma_wait3A_352 = arith.constant 0 : i32
      %dma_wait3A_353 = arith.constant 0 : i32
      %dma_wait3A_354 = tpu.memref_slice %arg14[%dma_wait3A_351, %dma_wait3A_352, %dma_wait3A_353] : memref<8x8x129xf32, #tpu.memory_space<vmem>> -> memref<8x8x128xf32, #tpu.memory_space<vmem>>
      tpu.wait_dma2 semaphore(%arg24 : memref<!tpu.dma_semaphore, #tpu.memory_space<semaphore_mem>>) src(%dma_wait3A_354 : memref<8x8x128xf32, #tpu.memory_space<vmem>>) dst(%dma_wait3A_350 : memref<8x8x128xf32, #tpu.memory_space<hbm>>)
      %parallel_loop3A_355 = arith.constant 0 : i32
      %parallel_loop3A_356 = arith.constant 128 : i32
      %parallel_loop3A_357 = arith.constant 1 : i32
      scf.for %parallel_loop3A_550 = %parallel_loop3A_355 to %parallel_loop3A_356 step %parallel_loop3A_357  : i32 {
        %parallel_loop3A_551 = vector.broadcast %parallel_loop3A_550 : i32 to vector<16xi32>
        %parallel_loop3A_552 = arith.index_cast %parallel_loop3A_550 : i32 to index
        %parallel_loop3A_553 = arith.constant 0 : index
        %parallel_loop3A_554 = tpu.vector_load %arg10[%parallel_loop3A_552, %parallel_loop3A_553] {strides = array<i32>} : memref<128x64xf32, #tpu.memory_space<vmem>>, vector<16xf32>,
        %parallel_loop3A_555 = arith.constant 8.000000e+00 : f32
        %parallel_loop3A_556 = vector.broadcast %parallel_loop3A_555 : f32 to vector<16xf32>
        %parallel_loop3A_557 = arith.mulf %parallel_loop3A_554, %parallel_loop3A_556 : vector<16xf32>
        tpu.vector_store_idx %arg14[%shift_right_logical3A_7, %and3A_9, %parallel_loop3A_551], %parallel_loop3A_557 : memref<8x8x129xf32, #tpu.memory_space<vmem>>[vector<16xi32>, vector<16xi32>, vector<16xi32>], vector<16xf32>,
        %parallel_loop3A_558 = arith.index_cast %parallel_loop3A_550 : i32 to index
        %parallel_loop3A_559 = arith.constant 16 : index
        %parallel_loop3A_560 = tpu.vector_load %arg10[%parallel_loop3A_558, %parallel_loop3A_559] {strides = array<i32>} : memref<128x64xf32, #tpu.memory_space<vmem>>, vector<16xf32>,
        %parallel_loop3A_561 = arith.constant 8.000000e+00 : f32
        %parallel_loop3A_562 = vector.broadcast %parallel_loop3A_561 : f32 to vector<16xf32>
        %parallel_loop3A_563 = arith.mulf %parallel_loop3A_560, %parallel_loop3A_562 : vector<16xf32>
        tpu.vector_store_idx %arg14[%shift_right_logical3A_15, %and3A_18, %parallel_loop3A_551], %parallel_loop3A_563 : memref<8x8x129xf32, #tpu.memory_space<vmem>>[vector<16xi32>, vector<16xi32>, vector<16xi32>], vector<16xf32>,
        %parallel_loop3A_564 = arith.index_cast %parallel_loop3A_550 : i32 to index
        %parallel_loop3A_565 = arith.constant 32 : index
        %parallel_loop3A_566 = tpu.vector_load %arg10[%parallel_loop3A_564, %parallel_loop3A_565] {strides = array<i32>} : memref<128x64xf32, #tpu.memory_space<vmem>>, vector<16xf32>,
        %parallel_loop3A_567 = arith.constant 8.000000e+00 : f32
        %parallel_loop3A_568 = vector.broadcast %parallel_loop3A_567 : f32 to vector<16xf32>
        %parallel_loop3A_569 = arith.mulf %parallel_loop3A_566, %parallel_loop3A_568 : vector<16xf32>
        tpu.vector_store_idx %arg14[%shift_right_logical3A_24, %and3A_27, %parallel_loop3A_551], %parallel_loop3A_569 : memref<8x8x129xf32, #tpu.memory_space<vmem>>[vector<16xi32>, vector<16xi32>, vector<16xi32>], vector<16xf32>,
        %parallel_loop3A_570 = arith.index_cast %parallel_loop3A_550 : i32 to index
        %parallel_loop3A_571 = arith.constant 48 : index
        %parallel_loop3A_572 = tpu.vector_load %arg10[%parallel_loop3A_570, %parallel_loop3A_571] {strides = array<i32>} : memref<128x64xf32, #tpu.memory_space<vmem>>, vector<16xf32>,
        %parallel_loop3A_573 = arith.constant 8.000000e+00 : f32
        %parallel_loop3A_574 = vector.broadcast %parallel_loop3A_573 : f32 to vector<16xf32>
        %parallel_loop3A_575 = arith.mulf %parallel_loop3A_572, %parallel_loop3A_574 : vector<16xf32>
        tpu.vector_store_idx %arg14[%shift_right_logical3A_33, %and3A_36, %parallel_loop3A_551], %parallel_loop3A_575 : memref<8x8x129xf32, #tpu.memory_space<vmem>>[vector<16xi32>, vector<16xi32>, vector<16xi32>], vector<16xf32>,
      } {sc.loop_unroll_factor = 8 : i64, sc.parallel_access}
      %dma_start3A_358 = arith.constant 0 : i32
      %dma_start3A_359 = arith.constant 0 : i32
      %dma_start3A_360 = arith.constant 0 : i32
      %dma_start3A_361 = tpu.memref_slice %arg14[%dma_start3A_358, %dma_start3A_359, %dma_start3A_360] : memref<8x8x129xf32, #tpu.memory_space<vmem>> -> memref<8x8x128xf32, #tpu.memory_space<vmem>>
      %dma_start3A_362 = arith.constant 0 : i32
      %dma_start3A_363 = arith.constant 0 : i32
      %dma_start3A_364 = arith.constant 0 : i32
      %dma_start3A_365 = tpu.memref_slice %arg4[%add3A_328, %dma_start3A_362, %add3A, %dma_start3A_363, %dma_start3A_364] : memref<200x8x32x8x128xf32, #tpu.memory_space<hbm>> -> memref<1x8x1x8x128xf32, #tpu.memory_space<hbm>>
      %dma_start3A_366 = tpu.memref_squeeze %dma_start3A_365 : memref<1x8x1x8x128xf32, #tpu.memory_space<hbm>> -> memref<8x8x128xf32, #tpu.memory_space<hbm>>
      %dma_start3A_367 = arith.constant 0 : i32
      %dma_start3A_368 = arith.constant 0 : i32
      %dma_start3A_369 = arith.constant 0 : i32
      %dma_start3A_370 = tpu.memref_slice %arg4[%add3A_328, %dma_start3A_367, %add3A, %dma_start3A_368, %dma_start3A_369] : memref<200x8x32x8x128xf32, #tpu.memory_space<hbm>> -> memref<1x8x1x8x128xf32, #tpu.memory_space<hbm>>
      %dma_start3A_371 = tpu.memref_squeeze %dma_start3A_370 : memref<1x8x1x8x128xf32, #tpu.memory_space<hbm>> -> memref<8x8x128xf32, #tpu.memory_space<hbm>>
      %dma_start3A_372 = arith.constant 0 : i32
      %dma_start3A_373 = arith.constant 0 : i32
      %dma_start3A_374 = arith.constant 0 : i32
      %dma_start3A_375 = tpu.memref_slice %arg14[%dma_start3A_372, %dma_start3A_373, %dma_start3A_374] : memref<8x8x129xf32, #tpu.memory_space<vmem>> -> memref<8x8x128xf32, #tpu.memory_space<vmem>>
      tpu.enqueue_dma source(%dma_start3A_375 : memref<8x8x128xf32, #tpu.memory_space<vmem>>) target(%dma_start3A_371 : memref<8x8x128xf32, #tpu.memory_space<hbm>>) target_semaphore(%arg24 : memref<!tpu.dma_semaphore, #tpu.memory_space<semaphore_mem>>)
      %lt3A_376 = arith.constant 24 : i32
      %lt3A_377 = arith.cmpi slt, %scan3A_135, %lt3A_376 : i32
      %convert_element_type3A_378 = arith.extui %lt3A_377 : i1 to i32
      %cond3A_379 = arith.constant 0 : i32
      %cond3A_380 = arith.cmpi ne, %convert_element_type3A_378, %cond3A_379 : i32
      scf.if %cond3A_380 {
        %add3A_550 = arith.constant 8 : i32
        %add3A_551 = arith.addi %add3A_328, %add3A_550 : i32
        %dma_start3A_552 = arith.constant 0 : i32
        %dma_start3A_553 = tpu.memref_slice %arg5[%add3A_551, %dma_start3A_552] : memref<200x128xi32, #tpu.memory_space<vmem>> -> memref<1x128xi32, #tpu.memory_space<vmem>>
        %dma_start3A_554 = tpu.memref_squeeze %dma_start3A_553 : memref<1x128xi32, #tpu.memory_space<vmem>> -> memref<128xi32, #tpu.memory_space<vmem>>
        %dma_start3A_555 = arith.constant 0 : i32
        %dma_start3A_556 = arith.constant 0 : i32
        %dma_start3A_557 = tpu.memref_slice %arg3[%dma_start3A_555, %dma_start3A_556] : memref<1000000x64xf32, #tpu.memory_space<hbm>> -> memref<1000000x64xf32, #tpu.memory_space<hbm>>
        tpu.enqueue_indirect_dma source(%dma_start3A_557 : memref<1000000x64xf32, #tpu.memory_space<hbm>>) target(%arg10 : memref<128x64xf32, #tpu.memory_space<vmem>>) offsets(%dma_start3A_554 : memref<128xi32, #tpu.memory_space<vmem>>) semaphore(%arg20 : memref<!tpu.dma_semaphore, #tpu.memory_space<semaphore_mem>>)
      } else {
      }
      %mul3A_381 = arith.constant 8 : i32
      %mul3A_382 = arith.muli %scan3A_135, %mul3A_381 : i32
      %add3A_383 = arith.constant 5 : i32
      %add3A_384 = arith.addi %mul3A_382, %add3A_383 : i32
      %dma_wait3A_385 = arith.constant 0 : i32
      %dma_wait3A_386 = tpu.memref_slice %arg5[%add3A_384, %dma_wait3A_385] : memref<200x128xi32, #tpu.memory_space<vmem>> -> memref<1x128xi32, #tpu.memory_space<vmem>>
      %dma_wait3A_387 = tpu.memref_squeeze %dma_wait3A_386 : memref<1x128xi32, #tpu.memory_space<vmem>> -> memref<128xi32, #tpu.memory_space<vmem>>
      %dma_wait3A_388 = arith.constant 0 : i32
      %dma_wait3A_389 = arith.constant 0 : i32
      %dma_wait3A_390 = tpu.memref_slice %arg3[%dma_wait3A_388, %dma_wait3A_389] : memref<1000000x64xf32, #tpu.memory_space<hbm>> -> memref<1000000x64xf32, #tpu.memory_space<hbm>>
      tpu.wait_indirect_dma semaphore(%arg21 : memref<!tpu.dma_semaphore, #tpu.memory_space<semaphore_mem>>) src(%dma_wait3A_390 : memref<1000000x64xf32, #tpu.memory_space<hbm>>) dst(%arg11 : memref<128x64xf32, #tpu.memory_space<vmem>>)
      %sub3A_391 = arith.constant 2 : i32
      %sub3A_392 = arith.subi %add3A_384, %sub3A_391 : i32
      %dma_wait3A_393 = arith.constant 0 : i32
      %dma_wait3A_394 = arith.constant 0 : i32
      %dma_wait3A_395 = arith.constant 0 : i32
      %dma_wait3A_396 = tpu.memref_slice %arg15[%dma_wait3A_393, %dma_wait3A_394, %dma_wait3A_395] : memref<8x8x129xf32, #tpu.memory_space<vmem>> -> memref<8x8x128xf32, #tpu.memory_space<vmem>>
      %dma_wait3A_397 = arith.constant 0 : i32
      %dma_wait3A_398 = arith.constant 0 : i32
      %dma_wait3A_399 = arith.constant 0 : i32
      %dma_wait3A_400 = tpu.memref_slice %arg4[%sub3A_392, %dma_wait3A_397, %add3A, %dma_wait3A_398, %dma_wait3A_399] : memref<200x8x32x8x128xf32, #tpu.memory_space<hbm>> -> memref<1x8x1x8x128xf32, #tpu.memory_space<hbm>>
      %dma_wait3A_401 = tpu.memref_squeeze %dma_wait3A_400 : memref<1x8x1x8x128xf32, #tpu.memory_space<hbm>> -> memref<8x8x128xf32, #tpu.memory_space<hbm>>
      %dma_wait3A_402 = arith.constant 0 : i32
      %dma_wait3A_403 = arith.constant 0 : i32
      %dma_wait3A_404 = arith.constant 0 : i32
      %dma_wait3A_405 = tpu.memref_slice %arg4[%sub3A_392, %dma_wait3A_402, %add3A, %dma_wait3A_403, %dma_wait3A_404] : memref<200x8x32x8x128xf32, #tpu.memory_space<hbm>> -> memref<1x8x1x8x128xf32, #tpu.memory_space<hbm>>
      %dma_wait3A_406 = tpu.memref_squeeze %dma_wait3A_405 : memref<1x8x1x8x128xf32, #tpu.memory_space<hbm>> -> memref<8x8x128xf32, #tpu.memory_space<hbm>>
      %dma_wait3A_407 = arith.constant 0 : i32
      %dma_wait3A_408 = arith.constant 0 : i32
      %dma_wait3A_409 = arith.constant 0 : i32
      %dma_wait3A_410 = tpu.memref_slice %arg15[%dma_wait3A_407, %dma_wait3A_408, %dma_wait3A_409] : memref<8x8x129xf32, #tpu.memory_space<vmem>> -> memref<8x8x128xf32, #tpu.memory_space<vmem>>
      tpu.wait_dma2 semaphore(%arg25 : memref<!tpu.dma_semaphore, #tpu.memory_space<semaphore_mem>>) src(%dma_wait3A_410 : memref<8x8x128xf32, #tpu.memory_space<vmem>>) dst(%dma_wait3A_406 : memref<8x8x128xf32, #tpu.memory_space<hbm>>)
      %parallel_loop3A_411 = arith.constant 0 : i32
      %parallel_loop3A_412 = arith.constant 128 : i32
      %parallel_loop3A_413 = arith.constant 1 : i32
      scf.for %parallel_loop3A_550 = %parallel_loop3A_411 to %parallel_loop3A_412 step %parallel_loop3A_413  : i32 {
        %parallel_loop3A_551 = vector.broadcast %parallel_loop3A_550 : i32 to vector<16xi32>
        %parallel_loop3A_552 = arith.index_cast %parallel_loop3A_550 : i32 to index
        %parallel_loop3A_553 = arith.constant 0 : index
        %parallel_loop3A_554 = tpu.vector_load %arg11[%parallel_loop3A_552, %parallel_loop3A_553] {strides = array<i32>} : memref<128x64xf32, #tpu.memory_space<vmem>>, vector<16xf32>,
        %parallel_loop3A_555 = arith.constant 8.000000e+00 : f32
        %parallel_loop3A_556 = vector.broadcast %parallel_loop3A_555 : f32 to vector<16xf32>
        %parallel_loop3A_557 = arith.mulf %parallel_loop3A_554, %parallel_loop3A_556 : vector<16xf32>
        tpu.vector_store_idx %arg15[%shift_right_logical3A_7, %and3A_9, %parallel_loop3A_551], %parallel_loop3A_557 : memref<8x8x129xf32, #tpu.memory_space<vmem>>[vector<16xi32>, vector<16xi32>, vector<16xi32>], vector<16xf32>,
        %parallel_loop3A_558 = arith.index_cast %parallel_loop3A_550 : i32 to index
        %parallel_loop3A_559 = arith.constant 16 : index
        %parallel_loop3A_560 = tpu.vector_load %arg11[%parallel_loop3A_558, %parallel_loop3A_559] {strides = array<i32>} : memref<128x64xf32, #tpu.memory_space<vmem>>, vector<16xf32>,
        %parallel_loop3A_561 = arith.constant 8.000000e+00 : f32
        %parallel_loop3A_562 = vector.broadcast %parallel_loop3A_561 : f32 to vector<16xf32>
        %parallel_loop3A_563 = arith.mulf %parallel_loop3A_560, %parallel_loop3A_562 : vector<16xf32>
        tpu.vector_store_idx %arg15[%shift_right_logical3A_15, %and3A_18, %parallel_loop3A_551], %parallel_loop3A_563 : memref<8x8x129xf32, #tpu.memory_space<vmem>>[vector<16xi32>, vector<16xi32>, vector<16xi32>], vector<16xf32>,
        %parallel_loop3A_564 = arith.index_cast %parallel_loop3A_550 : i32 to index
        %parallel_loop3A_565 = arith.constant 32 : index
        %parallel_loop3A_566 = tpu.vector_load %arg11[%parallel_loop3A_564, %parallel_loop3A_565] {strides = array<i32>} : memref<128x64xf32, #tpu.memory_space<vmem>>, vector<16xf32>,
        %parallel_loop3A_567 = arith.constant 8.000000e+00 : f32
        %parallel_loop3A_568 = vector.broadcast %parallel_loop3A_567 : f32 to vector<16xf32>
        %parallel_loop3A_569 = arith.mulf %parallel_loop3A_566, %parallel_loop3A_568 : vector<16xf32>
        tpu.vector_store_idx %arg15[%shift_right_logical3A_24, %and3A_27, %parallel_loop3A_551], %parallel_loop3A_569 : memref<8x8x129xf32, #tpu.memory_space<vmem>>[vector<16xi32>, vector<16xi32>, vector<16xi32>], vector<16xf32>,
        %parallel_loop3A_570 = arith.index_cast %parallel_loop3A_550 : i32 to index
        %parallel_loop3A_571 = arith.constant 48 : index
        %parallel_loop3A_572 = tpu.vector_load %arg11[%parallel_loop3A_570, %parallel_loop3A_571] {strides = array<i32>} : memref<128x64xf32, #tpu.memory_space<vmem>>, vector<16xf32>,
        %parallel_loop3A_573 = arith.constant 8.000000e+00 : f32
        %parallel_loop3A_574 = vector.broadcast %parallel_loop3A_573 : f32 to vector<16xf32>
        %parallel_loop3A_575 = arith.mulf %parallel_loop3A_572, %parallel_loop3A_574 : vector<16xf32>
        tpu.vector_store_idx %arg15[%shift_right_logical3A_33, %and3A_36, %parallel_loop3A_551], %parallel_loop3A_575 : memref<8x8x129xf32, #tpu.memory_space<vmem>>[vector<16xi32>, vector<16xi32>, vector<16xi32>], vector<16xf32>,
      } {sc.loop_unroll_factor = 8 : i64, sc.parallel_access}
      %dma_start3A_414 = arith.constant 0 : i32
      %dma_start3A_415 = arith.constant 0 : i32
      %dma_start3A_416 = arith.constant 0 : i32
      %dma_start3A_417 = tpu.memref_slice %arg15[%dma_start3A_414, %dma_start3A_415, %dma_start3A_416] : memref<8x8x129xf32, #tpu.memory_space<vmem>> -> memref<8x8x128xf32, #tpu.memory_space<vmem>>
      %dma_start3A_418 = arith.constant 0 : i32
      %dma_start3A_419 = arith.constant 0 : i32
      %dma_start3A_420 = arith.constant 0 : i32
      %dma_start3A_421 = tpu.memref_slice %arg4[%add3A_384, %dma_start3A_418, %add3A, %dma_start3A_419, %dma_start3A_420] : memref<200x8x32x8x128xf32, #tpu.memory_space<hbm>> -> memref<1x8x1x8x128xf32, #tpu.memory_space<hbm>>
      %dma_start3A_422 = tpu.memref_squeeze %dma_start3A_421 : memref<1x8x1x8x128xf32, #tpu.memory_space<hbm>> -> memref<8x8x128xf32, #tpu.memory_space<hbm>>
      %dma_start3A_423 = arith.constant 0 : i32
      %dma_start3A_424 = arith.constant 0 : i32
      %dma_start3A_425 = arith.constant 0 : i32
      %dma_start3A_426 = tpu.memref_slice %arg4[%add3A_384, %dma_start3A_423, %add3A, %dma_start3A_424, %dma_start3A_425] : memref<200x8x32x8x128xf32, #tpu.memory_space<hbm>> -> memref<1x8x1x8x128xf32, #tpu.memory_space<hbm>>
      %dma_start3A_427 = tpu.memref_squeeze %dma_start3A_426 : memref<1x8x1x8x128xf32, #tpu.memory_space<hbm>> -> memref<8x8x128xf32, #tpu.memory_space<hbm>>
      %dma_start3A_428 = arith.constant 0 : i32
      %dma_start3A_429 = arith.constant 0 : i32
      %dma_start3A_430 = arith.constant 0 : i32
      %dma_start3A_431 = tpu.memref_slice %arg15[%dma_start3A_428, %dma_start3A_429, %dma_start3A_430] : memref<8x8x129xf32, #tpu.memory_space<vmem>> -> memref<8x8x128xf32, #tpu.memory_space<vmem>>
      tpu.enqueue_dma source(%dma_start3A_431 : memref<8x8x128xf32, #tpu.memory_space<vmem>>) target(%dma_start3A_427 : memref<8x8x128xf32, #tpu.memory_space<hbm>>) target_semaphore(%arg25 : memref<!tpu.dma_semaphore, #tpu.memory_space<semaphore_mem>>)
      %lt3A_432 = arith.constant 24 : i32
      %lt3A_433 = arith.cmpi slt, %scan3A_135, %lt3A_432 : i32
      %convert_element_type3A_434 = arith.extui %lt3A_433 : i1 to i32
      %cond3A_435 = arith.constant 0 : i32
      %cond3A_436 = arith.cmpi ne, %convert_element_type3A_434, %cond3A_435 : i32
      scf.if %cond3A_436 {
        %add3A_550 = arith.constant 8 : i32
        %add3A_551 = arith.addi %add3A_384, %add3A_550 : i32
        %dma_start3A_552 = arith.constant 0 : i32
        %dma_start3A_553 = tpu.memref_slice %arg5[%add3A_551, %dma_start3A_552] : memref<200x128xi32, #tpu.memory_space<vmem>> -> memref<1x128xi32, #tpu.memory_space<vmem>>
        %dma_start3A_554 = tpu.memref_squeeze %dma_start3A_553 : memref<1x128xi32, #tpu.memory_space<vmem>> -> memref<128xi32, #tpu.memory_space<vmem>>
        %dma_start3A_555 = arith.constant 0 : i32
        %dma_start3A_556 = arith.constant 0 : i32
        %dma_start3A_557 = tpu.memref_slice %arg3[%dma_start3A_555, %dma_start3A_556] : memref<1000000x64xf32, #tpu.memory_space<hbm>> -> memref<1000000x64xf32, #tpu.memory_space<hbm>>
        tpu.enqueue_indirect_dma source(%dma_start3A_557 : memref<1000000x64xf32, #tpu.memory_space<hbm>>) target(%arg11 : memref<128x64xf32, #tpu.memory_space<vmem>>) offsets(%dma_start3A_554 : memref<128xi32, #tpu.memory_space<vmem>>) semaphore(%arg21 : memref<!tpu.dma_semaphore, #tpu.memory_space<semaphore_mem>>)
      } else {
      }
      %mul3A_437 = arith.constant 8 : i32
      %mul3A_438 = arith.muli %scan3A_135, %mul3A_437 : i32
      %add3A_439 = arith.constant 6 : i32
      %add3A_440 = arith.addi %mul3A_438, %add3A_439 : i32
      %dma_wait3A_441 = arith.constant 0 : i32
      %dma_wait3A_442 = tpu.memref_slice %arg5[%add3A_440, %dma_wait3A_441] : memref<200x128xi32, #tpu.memory_space<vmem>> -> memref<1x128xi32, #tpu.memory_space<vmem>>
      %dma_wait3A_443 = tpu.memref_squeeze %dma_wait3A_442 : memref<1x128xi32, #tpu.memory_space<vmem>> -> memref<128xi32, #tpu.memory_space<vmem>>
      %dma_wait3A_444 = arith.constant 0 : i32
      %dma_wait3A_445 = arith.constant 0 : i32
      %dma_wait3A_446 = tpu.memref_slice %arg3[%dma_wait3A_444, %dma_wait3A_445] : memref<1000000x64xf32, #tpu.memory_space<hbm>> -> memref<1000000x64xf32, #tpu.memory_space<hbm>>
      tpu.wait_indirect_dma semaphore(%arg22 : memref<!tpu.dma_semaphore, #tpu.memory_space<semaphore_mem>>) src(%dma_wait3A_446 : memref<1000000x64xf32, #tpu.memory_space<hbm>>) dst(%arg12 : memref<128x64xf32, #tpu.memory_space<vmem>>)
      %sub3A_447 = arith.constant 2 : i32
      %sub3A_448 = arith.subi %add3A_440, %sub3A_447 : i32
      %dma_wait3A_449 = arith.constant 0 : i32
      %dma_wait3A_450 = arith.constant 0 : i32
      %dma_wait3A_451 = arith.constant 0 : i32
      %dma_wait3A_452 = tpu.memref_slice %arg14[%dma_wait3A_449, %dma_wait3A_450, %dma_wait3A_451] : memref<8x8x129xf32, #tpu.memory_space<vmem>> -> memref<8x8x128xf32, #tpu.memory_space<vmem>>
      %dma_wait3A_453 = arith.constant 0 : i32
      %dma_wait3A_454 = arith.constant 0 : i32
      %dma_wait3A_455 = arith.constant 0 : i32
      %dma_wait3A_456 = tpu.memref_slice %arg4[%sub3A_448, %dma_wait3A_453, %add3A, %dma_wait3A_454, %dma_wait3A_455] : memref<200x8x32x8x128xf32, #tpu.memory_space<hbm>> -> memref<1x8x1x8x128xf32, #tpu.memory_space<hbm>>
      %dma_wait3A_457 = tpu.memref_squeeze %dma_wait3A_456 : memref<1x8x1x8x128xf32, #tpu.memory_space<hbm>> -> memref<8x8x128xf32, #tpu.memory_space<hbm>>
      %dma_wait3A_458 = arith.constant 0 : i32
      %dma_wait3A_459 = arith.constant 0 : i32
      %dma_wait3A_460 = arith.constant 0 : i32
      %dma_wait3A_461 = tpu.memref_slice %arg4[%sub3A_448, %dma_wait3A_458, %add3A, %dma_wait3A_459, %dma_wait3A_460] : memref<200x8x32x8x128xf32, #tpu.memory_space<hbm>> -> memref<1x8x1x8x128xf32, #tpu.memory_space<hbm>>
      %dma_wait3A_462 = tpu.memref_squeeze %dma_wait3A_461 : memref<1x8x1x8x128xf32, #tpu.memory_space<hbm>> -> memref<8x8x128xf32, #tpu.memory_space<hbm>>
      %dma_wait3A_463 = arith.constant 0 : i32
      %dma_wait3A_464 = arith.constant 0 : i32
      %dma_wait3A_465 = arith.constant 0 : i32
      %dma_wait3A_466 = tpu.memref_slice %arg14[%dma_wait3A_463, %dma_wait3A_464, %dma_wait3A_465] : memref<8x8x129xf32, #tpu.memory_space<vmem>> -> memref<8x8x128xf32, #tpu.memory_space<vmem>>
      tpu.wait_dma2 semaphore(%arg24 : memref<!tpu.dma_semaphore, #tpu.memory_space<semaphore_mem>>) src(%dma_wait3A_466 : memref<8x8x128xf32, #tpu.memory_space<vmem>>) dst(%dma_wait3A_462 : memref<8x8x128xf32, #tpu.memory_space<hbm>>)
      %parallel_loop3A_467 = arith.constant 0 : i32
      %parallel_loop3A_468 = arith.constant 128 : i32
      %parallel_loop3A_469 = arith.constant 1 : i32
      scf.for %parallel_loop3A_550 = %parallel_loop3A_467 to %parallel_loop3A_468 step %parallel_loop3A_469  : i32 {
        %parallel_loop3A_551 = vector.broadcast %parallel_loop3A_550 : i32 to vector<16xi32>
        %parallel_loop3A_552 = arith.index_cast %parallel_loop3A_550 : i32 to index
        %parallel_loop3A_553 = arith.constant 0 : index
        %parallel_loop3A_554 = tpu.vector_load %arg12[%parallel_loop3A_552, %parallel_loop3A_553] {strides = array<i32>} : memref<128x64xf32, #tpu.memory_space<vmem>>, vector<16xf32>,
        %parallel_loop3A_555 = arith.constant 8.000000e+00 : f32
        %parallel_loop3A_556 = vector.broadcast %parallel_loop3A_555 : f32 to vector<16xf32>
        %parallel_loop3A_557 = arith.mulf %parallel_loop3A_554, %parallel_loop3A_556 : vector<16xf32>
        tpu.vector_store_idx %arg14[%shift_right_logical3A_7, %and3A_9, %parallel_loop3A_551], %parallel_loop3A_557 : memref<8x8x129xf32, #tpu.memory_space<vmem>>[vector<16xi32>, vector<16xi32>, vector<16xi32>], vector<16xf32>,
        %parallel_loop3A_558 = arith.index_cast %parallel_loop3A_550 : i32 to index
        %parallel_loop3A_559 = arith.constant 16 : index
        %parallel_loop3A_560 = tpu.vector_load %arg12[%parallel_loop3A_558, %parallel_loop3A_559] {strides = array<i32>} : memref<128x64xf32, #tpu.memory_space<vmem>>, vector<16xf32>,
        %parallel_loop3A_561 = arith.constant 8.000000e+00 : f32
        %parallel_loop3A_562 = vector.broadcast %parallel_loop3A_561 : f32 to vector<16xf32>
        %parallel_loop3A_563 = arith.mulf %parallel_loop3A_560, %parallel_loop3A_562 : vector<16xf32>
        tpu.vector_store_idx %arg14[%shift_right_logical3A_15, %and3A_18, %parallel_loop3A_551], %parallel_loop3A_563 : memref<8x8x129xf32, #tpu.memory_space<vmem>>[vector<16xi32>, vector<16xi32>, vector<16xi32>], vector<16xf32>,
        %parallel_loop3A_564 = arith.index_cast %parallel_loop3A_550 : i32 to index
        %parallel_loop3A_565 = arith.constant 32 : index
        %parallel_loop3A_566 = tpu.vector_load %arg12[%parallel_loop3A_564, %parallel_loop3A_565] {strides = array<i32>} : memref<128x64xf32, #tpu.memory_space<vmem>>, vector<16xf32>,
        %parallel_loop3A_567 = arith.constant 8.000000e+00 : f32
        %parallel_loop3A_568 = vector.broadcast %parallel_loop3A_567 : f32 to vector<16xf32>
        %parallel_loop3A_569 = arith.mulf %parallel_loop3A_566, %parallel_loop3A_568 : vector<16xf32>
        tpu.vector_store_idx %arg14[%shift_right_logical3A_24, %and3A_27, %parallel_loop3A_551], %parallel_loop3A_569 : memref<8x8x129xf32, #tpu.memory_space<vmem>>[vector<16xi32>, vector<16xi32>, vector<16xi32>], vector<16xf32>,
        %parallel_loop3A_570 = arith.index_cast %parallel_loop3A_550 : i32 to index
        %parallel_loop3A_571 = arith.constant 48 : index
        %parallel_loop3A_572 = tpu.vector_load %arg12[%parallel_loop3A_570, %parallel_loop3A_571] {strides = array<i32>} : memref<128x64xf32, #tpu.memory_space<vmem>>, vector<16xf32>,
        %parallel_loop3A_573 = arith.constant 8.000000e+00 : f32
        %parallel_loop3A_574 = vector.broadcast %parallel_loop3A_573 : f32 to vector<16xf32>
        %parallel_loop3A_575 = arith.mulf %parallel_loop3A_572, %parallel_loop3A_574 : vector<16xf32>
        tpu.vector_store_idx %arg14[%shift_right_logical3A_33, %and3A_36, %parallel_loop3A_551], %parallel_loop3A_575 : memref<8x8x129xf32, #tpu.memory_space<vmem>>[vector<16xi32>, vector<16xi32>, vector<16xi32>], vector<16xf32>,
      } {sc.loop_unroll_factor = 8 : i64, sc.parallel_access}
      %dma_start3A_470 = arith.constant 0 : i32
      %dma_start3A_471 = arith.constant 0 : i32
      %dma_start3A_472 = arith.constant 0 : i32
      %dma_start3A_473 = tpu.memref_slice %arg14[%dma_start3A_470, %dma_start3A_471, %dma_start3A_472] : memref<8x8x129xf32, #tpu.memory_space<vmem>> -> memref<8x8x128xf32, #tpu.memory_space<vmem>>
      %dma_start3A_474 = arith.constant 0 : i32
      %dma_start3A_475 = arith.constant 0 : i32
      %dma_start3A_476 = arith.constant 0 : i32
      %dma_start3A_477 = tpu.memref_slice %arg4[%add3A_440, %dma_start3A_474, %add3A, %dma_start3A_475, %dma_start3A_476] : memref<200x8x32x8x128xf32, #tpu.memory_space<hbm>> -> memref<1x8x1x8x128xf32, #tpu.memory_space<hbm>>
      %dma_start3A_478 = tpu.memref_squeeze %dma_start3A_477 : memref<1x8x1x8x128xf32, #tpu.memory_space<hbm>> -> memref<8x8x128xf32, #tpu.memory_space<hbm>>
      %dma_start3A_479 = arith.constant 0 : i32
      %dma_start3A_480 = arith.constant 0 : i32
      %dma_start3A_481 = arith.constant 0 : i32
      %dma_start3A_482 = tpu.memref_slice %arg4[%add3A_440, %dma_start3A_479, %add3A, %dma_start3A_480, %dma_start3A_481] : memref<200x8x32x8x128xf32, #tpu.memory_space<hbm>> -> memref<1x8x1x8x128xf32, #tpu.memory_space<hbm>>
      %dma_start3A_483 = tpu.memref_squeeze %dma_start3A_482 : memref<1x8x1x8x128xf32, #tpu.memory_space<hbm>> -> memref<8x8x128xf32, #tpu.memory_space<hbm>>
      %dma_start3A_484 = arith.constant 0 : i32
      %dma_start3A_485 = arith.constant 0 : i32
      %dma_start3A_486 = arith.constant 0 : i32
      %dma_start3A_487 = tpu.memref_slice %arg14[%dma_start3A_484, %dma_start3A_485, %dma_start3A_486] : memref<8x8x129xf32, #tpu.memory_space<vmem>> -> memref<8x8x128xf32, #tpu.memory_space<vmem>>
      tpu.enqueue_dma source(%dma_start3A_487 : memref<8x8x128xf32, #tpu.memory_space<vmem>>) target(%dma_start3A_483 : memref<8x8x128xf32, #tpu.memory_space<hbm>>) target_semaphore(%arg24 : memref<!tpu.dma_semaphore, #tpu.memory_space<semaphore_mem>>)
      %lt3A_488 = arith.constant 24 : i32
      %lt3A_489 = arith.cmpi slt, %scan3A_135, %lt3A_488 : i32
      %convert_element_type3A_490 = arith.extui %lt3A_489 : i1 to i32
      %cond3A_491 = arith.constant 0 : i32
      %cond3A_492 = arith.cmpi ne, %convert_element_type3A_490, %cond3A_491 : i32
      scf.if %cond3A_492 {
        %add3A_550 = arith.constant 8 : i32
        %add3A_551 = arith.addi %add3A_440, %add3A_550 : i32
        %dma_start3A_552 = arith.constant 0 : i32
        %dma_start3A_553 = tpu.memref_slice %arg5[%add3A_551, %dma_start3A_552] : memref<200x128xi32, #tpu.memory_space<vmem>> -> memref<1x128xi32, #tpu.memory_space<vmem>>
        %dma_start3A_554 = tpu.memref_squeeze %dma_start3A_553 : memref<1x128xi32, #tpu.memory_space<vmem>> -> memref<128xi32, #tpu.memory_space<vmem>>
        %dma_start3A_555 = arith.constant 0 : i32
        %dma_start3A_556 = arith.constant 0 : i32
        %dma_start3A_557 = tpu.memref_slice %arg3[%dma_start3A_555, %dma_start3A_556] : memref<1000000x64xf32, #tpu.memory_space<hbm>> -> memref<1000000x64xf32, #tpu.memory_space<hbm>>
        tpu.enqueue_indirect_dma source(%dma_start3A_557 : memref<1000000x64xf32, #tpu.memory_space<hbm>>) target(%arg12 : memref<128x64xf32, #tpu.memory_space<vmem>>) offsets(%dma_start3A_554 : memref<128xi32, #tpu.memory_space<vmem>>) semaphore(%arg22 : memref<!tpu.dma_semaphore, #tpu.memory_space<semaphore_mem>>)
      } else {
      }
      %mul3A_493 = arith.constant 8 : i32
      %mul3A_494 = arith.muli %scan3A_135, %mul3A_493 : i32
      %add3A_495 = arith.constant 7 : i32
      %add3A_496 = arith.addi %mul3A_494, %add3A_495 : i32
      %dma_wait3A_497 = arith.constant 0 : i32
      %dma_wait3A_498 = tpu.memref_slice %arg5[%add3A_496, %dma_wait3A_497] : memref<200x128xi32, #tpu.memory_space<vmem>> -> memref<1x128xi32, #tpu.memory_space<vmem>>
      %dma_wait3A_499 = tpu.memref_squeeze %dma_wait3A_498 : memref<1x128xi32, #tpu.memory_space<vmem>> -> memref<128xi32, #tpu.memory_space<vmem>>
      %dma_wait3A_500 = arith.constant 0 : i32
      %dma_wait3A_501 = arith.constant 0 : i32
      %dma_wait3A_502 = tpu.memref_slice %arg3[%dma_wait3A_500, %dma_wait3A_501] : memref<1000000x64xf32, #tpu.memory_space<hbm>> -> memref<1000000x64xf32, #tpu.memory_space<hbm>>
      tpu.wait_indirect_dma semaphore(%arg23 : memref<!tpu.dma_semaphore, #tpu.memory_space<semaphore_mem>>) src(%dma_wait3A_502 : memref<1000000x64xf32, #tpu.memory_space<hbm>>) dst(%arg13 : memref<128x64xf32, #tpu.memory_space<vmem>>)
      %sub3A_503 = arith.constant 2 : i32
      %sub3A_504 = arith.subi %add3A_496, %sub3A_503 : i32
      %dma_wait3A_505 = arith.constant 0 : i32
      %dma_wait3A_506 = arith.constant 0 : i32
      %dma_wait3A_507 = arith.constant 0 : i32
      %dma_wait3A_508 = tpu.memref_slice %arg15[%dma_wait3A_505, %dma_wait3A_506, %dma_wait3A_507] : memref<8x8x129xf32, #tpu.memory_space<vmem>> -> memref<8x8x128xf32, #tpu.memory_space<vmem>>
      %dma_wait3A_509 = arith.constant 0 : i32
      %dma_wait3A_510 = arith.constant 0 : i32
      %dma_wait3A_511 = arith.constant 0 : i32
      %dma_wait3A_512 = tpu.memref_slice %arg4[%sub3A_504, %dma_wait3A_509, %add3A, %dma_wait3A_510, %dma_wait3A_511] : memref<200x8x32x8x128xf32, #tpu.memory_space<hbm>> -> memref<1x8x1x8x128xf32, #tpu.memory_space<hbm>>
      %dma_wait3A_513 = tpu.memref_squeeze %dma_wait3A_512 : memref<1x8x1x8x128xf32, #tpu.memory_space<hbm>> -> memref<8x8x128xf32, #tpu.memory_space<hbm>>
      %dma_wait3A_514 = arith.constant 0 : i32
      %dma_wait3A_515 = arith.constant 0 : i32
      %dma_wait3A_516 = arith.constant 0 : i32
      %dma_wait3A_517 = tpu.memref_slice %arg4[%sub3A_504, %dma_wait3A_514, %add3A, %dma_wait3A_515, %dma_wait3A_516] : memref<200x8x32x8x128xf32, #tpu.memory_space<hbm>> -> memref<1x8x1x8x128xf32, #tpu.memory_space<hbm>>
      %dma_wait3A_518 = tpu.memref_squeeze %dma_wait3A_517 : memref<1x8x1x8x128xf32, #tpu.memory_space<hbm>> -> memref<8x8x128xf32, #tpu.memory_space<hbm>>
      %dma_wait3A_519 = arith.constant 0 : i32
      %dma_wait3A_520 = arith.constant 0 : i32
      %dma_wait3A_521 = arith.constant 0 : i32
      %dma_wait3A_522 = tpu.memref_slice %arg15[%dma_wait3A_519, %dma_wait3A_520, %dma_wait3A_521] : memref<8x8x129xf32, #tpu.memory_space<vmem>> -> memref<8x8x128xf32, #tpu.memory_space<vmem>>
      tpu.wait_dma2 semaphore(%arg25 : memref<!tpu.dma_semaphore, #tpu.memory_space<semaphore_mem>>) src(%dma_wait3A_522 : memref<8x8x128xf32, #tpu.memory_space<vmem>>) dst(%dma_wait3A_518 : memref<8x8x128xf32, #tpu.memory_space<hbm>>)
      %parallel_loop3A_523 = arith.constant 0 : i32
      %parallel_loop3A_524 = arith.constant 128 : i32
      %parallel_loop3A_525 = arith.constant 1 : i32
      scf.for %parallel_loop3A_550 = %parallel_loop3A_523 to %parallel_loop3A_524 step %parallel_loop3A_525  : i32 {
        %parallel_loop3A_551 = vector.broadcast %parallel_loop3A_550 : i32 to vector<16xi32>
        %parallel_loop3A_552 = arith.index_cast %parallel_loop3A_550 : i32 to index
        %parallel_loop3A_553 = arith.constant 0 : index
        %parallel_loop3A_554 = tpu.vector_load %arg13[%parallel_loop3A_552, %parallel_loop3A_553] {strides = array<i32>} : memref<128x64xf32, #tpu.memory_space<vmem>>, vector<16xf32>,
        %parallel_loop3A_555 = arith.constant 8.000000e+00 : f32
        %parallel_loop3A_556 = vector.broadcast %parallel_loop3A_555 : f32 to vector<16xf32>
        %parallel_loop3A_557 = arith.mulf %parallel_loop3A_554, %parallel_loop3A_556 : vector<16xf32>
        tpu.vector_store_idx %arg15[%shift_right_logical3A_7, %and3A_9, %parallel_loop3A_551], %parallel_loop3A_557 : memref<8x8x129xf32, #tpu.memory_space<vmem>>[vector<16xi32>, vector<16xi32>, vector<16xi32>], vector<16xf32>,
        %parallel_loop3A_558 = arith.index_cast %parallel_loop3A_550 : i32 to index
        %parallel_loop3A_559 = arith.constant 16 : index
        %parallel_loop3A_560 = tpu.vector_load %arg13[%parallel_loop3A_558, %parallel_loop3A_559] {strides = array<i32>} : memref<128x64xf32, #tpu.memory_space<vmem>>, vector<16xf32>,
        %parallel_loop3A_561 = arith.constant 8.000000e+00 : f32
        %parallel_loop3A_562 = vector.broadcast %parallel_loop3A_561 : f32 to vector<16xf32>
        %parallel_loop3A_563 = arith.mulf %parallel_loop3A_560, %parallel_loop3A_562 : vector<16xf32>
        tpu.vector_store_idx %arg15[%shift_right_logical3A_15, %and3A_18, %parallel_loop3A_551], %parallel_loop3A_563 : memref<8x8x129xf32, #tpu.memory_space<vmem>>[vector<16xi32>, vector<16xi32>, vector<16xi32>], vector<16xf32>,
        %parallel_loop3A_564 = arith.index_cast %parallel_loop3A_550 : i32 to index
        %parallel_loop3A_565 = arith.constant 32 : index
        %parallel_loop3A_566 = tpu.vector_load %arg13[%parallel_loop3A_564, %parallel_loop3A_565] {strides = array<i32>} : memref<128x64xf32, #tpu.memory_space<vmem>>, vector<16xf32>,
        %parallel_loop3A_567 = arith.constant 8.000000e+00 : f32
        %parallel_loop3A_568 = vector.broadcast %parallel_loop3A_567 : f32 to vector<16xf32>
        %parallel_loop3A_569 = arith.mulf %parallel_loop3A_566, %parallel_loop3A_568 : vector<16xf32>
        tpu.vector_store_idx %arg15[%shift_right_logical3A_24, %and3A_27, %parallel_loop3A_551], %parallel_loop3A_569 : memref<8x8x129xf32, #tpu.memory_space<vmem>>[vector<16xi32>, vector<16xi32>, vector<16xi32>], vector<16xf32>,
        %parallel_loop3A_570 = arith.index_cast %parallel_loop3A_550 : i32 to index
        %parallel_loop3A_571 = arith.constant 48 : index
        %parallel_loop3A_572 = tpu.vector_load %arg13[%parallel_loop3A_570, %parallel_loop3A_571] {strides = array<i32>} : memref<128x64xf32, #tpu.memory_space<vmem>>, vector<16xf32>,
        %parallel_loop3A_573 = arith.constant 8.000000e+00 : f32
        %parallel_loop3A_574 = vector.broadcast %parallel_loop3A_573 : f32 to vector<16xf32>
        %parallel_loop3A_575 = arith.mulf %parallel_loop3A_572, %parallel_loop3A_574 : vector<16xf32>
        tpu.vector_store_idx %arg15[%shift_right_logical3A_33, %and3A_36, %parallel_loop3A_551], %parallel_loop3A_575 : memref<8x8x129xf32, #tpu.memory_space<vmem>>[vector<16xi32>, vector<16xi32>, vector<16xi32>], vector<16xf32>,
      } {sc.loop_unroll_factor = 8 : i64, sc.parallel_access}
      %dma_start3A_526 = arith.constant 0 : i32
      %dma_start3A_527 = arith.constant 0 : i32
      %dma_start3A_528 = arith.constant 0 : i32
      %dma_start3A_529 = tpu.memref_slice %arg15[%dma_start3A_526, %dma_start3A_527, %dma_start3A_528] : memref<8x8x129xf32, #tpu.memory_space<vmem>> -> memref<8x8x128xf32, #tpu.memory_space<vmem>>
      %dma_start3A_530 = arith.constant 0 : i32
      %dma_start3A_531 = arith.constant 0 : i32
      %dma_start3A_532 = arith.constant 0 : i32
      %dma_start3A_533 = tpu.memref_slice %arg4[%add3A_496, %dma_start3A_530, %add3A, %dma_start3A_531, %dma_start3A_532] : memref<200x8x32x8x128xf32, #tpu.memory_space<hbm>> -> memref<1x8x1x8x128xf32, #tpu.memory_space<hbm>>
      %dma_start3A_534 = tpu.memref_squeeze %dma_start3A_533 : memref<1x8x1x8x128xf32, #tpu.memory_space<hbm>> -> memref<8x8x128xf32, #tpu.memory_space<hbm>>
      %dma_start3A_535 = arith.constant 0 : i32
      %dma_start3A_536 = arith.constant 0 : i32
      %dma_start3A_537 = arith.constant 0 : i32
      %dma_start3A_538 = tpu.memref_slice %arg4[%add3A_496, %dma_start3A_535, %add3A, %dma_start3A_536, %dma_start3A_537] : memref<200x8x32x8x128xf32, #tpu.memory_space<hbm>> -> memref<1x8x1x8x128xf32, #tpu.memory_space<hbm>>
      %dma_start3A_539 = tpu.memref_squeeze %dma_start3A_538 : memref<1x8x1x8x128xf32, #tpu.memory_space<hbm>> -> memref<8x8x128xf32, #tpu.memory_space<hbm>>
      %dma_start3A_540 = arith.constant 0 : i32
      %dma_start3A_541 = arith.constant 0 : i32
      %dma_start3A_542 = arith.constant 0 : i32
      %dma_start3A_543 = tpu.memref_slice %arg15[%dma_start3A_540, %dma_start3A_541, %dma_start3A_542] : memref<8x8x129xf32, #tpu.memory_space<vmem>> -> memref<8x8x128xf32, #tpu.memory_space<vmem>>
      tpu.enqueue_dma source(%dma_start3A_543 : memref<8x8x128xf32, #tpu.memory_space<vmem>>) target(%dma_start3A_539 : memref<8x8x128xf32, #tpu.memory_space<hbm>>) target_semaphore(%arg25 : memref<!tpu.dma_semaphore, #tpu.memory_space<semaphore_mem>>)
      %lt3A_544 = arith.constant 24 : i32
      %lt3A_545 = arith.cmpi slt, %scan3A_135, %lt3A_544 : i32
      %convert_element_type3A_546 = arith.extui %lt3A_545 : i1 to i32
      %cond3A_547 = arith.constant 0 : i32
      %cond3A_548 = arith.cmpi ne, %convert_element_type3A_546, %cond3A_547 : i32
      scf.if %cond3A_548 {
        %add3A_550 = arith.constant 8 : i32
        %add3A_551 = arith.addi %add3A_496, %add3A_550 : i32
        %dma_start3A_552 = arith.constant 0 : i32
        %dma_start3A_553 = tpu.memref_slice %arg5[%add3A_551, %dma_start3A_552] : memref<200x128xi32, #tpu.memory_space<vmem>> -> memref<1x128xi32, #tpu.memory_space<vmem>>
        %dma_start3A_554 = tpu.memref_squeeze %dma_start3A_553 : memref<1x128xi32, #tpu.memory_space<vmem>> -> memref<128xi32, #tpu.memory_space<vmem>>
        %dma_start3A_555 = arith.constant 0 : i32
        %dma_start3A_556 = arith.constant 0 : i32
        %dma_start3A_557 = tpu.memref_slice %arg3[%dma_start3A_555, %dma_start3A_556] : memref<1000000x64xf32, #tpu.memory_space<hbm>> -> memref<1000000x64xf32, #tpu.memory_space<hbm>>
        tpu.enqueue_indirect_dma source(%dma_start3A_557 : memref<1000000x64xf32, #tpu.memory_space<hbm>>) target(%arg13 : memref<128x64xf32, #tpu.memory_space<vmem>>) offsets(%dma_start3A_554 : memref<128xi32, #tpu.memory_space<vmem>>) semaphore(%arg23 : memref<!tpu.dma_semaphore, #tpu.memory_space<semaphore_mem>>)
      } else {
      }
      %scan3A_549 = arith.constant 0 : i32
      scf.yield %scan3A_549 : i32
    }
    %scan3A_97 = arith.constant 25 : i32
    %dma_wait3A = arith.constant 198 : i32
    %dma_wait3A_98 = arith.constant 0 : i32
    %dma_wait3A_99 = arith.constant 0 : i32
    %dma_wait3A_100 = arith.constant 0 : i32
    %dma_wait3A_101 = tpu.memref_slice %arg14[%dma_wait3A_98, %dma_wait3A_99, %dma_wait3A_100] : memref<8x8x129xf32, #tpu.memory_space<vmem>> -> memref<8x8x128xf32, #tpu.memory_space<vmem>>
    %dma_wait3A_102 = arith.constant 0 : i32
    %dma_wait3A_103 = arith.constant 0 : i32
    %dma_wait3A_104 = arith.constant 0 : i32
    %dma_wait3A_105 = tpu.memref_slice %arg4[%dma_wait3A, %dma_wait3A_102, %add3A, %dma_wait3A_103, %dma_wait3A_104] : memref<200x8x32x8x128xf32, #tpu.memory_space<hbm>> -> memref<1x8x1x8x128xf32, #tpu.memory_space<hbm>>
    %dma_wait3A_106 = tpu.memref_squeeze %dma_wait3A_105 : memref<1x8x1x8x128xf32, #tpu.memory_space<hbm>> -> memref<8x8x128xf32, #tpu.memory_space<hbm>>
    %dma_wait3A_107 = arith.constant 0 : i32
    %dma_wait3A_108 = arith.constant 0 : i32
    %dma_wait3A_109 = arith.constant 0 : i32
    %dma_wait3A_110 = tpu.memref_slice %arg4[%dma_wait3A, %dma_wait3A_107, %add3A, %dma_wait3A_108, %dma_wait3A_109] : memref<200x8x32x8x128xf32, #tpu.memory_space<hbm>> -> memref<1x8x1x8x128xf32, #tpu.memory_space<hbm>>
    %dma_wait3A_111 = tpu.memref_squeeze %dma_wait3A_110 : memref<1x8x1x8x128xf32, #tpu.memory_space<hbm>> -> memref<8x8x128xf32, #tpu.memory_space<hbm>>
    %dma_wait3A_112 = arith.constant 0 : i32
    %dma_wait3A_113 = arith.constant 0 : i32
    %dma_wait3A_114 = arith.constant 0 : i32
    %dma_wait3A_115 = tpu.memref_slice %arg14[%dma_wait3A_112, %dma_wait3A_113, %dma_wait3A_114] : memref<8x8x129xf32, #tpu.memory_space<vmem>> -> memref<8x8x128xf32, #tpu.memory_space<vmem>>
    tpu.wait_dma2 semaphore(%arg24 : memref<!tpu.dma_semaphore, #tpu.memory_space<semaphore_mem>>) src(%dma_wait3A_115 : memref<8x8x128xf32, #tpu.memory_space<vmem>>) dst(%dma_wait3A_111 : memref<8x8x128xf32, #tpu.memory_space<hbm>>)
    %dma_wait3A_116 = arith.constant 199 : i32
    %dma_wait3A_117 = arith.constant 0 : i32
    %dma_wait3A_118 = arith.constant 0 : i32
    %dma_wait3A_119 = arith.constant 0 : i32
    %dma_wait3A_120 = tpu.memref_slice %arg15[%dma_wait3A_117, %dma_wait3A_118, %dma_wait3A_119] : memref<8x8x129xf32, #tpu.memory_space<vmem>> -> memref<8x8x128xf32, #tpu.memory_space<vmem>>
    %dma_wait3A_121 = arith.constant 0 : i32
    %dma_wait3A_122 = arith.constant 0 : i32
    %dma_wait3A_123 = arith.constant 0 : i32
    %dma_wait3A_124 = tpu.memref_slice %arg4[%dma_wait3A_116, %dma_wait3A_121, %add3A, %dma_wait3A_122, %dma_wait3A_123] : memref<200x8x32x8x128xf32, #tpu.memory_space<hbm>> -> memref<1x8x1x8x128xf32, #tpu.memory_space<hbm>>
    %dma_wait3A_125 = tpu.memref_squeeze %dma_wait3A_124 : memref<1x8x1x8x128xf32, #tpu.memory_space<hbm>> -> memref<8x8x128xf32, #tpu.memory_space<hbm>>
    %dma_wait3A_126 = arith.constant 0 : i32
    %dma_wait3A_127 = arith.constant 0 : i32
    %dma_wait3A_128 = arith.constant 0 : i32
    %dma_wait3A_129 = tpu.memref_slice %arg4[%dma_wait3A_116, %dma_wait3A_126, %add3A, %dma_wait3A_127, %dma_wait3A_128] : memref<200x8x32x8x128xf32, #tpu.memory_space<hbm>> -> memref<1x8x1x8x128xf32, #tpu.memory_space<hbm>>
    %dma_wait3A_130 = tpu.memref_squeeze %dma_wait3A_129 : memref<1x8x1x8x128xf32, #tpu.memory_space<hbm>> -> memref<8x8x128xf32, #tpu.memory_space<hbm>>
    %dma_wait3A_131 = arith.constant 0 : i32
    %dma_wait3A_132 = arith.constant 0 : i32
    %dma_wait3A_133 = arith.constant 0 : i32
    %dma_wait3A_134 = tpu.memref_slice %arg15[%dma_wait3A_131, %dma_wait3A_132, %dma_wait3A_133] : memref<8x8x129xf32, #tpu.memory_space<vmem>> -> memref<8x8x128xf32, #tpu.memory_space<vmem>>
    tpu.wait_dma2 semaphore(%arg25 : memref<!tpu.dma_semaphore, #tpu.memory_space<semaphore_mem>>) src(%dma_wait3A_134 : memref<8x8x128xf32, #tpu.memory_space<vmem>>) dst(%dma_wait3A_130 : memref<8x8x128xf32, #tpu.memory_space<hbm>>)
    return
  }
}

</mosaic_0001>

<sc_bundles>
// kernel: kernel.3.cloned.1.call-start
scs
__scs_entry_jumppad:
0x0: {  	(pc) =	sbr.rel $0x88, $3  }
0x1: {  	(tag) =	ssettag $0x0;
	lr =	simm.s32 $0x1  }
0x2: {  	[smem:$0x3F9F] =	sst lr;
	_ =	strace $0xD0000000  }
0x3: {  	_ = 	snop  }
0x4: {  	_ = 	snop  }
0x5: {  	_ = 	snop  }
0x6: {  	_ = 	snop  }
0x7: {  	_ = 	snop  }
__scs_overlays_trampoline_lowered:
0x8: {  	[smem:$0x3FAE] =	sst s0  }
0x9: {  	[smem:$0x3FAF] =	sst s1  }
0xa: {  	[smem:$0x3FB0] =	sst s2  }
0xb: {  	[smem:$0x3FB1] =	sst s3  }
0xc: {  	[smem:$0x3FB2] =	sst s4  }
0xd: {  	[smem:$0x3FB3] =	sst s5  }
0xe: {  	[smem:$0x3FB4] =	sst s6  }
0xf: {  	[smem:$0x3FB5] =	sst s7  }
0x10: {  	[smem:$0x3FB6] =	sst s8  }
0x11: {  	[smem:$0x3FB7] =	sst s9;
	s0 =	simm.s32 @!p0 $0x0  }
0x12: {  	s1 =	sld [smem:$0x3F9D];
	s0 =	simm.s32 @p0 $0x1  }
0x13: {  	[smem:$0x3FB8] =	sst s0;
	s0 =	simm.s32 @!p1 $0x0  }
0x14: {  	s2 =	sld [smem:$0x3F9C];
	s0 =	simm.s32 @p1 $0x1  }
0x15: {  	[smem:$0x3FB9] =	sst s0;
	s0 =	simm.s32 @!p2 $0x0  }
0x16: {  	s3 =	sld [smem:$0x3FDB];
	s0 =	simm.s32 @p2 $0x1  }
0x17: {  	s4 =	simm.s32 $0x1BF5;
	[smem:$0x3FBB] =	sst s0  }
0x18: {  	s0 =	sld [smem:$0x3F9E];
	_ =	swait.ge [sflag:s4], $0x0  }
0x19: {  	s7 =	sld [smem:$0x3F9F]  }
0x1a: {  	s8 =	sadd.s32 $0xFFFFE003, lr  }
0x1b: {  	s9 =	sadd.s32 $0xFFFFFEF7, lr;
	s5 =	simm.s32 $0xFFFFFFFF;
	p2 =	slt.u32 s8, $0xFFFFF086  }
0x1c: {  	p1 =	slt.u32 s9, $0xF7A;
	s5 =	simm.s32 @!p2 $0x0  }
0x1d: {  	s5 =	simm.s32 @p1 $0x1;
	p0 =	seq.s32 s7, s2  }
0x1e: {  	s7 =	smul.u32 @!p0 $0xF7A, s2;
	p2 =	seq.s32 @!p0 s5, $0x0  }
0x1f: {  	s9 =	smul.u32 $0xF7A, s1;
	s8 =	simm.s32 @!p0 $0x1BF5;
	p2 =	por !p2, p0  }
0x20: {  	[sflag:s8] =	ssyncset.s32 @!p0 $0xFFFFF086;
	s6 =	sadd.s32 @!p0 s3, s7;
	s7 =	simm.s32 @!p0 $0x108  }
0x21: {  	s3 =	sadd.s32 s3, s9;
	s6 =	sadd.s32 @!p0 $0x88, s6;
	s7 =	simm.s32 @p2 $0x1082  }
0x22: {  	[simem:s7], [sflag:s8] =	dma.local @!p0 [hbm:s6], $0xF7A  }
0x23: {  	s9 =	sor.u32 $0xD0000000, s2;
	s6 =	simm.s32 $0x108;
	_ =	swait.ge @!p0 [sflag:s8], $0x0  }
0x24: {  	s3 =	sadd.s32 $0x88, s3;
	s6 =	simm.s32 @!p1 $0x1082;
	[sflag:s4] =	ssyncset.s32 $0xFFFFF086  }
0x25: {  	[simem:s6], [sflag:s4] =	dma.local [hbm:s3], $0xF7A  }
0x26: {  	[smem:$0x3F9F] =	sst s1;
	(tag) =	ssettag s2;
	_ =	strace s9  }
0x27: {  	s1 =	sld [smem:$0x3FAF]  }
0x28: {  	s2 =	sld [smem:$0x3FB0]  }
0x29: {  	s4 =	sld [smem:$0x3FB2]  }
0x2a: {  	p0 =	seq.s32 s5, $0x0;
	s5 =	sld [smem:$0x3FB3]  }
0x2b: {  	s6 =	sld [smem:$0x3FB4]  }
0x2c: {  	s7 =	sld [smem:$0x3FB5]  }
0x2d: {  	s3 =	simm.s32 $0x108;
	s8 =	sld [smem:$0x3FB6]  }
0x2e: {  	s3 =	simm.s32 @!p0 $0x1082;
	s9 =	sld [smem:$0x3FB7]  }
0x2f: {  	lr =	sadd.s32 s0, s3;
	s0 =	sld [smem:$0x3FAE]  }
0x30: {  	s3 =	sld [smem:$0x3FB1]  }
0x31: {  	[smem:$0x3FBA] =	sst s10  }
0x32: {  	s10 =	sld [smem:$0x3FB8];
	_ =	sdelay $0x3  }
0x33: {  	p0 =	seq.s32 s10, $0x1;
	s10 =	sld [smem:$0x3FBA];
	_ =	sdelay $0x3  }
0x34: {  	[smem:$0x3FBA] =	sst s10  }
0x35: {  	s10 =	sld [smem:$0x3FB9];
	_ =	sdelay $0x3  }
0x36: {  	p1 =	seq.s32 s10, $0x1;
	s10 =	sld [smem:$0x3FBA];
	_ =	sdelay $0x3  }
0x37: {  	[smem:$0x3FBA] =	sst s10  }
0x38: {  	s10 =	sld [smem:$0x3FBB]  }
0x39: {  	_ = 	snop;
	(pc) =	sbr.ind lr, $3  }
0x3a: {  	_ = 	snop  }
0x3b: {  	_ = 	snop  }
0x3c: {  	p2 =	seq.s32 s10, $0x1;
	s10 =	sld [smem:$0x3FBA]  }
0x3d: {  	_ =	shalt  }
0x3e: {  	_ =	shalt  }
0x3f: {  	_ =	shalt  }
0x40: {  	_ =	shalt  }
0x41: {  	_ =	shalt  }
0x42: {  	_ =	shalt  }
0x43: {  	_ =	shalt  }
0x44: {  	_ =	shalt  }
0x45: {  	_ =	shalt  }
0x46: {  	_ =	shalt  }
0x47: {  	_ =	shalt  }
0x48: {  	_ =	shalt  }
0x49: {  	_ =	shalt  }
0x4a: {  	_ =	shalt  }
0x4b: {  	_ =	shalt  }
0x4c: {  	_ =	shalt  }
0x4d: {  	_ =	shalt  }
0x4e: {  	_ =	shalt  }
0x4f: {  	_ =	shalt  }
0x50: {  	_ =	shalt  }
0x51: {  	_ =	shalt  }
0x52: {  	_ =	shalt  }
0x53: {  	_ =	shalt  }
0x54: {  	_ =	shalt  }
0x55: {  	_ =	shalt  }
0x56: {  	_ =	shalt  }
0x57: {  	_ =	shalt  }
0x58: {  	_ =	shalt  }
0x59: {  	_ =	shalt  }
0x5a: {  	_ =	shalt  }
0x5b: {  	_ =	shalt  }
0x5c: {  	_ =	shalt  }
0x5d: {  	_ =	shalt  }
0x5e: {  	_ =	shalt  }
0x5f: {  	_ =	shalt  }
0x60: {  	_ =	shalt  }
0x61: {  	_ =	shalt  }
0x62: {  	_ =	shalt  }
0x63: {  	_ =	shalt  }
0x64: {  	_ =	shalt  }
0x65: {  	_ =	shalt  }
0x66: {  	_ =	shalt  }
0x67: {  	_ =	shalt  }
0x68: {  	_ =	shalt  }
0x69: {  	_ =	shalt  }
0x6a: {  	_ =	shalt  }
0x6b: {  	_ =	shalt  }
0x6c: {  	_ =	shalt  }
0x6d: {  	_ =	shalt  }
0x6e: {  	_ =	shalt  }
0x6f: {  	_ =	shalt  }
0x70: {  	_ =	shalt  }
0x71: {  	_ =	shalt  }
0x72: {  	_ =	shalt  }
0x73: {  	_ =	shalt  }
0x74: {  	_ =	shalt  }
0x75: {  	_ =	shalt  }
0x76: {  	_ =	shalt  }
0x77: {  	_ =	shalt  }
0x78: {  	_ =	shalt  }
0x79: {  	_ =	shalt  }
0x7a: {  	_ =	shalt  }
0x7b: {  	_ =	shalt  }
0x7c: {  	_ =	shalt  }
0x7d: {  	_ =	shalt  }
0x7e: {  	_ =	shalt  }
0x7f: {  	_ =	shalt  }
0x80: {  	_ =	shalt  }
0x81: {  	_ =	shalt  }
0x82: {  	_ =	shalt  }
0x83: {  	_ =	shalt  }
0x84: {  	_ =	shalt  }
0x85: {  	_ =	shalt  }
0x86: {  	_ =	shalt  }
0x87: {  	_ =	shalt  }
.Lfunc_end0:
.L_simem_size_0:
called_computation_lowered:
.L_overlay_start_0:
0x88: {  	s2 =	sld [smem:$0x3FD9]  }
0x89: {  	s3 =	sld [smem:$0x3FFE];
	_ =	sdelay $0x1  }
0x8a: {  	s1 =	srdreg.scid  }
0x8b: {  	s0 =	sand.u32 $0x1, s1  }
0x8c: {  	s17 =	sshll.u32 s0, $0xA;
	s2 =	sadd.s32 s3, s2  }
0x8d: {  	s2 =	sadd.s32 s2, s17  }
0x8e: {  	[smem:$0x3FC6] =	sst s2  }
0x8f: {  	_ = 	snop  }
0x90: {  	s2 =	sld [smem:$0x3FD0];
	(tm) =	ssettm $0x1  }
0x91: {  	s18 =	sld [smem:$0x3FFB];
	_ =	sdelay $0x3  }
0x92: {  	_ =	strace s18  }
0x93: {  	s3 =	sld [smem:$0x3FFC];
	_ =	sdelay $0x3  }
0x94: {  	_ =	strace s3  }
0x95: {  	s3 =	sld [smem:$0x3FFD];
	_ =	sdelay $0x3  }
0x96: {  	_ =	strace s3  }
0x97: {  	_ =	strace $0x8FFFFFFF  }
0x98: {  	s19 =	sld [smem:$0x3FDB];
	_ =	sdelay $0x1  }
0x99: {  	s4 =	simm.s32 $_scs_section_size  }
0x9a: {  	s5 =	simm.s32 $_size__tile_overlayer_lowered;
	s6 =	simm.s32 $_tile_overlayer_lowered  }
0x9b: {  	s22 =	simm.s32 $0x1BFF;
	s21 =	sshll.u32 s6, $0x1;
	s3 =	sadd.s32 s4, s19  }
0x9c: {  	s7 =	simm.s32 $0x0;
	s20 =	sshll.u32 s5, $0x1;
	s5 =	sadd.s32 s21, s3  }
0x9d: {  	[timem:s7], [sflag:s22] =	dma.local [hbm:s5], s20  }
0x9e: {  	_ =	swait.ge [sflag:s22], s20  }
0x9f: {  	s4 =	ssub.s32 $0x0, s20;
	[sflag:s22] =	ssyncset.done $0x0  }
0xa0: {  	[sflag:s22] =	ssyncadd.s32 s4;
	_ =	sdelay $0x1  }
0xa1: {  	s23 =	simm.s32 $0x1B8B  }
0xa2: {  	_ =	swait.ge [sflag:s23], $0x1  }
0xa3: {  	[sflag:s23] =	ssyncset.done $0x0  }
0xa4: {  	s25 =	simm.s32 $0x1B8E;
	s24 =	sld [smem:$0x3FFE];
	[sflag:s23] =	ssyncadd.s32 $0xFFFFFFFF  }
0xa5: {  	s26 =	simm.s32 $execute0_lowered;
	[smem:$0x3FD2] =	sst s25  }
0xa6: {  	s5 =	sshll.u32 s26, $0x1;
	_ =	strace $0x80000046;
	[dreg:$0x1] =	wrdreg $0xFFFFFFFF  }
0xa7: {  	s28 =	simm.s32 $_size_execute0_lowered;
	s3 =	sadd.s32 s3, s5;
	[dreg:$0x0] =	wrdreg $0x0  }
0xa8: {  	s5 =	sshll.u32 s28, $0x1;
	[dreg:$0x2] =	wrdreg s3  }
0xa9: {  	[dreg:$0x3] =	wrdreg s5  }
0xaa: {  	[dreg:$0x4] =	wrdreg $0xC0  }
0xab: {  	_ =	task [dreg:s7], $0x5FFFF  }
0xac: {  	[dreg:$0x1] =	wrdreg $0xFFFFFFFF  }
0xad: {  	[dreg:$0x0] =	wrdreg $0x60  }
0xae: {  	[dreg:$0x2] =	wrdreg s24  }
0xaf: {  	[dreg:$0x3] =	wrdreg s2  }
0xb0: {  	[dreg:$0x4] =	wrdreg $0x9  }
0xb1: {  	_ =	task.clear_ibuf [dreg:s7], $0x5FFFF;
	_ =	strace $0x90000046  }
0xb2: {  	s29 =	simm.s32 $0x9;
	_ =	strace $0x80000048  }
0xb3: {  	_ =	swait.ge [sflag:s29], $0x1  }
0xb4: {  	[sflag:s29] =	ssyncadd.s32 $0xFFFFFFFF  }
0xb5: {  	_ =	strace $0x90000048  }
0xb6: {  	_ =	sfence  }
0xb7: {  	s30 =	sld [smem:$0x0];
	_ =	sdelay $0x2  }
0xb8: {  	s31 =	sshll.u32 s1, $0xD;
	s1 =	sshrl.u32 s1, $0x2  }
0xb9: {  	s3 =	sand.u32 $0x4000, s31;
	s1 =	sadd.s32 s1, s30  }
0xba: {  	s0 =	sor.u32 s3, s0;
	s1 =	sshll.u32 s1, $0x11  }
0xbb: {  	s0 =	sor.u32 s1, s0  }
0xbc: {  	s0 =	sadd.s32 $0x8F2B, s0  }
0xbd: {  	[sflag:s0] =	ssyncadd.remote.s32 $0x1  }
0xbe: {  	_ =	sfence.sel $0xFFFF  }
0xbf: {  	[dreg:$0x0] =	wrdreg $0xFFFFFFFF;
	(pc) =	sbr.abs _section_cstart, $3  }
0xc0: {  	[dreg:$0x1] =	wrdreg $0xFFFFFFFF  }
0xc1: {  	_ =	task.clear_ibuf [dreg:s7], $0x2FFFF;
	_ =	strace $0x9FFFFFFF  }
0xc2: {  	(tm) =	ssettm $0x7FFFFFFF  }
0xc3: {  	_ =	shalt  }
tec
execute0_lowered:
.L_overlay_start_1:
0x0: {  	(tag) =	ssettag $0x1  }
0x1: {  	v0 =	vlaneseq.u32  }
0x2: {  	s0 =	rddreg [dreg:$0x0];
	s3 =	simm.s32 $0x0;
	v9 =	vmul.u32 $0x88, v0  }
0x3: {  	[smem:$0x7FF] =	sst s3  }
0x4: {  	s13 =	rddreg [dreg:$0x1];
	_ =	strace $0x80000047;
	v11 =	vadd.s32 $0x1982, v9;
	[tilespmem:$0x1FE60] =	vst v9  }
0x5: {  	v13 =	vadd.s32 $0x1983, v9;
	[tilespmem:$0x1FE10] =	vst v11  }
0x6: {  	v16 =	vadd.s32 $0x1984, v9;
	[tilespmem:$0x1FE20] =	vst v13  }
0x7: {  	v12 =	vadd.s32 $0x1985, v9;
	[tilespmem:$0x1FE30] =	vst v16  }
0x8: {  	v15 =	vadd.s32 $0x1986, v9;
	[tilespmem:$0x1FE40] =	vst v12  }
0x9: {  	v0 =	vadd.s32 $0x880, v9;
	[tilespmem:$0x1FE50] =	vst v15  }
0xa: {  	v14 =	vadd.s32 $0x1100, v9;
	[tilespmem:$0x1FE70] =	vst v0  }
0xb: {  	v3 =	vadd.s32 $0x1980, v9;
	[tilespmem:$0x1FE80] =	vst v14  }
0xc: {  	v8 =	vor.u32 $0x1, v9;
	[tilespmem:$0x1FE90] =	vst v3  }
0xd: {  	v10 =	vadd.s32 $0x881, v9;
	[tilespmem:$0x1FEA0] =	vst v8  }
0xe: {  	v62 =	vadd.s32 $0x1101, v9;
	[tilespmem:$0x1FEB0] =	vst v10  }
0xf: {  	v24 =	vadd.s32 $0x1981, v9;
	[tilespmem:$0x1FEC0] =	vst v62  }
0x10: {  	v28 =	vor.u32 $0x2, v9;
	[tilespmem:$0x1FED0] =	vst v24  }
0x11: {  	v21 =	vadd.s32 $0x882, v9;
	[tilespmem:$0x1FEE0] =	vst v28  }
0x12: {  	v7 =	vadd.s32 $0x1102, v9;
	[tilespmem:$0x1FEF0] =	vst v21  }
0x13: {  	v20 =	vor.u32 $0x3, v9;
	[tilespmem:$0x1FF00] =	vst v7  }
0x14: {  	v25 =	vadd.s32 $0x883, v9;
	[tilespmem:$0x1FF10] =	vst v20  }
0x15: {  	v18 =	vadd.s32 $0x1103, v9;
	[tilespmem:$0x1FF20] =	vst v25  }
0x16: {  	s1 =	srdreg.scid;
	v54 =	vor.u32 $0x4, v9;
	[tilespmem:$0x1FF30] =	vst v18  }
0x17: {  	s2 =	stileid.u32;
	s16 =	simm.s32 $0x16400;
	s19 =	simm.s32 $0x2;
	v29 =	vadd.s32 $0x884, v9;
	[tilespmem:$0x1FF40] =	vst v54  }
0x18: {  	s20 =	simm.s32 $0xA;
	s21 =	simm.s32 $0x18600;
	s22 =	simm.s32 $0x3;
	v22 =	vadd.s32 $0x1104, v9;
	[tilespmem:$0x1FF50] =	vst v29  }
0x19: {  	s23 =	simm.s32 $0x9;
	s24 =	simm.s32 $0x4;
	s25 =	simm.s32 $0x5;
	v32 =	vor.u32 $0x5, v9;
	[tilespmem:$0x1FF60] =	vst v22  }
0x1a: {  	s26 =	simm.s32 $0x6;
	s28 =	simm.s32 $0x7;
	s29 =	simm.s32 $0x8;
	v5 =	vadd.s32 $0x885, v9;
	[tilespmem:$0x1FF70] =	vst v32  }
0x1b: {  	s1 =	sand.u32 $0x1, s1;
	s2 =	sshll.u32 s2, $0x1;
	s7 =	sadd.s32 $0x8000, s13;
	v26 =	vadd.s32 $0x1105, v9;
	[tilespmem:$0x1FF80] =	vst v5  }
0x1c: {  	s8 =	sadd.s32 $0x10000, s13;
	s9 =	sadd.s32 $0x18000, s13;
	s10 =	sadd.s32 $0x20000, s13;
	v31 =	vor.u32 $0x6, v9;
	[tilespmem:$0x1FF90] =	vst v26  }
0x1d: {  	s11 =	sadd.s32 $0x28000, s13;
	s12 =	sadd.s32 $0x30000, s13;
	s2 =	sor.u32 s1, s2;
	v30 =	vadd.s32 $0x886, v9;
	[tilespmem:$0x1FFA0] =	vst v31  }
.Ltmp0:
0x1e: {  	s1 =	ssub.s32 $0x2, s1;
	s4 =	sshll.u32 s2, $0x4;
	v4 =	vadd.s32 $0x1106, v9;
	[tilespmem:$0x1FFB0] =	vst v30;
	(pc) =	sbr.rel .LBB2_1-.Ltmp0, $4  }
0x1f: {  	s13 =	sadd.s32 $0x38000, s13;
	s6 =	sshrl.u32 s1, $0x1;
	v19 =	vor.u32 $0x7, v9;
	s5 =	sadd.s32 s4, s0;
	[tilespmem:$0x1FFC0] =	vst v4  }
0x20: {  	v2 =	vadd.s32 $0x1987, v9;
	s4 =	sadd.s32 $0xF42A00, s0;
	s30 =	ssub.s32 s1, s6;
	[tilespmem:$0x1FFD0] =	vst v19;
	s31 =	sadd.s32 $0x600, s5  }
0x21: {  	v1 =	vimm.s32 $0x0;
	vm0 =	vcmask $0x300;
	v6 =	vadd.s32 $0x1107, v9;
	s6 =	sshll.u32 s2, $0x7;
	[tilespmem:$0x1FFE0] =	vst v2;
	s0 =	smax.u32 s30, $0x1;
	[dreg:$0x3] =	wrdreg s31  }
0x22: {  	v1 =	vsel vm0, $0x3, v1;
	v63 =	vadd.s32 $0x887, v9;
	s2 =	simm.s32 $0x0;
	[tilespmem:$0x1FFF0] =	vst v6;
	[dreg:$0x4] =	wrdreg s0;
	s0 =	simm.s32 $0x1  }
.LBB2_40:
0x23: {  	_ =	swait.ge [sflag:s23], $0x2000  }
0x24: {  	[sflag:s23] =	ssyncset.done $0x0  }
0x25: {  	[sflag:s23] =	ssyncadd.s32 $0xFFFFE000  }
0x26: {  	_ =	swait.ge [sflag:s20], $0x2000  }
0x27: {  	v9 =	vld [tilespmem:$0x1FE60]  }
0x28: {  	v3 =	vld [tilespmem:$0x1FE90]  }
0x29: {  	v8 =	vld [tilespmem:$0x1FEA0]  }
0x2a: {  	v62 =	vld [tilespmem:$0x1FEC0]  }
0x2b: {  	s2 =	rddreg [dreg:$0x5];
	v28 =	vld [tilespmem:$0x1FEE0]  }
0x2c: {  	s1 =	rddreg [dreg:$0x4];
	v20 =	vld [tilespmem:$0x1FF10];
	s2 =	sadd.s32 $0x1, s2  }
0x2d: {  	v54 =	vld [tilespmem:$0x1FF40];
	p0 =	sne.s32 s2, s1  }
.Ltmp1:
0x2e: {  	v32 =	vld [tilespmem:$0x1FF70];
	(pc) =	sbr.rel @!p0 .LBB2_41-.Ltmp1, $4  }
0x2f: {  	v31 =	vld [tilespmem:$0x1FFA0]  }
0x30: {  	v15 =	vld [tilespmem:$0x1FE50]  }
0x31: {  	[sflag:s20] =	ssyncset.done $0x0;
	v19 =	vld [tilespmem:$0x1FFD0]  }
0x32: {  	v2 =	vld [tilespmem:$0x1FFE0];
	[sflag:s20] =	ssyncadd.s32 $0xFFFFE000  }
.LBB2_1:
0x33: {  	[dreg:$0x5] =	wrdreg s2  }
0x34: {  	s1 =	rddreg [dreg:$0x3]  }
0x35: {  	s2 =	simm.s32 $0x80;
	s5 =	simm.s32 $0x1000;
	s17 =	simm.s32 $0xB  }
0x36: {  	[tilespmem:s3], [sflag:$0xB] =	stream.strided.gather [hbm4b:s1+s2], $0x6400, s5, s2, $0x38;
	[tilespmem:$0x1A800] =	vst v63  }
0x37: {  	_ =	swait.ge [sflag:s17], $0x6400  }
0x38: {  	[sflag:s17] =	ssyncset.done $0x0  }
0x39: {  	s18 =	simm.s32 $0x6400;
	[sflag:s17] =	ssyncadd.s32 $0xFFFF9C00  }
0x3a: {  	[tilespmem:s18], [sflag:$0x1] =	stream.indirect.gather [hbm4b:s4+s2], $0x40, s3, s2, $0xb8;
	[tilespmem:$0x1A800] =	vst v63  }
0x3b: {  	s30 =	simm.s32 $0x8400  }
0x3c: {  	[tilespmem:s30], [sflag:$0x2] =	stream.indirect.gather [hbm4b:s4+s2], $0x40, s2, s2, $0xb8;
	[tilespmem:$0x1A800] =	vst v63  }
0x3d: {  	s14 =	simm.s32 $0xA400;
	s5 =	simm.s32 $0x100  }
0x3e: {  	[tilespmem:s14], [sflag:$0x3] =	stream.indirect.gather [hbm4b:s4+s2], $0x40, s5, s2, $0xb8;
	[tilespmem:$0x1A800] =	vst v63  }
0x3f: {  	s15 =	simm.s32 $0x180;
	s17 =	simm.s32 $0xC400  }
0x40: {  	[tilespmem:s17], [sflag:$0x4] =	stream.indirect.gather [hbm4b:s4+s2], $0x40, s15, s2, $0xb8;
	[tilespmem:$0x1A800] =	vst v63  }
0x41: {  	s18 =	simm.s32 $0x200;
	s30 =	simm.s32 $0xE400  }
0x42: {  	[tilespmem:s30], [sflag:$0x5] =	stream.indirect.gather [hbm4b:s4+s2], $0x40, s18, s2, $0xb8;
	[tilespmem:$0x1A800] =	vst v63  }
0x43: {  	s5 =	simm.s32 $0x280;
	s14 =	simm.s32 $0x10400  }
0x44: {  	[tilespmem:s14], [sflag:$0x6] =	stream.indirect.gather [hbm4b:s4+s2], $0x40, s5, s2, $0xb8;
	[tilespmem:$0x1A800] =	vst v63  }
0x45: {  	s15 =	simm.s32 $0x300;
	s17 =	simm.s32 $0x12400  }
0x46: {  	[tilespmem:s17], [sflag:$0x7] =	stream.indirect.gather [hbm4b:s4+s2], $0x40, s15, s2, $0xb8;
	[tilespmem:$0x1A800] =	vst v63  }
0x47: {  	s31 =	simm.s32 $0x0;
	s18 =	simm.s32 $0x380;
	s30 =	simm.s32 $0x14400  }
0x48: {  	v12 =	vmov v26;
	v26 =	vmov v22;
	v22 =	vmov v18;
	[tilespmem:s30], [sflag:$0x8] =	stream.indirect.gather [hbm4b:s4+s2], $0x40, s18, s2, $0xb8;
	[tilespmem:$0x1A800] =	vst v63  }
.LBB2_2:
0x49: {  	_ =	swait.ge [sflag:s0], $0x2000;
	s1 =	simm.s32 $0x0  }
0x4a: {  	s2 =	simm.s32 $0x1;
	s14 =	simm.s32 $0x3;
	s5 =	simm.s32 $0x4  }
0x4b: {  	p0 =	seq.s32 s31, $0x0;
	s15 =	simm.s32 $0x5;
	s17 =	simm.s32 $0x6;
	v33 =	vmov s1;
	v34 =	vmov s2  }
0x4c: {  	s18 =	simm.s32 $0x7;
	[sflag:s0] =	ssyncset.done $0x0;
	s2 =	simm.s32 $0x2;
	v36 =	vmov s14;
	v37 =	vmov s5;
	v38 =	vmov s15  }
0x4d: {  	s5 =	simm.s32 @!p0 $0x9;
	v39 =	vmov s17;
	v40 =	vmov s18;
	v35 =	vmov s2;
	[sflag:s0] =	ssyncadd.s32 $0xFFFFE000  }
0x4e: {  	v33 =	vshrl.u32 v33, $0x3;
	v34 =	vshrl.u32 v34, $0x3;
	v36 =	vshrl.u32 v36, $0x3;
	_ =	swait.ge @!p0 [sflag:s5], $0x2000  }
0x4f: {  	v40 =	vshrl.u32 v40, $0x3;
	v37 =	vshrl.u32 v37, $0x3;
	v38 =	vshrl.u32 v38, $0x3;
	[sflag:s5] =	ssyncset.done @!p0 $0x0  }
0x50: {  	v42 =	vshrl.u32 v39, $0x3;
	v33 =	vshll.u32 v33, v1;
	v40 =	vshll.u32 v40, v1;
	[sflag:s5] =	ssyncadd.s32 @!p0 $0xFFFFE000;
	s5 =	simm.s32 $0x6500  }
0x51: {  	v35 =	vshrl.u32 v35, $0x3;
	v34 =	vshll.u32 v34, v1;
	v27 =	vbroadcast v40, $0x0;
	v56 =	vld [tilespmem:s5+$0xC0]  }
0x52: {  	v36 =	vshll.u32 v36, v1;
	v44 =	vshll.u32 v37, v1;
	v18 =	vbroadcast v33, $0x0;
	v43 =	vld [tilespmem:s5+$0xFFFFFF00]  }
0x53: {  	v35 =	vshll.u32 v35, v1;
	v23 =	vbroadcast v34, $0x0;
	v45 =	vld [tilespmem:s5+$0xFFFFFF40];
	v46 =	vadd.s32 v19, v27  }
0x54: {  	v57 =	vshll.u32 v38, v1;
	v37 =	vbroadcast v35, $0x0;
	v58 =	vadd.s32 v9, v18;
	v47 =	vld [tilespmem:s5+$0xFFFFFF80]  }
0x55: {  	v42 =	vshll.u32 v42, v1;
	v36 =	vbroadcast v36, $0x0;
	v48 =	vadd.s32 v8, v23;
	v49 =	vld [tilespmem:s5+$0xFFFFFFC0]  }
0x56: {  	v35 =	vbroadcast v44, $0x0;
	v51 =	vld [tilespmem:s5+$0x0];
	v50 =	vadd.s32 v28, v37;
	v59 =	vmul.f32 $8.000000000e+00, v56  }
0x57: {  	v33 =	vbroadcast v57, $0x0;
	v52 =	vadd.s32 v20, v36;
	v53 =	vld [tilespmem:s5+$0x40];
	v43 =	vmul.f32 $8.000000000e+00, v43  }
0x58: {  	v34 =	vbroadcast v42, $0x0;
	v55 =	vld [tilespmem:s5+$0x80];
	v54 =	vadd.s32 v54, v35;
	v45 =	vmul.f32 $8.000000000e+00, v45;
	[tilespmem:v46+s16+$0x0] =	vst.idx.msk $0xffff, v59  }
0x59: {  	s30 =	simm.s32 $0x8;
	v61 =	vmul.f32 $8.000000000e+00, v47;
	[tilespmem:v58+s16+$0x0] =	vst.idx.msk $0xffff, v43;
	v43 =	vadd.s32 v32, v33;
	v44 =	vld [tilespmem:s5+$0xD0]  }
0x5a: {  	v60 =	vmov s30;
	v41 =	vmul.f32 $8.000000000e+00, v49;
	v47 =	vadd.s32 v31, v34;
	[tilespmem:v48+s16+$0x0] =	vst.idx.msk $0xffff, v45;
	v46 =	vld [tilespmem:s5+$0xFFFFFF10]  }
0x5b: {  	v42 =	vshrl.u32 v60, $0x3;
	v60 =	vmul.f32 $8.000000000e+00, v51;
	[tilespmem:v50+s16+$0x0] =	vst.idx.msk $0xffff, v61;
	v50 =	vadd.s32 v63, v27;
	v49 =	vld [tilespmem:s5+$0xFFFFFF50]  }
0x5c: {  	v56 =	vadd.s32 v0, v18;
	[tilespmem:v52+s16+$0x0] =	vst.idx.msk $0xffff, v41;
	v61 =	vmul.f32 $8.000000000e+00, v53;
	v57 =	vld [tilespmem:s5+$0xFFFFFF90]  }
0x5d: {  	v38 =	vmul.f32 $8.000000000e+00, v55;
	v53 =	vadd.s32 v10, v23;
	[tilespmem:v54+s16+$0x0] =	vst.idx.msk $0xffff, v60;
	v58 =	vld [tilespmem:s5+$0xFFFFFFD0]  }
0x5e: {  	v55 =	vadd.s32 v21, v37;
	v59 =	vld [tilespmem:s5+$0x10];
	[tilespmem:v43+s16+$0x0] =	vst.idx.msk $0xffff, v61;
	v43 =	vmul.f32 $8.000000000e+00, v44  }
0x5f: {  	[tilespmem:v47+s16+$0x0] =	vst.idx.msk $0xffff, v38;
	v45 =	vmul.f32 $8.000000000e+00, v46;
	v46 =	vadd.s32 v25, v36  }
0x60: {  	v47 =	vmul.f32 $8.000000000e+00, v49;
	v49 =	vadd.s32 v29, v35;
	[tilespmem:v50+s16+$0x0] =	vst.idx.msk $0xffff, v43  }
0x61: {  	v61 =	vld [tilespmem:s5+$0x90];
	v39 =	vmul.f32 $8.000000000e+00, v57;
	[tilespmem:v56+s16+$0x0] =	vst.idx.msk $0xffff, v45  }
0x62: {  	v60 =	vld [tilespmem:s5+$0x50];
	[tilespmem:v53+s16+$0x0] =	vst.idx.msk $0xffff, v47;
	v47 =	vmul.f32 $8.000000000e+00, v58  }
0x63: {  	[tilespmem:v55+s16+$0x0] =	vst.idx.msk $0xffff, v39;
	v39 =	vmul.f32 $8.000000000e+00, v59;
	v50 =	vld [tilespmem:s5+$0xE0]  }
0x64: {  	v45 =	vadd.s32 v5, v33;
	v56 =	vld [tilespmem:s5+$0xFFFFFF20];
	[tilespmem:v46+s16+$0x0] =	vst.idx.msk $0xffff, v47  }
0x65: {  	v53 =	vadd.s32 v30, v34;
	v57 =	vld [tilespmem:s5+$0xFFFFFF60];
	[tilespmem:v49+s16+$0x0] =	vst.idx.msk $0xffff, v39  }
0x66: {  	v17 =	vmov v0;
	s30 =	simm.s32 $0xE;
	v55 =	vadd.s32 v6, v27;
	v0 =	vld [tilespmem:$0x1FF00]  }
0x67: {  	s18 =	simm.s32 $0xD;
	v38 =	vmov s30;
	v58 =	vadd.s32 v14, v18;
	v59 =	vld [tilespmem:s5+$0xFFFFFFA0];
	v46 =	vmul.f32 $8.000000000e+00, v60  }
0x68: {  	v7 =	vmovc v62;
	v44 =	vmov s18;
	v60 =	vadd.s32 v62, v23;
	v47 =	vmul.f32 $8.000000000e+00, v61;
	v62 =	vld [tilespmem:s5+$0xFFFFFFE0]  }
0x69: {  	v11 =	vmovc v63;
	v41 =	vshrl.u32 v44, $0x3;
	v43 =	vshll.u32 v42, v1;
	v63 =	vld [tilespmem:s5+$0x20];
	[tilespmem:v45+s16+$0x0] =	vst.idx.msk $0xffff, v46;
	v44 =	vmul.f32 $8.000000000e+00, v50  }
0x6a: {  	v42 =	vshrl.u32 v38, $0x3;
	v39 =	vadd.s32 v22, v36;
	[tilespmem:v53+s16+$0x0] =	vst.idx.msk $0xffff, v47;
	v50 =	vmul.f32 $8.000000000e+00, v56;
	v40 =	vld [tilespmem:s5+$0x60]  }
0x6b: {  	v38 =	vbroadcast v43, $0x0;
	v43 =	vmul.f32 $8.000000000e+00, v57;
	v61 =	vld [tilespmem:s5+$0xA0];
	[tilespmem:v55+s16+$0x0] =	vst.idx.msk $0xffff, v44;
	v49 =	vadd.s32 v0, v37  }
0x6c: {  	s15 =	simm.s32 $0xB;
	v57 =	vadd.s32 v26, v35;
	[tilespmem:v58+s16+$0x0] =	vst.idx.msk $0xffff, v50;
	v56 =	vld [tilespmem:s5+$0xF0]  }
0x6d: {  	s17 =	simm.s32 $0xC;
	v52 =	vmov s15;
	[tilespmem:v60+s16+$0x0] =	vst.idx.msk $0xffff, v43;
	v50 =	vld [tilespmem:s5+$0xFFFFFF30];
	v62 =	vmul.f32 $8.000000000e+00, v62  }
0x6e: {  	v54 =	vmov s17;
	v52 =	vshrl.u32 v52, $0x3;
	v46 =	vmul.f32 $8.000000000e+00, v59;
	v0 =	vld [tilespmem:$0x1FFC0]  }
0x6f: {  	s14 =	simm.s32 $0xA;
	v54 =	vshrl.u32 v54, $0x3;
	v45 =	vshll.u32 v52, v1;
	v52 =	vld [tilespmem:s5+$0xFFFFFF70];
	v63 =	vmul.f32 $8.000000000e+00, v63;
	[tilespmem:v39+s16+$0x0] =	vst.idx.msk $0xffff, v62  }
0x70: {  	s2 =	simm.s32 $0x9;
	v51 =	vmov s14;
	[tilespmem:v49+s16+$0x0] =	vst.idx.msk $0xffff, v46;
	v46 =	vshll.u32 v54, v1;
	v54 =	vld [tilespmem:s5+$0xFFFFFFF0]  }
0x71: {  	v13 =	vmovc v9;
	v4 =	vmov v21;
	v51 =	vshrl.u32 v51, $0x3;
	v48 =	vmov s2;
	[tilespmem:v57+s16+$0x0] =	vst.idx.msk $0xffff, v63;
	v49 =	vld [tilespmem:s5+$0xFFFFFFB0]  }
0x72: {  	v16 =	vmovc v30;
	v48 =	vshrl.u32 v48, $0x3;
	v30 =	vmovc v24;
	v43 =	vshll.u32 v41, v1;
	v41 =	vadd.s32 v24, v23;
	v24 =	vld [tilespmem:$0x1FE10]  }
0x73: {  	v9 =	vmovc v22;
	v47 =	vshll.u32 v48, v1;
	v53 =	vadd.s32 v2, v27;
	v48 =	vadd.s32 v3, v18;
	v23 =	vld [tilespmem:$0x1FE20]  }
0x74: {  	v22 =	vmovc v26;
	v18 =	vmovc v9;
	v26 =	vmov v12;
	v55 =	vadd.s32 v12, v33;
	v44 =	vshll.u32 v51, v1;
	v27 =	vld [tilespmem:$0x1FE30]  }
0x75: {  	s14 =	simm.s32 $0x10;
	s17 =	simm.s32 $0xF;
	v60 =	vmovc v3;
	v39 =	vmul.f32 $8.000000000e+00, v40;
	v40 =	vmul.f32 $8.000000000e+00, v61;
	v62 =	vmovc v2;
	v51 =	vadd.s32 v0, v34;
	v12 =	vld [tilespmem:$0x1FE40]  }
.LBB2_3:
0x76: {  	_ =	sdelay $0x1  }
0x77: {  	v58 =	vld [tilespmem:s5+$0x30]  }
0x78: {  	v36 =	vadd.s32 v23, v36;
	v0 =	vld [tilespmem:$0x1FF40];
	[tilespmem:v55+s16+$0x0] =	vst.idx.msk $0xffff, v39;
	v61 =	vmul.f32 $8.000000000e+00, v56  }
0x79: {  	v57 =	vmov s17;
	v37 =	vadd.s32 v24, v37;
	[tilespmem:v51+s16+$0x0] =	vst.idx.msk $0xffff, v40;
	v50 =	vmul.f32 $8.000000000e+00, v50;
	v56 =	vld [tilespmem:s5+$0x70]  }
0x7a: {  	v35 =	vadd.s32 v27, v35;
	v63 =	vshrl.u32 v57, $0x3;
	v59 =	vmul.f32 $8.000000000e+00, v52;
	v52 =	vld [tilespmem:s5+$0xB0];
	s5 =	sadd.s32 $0x200, s5;
	[tilespmem:v53+s16+$0x0] =	vst.idx.msk $0xffff, v61  }
0x7b: {  	v39 =	vmov v38;
	v38 =	vshll.u32 v63, v1;
	v63 =	vmul.f32 $8.000000000e+00, v54;
	[tilespmem:v48+s16+$0x0] =	vst.idx.msk $0xffff, v50;
	v53 =	vld [tilespmem:s5+$0xC0]  }
0x7c: {  	v33 =	vadd.s32 v12, v33;
	v40 =	vbroadcast v38, $0x0;
	v61 =	vmul.f32 $8.000000000e+00, v49;
	[tilespmem:v41+s16+$0x0] =	vst.idx.msk $0xffff, v59;
	v48 =	vld [tilespmem:s5+$0xFFFFFF00]  }
0x7d: {  	v34 =	vadd.s32 v15, v34;
	v58 =	vmul.f32 $8.000000000e+00, v58;
	v41 =	vbroadcast v47, $0x0;
	[tilespmem:v36+s16+$0x0] =	vst.idx.msk $0xffff, v63;
	v57 =	vld [tilespmem:s5+$0xFFFFFF40]  }
0x7e: {  	v47 =	vadd.s32 v19, v40;
	v36 =	vbroadcast v45, $0x0;
	v55 =	vld [tilespmem:s5+$0xFFFFFFC0];
	[tilespmem:v37+s16+$0x0] =	vst.idx.msk $0xffff, v61;
	v37 =	vbroadcast v44, $0x0  }
0x7f: {  	v51 =	vadd.s32 v13, v39;
	[tilespmem:v35+s16+$0x0] =	vst.idx.msk $0xffff, v58;
	v35 =	vbroadcast v46, $0x0;
	v54 =	vld [tilespmem:s5+$0xFFFFFF80];
	v59 =	vmul.f32 $8.000000000e+00, v56  }
0x80: {  	v49 =	vadd.s32 v8, v41;
	v61 =	vmul.f32 $8.000000000e+00, v52;
	v52 =	vld [tilespmem:s5+$0x0];
	v45 =	vadd.s32 v28, v37  }
0x81: {  	[tilespmem:v33+s16+$0x0] =	vst.idx.msk $0xffff, v59;
	v33 =	vbroadcast v43, $0x0;
	v43 =	vadd.s32 v0, v35;
	v0 =	vld [tilespmem:$0x1FF00];
	v63 =	vmul.f32 $8.000000000e+00, v53  }
0x82: {  	v42 =	vshll.u32 v42, v1;
	[tilespmem:v34+s16+$0x0] =	vst.idx.msk $0xffff, v61;
	v56 =	vmul.f32 $8.000000000e+00, v48;
	v48 =	vadd.s32 v20, v36;
	v53 =	vld [tilespmem:s5+$0x40]  }
0x83: {  	v34 =	vbroadcast v42, $0x0;
	v57 =	vmul.f32 $8.000000000e+00, v57;
	v50 =	vld [tilespmem:s5+$0x80];
	[tilespmem:v47+s16+$0x0] =	vst.idx.msk $0xffff, v63  }
0x84: {  	v46 =	vadd.s32 v32, v33;
	[tilespmem:v51+s16+$0x0] =	vst.idx.msk $0xffff, v56;
	v59 =	vmul.f32 $8.000000000e+00, v54;
	v47 =	vld [tilespmem:s5+$0xD0]  }
0x85: {  	v61 =	vmul.f32 $8.000000000e+00, v55;
	[tilespmem:v49+s16+$0x0] =	vst.idx.msk $0xffff, v57;
	v49 =	vadd.s32 v31, v34;
	v51 =	vld [tilespmem:s5+$0xFFFFFF10]  }
0x86: {  	s17 =	sadd.s32 $0x4, s14;
	v58 =	vmov s14;
	v63 =	vmul.f32 $8.000000000e+00, v52;
	v55 =	vld [tilespmem:s5+$0xFFFFFF50];
	[tilespmem:v45+s16+$0x0] =	vst.idx.msk $0xffff, v59;
	v45 =	vadd.s32 v11, v40  }
0x87: {  	v44 =	vmov s17;
	v56 =	vadd.s32 v17, v39;
	v57 =	vld [tilespmem:s5+$0xFFFFFF90];
	[tilespmem:v48+s16+$0x0] =	vst.idx.msk $0xffff, v61;
	v61 =	vmul.f32 $8.000000000e+00, v53  }
0x88: {  	s1 =	sadd.s32 $0x1, s14;
	v42 =	vshrl.u32 v58, $0x3;
	[tilespmem:v43+s16+$0x0] =	vst.idx.msk $0xffff, v63;
	v53 =	vadd.s32 v10, v41;
	v43 =	vmul.f32 $8.000000000e+00, v50;
	v58 =	vld [tilespmem:s5+$0xFFFFFFD0]  }
0x89: {  	s2 =	sadd.s32 $0x2, s14;
	v54 =	vmov s1;
	v50 =	vadd.s32 v4, v37;
	v59 =	vld [tilespmem:s5+$0x10];
	[tilespmem:v46+s16+$0x0] =	vst.idx.msk $0xffff, v61;
	v38 =	vmul.f32 $8.000000000e+00, v47  }
0x8a: {  	v9 =	vmovc v60;
	v52 =	vmov s2;
	[tilespmem:v49+s16+$0x0] =	vst.idx.msk $0xffff, v43;
	v47 =	vmul.f32 $8.000000000e+00, v51;
	v51 =	vadd.s32 v25, v36;
	v60 =	vld [tilespmem:s5+$0x50]  }
0x8b: {  	v54 =	vshrl.u32 v54, $0x3;
	v49 =	vmul.f32 $8.000000000e+00, v55;
	v55 =	vadd.s32 v29, v35;
	v61 =	vld [tilespmem:s5+$0x90];
	[tilespmem:v45+s16+$0x0] =	vst.idx.msk $0xffff, v38  }
0x8c: {  	s15 =	sadd.s32 $0x3, s14;
	v38 =	vshll.u32 v42, v1;
	[tilespmem:v56+s16+$0x0] =	vst.idx.msk $0xffff, v47;
	v42 =	vmul.f32 $8.000000000e+00, v57;
	v45 =	vadd.s32 v5, v33;
	v47 =	vld [tilespmem:s5+$0xE0]  }
0x8d: {  	v48 =	vmov s15;
	[tilespmem:v53+s16+$0x0] =	vst.idx.msk $0xffff, v49;
	v53 =	vadd.s32 v16, v34;
	v56 =	vld [tilespmem:s5+$0xFFFFFF20];
	v63 =	vmul.f32 $8.000000000e+00, v58  }
0x8e: {  	s18 =	sadd.s32 $0x5, s14;
	v52 =	vshrl.u32 v52, $0x3;
	v48 =	vshrl.u32 v48, $0x3;
	v57 =	vld [tilespmem:s5+$0xFFFFFF60];
	[tilespmem:v50+s16+$0x0] =	vst.idx.msk $0xffff, v42;
	v42 =	vmul.f32 $8.000000000e+00, v59  }
0x8f: {  	v46 =	vmov s18;
	v50 =	vadd.s32 v6, v40;
	v59 =	vld [tilespmem:s5+$0xFFFFFFA0];
	[tilespmem:v51+s16+$0x0] =	vst.idx.msk $0xffff, v63;
	v49 =	vmul.f32 $8.000000000e+00, v60  }
0x90: {  	s30 =	sadd.s32 $0x6, s14;
	v21 =	vmovc v62;
	v58 =	vadd.s32 v14, v39;
	v60 =	vshrl.u32 v44, $0x3;
	v44 =	vmul.f32 $8.000000000e+00, v61;
	v62 =	vld [tilespmem:s5+$0xFFFFFFE0];
	[tilespmem:v55+s16+$0x0] =	vst.idx.msk $0xffff, v42  }
0x91: {  	v43 =	vmov s30;
	v51 =	vadd.s32 v7, v41;
	v61 =	vshrl.u32 v46, $0x3;
	v63 =	vld [tilespmem:s5+$0x20];
	[tilespmem:v45+s16+$0x0] =	vst.idx.msk $0xffff, v49  }
0x92: {  	v46 =	vadd.s32 v0, v37;
	v0 =	vadd.s32 v18, v36;
	[tilespmem:v53+s16+$0x0] =	vst.idx.msk $0xffff, v44;
	v45 =	vmul.f32 $8.000000000e+00, v47;
	v2 =	vld [tilespmem:s5+$0x60]  }
0x93: {  	v41 =	vadd.s32 v30, v41;
	v42 =	vshrl.u32 v43, $0x3;
	v55 =	vmul.f32 $8.000000000e+00, v56;
	v3 =	vld [tilespmem:s5+$0xA0]  }
0x94: {  	p1 =	slt.u32 s14, $0x78;
	v49 =	vmul.f32 $8.000000000e+00, v57;
	v57 =	vadd.s32 v22, v35;
	[tilespmem:v50+s16+$0x0] =	vst.idx.msk $0xffff, v45;
	v43 =	vmul.f32 $8.000000000e+00, v59;
	v59 =	vld [tilespmem:$0x1FFC0]  }
.Ltmp2:
0x95: {  	v38 =	vbroadcast v38, $0x0;
	v44 =	vshll.u32 v52, v1;
	v53 =	vadd.s32 v21, v40;
	[tilespmem:v58+s16+$0x0] =	vst.idx.msk $0xffff, v55;
	v56 =	vld [tilespmem:s5+$0xF0];
	(pc) =	sbr.rel @p1 .LBB2_3-.Ltmp2, $4  }
0x96: {  	v47 =	vshll.u32 v54, v1;
	v55 =	vadd.s32 v26, v33;
	[tilespmem:v51+s16+$0x0] =	vst.idx.msk $0xffff, v49;
	v50 =	vld [tilespmem:s5+$0xFFFFFF30];
	v54 =	vmul.f32 $8.000000000e+00, v62  }
0x97: {  	v45 =	vshll.u32 v48, v1;
	v48 =	vadd.s32 v9, v39;
	v52 =	vld [tilespmem:s5+$0xFFFFFF70];
	[tilespmem:v46+s16+$0x0] =	vst.idx.msk $0xffff, v43;
	v58 =	vmul.f32 $8.000000000e+00, v63  }
0x98: {  	v62 =	vmov v21;
	v46 =	vshll.u32 v60, v1;
	v43 =	vshll.u32 v61, v1;
	v49 =	vld [tilespmem:s5+$0xFFFFFFB0];
	[tilespmem:v0+s16+$0x0] =	vst.idx.msk $0xffff, v54  }
0x99: {  	s17 =	sadd.s32 $0x7, s14;
	s14 =	sadd.s32 $0x8, s14;
	v60 =	vmovc v9;
	v39 =	vmul.f32 $8.000000000e+00, v2;
	v40 =	vmul.f32 $8.000000000e+00, v3;
	v54 =	vld [tilespmem:s5+$0xFFFFFFF0];
	[tilespmem:v57+s16+$0x0] =	vst.idx.msk $0xffff, v58;
	v51 =	vadd.s32 v59, v34  }
0x9a: {  	_ =	sdelay $0x3  }
0x9b: {  	v2 =	vadd.s32 v24, v37;
	v3 =	vld [tilespmem:s5+$0x30];
	v57 =	vmul.f32 $8.000000000e+00, v56;
	[tilespmem:v55+s16+$0x0] =	vst.idx.msk $0xffff, v39  }
0x9c: {  	v36 =	vadd.s32 v23, v36;
	v58 =	vmul.f32 $8.000000000e+00, v50;
	[tilespmem:v51+s16+$0x0] =	vst.idx.msk $0xffff, v40;
	v61 =	vld [tilespmem:s5+$0x70]  }
0x9d: {  	v35 =	vadd.s32 v27, v35;
	v63 =	vmul.f32 $8.000000000e+00, v52;
	v51 =	vld [tilespmem:s5+$0xB0];
	[tilespmem:v53+s16+$0x0] =	vst.idx.msk $0xffff, v57  }
0x9e: {  	v0 =	vmov s17;
	v33 =	vadd.s32 v12, v33;
	[tilespmem:v48+s16+$0x0] =	vst.idx.msk $0xffff, v58;
	v55 =	vmul.f32 $8.000000000e+00, v49  }
0x9f: {  	s2 =	sadd.s32 $0x200, s5;
	v34 =	vadd.s32 v15, v34;
	v0 =	vshrl.u32 v0, $0x3;
	[tilespmem:v41+s16+$0x0] =	vst.idx.msk $0xffff, v63;
	v57 =	vmul.f32 $8.000000000e+00, v54  }
0xa0: {  	v37 =	vld [tilespmem:s2+$0xC0];
	v0 =	vshll.u32 v0, v1;
	[tilespmem:v2+s16+$0x0] =	vst.idx.msk $0xffff, v55;
	v2 =	vmul.f32 $8.000000000e+00, v3  }
0xa1: {  	v56 =	vld [tilespmem:s2+$0xFFFFFF00];
	v0 =	vbroadcast v0, $0x0;
	[tilespmem:v36+s16+$0x0] =	vst.idx.msk $0xffff, v57;
	v58 =	vmul.f32 $8.000000000e+00, v61  }
0xa2: {  	v39 =	vld [tilespmem:s2+$0xFFFFFF80];
	[tilespmem:v35+s16+$0x0] =	vst.idx.msk $0xffff, v2;
	v2 =	vmul.f32 $8.000000000e+00, v51  }
0xa3: {  	v47 =	vbroadcast v47, $0x0;
	v41 =	vld [tilespmem:s2+$0xFFFFFF40];
	v49 =	vadd.s32 v19, v0;
	[tilespmem:v33+s16+$0x0] =	vst.idx.msk $0xffff, v58  }
0xa4: {  	v44 =	vbroadcast v44, $0x0;
	v3 =	vadd.s32 v13, v38;
	v61 =	vld [tilespmem:s2+$0xFFFFFFC0];
	[tilespmem:v34+s16+$0x0] =	vst.idx.msk $0xffff, v2  }
0xa5: {  	v45 =	vbroadcast v45, $0x0;
	v40 =	vadd.s32 v8, v47;
	v57 =	vld [tilespmem:$0x1FF40]  }
0xa6: {  	v37 =	vmul.f32 $8.000000000e+00, v37;
	v35 =	vadd.s32 v28, v44  }
0xa7: {  	v43 =	vbroadcast v43, $0x0;
	v48 =	vld [tilespmem:s2+$0x40];
	v53 =	vmul.f32 $8.000000000e+00, v56;
	v36 =	vadd.s32 v20, v45  }
0xa8: {  	v46 =	vbroadcast v46, $0x0;
	v63 =	vld [tilespmem:s2+$0x0];
	v2 =	vmul.f32 $8.000000000e+00, v41;
	[tilespmem:v49+s16+$0x0] =	vst.idx.msk $0xffff, v37  }
0xa9: {  	v33 =	vadd.s32 v32, v43;
	[tilespmem:v3+s16+$0x0] =	vst.idx.msk $0xffff, v53;
	v3 =	vmul.f32 $8.000000000e+00, v39  }
0xaa: {  	v42 =	vshll.u32 v42, v1;
	v37 =	vld [tilespmem:s2+$0xD0];
	[tilespmem:v40+s16+$0x0] =	vst.idx.msk $0xffff, v2;
	v2 =	vmul.f32 $8.000000000e+00, v61;
	v34 =	vadd.s32 v57, v46  }
0xab: {  	v42 =	vbroadcast v42, $0x0;
	v41 =	vld [tilespmem:s2+$0x80];
	[tilespmem:v35+s16+$0x0] =	vst.idx.msk $0xffff, v3  }
0xac: {  	v54 =	vld [tilespmem:s2+$0xFFFFFF10];
	v35 =	vadd.s32 v11, v0;
	[tilespmem:v36+s16+$0x0] =	vst.idx.msk $0xffff, v2;
	v2 =	vmul.f32 $8.000000000e+00, v48  }
0xad: {  	v55 =	vadd.s32 v31, v42;
	v61 =	vld [tilespmem:s2+$0xFFFFFF50];
	v3 =	vmul.f32 $8.000000000e+00, v63  }
0xae: {  	v50 =	vadd.s32 v17, v38;
	v63 =	vld [tilespmem:s2+$0xFFFFFF90];
	[tilespmem:v33+s16+$0x0] =	vst.idx.msk $0xffff, v2  }
0xaf: {  	v36 =	vadd.s32 v10, v47;
	v48 =	vld [tilespmem:s2+$0xFFFFFFD0];
	v2 =	vmul.f32 $8.000000000e+00, v37;
	[tilespmem:v34+s16+$0x0] =	vst.idx.msk $0xffff, v3  }
0xb0: {  	v3 =	vmul.f32 $8.000000000e+00, v41;
	v34 =	vadd.s32 v4, v44;
	v52 =	vld [tilespmem:s2+$0x10]  }
0xb1: {  	v53 =	vmul.f32 $8.000000000e+00, v54;
	v37 =	vadd.s32 v25, v45;
	[tilespmem:v35+s16+$0x0] =	vst.idx.msk $0xffff, v2  }
0xb2: {  	[tilespmem:v55+s16+$0x0] =	vst.idx.msk $0xffff, v3;
	v3 =	vmul.f32 $8.000000000e+00, v61;
	v55 =	vadd.s32 v29, v46  }
0xb3: {  	v54 =	vld [tilespmem:s2+$0x50];
	[tilespmem:v50+s16+$0x0] =	vst.idx.msk $0xffff, v53;
	v2 =	vmul.f32 $8.000000000e+00, v63  }
0xb4: {  	[tilespmem:v36+s16+$0x0] =	vst.idx.msk $0xffff, v3;
	v3 =	vmul.f32 $8.000000000e+00, v48  }
0xb5: {  	[tilespmem:v34+s16+$0x0] =	vst.idx.msk $0xffff, v2;
	v2 =	vmul.f32 $8.000000000e+00, v52  }
0xb6: {  	v35 =	vld [tilespmem:s2+$0xE0];
	[tilespmem:v37+s16+$0x0] =	vst.idx.msk $0xffff, v3  }
0xb7: {  	v61 =	vld [tilespmem:s2+$0x90];
	[tilespmem:v55+s16+$0x0] =	vst.idx.msk $0xffff, v2  }
0xb8: {  	v63 =	vadd.s32 v5, v43;
	v3 =	vmul.f32 $8.000000000e+00, v54;
	v54 =	vld [tilespmem:$0x1FF00]  }
0xb9: {  	v50 =	vld [tilespmem:s2+$0xFFFFFF20];
	v36 =	vadd.s32 v16, v42  }
0xba: {  	v48 =	vld [tilespmem:s2+$0xFFFFFF60];
	v34 =	vadd.s32 v6, v0  }
0xbb: {  	v41 =	vadd.s32 v14, v38;
	v51 =	vld [tilespmem:s2+$0xFFFFFFA0]  }
0xbc: {  	v37 =	vadd.s32 v7, v47;
	v39 =	vld [tilespmem:s2+$0xFFFFFFE0];
	v2 =	vmul.f32 $8.000000000e+00, v61  }
0xbd: {  	v49 =	vld [tilespmem:s2+$0x20];
	[tilespmem:v63+s16+$0x0] =	vst.idx.msk $0xffff, v3;
	v3 =	vmul.f32 $8.000000000e+00, v35;
	v40 =	vadd.s32 v54, v44  }
0xbe: {  	v61 =	vmul.f32 $8.000000000e+00, v50;
	v35 =	vadd.s32 v18, v45;
	v63 =	vld [tilespmem:s2+$0x60];
	[tilespmem:v36+s16+$0x0] =	vst.idx.msk $0xffff, v2  }
0xbf: {  	v2 =	vmul.f32 $8.000000000e+00, v48;
	v36 =	vadd.s32 v22, v46;
	v48 =	vld [tilespmem:s2+$0xA0];
	[tilespmem:v34+s16+$0x0] =	vst.idx.msk $0xffff, v3  }
0xc0: {  	v55 =	vadd.s32 v26, v43;
	[tilespmem:v41+s16+$0x0] =	vst.idx.msk $0xffff, v61;
	v3 =	vmul.f32 $8.000000000e+00, v51;
	v34 =	vld [tilespmem:s2+$0xF0]  }
0xc1: {  	v41 =	vld [tilespmem:s2+$0xFFFFFF30];
	[tilespmem:v37+s16+$0x0] =	vst.idx.msk $0xffff, v2;
	v2 =	vmul.f32 $8.000000000e+00, v39;
	v37 =	vadd.s32 v59, v42  }
0xc2: {  	v0 =	vadd.s32 v62, v0;
	v61 =	vld [tilespmem:s2+$0xFFFFFF70];
	[tilespmem:v40+s16+$0x0] =	vst.idx.msk $0xffff, v3;
	v3 =	vmul.f32 $8.000000000e+00, v49  }
0xc3: {  	v38 =	vadd.s32 v60, v38;
	[tilespmem:v35+s16+$0x0] =	vst.idx.msk $0xffff, v2;
	v2 =	vmul.f32 $8.000000000e+00, v63;
	v40 =	vld [tilespmem:s2+$0xFFFFFFB0]  }
0xc4: {  	v35 =	vadd.s32 v30, v47;
	v63 =	vld [tilespmem:s2+$0xFFFFFFF0];
	[tilespmem:v36+s16+$0x0] =	vst.idx.msk $0xffff, v3;
	v3 =	vmul.f32 $8.000000000e+00, v48  }
0xc5: {  	[tilespmem:v55+s16+$0x0] =	vst.idx.msk $0xffff, v2;
	v2 =	vmul.f32 $8.000000000e+00, v34;
	v49 =	vadd.s32 v24, v44;
	v50 =	vld [tilespmem:s2+$0x30]  }
0xc6: {  	v59 =	vadd.s32 v23, v45;
	v55 =	vmul.f32 $8.000000000e+00, v41;
	v60 =	vld [tilespmem:s2+$0x70];
	[tilespmem:v37+s16+$0x0] =	vst.idx.msk $0xffff, v3  }
0xc7: {  	[tilespmem:v0+s16+$0x0] =	vst.idx.msk $0xffff, v2;
	v3 =	vmul.f32 $8.000000000e+00, v61;
	v61 =	vadd.s32 v27, v46;
	v62 =	vld [tilespmem:s2+$0xB0]  }
0xc8: {  	[tilespmem:v38+s16+$0x0] =	vst.idx.msk $0xffff, v55;
	v2 =	vadd.s32 v12, v43;
	v0 =	vmul.f32 $8.000000000e+00, v40  }
0xc9: {  	[tilespmem:v35+s16+$0x0] =	vst.idx.msk $0xffff, v3;
	v3 =	vmul.f32 $8.000000000e+00, v63;
	v63 =	vadd.s32 v15, v42  }
0xca: {  	[tilespmem:v49+s16+$0x0] =	vst.idx.msk $0xffff, v0;
	v0 =	vmul.f32 $8.000000000e+00, v50  }
0xcb: {  	[tilespmem:v59+s16+$0x0] =	vst.idx.msk $0xffff, v3;
	v3 =	vmul.f32 $8.000000000e+00, v60  }
0xcc: {  	s1 =	sshll.u32 s31, $0x12;
	[tilespmem:v61+s16+$0x0] =	vst.idx.msk $0xffff, v0;
	v0 =	vmul.f32 $8.000000000e+00, v62  }
0xcd: {  	s14 =	rddreg [dreg:$0x1];
	s5 =	sor.u32 s6, s1;
	[tilespmem:v2+s16+$0x0] =	vst.idx.msk $0xffff, v3  }
0xce: {  	s1 =	sadd.s32 s14, s5;
	s2 =	simm.s32 $0x16400;
	[tilespmem:v63+s16+$0x0] =	vst.idx.msk $0xffff, v0  }
0xcf: {  	[hbm4b:s1+s3] =	stream.linear.scatter [tilespmem:s2], [sflag:$0x9], $0x80, $0x38;
	[tilespmem:$0x1A800] =	vst v63  }
0xd0: {  	s15 =	simm.s32 $0x16488;
	s14 =	sadd.s32 $0x10, s1  }
0xd1: {  	[hbm4b:s14+s3] =	stream.linear.scatter [tilespmem:s15], [sflag:$0x9], $0x80, $0x38;
	[tilespmem:$0x1A800] =	vst v63  }
0xd2: {  	s17 =	simm.s32 $0x16510;
	s18 =	sadd.s32 $0x20, s1  }
0xd3: {  	[hbm4b:s18+s3] =	stream.linear.scatter [tilespmem:s17], [sflag:$0x9], $0x80, $0x38;
	[tilespmem:$0x1A800] =	vst v63  }
0xd4: {  	s14 =	simm.s32 $0x16598;
	s15 =	sadd.s32 $0x30, s1  }
0xd5: {  	[hbm4b:s15+s3] =	stream.linear.scatter [tilespmem:s14], [sflag:$0x9], $0x80, $0x38;
	[tilespmem:$0x1A800] =	vst v63  }
0xd6: {  	s17 =	simm.s32 $0x16620;
	s18 =	sadd.s32 $0x40, s1  }
0xd7: {  	[hbm4b:s18+s3] =	stream.linear.scatter [tilespmem:s17], [sflag:$0x9], $0x80, $0x38;
	[tilespmem:$0x1A800] =	vst v63  }
0xd8: {  	s30 =	simm.s32 $0x2200;
	v56 =	vmovc v20;
	v20 =	vmov v5;
	v58 =	vmov v31;
	v31 =	vmov v11;
	s14 =	simm.s32 $0x166A8;
	s15 =	sadd.s32 $0x50, s1  }
0xd9: {  	v11 =	vmovc v10;
	v10 =	vmovc v7;
	v5 =	vmov v17;
	v17 =	vmov v57;
	v53 =	vmov v22;
	[hbm4b:s15+s3] =	stream.linear.scatter [tilespmem:s14], [sflag:$0x9], $0x80, $0x38;
	[tilespmem:$0x1A800] =	vst v63  }
0xda: {  	v52 =	vmovc v18;
	v7 =	vmovc v16;
	v16 =	vmov v10;
	v18 =	vmov v56;
	v51 =	vmov v26;
	s2 =	sadd.s32 $0x70, s1;
	s17 =	simm.s32 $0x16730;
	s18 =	sadd.s32 $0x60, s1  }
0xdb: {  	v23 =	vmovc v4;
	v4 =	vmovc v8;
	v8 =	vmov v58;
	v30 =	vmov v14;
	v24 =	vmov v54;
	[hbm4b:s18+s3] =	stream.linear.scatter [tilespmem:s17], [sflag:$0x9], $0x80, $0x38;
	[tilespmem:$0x1A800] =	vst v63  }
0xdc: {  	v27 =	vmovc v20;
	v40 =	vmovc v31;
	v31 =	vmov v32;
	v32 =	vmov v19;
	v61 =	vmov v29;
	s14 =	simm.s32 $0x440;
	s18 =	simm.s32 $0x167B8;
	s17 =	sadd.s32 $0x1000, s1  }
.LBB2_5:
0xdd: {  	[hbm4b:s2+s3] =	stream.linear.scatter [tilespmem:s18], [sflag:$0x9], $0x80, $0x38;
	[tilespmem:$0x1A800] =	vst v63  }
0xde: {  	s1 =	smov.u32 s14;
	s2 =	smov.u32 s30  }
0xdf: {  	s15 =	sadd.s32 $0x1100, s30;
	s14 =	sshra.s32 s2, $0x2;
	s2 =	sadd.s32 $0x16400, s1  }
0xe0: {  	[hbm4b:s17+s3] =	stream.linear.scatter [tilespmem:s2], [sflag:$0x9], $0x80, $0x38;
	[tilespmem:$0x1A800] =	vst v63  }
0xe1: {  	p1 =	sne.s32 s30, $0x7700;
	s18 =	sadd.s32 $0x10, s17;
	s2 =	sadd.s32 $0x16488, s1  }
0xe2: {  	[hbm4b:s18+s3] =	stream.linear.scatter [tilespmem:s2], [sflag:$0x9], $0x80, $0x38;
	[tilespmem:$0x1A800] =	vst v63  }
0xe3: {  	s2 =	sadd.s32 $0x16510, s1;
	s18 =	sadd.s32 $0x20, s17  }
0xe4: {  	[hbm4b:s18+s3] =	stream.linear.scatter [tilespmem:s2], [sflag:$0x9], $0x80, $0x38;
	[tilespmem:$0x1A800] =	vst v63  }
0xe5: {  	s2 =	sadd.s32 $0x16598, s1;
	s18 =	sadd.s32 $0x30, s17  }
0xe6: {  	[hbm4b:s18+s3] =	stream.linear.scatter [tilespmem:s2], [sflag:$0x9], $0x80, $0x38;
	[tilespmem:$0x1A800] =	vst v63  }
0xe7: {  	s2 =	sadd.s32 $0x16620, s1;
	s18 =	sadd.s32 $0x40, s17  }
0xe8: {  	[hbm4b:s18+s3] =	stream.linear.scatter [tilespmem:s2], [sflag:$0x9], $0x80, $0x38;
	[tilespmem:$0x1A800] =	vst v63  }
.Ltmp3:
0xe9: {  	s2 =	sadd.s32 $0x166A8, s1;
	s18 =	sadd.s32 $0x50, s17;
	(pc) =	sbr.rel @p1 .LBB2_5-.Ltmp3, $4  }
0xea: {  	[hbm4b:s18+s3] =	stream.linear.scatter [tilespmem:s2], [sflag:$0x9], $0x80, $0x38;
	[tilespmem:$0x1A800] =	vst v63  }
0xeb: {  	s30 =	smov.u32 s15;
	s2 =	sadd.s32 $0x16730, s1;
	s18 =	sadd.s32 $0x60, s17  }
0xec: {  	[hbm4b:s18+s3] =	stream.linear.scatter [tilespmem:s2], [sflag:$0x9], $0x80, $0x38;
	[tilespmem:$0x1A800] =	vst v63  }
0xed: {  	s18 =	sadd.s32 $0x167B8, s1;
	s2 =	sadd.s32 $0x70, s17;
	s17 =	sadd.s32 $0x1000, s17  }
0xee: {  	[hbm4b:s2+s3] =	stream.linear.scatter [tilespmem:s18], [sflag:$0x9], $0x80, $0x38;
	[tilespmem:$0x1A800] =	vst v63  }
0xef: {  	s1 =	sadd.s32 $0x16400, s14  }
0xf0: {  	[hbm4b:s17+s3] =	stream.linear.scatter [tilespmem:s1], [sflag:$0x9], $0x80, $0x38;
	[tilespmem:$0x1A800] =	vst v63  }
0xf1: {  	s18 =	sadd.s32 $0x16488, s14;
	s30 =	sadd.s32 $0x10, s17  }
0xf2: {  	[hbm4b:s30+s3] =	stream.linear.scatter [tilespmem:s18], [sflag:$0x9], $0x80, $0x38;
	[tilespmem:$0x1A800] =	vst v63  }
0xf3: {  	s2 =	sadd.s32 $0x16510, s14;
	s15 =	sadd.s32 $0x20, s17  }
0xf4: {  	[hbm4b:s15+s3] =	stream.linear.scatter [tilespmem:s2], [sflag:$0x9], $0x80, $0x38;
	[tilespmem:$0x1A800] =	vst v63  }
0xf5: {  	s18 =	sadd.s32 $0x16598, s14;
	s30 =	sadd.s32 $0x30, s17  }
0xf6: {  	[hbm4b:s30+s3] =	stream.linear.scatter [tilespmem:s18], [sflag:$0x9], $0x80, $0x38;
	[tilespmem:$0x1A800] =	vst v63  }
0xf7: {  	s2 =	sadd.s32 $0x16620, s14;
	s15 =	sadd.s32 $0x40, s17  }
0xf8: {  	[hbm4b:s15+s3] =	stream.linear.scatter [tilespmem:s2], [sflag:$0x9], $0x80, $0x38;
	[tilespmem:$0x1A800] =	vst v63  }
0xf9: {  	p1 =	sne.s32 s31, $0x18;
	s18 =	sadd.s32 $0x166A8, s14;
	s30 =	sadd.s32 $0x50, s17  }
0xfa: {  	[hbm4b:s30+s3] =	stream.linear.scatter [tilespmem:s18], [sflag:$0x9], $0x80, $0x38;
	[tilespmem:$0x1A800] =	vst v63  }
.Ltmp4:
0xfb: {  	_ = 	snop;
	(pc) =	sbr.rel @p1 .LBB2_8-.Ltmp4, $4  }
0xfc: {  	s2 =	sadd.s32 $0x16730, s14;
	s15 =	sadd.s32 $0x60, s17  }
0xfd: {  	[hbm4b:s15+s3] =	stream.linear.scatter [tilespmem:s2], [sflag:$0x9], $0x80, $0x38;
	[tilespmem:$0x1A800] =	vst v63  }
0xfe: {  	s18 =	sadd.s32 $0x167B8, s14;
	s30 =	sadd.s32 $0x70, s17  }
0xff: {  	[hbm4b:s30+s3] =	stream.linear.scatter [tilespmem:s18], [sflag:$0x9], $0x80, $0x38;
	[tilespmem:$0x1A800] =	vst v63  }
.Ltmp5:
0x100: {  	(pc) =	sbr.rel .LBB2_9-.Ltmp5, $4  }
0x101: {  	_ = 	snop  }
0x102: {  	_ =	swait.ge [sflag:s19], $0x2000  }
0x103: {  	[sflag:s19] =	ssyncset.done $0x0  }
0x104: {  	v15 =	vmov v52;
	v22 =	vmov v53;
	v26 =	vmov v51;
	[sflag:s19] =	ssyncadd.s32 $0xFFFFE000  }
.LBB2_8:
0x105: {  	s1 =	sshll.u32 s31, $0xA  }
0x106: {  	s2 =	simm.s32 $0x80;
	s1 =	sand.u32 $0x3FFFFC00, s1  }
.Ltmp6:
0x107: {  	s14 =	simm.s32 $0x6400;
	s1 =	sadd.s32 $0x400, s1;
	(pc) =	sbr.rel @p0 .LBB2_10-.Ltmp6, $4  }
0x108: {  	[tilespmem:s14], [sflag:$0x1] =	stream.indirect.gather [hbm4b:s4+s2], $0x40, s1, s2, $0xb8;
	[tilespmem:$0x1A800] =	vst v63  }
0x109: {  	_ =	swait.ge [sflag:s19], $0x2000  }
0x10a: {  	[sflag:s19] =	ssyncset.done $0x0  }
0x10b: {  	v15 =	vmov v52;
	v22 =	vmov v53;
	v26 =	vmov v51;
	[sflag:s19] =	ssyncadd.s32 $0xFFFFE000  }
.LBB2_9:
0x10c: {  	_ =	swait.ge [sflag:s20], $0x2000  }
0x10d: {  	[sflag:s20] =	ssyncset.done $0x0  }
0x10e: {  	[sflag:s20] =	ssyncadd.s32 $0xFFFFE000  }
.LBB2_10:
0x10f: {  	s1 =	simm.s32 $0x0;
	s30 =	simm.s32 $0x1  }
0x110: {  	s2 =	simm.s32 $0x2;
	s14 =	simm.s32 $0x3;
	s15 =	simm.s32 $0x6;
	v0 =	vmov s1;
	v2 =	vmov s30  }
0x111: {  	s17 =	simm.s32 $0x7;
	v3 =	vmov s2;
	v33 =	vmov s14;
	s2 =	simm.s32 $0x4;
	v36 =	vmov s15  }
0x112: {  	s14 =	simm.s32 $0x5;
	v37 =	vmov s17;
	v0 =	vshrl.u32 v0, $0x3;
	v34 =	vmov s2  }
0x113: {  	v35 =	vmov s14;
	v2 =	vshrl.u32 v2, $0x3;
	v3 =	vshrl.u32 v3, $0x3  }
0x114: {  	v33 =	vshrl.u32 v33, $0x3;
	v37 =	vshrl.u32 v37, $0x3;
	v36 =	vshrl.u32 v36, $0x3  }
0x115: {  	s14 =	simm.s32 $0x8500;
	v0 =	vshll.u32 v0, v1;
	v34 =	vshrl.u32 v34, $0x3;
	v37 =	vshll.u32 v37, v1  }
0x116: {  	v35 =	vshrl.u32 v35, $0x3;
	v39 =	vbroadcast v0, $0x0;
	v0 =	vld [tilespmem:s14+$0xC0];
	v41 =	vbroadcast v37, $0x0  }
0x117: {  	v2 =	vshll.u32 v2, v1;
	v3 =	vshll.u32 v3, v1;
	v33 =	vshll.u32 v33, v1;
	v38 =	vld [tilespmem:s14+$0xFFFFFF00]  }
0x118: {  	v42 =	vld [tilespmem:s14+$0xFFFFFF40];
	v34 =	vshll.u32 v34, v1;
	v29 =	vbroadcast v2, $0x0;
	v2 =	vadd.s32 v32, v41  }
0x119: {  	v45 =	vld [tilespmem:s14+$0xFFFFFF80];
	v43 =	vshll.u32 v35, v1;
	v37 =	vbroadcast v3, $0x0;
	v44 =	vadd.s32 v13, v39  }
0x11a: {  	v47 =	vld [tilespmem:s14+$0xFFFFFFC0];
	v3 =	vshll.u32 v36, v1;
	v36 =	vbroadcast v33, $0x0;
	v46 =	vadd.s32 v4, v29  }
0x11b: {  	v49 =	vld [tilespmem:s14+$0x0];
	v35 =	vbroadcast v34, $0x0;
	v48 =	vadd.s32 v28, v37;
	v0 =	vmul.f32 $8.000000000e+00, v0  }
0x11c: {  	v51 =	vld [tilespmem:s14+$0x40];
	v33 =	vbroadcast v43, $0x0;
	v50 =	vadd.s32 v18, v36;
	v38 =	vmul.f32 $8.000000000e+00, v38  }
0x11d: {  	v52 =	vld [tilespmem:s14+$0x80];
	v34 =	vbroadcast v3, $0x0;
	v58 =	vadd.s32 v17, v35;
	v42 =	vmul.f32 $8.000000000e+00, v42;
	[tilespmem:v2+s21+$0x0] =	vst.idx.msk $0xffff, v0  }
0x11e: {  	v3 =	vadd.s32 v31, v33;
	[tilespmem:v44+s21+$0x0] =	vst.idx.msk $0xffff, v38;
	v2 =	vmul.f32 $8.000000000e+00, v45;
	v63 =	vld [tilespmem:s14+$0xD0]  }
0x11f: {  	v59 =	vmul.f32 $8.000000000e+00, v47;
	[tilespmem:v46+s21+$0x0] =	vst.idx.msk $0xffff, v42;
	v45 =	vadd.s32 v8, v34;
	v44 =	vld [tilespmem:s14+$0xFFFFFF10]  }
0x120: {  	v60 =	vld [tilespmem:s14+$0xFFFFFF50];
	[tilespmem:v48+s21+$0x0] =	vst.idx.msk $0xffff, v2;
	v2 =	vmul.f32 $8.000000000e+00, v49;
	v48 =	vadd.s32 v40, v41  }
0x121: {  	v53 =	vadd.s32 v5, v39;
	v62 =	vmul.f32 $8.000000000e+00, v51;
	[tilespmem:v50+s21+$0x0] =	vst.idx.msk $0xffff, v59;
	v54 =	vld [tilespmem:s14+$0xFFFFFF90]  }
0x122: {  	v51 =	vadd.s32 v11, v29;
	v55 =	vld [tilespmem:s14+$0xFFFFFFD0];
	[tilespmem:v58+s21+$0x0] =	vst.idx.msk $0xffff, v2;
	v2 =	vmul.f32 $8.000000000e+00, v52  }
0x123: {  	s18 =	simm.s32 $0x8;
	[tilespmem:v3+s21+$0x0] =	vst.idx.msk $0xffff, v62;
	v52 =	vadd.s32 v23, v37;
	v56 =	vld [tilespmem:s14+$0x10];
	v3 =	vmul.f32 $8.000000000e+00, v63  }
0x124: {  	s30 =	simm.s32 $0x9;
	v0 =	vmov s18;
	v57 =	vld [tilespmem:s14+$0x50];
	v63 =	vmul.f32 $8.000000000e+00, v44;
	v44 =	vadd.s32 v25, v36;
	[tilespmem:v45+s21+$0x0] =	vst.idx.msk $0xffff, v2  }
0x125: {  	s15 =	simm.s32 $0xB;
	v46 =	vmov s30;
	v62 =	vadd.s32 v61, v35;
	v60 =	vmul.f32 $8.000000000e+00, v60;
	v58 =	vld [tilespmem:s14+$0x90];
	[tilespmem:v48+s21+$0x0] =	vst.idx.msk $0xffff, v3  }
0x126: {  	v50 =	vmov s15;
	v42 =	vadd.s32 v27, v33;
	[tilespmem:v53+s21+$0x0] =	vst.idx.msk $0xffff, v63;
	v3 =	vmul.f32 $8.000000000e+00, v54;
	v48 =	vld [tilespmem:s14+$0xE0]  }
0x127: {  	s18 =	simm.s32 $0xD;
	v0 =	vshrl.u32 v0, $0x3;
	[tilespmem:v51+s21+$0x0] =	vst.idx.msk $0xffff, v60;
	v63 =	vmul.f32 $8.000000000e+00, v55;
	v51 =	vadd.s32 v7, v34;
	v53 =	vld [tilespmem:s14+$0xFFFFFF20]  }
0x128: {  	v38 =	vmov s18;
	v54 =	vld [tilespmem:s14+$0xFFFFFF60];
	[tilespmem:v52+s21+$0x0] =	vst.idx.msk $0xffff, v3;
	v3 =	vmul.f32 $8.000000000e+00, v56;
	v52 =	vadd.s32 v6, v41  }
0x129: {  	v59 =	vshrl.u32 v50, $0x3;
	v50 =	vadd.s32 v30, v39;
	v55 =	vld [tilespmem:s14+$0xFFFFFFA0];
	[tilespmem:v44+s21+$0x0] =	vst.idx.msk $0xffff, v63;
	v44 =	vmul.f32 $8.000000000e+00, v57  }
0x12a: {  	s30 =	simm.s32 $0xE;
	v0 =	vshll.u32 v0, v1;
	v45 =	vadd.s32 v16, v29;
	v57 =	vld [tilespmem:s14+$0xFFFFFFE0];
	[tilespmem:v62+s21+$0x0] =	vst.idx.msk $0xffff, v3;
	v3 =	vmul.f32 $8.000000000e+00, v58  }
0x12b: {  	v10 =	vmovc v23;
	v23 =	vmovc v61;
	v2 =	vmov s30;
	v60 =	vadd.s32 v24, v37;
	v61 =	vld [tilespmem:s14+$0x20];
	[tilespmem:v42+s21+$0x0] =	vst.idx.msk $0xffff, v44;
	v56 =	vmul.f32 $8.000000000e+00, v48  }
0x12c: {  	v19 =	vmovc v25;
	v58 =	vshrl.u32 v38, $0x3;
	v42 =	vshrl.u32 v2, $0x3;
	v2 =	vmul.f32 $8.000000000e+00, v53;
	v63 =	vld [tilespmem:s14+$0x60];
	[tilespmem:v51+s21+$0x0] =	vst.idx.msk $0xffff, v3  }
0x12d: {  	v25 =	vmovc v40;
	v62 =	vadd.s32 v15, v36;
	v38 =	vbroadcast v0, $0x0;
	v0 =	vmul.f32 $8.000000000e+00, v54;
	v40 =	vld [tilespmem:s14+$0xA0];
	[tilespmem:v52+s21+$0x0] =	vst.idx.msk $0xffff, v56  }
0x12e: {  	[tilespmem:v50+s21+$0x0] =	vst.idx.msk $0xffff, v2;
	v56 =	vld [tilespmem:s14+$0xF0]  }
0x12f: {  	s2 =	simm.s32 $0xA;
	v3 =	vadd.s32 v22, v35;
	v2 =	vmul.f32 $8.000000000e+00, v55;
	[tilespmem:v45+s21+$0x0] =	vst.idx.msk $0xffff, v0;
	v50 =	vld [tilespmem:s14+$0xFFFFFF30]  }
0x130: {  	v13 =	vmovc v31;
	v31 =	vmov v7;
	v49 =	vmov s2;
	v0 =	vmul.f32 $8.000000000e+00, v57;
	v7 =	vld [tilespmem:$0x1FFC0]  }
0x131: {  	v14 =	vmov v28;
	v49 =	vshrl.u32 v49, $0x3;
	v52 =	vld [tilespmem:s14+$0xFFFFFF70];
	[tilespmem:v60+s21+$0x0] =	vst.idx.msk $0xffff, v2  }
0x132: {  	v28 =	vmovc v8;
	v8 =	vmov v24;
	v44 =	vshll.u32 v49, v1;
	v2 =	vmul.f32 $8.000000000e+00, v61;
	v49 =	vld [tilespmem:s14+$0xFFFFFFB0];
	[tilespmem:v62+s21+$0x0] =	vst.idx.msk $0xffff, v0  }
0x133: {  	v0 =	vld [tilespmem:$0x1FED0]  }
0x134: {  	s17 =	simm.s32 $0xC;
	v6 =	vmov v30;
	v54 =	vld [tilespmem:s14+$0xFFFFFFF0];
	[tilespmem:v3+s21+$0x0] =	vst.idx.msk $0xffff, v2  }
0x135: {  	v12 =	vmovc v16;
	v43 =	vmov s17;
	v46 =	vshrl.u32 v46, $0x3;
	v16 =	vmovc v8;
	v8 =	vmov v6;
	v6 =	vld [tilespmem:$0x1FE60]  }
0x136: {  	v20 =	vmovc v17;
	v43 =	vshrl.u32 v43, $0x3;
	v47 =	vshll.u32 v46, v1;
	v30 =	vmov v28;
	v28 =	vld [tilespmem:$0x1FE10]  }
0x137: {  	v17 =	vmovc v26;
	v46 =	vshll.u32 v43, v1;
	v43 =	vshll.u32 v58, v1;
	v48 =	vadd.s32 v9, v39;
	v9 =	vld [tilespmem:$0x1FE30]  }
0x138: {  	v24 =	vmovc v22;
	v53 =	vadd.s32 v21, v41;
	v55 =	vadd.s32 v26, v33;
	v41 =	vadd.s32 v0, v29;
	v29 =	vld [tilespmem:$0x1FE20]  }
0x139: {  	v22 =	vmovc v20;
	v20 =	vmovc v15;
	v15 =	vmov v10;
	v26 =	vmov v13;
	v13 =	vld [tilespmem:$0x1FE40];
	v51 =	vadd.s32 v7, v34  }
0x13a: {  	s17 =	simm.s32 $0x10;
	s18 =	simm.s32 $0xF;
	v10 =	vmovc v4;
	v45 =	vshll.u32 v59, v1;
	v39 =	vmul.f32 $8.000000000e+00, v63;
	v40 =	vmul.f32 $8.000000000e+00, v40;
	v21 =	vld [tilespmem:$0x1FE50];
	v7 =	vmovc v5  }
.LBB2_11:
0x13b: {  	_ = 	snop  }
0x13c: {  	v0 =	vmov s18  }
0x13d: {  	v2 =	vadd.s32 v28, v37;
	v3 =	vld [tilespmem:s14+$0x30];
	v36 =	vadd.s32 v29, v36;
	[tilespmem:v55+s21+$0x0] =	vst.idx.msk $0xffff, v39;
	v63 =	vmul.f32 $8.000000000e+00, v56  }
0x13e: {  	v35 =	vadd.s32 v9, v35;
	v0 =	vshrl.u32 v0, $0x3;
	[tilespmem:v51+s21+$0x0] =	vst.idx.msk $0xffff, v40;
	v57 =	vld [tilespmem:s14+$0x70];
	v56 =	vmul.f32 $8.000000000e+00, v50  }
0x13f: {  	v33 =	vadd.s32 v13, v33;
	v0 =	vshll.u32 v0, v1;
	v59 =	vld [tilespmem:s14+$0xB0];
	s14 =	sadd.s32 $0x200, s14;
	v58 =	vmul.f32 $8.000000000e+00, v52;
	[tilespmem:v53+s21+$0x0] =	vst.idx.msk $0xffff, v63  }
0x140: {  	v42 =	vshll.u32 v42, v1;
	v40 =	vbroadcast v0, $0x0;
	v0 =	vmul.f32 $8.000000000e+00, v49;
	[tilespmem:v48+s21+$0x0] =	vst.idx.msk $0xffff, v56;
	v53 =	vld [tilespmem:s14+$0xC0]  }
0x141: {  	v34 =	vadd.s32 v21, v34;
	v39 =	vmov v38;
	v61 =	vmul.f32 $8.000000000e+00, v54;
	[tilespmem:v41+s21+$0x0] =	vst.idx.msk $0xffff, v58;
	v38 =	vld [tilespmem:s14+$0xFFFFFF00]  }
0x142: {  	v41 =	vbroadcast v47, $0x0;
	v63 =	vadd.s32 v32, v40;
	[tilespmem:v2+s21+$0x0] =	vst.idx.msk $0xffff, v0;
	v0 =	vmul.f32 $8.000000000e+00, v3;
	v62 =	vld [tilespmem:s14+$0xFFFFFF40]  }
0x143: {  	v37 =	vbroadcast v44, $0x0;
	v2 =	vadd.s32 v6, v39;
	[tilespmem:v36+s21+$0x0] =	vst.idx.msk $0xffff, v61;
	v3 =	vld [tilespmem:s14+$0xFFFFFF80];
	v60 =	vmul.f32 $8.000000000e+00, v57  }
0x144: {  	v36 =	vbroadcast v45, $0x0;
	v61 =	vld [tilespmem:s14+$0xFFFFFFC0];
	v48 =	vadd.s32 v10, v41;
	[tilespmem:v35+s21+$0x0] =	vst.idx.msk $0xffff, v0;
	v0 =	vmul.f32 $8.000000000e+00, v59  }
0x145: {  	v45 =	vadd.s32 v14, v37;
	v35 =	vbroadcast v46, $0x0;
	v51 =	vld [tilespmem:s14+$0x0];
	[tilespmem:v33+s21+$0x0] =	vst.idx.msk $0xffff, v60;
	v56 =	vmul.f32 $8.000000000e+00, v53  }
0x146: {  	v44 =	vadd.s32 v18, v36;
	v33 =	vbroadcast v43, $0x0;
	v57 =	vld [tilespmem:s14+$0x40];
	[tilespmem:v34+s21+$0x0] =	vst.idx.msk $0xffff, v0;
	v38 =	vmul.f32 $8.000000000e+00, v38  }
0x147: {  	v58 =	vadd.s32 v22, v35;
	v34 =	vbroadcast v42, $0x0;
	v59 =	vld [tilespmem:s14+$0x80];
	v0 =	vmul.f32 $8.000000000e+00, v62;
	[tilespmem:v63+s21+$0x0] =	vst.idx.msk $0xffff, v56  }
0x148: {  	[tilespmem:v2+s21+$0x0] =	vst.idx.msk $0xffff, v38;
	v2 =	vmul.f32 $8.000000000e+00, v3;
	v3 =	vadd.s32 v26, v33;
	v63 =	vld [tilespmem:s14+$0xD0]  }
0x149: {  	v47 =	vadd.s32 v30, v34;
	[tilespmem:v48+s21+$0x0] =	vst.idx.msk $0xffff, v0;
	v0 =	vmul.f32 $8.000000000e+00, v61;
	v60 =	vld [tilespmem:s14+$0xFFFFFF10]  }
0x14a: {  	v61 =	vld [tilespmem:s14+$0xFFFFFF50];
	[tilespmem:v45+s21+$0x0] =	vst.idx.msk $0xffff, v2;
	v2 =	vmul.f32 $8.000000000e+00, v51;
	v45 =	vadd.s32 v25, v40  }
0x14b: {  	v4 =	vld [tilespmem:$0x1FFF0];
	v62 =	vmov s17;
	v53 =	vadd.s32 v7, v39;
	[tilespmem:v44+s21+$0x0] =	vst.idx.msk $0xffff, v0;
	v0 =	vmul.f32 $8.000000000e+00, v57  }
0x14c: {  	v52 =	vadd.s32 v11, v41;
	v42 =	vshrl.u32 v62, $0x3;
	v62 =	vld [tilespmem:s14+$0xFFFFFF90];
	[tilespmem:v58+s21+$0x0] =	vst.idx.msk $0xffff, v2;
	v2 =	vmul.f32 $8.000000000e+00, v59  }
0x14d: {  	v55 =	vld [tilespmem:s14+$0xFFFFFFD0];
	[tilespmem:v3+s21+$0x0] =	vst.idx.msk $0xffff, v0;
	v0 =	vmul.f32 $8.000000000e+00, v63  }
0x14e: {  	v49 =	vadd.s32 v15, v37;
	v56 =	vld [tilespmem:s14+$0x10];
	v63 =	vmul.f32 $8.000000000e+00, v60;
	[tilespmem:v47+s21+$0x0] =	vst.idx.msk $0xffff, v2  }
0x14f: {  	v60 =	vadd.s32 v19, v36;
	v57 =	vld [tilespmem:s14+$0x50];
	v61 =	vmul.f32 $8.000000000e+00, v61;
	[tilespmem:v45+s21+$0x0] =	vst.idx.msk $0xffff, v0  }
0x150: {  	v50 =	vadd.s32 v23, v35;
	v58 =	vld [tilespmem:s14+$0x90];
	[tilespmem:v53+s21+$0x0] =	vst.idx.msk $0xffff, v63  }
0x151: {  	s2 =	sadd.s32 $0x3, s17;
	v0 =	vshll.u32 v42, v1;
	v62 =	vmul.f32 $8.000000000e+00, v62;
	v42 =	vadd.s32 v27, v33;
	[tilespmem:v52+s21+$0x0] =	vst.idx.msk $0xffff, v61;
	v53 =	vld [tilespmem:s14+$0xFFFFFF20]  }
0x152: {  	v44 =	vmov s2;
	v63 =	vmul.f32 $8.000000000e+00, v55;
	v52 =	vadd.s32 v31, v34;
	v54 =	vld [tilespmem:s14+$0xFFFFFF60]  }
0x153: {  	s30 =	sadd.s32 $0x2, s17;
	v59 =	vshrl.u32 v44, $0x3;
	v44 =	vadd.s32 v8, v39;
	v45 =	vld [tilespmem:s14+$0xE0];
	[tilespmem:v49+s21+$0x0] =	vst.idx.msk $0xffff, v62;
	v38 =	vmul.f32 $8.000000000e+00, v56  }
0x154: {  	v51 =	vmov s30;
	s30 =	sadd.s32 $0x6, s17;
	v55 =	vld [tilespmem:s14+$0xFFFFFFA0];
	[tilespmem:v60+s21+$0x0] =	vst.idx.msk $0xffff, v63;
	v46 =	vmul.f32 $8.000000000e+00, v57;
	v57 =	vadd.s32 v12, v41  }
0x155: {  	v2 =	vmov s30;
	v49 =	vadd.s32 v4, v40;
	v60 =	vld [tilespmem:s14+$0xFFFFFFE0];
	[tilespmem:v50+s21+$0x0] =	vst.idx.msk $0xffff, v38;
	v50 =	vmul.f32 $8.000000000e+00, v58  }
0x156: {  	v58 =	vadd.s32 v16, v37;
	v61 =	vld [tilespmem:s14+$0x20];
	[tilespmem:v42+s21+$0x0] =	vst.idx.msk $0xffff, v46;
	v42 =	vshrl.u32 v2, $0x3;
	v2 =	vmul.f32 $8.000000000e+00, v53  }
0x157: {  	v62 =	vadd.s32 v20, v36;
	v38 =	vbroadcast v0, $0x0;
	v63 =	vld [tilespmem:s14+$0x60];
	[tilespmem:v52+s21+$0x0] =	vst.idx.msk $0xffff, v50;
	v0 =	vmul.f32 $8.000000000e+00, v54  }
0x158: {  	v45 =	vmul.f32 $8.000000000e+00, v45;
	v5 =	vld [tilespmem:s14+$0xA0];
	[tilespmem:v44+s21+$0x0] =	vst.idx.msk $0xffff, v2  }
0x159: {  	s15 =	sadd.s32 $0x4, s17;
	v2 =	vmul.f32 $8.000000000e+00, v55;
	[tilespmem:v57+s21+$0x0] =	vst.idx.msk $0xffff, v0;
	v57 =	vld [tilespmem:$0x1FFC0]  }
0x15a: {  	v43 =	vmov s15;
	[tilespmem:v49+s21+$0x0] =	vst.idx.msk $0xffff, v45;
	v0 =	vmul.f32 $8.000000000e+00, v60;
	v60 =	vld [tilespmem:$0x1FFE0]  }
0x15b: {  	s1 =	sadd.s32 $0x1, s17;
	s18 =	sadd.s32 $0x5, s17;
	v43 =	vshrl.u32 v43, $0x3;
	[tilespmem:v58+s21+$0x0] =	vst.idx.msk $0xffff, v2;
	v2 =	vmul.f32 $8.000000000e+00, v61;
	v61 =	vld [tilespmem:$0x1FE90]  }
0x15c: {  	p0 =	slt.u32 s17, $0x78;
	v48 =	vmov s1;
	v3 =	vmov s18;
	v4 =	vadd.s32 v24, v35;
	[tilespmem:v62+s21+$0x0] =	vst.idx.msk $0xffff, v0;
	v0 =	vld [tilespmem:$0x1FED0]  }
.Ltmp7:
0x15d: {  	v48 =	vshrl.u32 v48, $0x3;
	v51 =	vshrl.u32 v51, $0x3;
	v3 =	vshrl.u32 v3, $0x3;
	v56 =	vld [tilespmem:s14+$0xF0];
	(pc) =	sbr.rel @p0 .LBB2_11-.Ltmp7, $4  }
0x15e: {  	v47 =	vshll.u32 v48, v1;
	v46 =	vshll.u32 v43, v1;
	v43 =	vshll.u32 v3, v1;
	v50 =	vld [tilespmem:s14+$0xFFFFFF30]  }
0x15f: {  	v55 =	vadd.s32 v17, v33;
	v44 =	vshll.u32 v51, v1;
	v45 =	vshll.u32 v59, v1;
	v52 =	vld [tilespmem:s14+$0xFFFFFF70]  }
0x160: {  	v49 =	vld [tilespmem:s14+$0xFFFFFFB0];
	v51 =	vadd.s32 v57, v34;
	v53 =	vadd.s32 v60, v40;
	v40 =	vmul.f32 $8.000000000e+00, v5  }
0x161: {  	s18 =	sadd.s32 $0x7, s17;
	s17 =	sadd.s32 $0x8, s17;
	v54 =	vld [tilespmem:s14+$0xFFFFFFF0];
	[tilespmem:v4+s21+$0x0] =	vst.idx.msk $0xffff, v2;
	v48 =	vadd.s32 v61, v39;
	v39 =	vmul.f32 $8.000000000e+00, v63;
	v41 =	vadd.s32 v0, v41  }
0x162: {  	_ =	sdelay $0x3  }
0x163: {  	v0 =	vmov s18;
	v2 =	vadd.s32 v28, v37;
	v3 =	vld [tilespmem:s14+$0x30];
	v4 =	vmul.f32 $8.000000000e+00, v56;
	[tilespmem:v55+s21+$0x0] =	vst.idx.msk $0xffff, v39  }
0x164: {  	v36 =	vadd.s32 v29, v36;
	[tilespmem:v51+s21+$0x0] =	vst.idx.msk $0xffff, v40;
	v0 =	vshrl.u32 v0, $0x3;
	v5 =	vmul.f32 $8.000000000e+00, v50;
	v63 =	vld [tilespmem:s14+$0x70]  }
0x165: {  	v35 =	vadd.s32 v9, v35;
	s2 =	sadd.s32 $0x200, s14;
	v40 =	vld [tilespmem:s14+$0xB0];
	v0 =	vshll.u32 v0, v1;
	v55 =	vmul.f32 $8.000000000e+00, v52;
	[tilespmem:v53+s21+$0x0] =	vst.idx.msk $0xffff, v4  }
0x166: {  	v33 =	vadd.s32 v13, v33;
	v56 =	vld [tilespmem:s2+$0xC0];
	v0 =	vbroadcast v0, $0x0;
	[tilespmem:v48+s21+$0x0] =	vst.idx.msk $0xffff, v5;
	v57 =	vmul.f32 $8.000000000e+00, v49  }
0x167: {  	v42 =	vshll.u32 v42, v1;
	v34 =	vadd.s32 v21, v34;
	v58 =	vld [tilespmem:s2+$0xFFFFFF00];
	[tilespmem:v41+s21+$0x0] =	vst.idx.msk $0xffff, v55;
	v59 =	vmul.f32 $8.000000000e+00, v54  }
0x168: {  	v47 =	vbroadcast v47, $0x0;
	v60 =	vld [tilespmem:s2+$0xFFFFFF40];
	v61 =	vadd.s32 v32, v0;
	[tilespmem:v2+s21+$0x0] =	vst.idx.msk $0xffff, v57;
	v2 =	vmul.f32 $8.000000000e+00, v3  }
0x169: {  	v44 =	vbroadcast v44, $0x0;
	v62 =	vld [tilespmem:s2+$0xFFFFFF80];
	v3 =	vadd.s32 v6, v38;
	[tilespmem:v36+s21+$0x0] =	vst.idx.msk $0xffff, v59;
	v63 =	vmul.f32 $8.000000000e+00, v63  }
0x16a: {  	v45 =	vbroadcast v45, $0x0;
	v50 =	vmovc v13;
	v13 =	vadd.s32 v10, v47;
	v52 =	vld [tilespmem:s2+$0xFFFFFFC0];
	[tilespmem:v35+s21+$0x0] =	vst.idx.msk $0xffff, v2;
	v2 =	vmul.f32 $8.000000000e+00, v40  }
0x16b: {  	v46 =	vbroadcast v46, $0x0;
	v53 =	vadd.s32 v14, v44;
	v54 =	vld [tilespmem:s2+$0x0];
	v4 =	vmul.f32 $8.000000000e+00, v56;
	[tilespmem:v33+s21+$0x0] =	vst.idx.msk $0xffff, v63  }
0x16c: {  	v43 =	vbroadcast v43, $0x0;
	v57 =	vld [tilespmem:s2+$0x40];
	v55 =	vmul.f32 $8.000000000e+00, v58;
	v56 =	vadd.s32 v18, v45;
	[tilespmem:v34+s21+$0x0] =	vst.idx.msk $0xffff, v2  }
0x16d: {  	v42 =	vbroadcast v42, $0x0;
	v58 =	vadd.s32 v22, v46;
	v59 =	vld [tilespmem:s2+$0x80];
	v2 =	vmul.f32 $8.000000000e+00, v60;
	[tilespmem:v61+s21+$0x0] =	vst.idx.msk $0xffff, v4  }
0x16e: {  	v60 =	vadd.s32 v26, v43;
	[tilespmem:v3+s21+$0x0] =	vst.idx.msk $0xffff, v55;
	v3 =	vmul.f32 $8.000000000e+00, v62;
	v61 =	vld [tilespmem:s2+$0xD0]  }
0x16f: {  	v62 =	vadd.s32 v30, v42;
	v33 =	vld [tilespmem:s2+$0xFFFFFF10];
	[tilespmem:v13+s21+$0x0] =	vst.idx.msk $0xffff, v2;
	v2 =	vmul.f32 $8.000000000e+00, v52  }
0x170: {  	v13 =	vadd.s32 v25, v0;
	v63 =	vld [tilespmem:s2+$0xFFFFFF50];
	[tilespmem:v53+s21+$0x0] =	vst.idx.msk $0xffff, v3;
	v3 =	vmul.f32 $8.000000000e+00, v54  }
0x171: {  	v14 =	vadd.s32 v7, v38;
	v18 =	vld [tilespmem:s2+$0xFFFFFF90];
	[tilespmem:v56+s21+$0x0] =	vst.idx.msk $0xffff, v2;
	v2 =	vmul.f32 $8.000000000e+00, v57  }
0x172: {  	v22 =	vadd.s32 v11, v47;
	[tilespmem:v58+s21+$0x0] =	vst.idx.msk $0xffff, v3;
	v3 =	vmul.f32 $8.000000000e+00, v59  }
0x173: {  	v30 =	vadd.s32 v15, v44;
	[tilespmem:v60+s21+$0x0] =	vst.idx.msk $0xffff, v2;
	v2 =	vmul.f32 $8.000000000e+00, v61  }
0x174: {  	v53 =	vmul.f32 $8.000000000e+00, v33;
	[tilespmem:v62+s21+$0x0] =	vst.idx.msk $0xffff, v3  }
0x175: {  	v3 =	vmul.f32 $8.000000000e+00, v63;
	[tilespmem:v13+s21+$0x0] =	vst.idx.msk $0xffff, v2  }
0x176: {  	v26 =	vld [tilespmem:s2+$0xFFFFFFD0];
	[tilespmem:v14+s21+$0x0] =	vst.idx.msk $0xffff, v53;
	v2 =	vmul.f32 $8.000000000e+00, v18  }
0x177: {  	v52 =	vld [tilespmem:s2+$0x10];
	[tilespmem:v22+s21+$0x0] =	vst.idx.msk $0xffff, v3  }
0x178: {  	v55 =	vld [tilespmem:s2+$0x50];
	[tilespmem:v30+s21+$0x0] =	vst.idx.msk $0xffff, v2  }
0x179: {  	v54 =	vadd.s32 v19, v45;
	v13 =	vld [tilespmem:$0x1FFF0]  }
0x17a: {  	v56 =	vadd.s32 v23, v46;
	v57 =	vld [tilespmem:s2+$0x90]  }
0x17b: {  	v58 =	vadd.s32 v27, v43;
	v40 =	vld [tilespmem:s2+$0xFFFFFF20]  }
0x17c: {  	v59 =	vadd.s32 v31, v42;
	v35 =	vld [tilespmem:s2+$0xE0];
	v3 =	vmul.f32 $8.000000000e+00, v26  }
0x17d: {  	v62 =	vadd.s32 v8, v38;
	v60 =	vld [tilespmem:s2+$0xFFFFFF60];
	v2 =	vmul.f32 $8.000000000e+00, v52  }
0x17e: {  	v63 =	vld [tilespmem:s2+$0xFFFFFFA0];
	[tilespmem:v54+s21+$0x0] =	vst.idx.msk $0xffff, v3;
	v3 =	vmul.f32 $8.000000000e+00, v55;
	v61 =	vadd.s32 v13, v0  }
0x17f: {  	v14 =	vadd.s32 v12, v47;
	[tilespmem:v56+s21+$0x0] =	vst.idx.msk $0xffff, v2;
	v2 =	vmul.f32 $8.000000000e+00, v57  }
0x180: {  	v16 =	vadd.s32 v16, v44;
	v15 =	vld [tilespmem:s2+$0xFFFFFFE0];
	[tilespmem:v58+s21+$0x0] =	vst.idx.msk $0xffff, v3;
	v19 =	vmul.f32 $8.000000000e+00, v40  }
0x181: {  	v3 =	vmul.f32 $8.000000000e+00, v35;
	[tilespmem:v59+s21+$0x0] =	vst.idx.msk $0xffff, v2  }
0x182: {  	v22 =	vadd.s32 v20, v45;
	v18 =	vld [tilespmem:s2+$0x20];
	v2 =	vmul.f32 $8.000000000e+00, v60;
	[tilespmem:v62+s21+$0x0] =	vst.idx.msk $0xffff, v19  }
0x183: {  	v23 =	vld [tilespmem:s2+$0x60];
	[tilespmem:v61+s21+$0x0] =	vst.idx.msk $0xffff, v3;
	v3 =	vmul.f32 $8.000000000e+00, v63  }
0x184: {  	v27 =	vld [tilespmem:s2+$0xA0];
	[tilespmem:v14+s21+$0x0] =	vst.idx.msk $0xffff, v2  }
0x185: {  	v2 =	vmul.f32 $8.000000000e+00, v15;
	v5 =	vld [tilespmem:$0x1FFC0];
	[tilespmem:v16+s21+$0x0] =	vst.idx.msk $0xffff, v3  }
0x186: {  	v39 =	vld [tilespmem:$0x1FFE0]  }
0x187: {  	v49 =	vld [tilespmem:$0x1FE90];
	[tilespmem:v22+s21+$0x0] =	vst.idx.msk $0xffff, v2  }
0x188: {  	v26 =	vadd.s32 v24, v46;
	v53 =	vld [tilespmem:$0x1FED0]  }
0x189: {  	v30 =	vadd.s32 v17, v43;
	v34 =	vld [tilespmem:s2+$0xF0]  }
0x18a: {  	v41 =	vld [tilespmem:s2+$0xFFFFFF30];
	v5 =	vadd.s32 v5, v42  }
0x18b: {  	v31 =	vld [tilespmem:s2+$0xFFFFFF70];
	v3 =	vmul.f32 $8.000000000e+00, v18;
	v0 =	vadd.s32 v39, v0  }
0x18c: {  	v52 =	vld [tilespmem:s2+$0xFFFFFFB0];
	v2 =	vmul.f32 $8.000000000e+00, v23;
	v51 =	vadd.s32 v49, v38  }
0x18d: {  	v55 =	vld [tilespmem:s2+$0xFFFFFFF0];
	[tilespmem:v26+s21+$0x0] =	vst.idx.msk $0xffff, v3;
	v3 =	vmul.f32 $8.000000000e+00, v27;
	v54 =	vadd.s32 v53, v47  }
0x18e: {  	v56 =	vadd.s32 v28, v44;
	v57 =	vld [tilespmem:s2+$0x30];
	[tilespmem:v30+s21+$0x0] =	vst.idx.msk $0xffff, v2;
	v2 =	vmul.f32 $8.000000000e+00, v34  }
0x18f: {  	v59 =	vadd.s32 v29, v45;
	v58 =	vmul.f32 $8.000000000e+00, v41;
	v60 =	vld [tilespmem:s2+$0x70];
	[tilespmem:v5+s21+$0x0] =	vst.idx.msk $0xffff, v3  }
0x190: {  	v61 =	vadd.s32 v9, v46;
	v3 =	vmul.f32 $8.000000000e+00, v31;
	v62 =	vld [tilespmem:s2+$0xB0];
	[tilespmem:v0+s21+$0x0] =	vst.idx.msk $0xffff, v2  }
0x191: {  	[tilespmem:v51+s21+$0x0] =	vst.idx.msk $0xffff, v58;
	v0 =	vmul.f32 $8.000000000e+00, v52;
	v2 =	vadd.s32 v50, v43  }
0x192: {  	v63 =	vadd.s32 v21, v42;
	[tilespmem:v54+s21+$0x0] =	vst.idx.msk $0xffff, v3;
	v3 =	vmul.f32 $8.000000000e+00, v55  }
0x193: {  	[tilespmem:v56+s21+$0x0] =	vst.idx.msk $0xffff, v0;
	v0 =	vmul.f32 $8.000000000e+00, v57  }
0x194: {  	[tilespmem:v59+s21+$0x0] =	vst.idx.msk $0xffff, v3;
	v3 =	vmul.f32 $8.000000000e+00, v60  }
0x195: {  	[tilespmem:v61+s21+$0x0] =	vst.idx.msk $0xffff, v0;
	v0 =	vmul.f32 $8.000000000e+00, v62  }
0x196: {  	[tilespmem:v2+s21+$0x0] =	vst.idx.msk $0xffff, v3  }
0x197: {  	s1 =	sadd.s32 s5, s7;
	s2 =	simm.s32 $0x18600;
	[tilespmem:v63+s21+$0x0] =	vst.idx.msk $0xffff, v0  }
0x198: {  	[hbm4b:s1+s3] =	stream.linear.scatter [tilespmem:s2], [sflag:$0xA], $0x80, $0x38;
	[tilespmem:$0x1A800] =	vst v63  }
0x199: {  	s15 =	sadd.s32 $0x10, s1;
	s14 =	simm.s32 $0x18688  }
0x19a: {  	[hbm4b:s15+s3] =	stream.linear.scatter [tilespmem:s14], [sflag:$0xA], $0x80, $0x38;
	[tilespmem:$0x1A800] =	vst v63  }
0x19b: {  	s17 =	simm.s32 $0x18710;
	s18 =	sadd.s32 $0x20, s1  }
0x19c: {  	[hbm4b:s18+s3] =	stream.linear.scatter [tilespmem:s17], [sflag:$0xA], $0x80, $0x38;
	[tilespmem:$0x1A800] =	vst v63  }
0x19d: {  	s14 =	simm.s32 $0x18798;
	s15 =	sadd.s32 $0x30, s1  }
0x19e: {  	[hbm4b:s15+s3] =	stream.linear.scatter [tilespmem:s14], [sflag:$0xA], $0x80, $0x38;
	[tilespmem:$0x1A800] =	vst v63  }
0x19f: {  	s17 =	simm.s32 $0x18820;
	s18 =	sadd.s32 $0x40, s1  }
0x1a0: {  	[hbm4b:s18+s3] =	stream.linear.scatter [tilespmem:s17], [sflag:$0xA], $0x80, $0x38;
	[tilespmem:$0x1A800] =	vst v63  }
0x1a1: {  	s30 =	simm.s32 $0x2200;
	s14 =	simm.s32 $0x188A8;
	s15 =	sadd.s32 $0x50, s1  }
0x1a2: {  	[hbm4b:s15+s3] =	stream.linear.scatter [tilespmem:s14], [sflag:$0xA], $0x80, $0x38;
	[tilespmem:$0x1A800] =	vst v63  }
0x1a3: {  	s2 =	sadd.s32 $0x70, s1;
	s17 =	simm.s32 $0x18930;
	s18 =	sadd.s32 $0x60, s1  }
0x1a4: {  	[hbm4b:s18+s3] =	stream.linear.scatter [tilespmem:s17], [sflag:$0xA], $0x80, $0x38;
	[tilespmem:$0x1A800] =	vst v63  }
0x1a5: {  	v9 =	vmov v13;
	v63 =	vmov v25;
	s14 =	simm.s32 $0x440;
	s18 =	simm.s32 $0x189B8;
	s17 =	sadd.s32 $0x1000, s1  }
.LBB2_13:
0x1a6: {  	[hbm4b:s2+s3] =	stream.linear.scatter [tilespmem:s18], [sflag:$0xA], $0x80, $0x38;
	[tilespmem:$0x1A800] =	vst v63  }
0x1a7: {  	s1 =	smov.u32 s14;
	s2 =	smov.u32 s30  }
0x1a8: {  	s15 =	sadd.s32 $0x1100, s30;
	s14 =	sshra.s32 s2, $0x2;
	s2 =	sadd.s32 $0x18600, s1  }
0x1a9: {  	[hbm4b:s17+s3] =	stream.linear.scatter [tilespmem:s2], [sflag:$0xA], $0x80, $0x38;
	[tilespmem:$0x1A800] =	vst v63  }
0x1aa: {  	p0 =	sne.s32 s30, $0x7700;
	s18 =	sadd.s32 $0x10, s17;
	s2 =	sadd.s32 $0x18688, s1  }
0x1ab: {  	[hbm4b:s18+s3] =	stream.linear.scatter [tilespmem:s2], [sflag:$0xA], $0x80, $0x38;
	[tilespmem:$0x1A800] =	vst v63  }
0x1ac: {  	s2 =	sadd.s32 $0x18710, s1;
	s18 =	sadd.s32 $0x20, s17  }
0x1ad: {  	[hbm4b:s18+s3] =	stream.linear.scatter [tilespmem:s2], [sflag:$0xA], $0x80, $0x38;
	[tilespmem:$0x1A800] =	vst v63  }
0x1ae: {  	s2 =	sadd.s32 $0x18798, s1;
	s18 =	sadd.s32 $0x30, s17  }
0x1af: {  	[hbm4b:s18+s3] =	stream.linear.scatter [tilespmem:s2], [sflag:$0xA], $0x80, $0x38;
	[tilespmem:$0x1A800] =	vst v63  }
0x1b0: {  	s2 =	sadd.s32 $0x18820, s1;
	s18 =	sadd.s32 $0x40, s17  }
0x1b1: {  	[hbm4b:s18+s3] =	stream.linear.scatter [tilespmem:s2], [sflag:$0xA], $0x80, $0x38;
	[tilespmem:$0x1A800] =	vst v63  }
.Ltmp8:
0x1b2: {  	s2 =	sadd.s32 $0x188A8, s1;
	s18 =	sadd.s32 $0x50, s17;
	(pc) =	sbr.rel @p0 .LBB2_13-.Ltmp8, $4  }
0x1b3: {  	[hbm4b:s18+s3] =	stream.linear.scatter [tilespmem:s2], [sflag:$0xA], $0x80, $0x38;
	[tilespmem:$0x1A800] =	vst v63  }
0x1b4: {  	s30 =	smov.u32 s15;
	s2 =	sadd.s32 $0x18930, s1;
	s18 =	sadd.s32 $0x60, s17  }
0x1b5: {  	[hbm4b:s18+s3] =	stream.linear.scatter [tilespmem:s2], [sflag:$0xA], $0x80, $0x38;
	[tilespmem:$0x1A800] =	vst v63  }
0x1b6: {  	s18 =	sadd.s32 $0x189B8, s1;
	s2 =	sadd.s32 $0x70, s17;
	s17 =	sadd.s32 $0x1000, s17  }
0x1b7: {  	[hbm4b:s2+s3] =	stream.linear.scatter [tilespmem:s18], [sflag:$0xA], $0x80, $0x38;
	[tilespmem:$0x1A800] =	vst v63  }
0x1b8: {  	s1 =	sadd.s32 $0x18600, s14  }
0x1b9: {  	[hbm4b:s17+s3] =	stream.linear.scatter [tilespmem:s1], [sflag:$0xA], $0x80, $0x38;
	[tilespmem:$0x1A800] =	vst v63  }
0x1ba: {  	s15 =	sadd.s32 $0x18688, s14;
	s18 =	sadd.s32 $0x10, s17  }
0x1bb: {  	[hbm4b:s18+s3] =	stream.linear.scatter [tilespmem:s15], [sflag:$0xA], $0x80, $0x38;
	[tilespmem:$0x1A800] =	vst v63  }
0x1bc: {  	s15 =	sadd.s32 $0x18710, s14;
	s18 =	sadd.s32 $0x20, s17  }
0x1bd: {  	[hbm4b:s18+s3] =	stream.linear.scatter [tilespmem:s15], [sflag:$0xA], $0x80, $0x38;
	[tilespmem:$0x1A800] =	vst v63  }
0x1be: {  	s15 =	sadd.s32 $0x18798, s14;
	s18 =	sadd.s32 $0x30, s17  }
0x1bf: {  	[hbm4b:s18+s3] =	stream.linear.scatter [tilespmem:s15], [sflag:$0xA], $0x80, $0x38;
	[tilespmem:$0x1A800] =	vst v63  }
0x1c0: {  	s15 =	sadd.s32 $0x18820, s14;
	s18 =	sadd.s32 $0x40, s17  }
0x1c1: {  	[hbm4b:s18+s3] =	stream.linear.scatter [tilespmem:s15], [sflag:$0xA], $0x80, $0x38;
	[tilespmem:$0x1A800] =	vst v63  }
0x1c2: {  	p0 =	seq.s32 s31, $0x18;
	s15 =	sadd.s32 $0x188A8, s14;
	s18 =	sadd.s32 $0x50, s17  }
0x1c3: {  	[hbm4b:s18+s3] =	stream.linear.scatter [tilespmem:s15], [sflag:$0xA], $0x80, $0x38;
	[tilespmem:$0x1A800] =	vst v63  }
0x1c4: {  	s1 =	sshll.u32 @!p0 s31, $0xA;
	s15 =	sadd.s32 $0x18930, s14;
	s18 =	sadd.s32 $0x60, s17  }
0x1c5: {  	[hbm4b:s18+s3] =	stream.linear.scatter [tilespmem:s15], [sflag:$0xA], $0x80, $0x38;
	[tilespmem:$0x1A800] =	vst v63  }
0x1c6: {  	s15 =	sadd.s32 $0x189B8, s14;
	s18 =	sadd.s32 $0x70, s17;
	s14 =	sand.u32 @!p0 $0x3FFFFC00, s1  }
0x1c7: {  	[hbm4b:s18+s3] =	stream.linear.scatter [tilespmem:s15], [sflag:$0xA], $0x80, $0x38;
	[tilespmem:$0x1A800] =	vst v63  }
0x1c8: {  	s2 =	simm.s32 @!p0 $0x80;
	s1 =	sadd.s32 @!p0 $0x480, s14;
	s15 =	simm.s32 @!p0 $0x8400  }
0x1c9: {  	[tilespmem:s15], [sflag:$0x2] =	stream.indirect.gather @!p0 [hbm4b:s4+s2], $0x40, s1, s2, $0xb8;
	[tilespmem:$0x1A800] =	vst v63  }
0x1ca: {  	_ =	swait.ge [sflag:s22], $0x2000  }
0x1cb: {  	s17 =	simm.s32 $0x2;
	[sflag:s22] =	ssyncset.done $0x0  }
0x1cc: {  	v3 =	vmov s17;
	s17 =	simm.s32 $0x5;
	[sflag:s22] =	ssyncadd.s32 $0xFFFFE000  }
0x1cd: {  	s18 =	simm.s32 $0x3;
	v33 =	vmov s17;
	s17 =	simm.s32 $0x7;
	_ =	swait.ge [sflag:s23], $0x2000  }
0x1ce: {  	v4 =	vmov s18;
	v35 =	vmov s17;
	s2 =	simm.s32 $0x0;
	v22 =	vld [tilespmem:$0x1FFD0]  }
0x1cf: {  	s15 =	simm.s32 $0x1;
	v4 =	vshrl.u32 v4, $0x3;
	v35 =	vshrl.u32 v35, $0x3;
	v0 =	vmov s2;
	v6 =	vld [tilespmem:$0x1FE60]  }
0x1d0: {  	v2 =	vmov s15;
	v4 =	vshll.u32 v4, v1;
	v0 =	vshrl.u32 v0, $0x3;
	[sflag:s23] =	ssyncset.done $0x0;
	v7 =	vld [tilespmem:$0x1FEA0]  }
0x1d1: {  	s17 =	simm.s32 $0xA500;
	v2 =	vshrl.u32 v2, $0x3;
	v36 =	vbroadcast v4, $0x0;
	v0 =	vshll.u32 v0, v1;
	v4 =	vld [tilespmem:$0x1FEE0];
	[sflag:s23] =	ssyncadd.s32 $0xFFFFE000  }
0x1d2: {  	v35 =	vshll.u32 v35, v1;
	v2 =	vshll.u32 v2, v1;
	v39 =	vbroadcast v0, $0x0;
	v0 =	vld [tilespmem:s17+$0xC0]  }
0x1d3: {  	v41 =	vbroadcast v35, $0x0;
	v40 =	vbroadcast v2, $0x0;
	v38 =	vld [tilespmem:s17+$0xFFFFFF00]  }
0x1d4: {  	v42 =	vld [tilespmem:s17+$0xFFFFFF40]  }
0x1d5: {  	s15 =	simm.s32 $0x4;
	v2 =	vadd.s32 v22, v41;
	v45 =	vadd.s32 v7, v40;
	v7 =	vld [tilespmem:$0x1FF10]  }
0x1d6: {  	v3 =	vshrl.u32 v3, $0x3;
	v5 =	vmov s15;
	v44 =	vld [tilespmem:s17+$0xFFFFFF80];
	v43 =	vadd.s32 v6, v39  }
0x1d7: {  	v3 =	vshll.u32 v3, v1;
	v5 =	vshrl.u32 v5, $0x3;
	v46 =	vld [tilespmem:s17+$0xFFFFFFC0]  }
0x1d8: {  	s18 =	simm.s32 $0x6;
	v37 =	vbroadcast v3, $0x0;
	v5 =	vshll.u32 v5, v1;
	v47 =	vld [tilespmem:s17+$0x0];
	v0 =	vmul.f32 $8.000000000e+00, v0  }
0x1d9: {  	v34 =	vmov s18;
	v35 =	vbroadcast v5, $0x0;
	v48 =	vld [tilespmem:s17+$0x40];
	v5 =	vmul.f32 $8.000000000e+00, v38  }
0x1da: {  	v34 =	vshrl.u32 v34, $0x3;
	v4 =	vadd.s32 v4, v37;
	v56 =	vadd.s32 v7, v36;
	v7 =	vld [tilespmem:$0x1FF40];
	[tilespmem:v2+s16+$0x0] =	vst.idx.msk $0xffff, v0  }
0x1db: {  	v3 =	vshll.u32 v34, v1;
	v50 =	vld [tilespmem:s17+$0x80];
	v42 =	vmul.f32 $8.000000000e+00, v42;
	[tilespmem:v43+s16+$0x0] =	vst.idx.msk $0xffff, v5  }
0x1dc: {  	v34 =	vbroadcast v3, $0x0;
	v3 =	vld [tilespmem:$0x1FF70]  }
0x1dd: {  	v33 =	vshrl.u32 v33, $0x3;
	v2 =	vmul.f32 $8.000000000e+00, v44;
	v5 =	vld [tilespmem:s17+$0xD0];
	[tilespmem:v45+s16+$0x0] =	vst.idx.msk $0xffff, v42  }
0x1de: {  	v33 =	vshll.u32 v33, v1;
	v30 =	vld [tilespmem:$0x1FFA0]  }
0x1df: {  	v33 =	vbroadcast v33, $0x0;
	v57 =	vmul.f32 $8.000000000e+00, v46;
	v43 =	vld [tilespmem:s17+$0xFFFFFF10];
	[tilespmem:v4+s16+$0x0] =	vst.idx.msk $0xffff, v2;
	v49 =	vadd.s32 v7, v35  }
0x1e0: {  	v7 =	vld [tilespmem:$0x1FE70]  }
0x1e1: {  	v59 =	vld [tilespmem:s17+$0xFFFFFF50];
	[tilespmem:v56+s16+$0x0] =	vst.idx.msk $0xffff, v57;
	v3 =	vadd.s32 v3, v33  }
0x1e2: {  	v2 =	vmul.f32 $8.000000000e+00, v47;
	v11 =	vld [tilespmem:$0x1FEB0]  }
0x1e3: {  	v52 =	vld [tilespmem:s17+$0xFFFFFF90];
	v58 =	vadd.s32 v30, v34  }
0x1e4: {  	v60 =	vmul.f32 $8.000000000e+00, v48;
	v4 =	vadd.s32 v63, v41;
	v53 =	vld [tilespmem:s17+$0xFFFFFFD0];
	[tilespmem:v49+s16+$0x0] =	vst.idx.msk $0xffff, v2  }
0x1e5: {  	v51 =	vadd.s32 v7, v39;
	v15 =	vld [tilespmem:$0x1FEF0]  }
0x1e6: {  	v2 =	vmul.f32 $8.000000000e+00, v50;
	v54 =	vld [tilespmem:s17+$0x10];
	[tilespmem:v3+s16+$0x0] =	vst.idx.msk $0xffff, v60  }
0x1e7: {  	v48 =	vadd.s32 v11, v40;
	v3 =	vmul.f32 $8.000000000e+00, v5;
	v19 =	vld [tilespmem:$0x1FF20]  }
0x1e8: {  	v61 =	vmul.f32 $8.000000000e+00, v43;
	v55 =	vld [tilespmem:s17+$0x50];
	[tilespmem:v58+s16+$0x0] =	vst.idx.msk $0xffff, v2  }
0x1e9: {  	v23 =	vld [tilespmem:$0x1FF50];
	[tilespmem:v4+s16+$0x0] =	vst.idx.msk $0xffff, v3  }
0x1ea: {  	v32 =	vmul.f32 $8.000000000e+00, v59;
	v56 =	vld [tilespmem:s17+$0x90];
	[tilespmem:v51+s16+$0x0] =	vst.idx.msk $0xffff, v61;
	v50 =	vadd.s32 v15, v37  }
0x1eb: {  	v27 =	vld [tilespmem:$0x1FF80]  }
0x1ec: {  	v60 =	vld [tilespmem:s17+$0xE0];
	[tilespmem:v48+s16+$0x0] =	vst.idx.msk $0xffff, v32;
	v62 =	vadd.s32 v19, v36  }
0x1ed: {  	s15 =	simm.s32 $0xA;
	v3 =	vmul.f32 $8.000000000e+00, v52;
	v31 =	vld [tilespmem:$0x1FFB0]  }
0x1ee: {  	v47 =	vmov s15;
	v51 =	vld [tilespmem:s17+$0xFFFFFF20];
	v46 =	vadd.s32 v23, v35  }
0x1ef: {  	v52 =	vshrl.u32 v47, $0x3;
	v61 =	vmul.f32 $8.000000000e+00, v53;
	v47 =	vld [tilespmem:s17+$0xFFFFFF60];
	[tilespmem:v50+s16+$0x0] =	vst.idx.msk $0xffff, v3  }
0x1f0: {  	v4 =	vadd.s32 v27, v33;
	v8 =	vld [tilespmem:$0x1FE80]  }
0x1f1: {  	v3 =	vmul.f32 $8.000000000e+00, v54;
	v57 =	vld [tilespmem:s17+$0xFFFFFFA0];
	[tilespmem:v62+s16+$0x0] =	vst.idx.msk $0xffff, v61  }
0x1f2: {  	v48 =	vadd.s32 v31, v34;
	v12 =	vld [tilespmem:$0x1FEC0]  }
0x1f3: {  	v62 =	vmul.f32 $8.000000000e+00, v55;
	v58 =	vld [tilespmem:s17+$0xFFFFFFE0];
	[tilespmem:v46+s16+$0x0] =	vst.idx.msk $0xffff, v3  }
0x1f4: {  	s18 =	simm.s32 $0x8;
	v50 =	vadd.s32 v9, v41;
	v16 =	vld [tilespmem:$0x1FF00]  }
0x1f5: {  	v0 =	vmov s18;
	s18 =	simm.s32 $0xB;
	v3 =	vmul.f32 $8.000000000e+00, v56;
	v59 =	vld [tilespmem:s17+$0x20];
	[tilespmem:v4+s16+$0x0] =	vst.idx.msk $0xffff, v62;
	v54 =	vadd.s32 v8, v39  }
0x1f6: {  	v0 =	vshrl.u32 v0, $0x3;
	v42 =	vmov s18;
	s18 =	simm.s32 $0xE;
	v20 =	vld [tilespmem:$0x1FF30]  }
0x1f7: {  	v2 =	vmov s18;
	v4 =	vmul.f32 $8.000000000e+00, v60;
	v61 =	vld [tilespmem:s17+$0x60];
	[tilespmem:v48+s16+$0x0] =	vst.idx.msk $0xffff, v3;
	v32 =	vadd.s32 v12, v40  }
0x1f8: {  	v53 =	vshrl.u32 v42, $0x3;
	v42 =	vshrl.u32 v2, $0x3;
	v2 =	vmul.f32 $8.000000000e+00, v51;
	v24 =	vld [tilespmem:$0x1FF60]  }
0x1f9: {  	v0 =	vshll.u32 v0, v1;
	v62 =	vld [tilespmem:s17+$0xA0];
	[tilespmem:v50+s16+$0x0] =	vst.idx.msk $0xffff, v4;
	v46 =	vadd.s32 v16, v37  }
0x1fa: {  	v38 =	vbroadcast v0, $0x0;
	v0 =	vmul.f32 $8.000000000e+00, v47;
	v56 =	vld [tilespmem:s17+$0xF0];
	[tilespmem:v54+s16+$0x0] =	vst.idx.msk $0xffff, v2  }
0x1fb: {  	v28 =	vld [tilespmem:$0x1FF90]  }
0x1fc: {  	v60 =	vadd.s32 v20, v36;
	v2 =	vmul.f32 $8.000000000e+00, v57;
	v50 =	vld [tilespmem:s17+$0xFFFFFF30];
	[tilespmem:v32+s16+$0x0] =	vst.idx.msk $0xffff, v0  }
0x1fd: {  	v32 =	vld [tilespmem:$0x1FFC0]  }
0x1fe: {  	s2 =	simm.s32 $0x9;
	v44 =	vshll.u32 v52, v1;
	v3 =	vadd.s32 v24, v35;
	v52 =	vld [tilespmem:s17+$0xFFFFFF70];
	[tilespmem:v46+s16+$0x0] =	vst.idx.msk $0xffff, v2  }
0x1ff: {  	v45 =	vmov s2;
	s2 =	simm.s32 $0xC;
	v0 =	vmul.f32 $8.000000000e+00, v58;
	v26 =	vld [tilespmem:$0x1FFE0]  }
0x200: {  	v49 =	vmov s2;
	v10 =	vld [tilespmem:$0x1FE90]  }
0x201: {  	v43 =	vshrl.u32 v49, $0x3;
	v2 =	vmul.f32 $8.000000000e+00, v59;
	v49 =	vld [tilespmem:s17+$0xFFFFFFB0];
	[tilespmem:v60+s16+$0x0] =	vst.idx.msk $0xffff, v0  }
0x202: {  	v13 =	vld [tilespmem:$0x1FED0]  }
0x203: {  	s15 =	simm.s32 $0xD;
	v54 =	vld [tilespmem:s17+$0xFFFFFFF0];
	[tilespmem:v3+s16+$0x0] =	vst.idx.msk $0xffff, v2  }
0x204: {  	v45 =	vshrl.u32 v45, $0x3;
	v5 =	vmov s15;
	v17 =	vld [tilespmem:$0x1FE10]  }
0x205: {  	v5 =	vshrl.u32 v5, $0x3;
	v47 =	vshll.u32 v45, v1;
	v45 =	vshll.u32 v53, v1;
	v21 =	vld [tilespmem:$0x1FE20]  }
0x206: {  	v46 =	vshll.u32 v43, v1;
	v43 =	vshll.u32 v5, v1;
	v55 =	vadd.s32 v28, v33;
	v25 =	vld [tilespmem:$0x1FE30]  }
0x207: {  	v51 =	vadd.s32 v32, v34;
	v29 =	vld [tilespmem:$0x1FE40];
	v53 =	vadd.s32 v26, v41;
	v48 =	vadd.s32 v10, v39  }
0x208: {  	s30 =	simm.s32 $0x10;
	s18 =	simm.s32 $0xF;
	v18 =	vld [tilespmem:$0x1FE50];
	v39 =	vmul.f32 $8.000000000e+00, v61;
	v41 =	vadd.s32 v13, v40;
	v40 =	vmul.f32 $8.000000000e+00, v62  }
.LBB2_15:
0x209: {  	_ =	sdelay $0x1  }
0x20a: {  	v14 =	vld [tilespmem:$0x1FEA0];
	[tilespmem:v55+s16+$0x0] =	vst.idx.msk $0xffff, v39;
	v5 =	vmul.f32 $8.000000000e+00, v50  }
0x20b: {  	v0 =	vmov s18;
	v2 =	vadd.s32 v17, v37;
	v3 =	vld [tilespmem:s17+$0x30];
	[tilespmem:v51+s16+$0x0] =	vst.idx.msk $0xffff, v40;
	v57 =	vmul.f32 $8.000000000e+00, v52  }
0x20c: {  	v0 =	vshrl.u32 v0, $0x3;
	v58 =	vld [tilespmem:s17+$0xB0];
	[tilespmem:v48+s16+$0x0] =	vst.idx.msk $0xffff, v5  }
0x20d: {  	v0 =	vshll.u32 v0, v1;
	v4 =	vmul.f32 $8.000000000e+00, v56;
	v56 =	vld [tilespmem:s17+$0x70];
	s17 =	sadd.s32 $0x200, s17;
	[tilespmem:v41+s16+$0x0] =	vst.idx.msk $0xffff, v57;
	v41 =	vbroadcast v47, $0x0  }
0x20e: {  	v36 =	vadd.s32 v21, v36;
	v40 =	vbroadcast v0, $0x0;
	v0 =	vmul.f32 $8.000000000e+00, v49;
	v59 =	vld [tilespmem:s17+$0xFFFFFF00]  }
0x20f: {  	[tilespmem:v53+s16+$0x0] =	vst.idx.msk $0xffff, v4;
	v5 =	vadd.s32 v29, v33;
	v53 =	vadd.s32 v14, v41;
	v14 =	vld [tilespmem:$0x1FEE0]  }
0x210: {  	v35 =	vadd.s32 v25, v35;
	v39 =	vmov v38;
	[tilespmem:v2+s16+$0x0] =	vst.idx.msk $0xffff, v0  }
0x211: {  	v60 =	vmul.f32 $8.000000000e+00, v54;
	v0 =	vmul.f32 $8.000000000e+00, v3;
	v2 =	vadd.s32 v6, v39;
	v3 =	vld [tilespmem:s17+$0xFFFFFF80]  }
0x212: {  	v34 =	vadd.s32 v18, v34;
	v37 =	vbroadcast v44, $0x0;
	v61 =	vld [tilespmem:s17+$0xFFFFFF40];
	v38 =	vmul.f32 $8.000000000e+00, v56  }
0x213: {  	[tilespmem:v36+s16+$0x0] =	vst.idx.msk $0xffff, v60;
	v4 =	vld [tilespmem:s17+$0xC0]  }
0x214: {  	[tilespmem:v5+s16+$0x0] =	vst.idx.msk $0xffff, v38;
	v5 =	vmul.f32 $8.000000000e+00, v59;
	v54 =	vadd.s32 v14, v37;
	v14 =	vld [tilespmem:$0x1FF10]  }
0x215: {  	v52 =	vadd.s32 v22, v40;
	[tilespmem:v35+s16+$0x0] =	vst.idx.msk $0xffff, v0;
	v0 =	vmul.f32 $8.000000000e+00, v58  }
0x216: {  	[tilespmem:v2+s16+$0x0] =	vst.idx.msk $0xffff, v5;
	v2 =	vmul.f32 $8.000000000e+00, v3;
	v3 =	vld [tilespmem:$0x1FF70]  }
0x217: {  	v36 =	vbroadcast v45, $0x0;
	v48 =	vld [tilespmem:s17+$0xFFFFFFC0];
	[tilespmem:v34+s16+$0x0] =	vst.idx.msk $0xffff, v0;
	v0 =	vmul.f32 $8.000000000e+00, v61  }
0x218: {  	v4 =	vmul.f32 $8.000000000e+00, v4;
	v56 =	vld [tilespmem:s17+$0x40]  }
0x219: {  	v33 =	vbroadcast v43, $0x0;
	[tilespmem:v53+s16+$0x0] =	vst.idx.msk $0xffff, v0;
	v62 =	vadd.s32 v14, v36;
	v14 =	vld [tilespmem:$0x1FF40]  }
0x21a: {  	[tilespmem:v52+s16+$0x0] =	vst.idx.msk $0xffff, v4;
	v61 =	vld [tilespmem:s17+$0xFFFFFF50]  }
0x21b: {  	v5 =	vld [tilespmem:s17+$0xD0];
	v3 =	vadd.s32 v3, v33  }
0x21c: {  	v35 =	vbroadcast v46, $0x0;
	v46 =	vadd.s32 v11, v41;
	v55 =	vld [tilespmem:s17+$0x0];
	v0 =	vmul.f32 $8.000000000e+00, v48  }
0x21d: {  	v42 =	vshll.u32 v42, v1;
	v45 =	vadd.s32 v63, v40;
	v59 =	vld [tilespmem:s17+$0xFFFFFF10]  }
0x21e: {  	v34 =	vbroadcast v42, $0x0;
	v58 =	vld [tilespmem:s17+$0x80];
	v57 =	vadd.s32 v14, v35;
	[tilespmem:v62+s16+$0x0] =	vst.idx.msk $0xffff, v0;
	v0 =	vmul.f32 $8.000000000e+00, v56  }
0x21f: {  	v51 =	vadd.s32 v7, v39;
	[tilespmem:v54+s16+$0x0] =	vst.idx.msk $0xffff, v2;
	v62 =	vmul.f32 $8.000000000e+00, v61  }
0x220: {  	v60 =	vadd.s32 v30, v34;
	v52 =	vld [tilespmem:s17+$0xFFFFFF90];
	[tilespmem:v3+s16+$0x0] =	vst.idx.msk $0xffff, v0;
	v0 =	vmul.f32 $8.000000000e+00, v5  }
0x221: {  	s15 =	sadd.s32 $0x2, s30;
	v2 =	vmul.f32 $8.000000000e+00, v55;
	[tilespmem:v46+s16+$0x0] =	vst.idx.msk $0xffff, v62  }
0x222: {  	v50 =	vmov s15;
	v53 =	vld [tilespmem:s17+$0xFFFFFFD0];
	v5 =	vmul.f32 $8.000000000e+00, v59;
	[tilespmem:v45+s16+$0x0] =	vst.idx.msk $0xffff, v0  }
0x223: {  	v49 =	vadd.s32 v15, v37;
	v4 =	vmov s30;
	v55 =	vld [tilespmem:s17+$0x50];
	[tilespmem:v57+s16+$0x0] =	vst.idx.msk $0xffff, v2;
	v2 =	vmul.f32 $8.000000000e+00, v58  }
0x224: {  	v50 =	vshrl.u32 v50, $0x3;
	v42 =	vadd.s32 v19, v36;
	v4 =	vshrl.u32 v4, $0x3;
	[tilespmem:v51+s16+$0x0] =	vst.idx.msk $0xffff, v5;
	v54 =	vld [tilespmem:s17+$0x10]  }
0x225: {  	s1 =	sadd.s32 $0x1, s30;
	s2 =	sadd.s32 $0x4, s30;
	v0 =	vshll.u32 v4, v1;
	v4 =	vmul.f32 $8.000000000e+00, v52;
	v5 =	vadd.s32 v27, v33;
	v52 =	vld [tilespmem:s17+$0xFFFFFF60];
	[tilespmem:v60+s16+$0x0] =	vst.idx.msk $0xffff, v2  }
0x226: {  	v47 =	vmov s1;
	v43 =	vmov s2;
	v60 =	vadd.s32 v23, v35;
	v61 =	vld [tilespmem:s17+$0x90]  }
0x227: {  	s18 =	sadd.s32 $0x3, s30;
	v44 =	vshll.u32 v50, v1;
	v45 =	vld [tilespmem:s17+$0xE0];
	v58 =	vadd.s32 v12, v41;
	v62 =	vmul.f32 $8.000000000e+00, v53  }
0x228: {  	v38 =	vmov s18;
	v46 =	vadd.s32 v31, v34;
	v51 =	vld [tilespmem:s17+$0xFFFFFF20];
	[tilespmem:v49+s16+$0x0] =	vst.idx.msk $0xffff, v4;
	v55 =	vmul.f32 $8.000000000e+00, v55  }
0x229: {  	v49 =	vadd.s32 v9, v40;
	v53 =	vshrl.u32 v38, $0x3;
	[tilespmem:v42+s16+$0x0] =	vst.idx.msk $0xffff, v62;
	v4 =	vmul.f32 $8.000000000e+00, v54  }
0x22a: {  	v38 =	vbroadcast v0, $0x0;
	v57 =	vld [tilespmem:s17+$0xFFFFFFA0];
	v0 =	vmul.f32 $8.000000000e+00, v52;
	[tilespmem:v5+s16+$0x0] =	vst.idx.msk $0xffff, v55;
	v54 =	vadd.s32 v8, v39  }
0x22b: {  	v47 =	vshrl.u32 v47, $0x3;
	v43 =	vshrl.u32 v43, $0x3;
	s18 =	sadd.s32 $0x6, s30;
	v59 =	vld [tilespmem:s17+$0xFFFFFFE0];
	[tilespmem:v60+s16+$0x0] =	vst.idx.msk $0xffff, v4;
	v4 =	vmul.f32 $8.000000000e+00, v61  }
0x22c: {  	v48 =	vadd.s32 v16, v37;
	v2 =	vmov s18;
	v5 =	vmul.f32 $8.000000000e+00, v45;
	[tilespmem:v58+s16+$0x0] =	vst.idx.msk $0xffff, v0;
	v60 =	vld [tilespmem:s17+$0x20]  }
0x22d: {  	s15 =	sadd.s32 $0x5, s30;
	v42 =	vshrl.u32 v2, $0x3;
	v2 =	vmul.f32 $8.000000000e+00, v51;
	v62 =	vld [tilespmem:s17+$0x60];
	v61 =	vadd.s32 v20, v36;
	[tilespmem:v46+s16+$0x0] =	vst.idx.msk $0xffff, v4  }
0x22e: {  	p1 =	slt.u32 s30, $0x78;
	v47 =	vshll.u32 v47, v1;
	v14 =	vmovc v63;
	v3 =	vmov s15;
	[tilespmem:v49+s16+$0x0] =	vst.idx.msk $0xffff, v5;
	v4 =	vadd.s32 v24, v35;
	v63 =	vld [tilespmem:s17+$0xA0]  }
.Ltmp9:
0x22f: {  	v3 =	vshrl.u32 v3, $0x3;
	v41 =	vadd.s32 v13, v41;
	v52 =	vld [tilespmem:s17+$0xFFFFFF70];
	[tilespmem:v54+s16+$0x0] =	vst.idx.msk $0xffff, v2;
	v2 =	vmul.f32 $8.000000000e+00, v57;
	(pc) =	sbr.rel @p1 .LBB2_15-.Ltmp9, $4  }
0x230: {  	v55 =	vadd.s32 v28, v33;
	v51 =	vadd.s32 v32, v34;
	v56 =	vld [tilespmem:s17+$0xF0];
	v0 =	vmul.f32 $8.000000000e+00, v59  }
0x231: {  	v45 =	vshll.u32 v53, v1;
	v53 =	vadd.s32 v26, v40;
	v50 =	vld [tilespmem:s17+$0xFFFFFF30];
	[tilespmem:v48+s16+$0x0] =	vst.idx.msk $0xffff, v2;
	v2 =	vmul.f32 $8.000000000e+00, v60  }
0x232: {  	v46 =	vshll.u32 v43, v1;
	v43 =	vshll.u32 v3, v1;
	[tilespmem:v61+s16+$0x0] =	vst.idx.msk $0xffff, v0;
	v49 =	vld [tilespmem:s17+$0xFFFFFFB0]  }
0x233: {  	s18 =	sadd.s32 $0x7, s30;
	s30 =	sadd.s32 $0x8, s30;
	v48 =	vadd.s32 v10, v39;
	v39 =	vmul.f32 $8.000000000e+00, v62;
	v54 =	vld [tilespmem:s17+$0xFFFFFFF0];
	[tilespmem:v4+s16+$0x0] =	vst.idx.msk $0xffff, v2;
	v40 =	vmul.f32 $8.000000000e+00, v63;
	v63 =	vmovc v14  }
0x234: {  	_ =	sdelay $0x3  }
0x235: {  	v0 =	vmov s18;
	v2 =	vadd.s32 v17, v37;
	v3 =	vld [tilespmem:s17+$0x30];
	v57 =	vmul.f32 $8.000000000e+00, v52;
	[tilespmem:v55+s16+$0x0] =	vst.idx.msk $0xffff, v39  }
0x236: {  	v36 =	vadd.s32 v21, v36;
	v4 =	vmul.f32 $8.000000000e+00, v56;
	v0 =	vshrl.u32 v0, $0x3;
	[tilespmem:v51+s16+$0x0] =	vst.idx.msk $0xffff, v40;
	v56 =	vld [tilespmem:s17+$0x70]  }
0x237: {  	v35 =	vadd.s32 v25, v35;
	s15 =	sadd.s32 $0x200, s17;
	v5 =	vmul.f32 $8.000000000e+00, v50;
	v0 =	vshll.u32 v0, v1;
	v40 =	vld [tilespmem:s17+$0xB0];
	[tilespmem:v41+s16+$0x0] =	vst.idx.msk $0xffff, v57  }
0x238: {  	v33 =	vadd.s32 v29, v33;
	v58 =	vld [tilespmem:s15+$0xC0];
	[tilespmem:v53+s16+$0x0] =	vst.idx.msk $0xffff, v4;
	v0 =	vbroadcast v0, $0x0;
	v59 =	vmul.f32 $8.000000000e+00, v49  }
0x239: {  	v34 =	vadd.s32 v18, v34;
	v60 =	vld [tilespmem:s15+$0xFFFFFF00];
	[tilespmem:v48+s16+$0x0] =	vst.idx.msk $0xffff, v5;
	v61 =	vmul.f32 $8.000000000e+00, v54  }
0x23a: {  	v49 =	vadd.s32 v22, v0;
	[tilespmem:v2+s16+$0x0] =	vst.idx.msk $0xffff, v59;
	v2 =	vmul.f32 $8.000000000e+00, v3  }
0x23b: {  	v62 =	vld [tilespmem:s15+$0xFFFFFF40];
	v3 =	vadd.s32 v6, v38;
	[tilespmem:v36+s16+$0x0] =	vst.idx.msk $0xffff, v61;
	v51 =	vmul.f32 $8.000000000e+00, v56  }
0x23c: {  	v52 =	vld [tilespmem:$0x1FEA0];
	[tilespmem:v35+s16+$0x0] =	vst.idx.msk $0xffff, v2;
	v2 =	vmul.f32 $8.000000000e+00, v40  }
0x23d: {  	v4 =	vmul.f32 $8.000000000e+00, v58;
	v54 =	vld [tilespmem:$0x1FEE0];
	[tilespmem:v33+s16+$0x0] =	vst.idx.msk $0xffff, v51  }
0x23e: {  	v57 =	vmul.f32 $8.000000000e+00, v60;
	v58 =	vld [tilespmem:$0x1FF10];
	[tilespmem:v34+s16+$0x0] =	vst.idx.msk $0xffff, v2  }
0x23f: {  	v61 =	vld [tilespmem:$0x1FF40];
	[tilespmem:v49+s16+$0x0] =	vst.idx.msk $0xffff, v4  }
0x240: {  	v47 =	vbroadcast v47, $0x0;
	v5 =	vld [tilespmem:s15+$0xFFFFFF80];
	[tilespmem:v3+s16+$0x0] =	vst.idx.msk $0xffff, v57  }
0x241: {  	v44 =	vbroadcast v44, $0x0;
	v4 =	vld [tilespmem:$0x1FF70]  }
0x242: {  	v45 =	vbroadcast v45, $0x0;
	v53 =	vld [tilespmem:s15+$0xFFFFFFC0];
	v37 =	vadd.s32 v52, v47  }
0x243: {  	v46 =	vbroadcast v46, $0x0;
	v56 =	vld [tilespmem:s15+$0x0];
	v55 =	vadd.s32 v54, v44  }
0x244: {  	v42 =	vshll.u32 v42, v1;
	v43 =	vbroadcast v43, $0x0;
	v60 =	vld [tilespmem:s15+$0x40];
	v59 =	vadd.s32 v58, v45  }
0x245: {  	v42 =	vbroadcast v42, $0x0;
	v22 =	vld [tilespmem:s15+$0x80];
	v2 =	vmul.f32 $8.000000000e+00, v62;
	v62 =	vadd.s32 v61, v46  }
0x246: {  	v3 =	vmul.f32 $8.000000000e+00, v5;
	v33 =	vld [tilespmem:s15+$0xFFFFFF10];
	v4 =	vadd.s32 v4, v43  }
0x247: {  	v52 =	vld [tilespmem:s15+$0xD0];
	[tilespmem:v37+s16+$0x0] =	vst.idx.msk $0xffff, v2;
	v2 =	vmul.f32 $8.000000000e+00, v53;
	v53 =	vadd.s32 v30, v42  }
0x248: {  	v54 =	vld [tilespmem:s15+$0xFFFFFF50];
	[tilespmem:v55+s16+$0x0] =	vst.idx.msk $0xffff, v3;
	v3 =	vmul.f32 $8.000000000e+00, v56;
	v56 =	vadd.s32 v7, v38  }
0x249: {  	v55 =	vadd.s32 v63, v0;
	v57 =	vld [tilespmem:s15+$0xFFFFFF90];
	[tilespmem:v59+s16+$0x0] =	vst.idx.msk $0xffff, v2;
	v2 =	vmul.f32 $8.000000000e+00, v60  }
0x24a: {  	v58 =	vadd.s32 v11, v47;
	v59 =	vld [tilespmem:s15+$0xFFFFFFD0];
	[tilespmem:v62+s16+$0x0] =	vst.idx.msk $0xffff, v3;
	v3 =	vmul.f32 $8.000000000e+00, v22  }
0x24b: {  	v60 =	vadd.s32 v15, v44;
	v62 =	vmul.f32 $8.000000000e+00, v33;
	v61 =	vld [tilespmem:s15+$0x10];
	[tilespmem:v4+s16+$0x0] =	vst.idx.msk $0xffff, v2  }
0x24c: {  	v22 =	vadd.s32 v19, v45;
	v2 =	vmul.f32 $8.000000000e+00, v52;
	v30 =	vld [tilespmem:s15+$0x50];
	[tilespmem:v53+s16+$0x0] =	vst.idx.msk $0xffff, v3  }
0x24d: {  	v52 =	vadd.s32 v23, v46;
	v3 =	vmul.f32 $8.000000000e+00, v54;
	[tilespmem:v56+s16+$0x0] =	vst.idx.msk $0xffff, v62;
	v53 =	vld [tilespmem:s15+$0x90]  }
0x24e: {  	v54 =	vadd.s32 v27, v43;
	[tilespmem:v55+s16+$0x0] =	vst.idx.msk $0xffff, v2;
	v2 =	vmul.f32 $8.000000000e+00, v57;
	v40 =	vld [tilespmem:s15+$0xFFFFFF20]  }
0x24f: {  	v55 =	vadd.s32 v31, v42;
	v35 =	vld [tilespmem:s15+$0xE0];
	[tilespmem:v58+s16+$0x0] =	vst.idx.msk $0xffff, v3;
	v3 =	vmul.f32 $8.000000000e+00, v59  }
0x250: {  	v58 =	vadd.s32 v8, v38;
	v56 =	vld [tilespmem:s15+$0xFFFFFF60];
	[tilespmem:v60+s16+$0x0] =	vst.idx.msk $0xffff, v2;
	v2 =	vmul.f32 $8.000000000e+00, v61  }
0x251: {  	v57 =	vadd.s32 v9, v0;
	v59 =	vld [tilespmem:s15+$0xFFFFFFA0];
	[tilespmem:v22+s16+$0x0] =	vst.idx.msk $0xffff, v3;
	v3 =	vmul.f32 $8.000000000e+00, v30  }
0x252: {  	v60 =	vadd.s32 v12, v47;
	v61 =	vld [tilespmem:s15+$0xFFFFFFE0];
	[tilespmem:v52+s16+$0x0] =	vst.idx.msk $0xffff, v2;
	v2 =	vmul.f32 $8.000000000e+00, v53  }
0x253: {  	v62 =	vadd.s32 v16, v44;
	v19 =	vmul.f32 $8.000000000e+00, v40;
	v16 =	vld [tilespmem:s15+$0x20];
	[tilespmem:v54+s16+$0x0] =	vst.idx.msk $0xffff, v3  }
0x254: {  	v22 =	vadd.s32 v20, v45;
	v3 =	vmul.f32 $8.000000000e+00, v35;
	v23 =	vld [tilespmem:s15+$0x60];
	[tilespmem:v55+s16+$0x0] =	vst.idx.msk $0xffff, v2  }
0x255: {  	v27 =	vadd.s32 v24, v46;
	v2 =	vmul.f32 $8.000000000e+00, v56;
	[tilespmem:v58+s16+$0x0] =	vst.idx.msk $0xffff, v19;
	v30 =	vld [tilespmem:s15+$0xA0]  }
0x256: {  	v31 =	vadd.s32 v28, v43;
	[tilespmem:v57+s16+$0x0] =	vst.idx.msk $0xffff, v3;
	v3 =	vmul.f32 $8.000000000e+00, v59;
	v41 =	vld [tilespmem:s15+$0xFFFFFF30]  }
0x257: {  	v49 =	vadd.s32 v32, v42;
	v34 =	vld [tilespmem:s15+$0xF0];
	[tilespmem:v60+s16+$0x0] =	vst.idx.msk $0xffff, v2;
	v2 =	vmul.f32 $8.000000000e+00, v61  }
0x258: {  	v51 =	vadd.s32 v10, v38;
	v50 =	vld [tilespmem:s15+$0xFFFFFF70];
	[tilespmem:v62+s16+$0x0] =	vst.idx.msk $0xffff, v3;
	v3 =	vmul.f32 $8.000000000e+00, v16  }
0x259: {  	v0 =	vadd.s32 v26, v0;
	v52 =	vld [tilespmem:s15+$0xFFFFFFB0];
	[tilespmem:v22+s16+$0x0] =	vst.idx.msk $0xffff, v2;
	v2 =	vmul.f32 $8.000000000e+00, v23  }
0x25a: {  	v53 =	vadd.s32 v13, v47;
	v54 =	vld [tilespmem:s15+$0xFFFFFFF0];
	[tilespmem:v27+s16+$0x0] =	vst.idx.msk $0xffff, v3;
	v3 =	vmul.f32 $8.000000000e+00, v30  }
0x25b: {  	v55 =	vadd.s32 v17, v44;
	v57 =	vmul.f32 $8.000000000e+00, v41;
	v56 =	vld [tilespmem:s15+$0x30];
	[tilespmem:v31+s16+$0x0] =	vst.idx.msk $0xffff, v2  }
0x25c: {  	v58 =	vadd.s32 v21, v45;
	v2 =	vmul.f32 $8.000000000e+00, v34;
	v59 =	vld [tilespmem:s15+$0x70];
	[tilespmem:v49+s16+$0x0] =	vst.idx.msk $0xffff, v3  }
0x25d: {  	v60 =	vadd.s32 v25, v46;
	v3 =	vmul.f32 $8.000000000e+00, v50;
	[tilespmem:v51+s16+$0x0] =	vst.idx.msk $0xffff, v57;
	v61 =	vld [tilespmem:s15+$0xB0]  }
0x25e: {  	[tilespmem:v0+s16+$0x0] =	vst.idx.msk $0xffff, v2;
	v0 =	vmul.f32 $8.000000000e+00, v52;
	v2 =	vadd.s32 v29, v43  }
0x25f: {  	v62 =	vadd.s32 v18, v42;
	[tilespmem:v53+s16+$0x0] =	vst.idx.msk $0xffff, v3;
	v3 =	vmul.f32 $8.000000000e+00, v54  }
0x260: {  	[tilespmem:v55+s16+$0x0] =	vst.idx.msk $0xffff, v0;
	v0 =	vmul.f32 $8.000000000e+00, v56  }
0x261: {  	[tilespmem:v58+s16+$0x0] =	vst.idx.msk $0xffff, v3;
	v3 =	vmul.f32 $8.000000000e+00, v59  }
0x262: {  	[tilespmem:v60+s16+$0x0] =	vst.idx.msk $0xffff, v0;
	v0 =	vmul.f32 $8.000000000e+00, v61  }
0x263: {  	[tilespmem:v2+s16+$0x0] =	vst.idx.msk $0xffff, v3  }
0x264: {  	s1 =	simm.s32 $0x16400;
	s15 =	sadd.s32 s5, s8;
	[tilespmem:v62+s16+$0x0] =	vst.idx.msk $0xffff, v0  }
0x265: {  	[hbm4b:s15+s3] =	stream.linear.scatter [tilespmem:s1], [sflag:$0x9], $0x80, $0x38;
	[tilespmem:$0x1A800] =	vst v63  }
0x266: {  	s18 =	simm.s32 $0x16488;
	s2 =	sadd.s32 $0x10, s15  }
0x267: {  	[hbm4b:s2+s3] =	stream.linear.scatter [tilespmem:s18], [sflag:$0x9], $0x80, $0x38;
	[tilespmem:$0x1A800] =	vst v63  }
0x268: {  	s17 =	simm.s32 $0x16510;
	s18 =	sadd.s32 $0x20, s15  }
0x269: {  	[hbm4b:s18+s3] =	stream.linear.scatter [tilespmem:s17], [sflag:$0x9], $0x80, $0x38;
	[tilespmem:$0x1A800] =	vst v63  }
0x26a: {  	s17 =	simm.s32 $0x16598;
	s18 =	sadd.s32 $0x30, s15  }
0x26b: {  	[hbm4b:s18+s3] =	stream.linear.scatter [tilespmem:s17], [sflag:$0x9], $0x80, $0x38;
	[tilespmem:$0x1A800] =	vst v63  }
0x26c: {  	s17 =	simm.s32 $0x16620;
	s18 =	sadd.s32 $0x40, s15  }
0x26d: {  	[hbm4b:s18+s3] =	stream.linear.scatter [tilespmem:s17], [sflag:$0x9], $0x80, $0x38;
	[tilespmem:$0x1A800] =	vst v63  }
0x26e: {  	s30 =	sadd.s32 $0x1000, s15;
	s17 =	simm.s32 $0x166A8;
	s18 =	sadd.s32 $0x50, s15  }
0x26f: {  	[hbm4b:s18+s3] =	stream.linear.scatter [tilespmem:s17], [sflag:$0x9], $0x80, $0x38;
	[tilespmem:$0x1A800] =	vst v63  }
0x270: {  	s1 =	sadd.s32 $0x70, s15;
	s17 =	simm.s32 $0x16730;
	s18 =	sadd.s32 $0x60, s15  }
0x271: {  	[hbm4b:s18+s3] =	stream.linear.scatter [tilespmem:s17], [sflag:$0x9], $0x80, $0x38;
	[tilespmem:$0x1A800] =	vst v63  }
0x272: {  	s2 =	simm.s32 $0x167B8;
	s17 =	simm.s32 $0x440;
	s18 =	simm.s32 $0x2200  }
.LBB2_17:
0x273: {  	[hbm4b:s1+s3] =	stream.linear.scatter [tilespmem:s2], [sflag:$0x9], $0x80, $0x38;
	[tilespmem:$0x1A800] =	vst v63  }
0x274: {  	s1 =	smov.u32 s17;
	s2 =	smov.u32 s18  }
0x275: {  	s15 =	sadd.s32 $0x1100, s18;
	s17 =	sshra.s32 s2, $0x2;
	s2 =	sadd.s32 $0x16400, s1  }
0x276: {  	[hbm4b:s30+s3] =	stream.linear.scatter [tilespmem:s2], [sflag:$0x9], $0x80, $0x38;
	[tilespmem:$0x1A800] =	vst v63  }
0x277: {  	p1 =	sne.s32 s18, $0x7700;
	s18 =	sadd.s32 $0x10, s30;
	s2 =	sadd.s32 $0x16488, s1  }
0x278: {  	[hbm4b:s18+s3] =	stream.linear.scatter [tilespmem:s2], [sflag:$0x9], $0x80, $0x38;
	[tilespmem:$0x1A800] =	vst v63  }
0x279: {  	s2 =	sadd.s32 $0x16510, s1;
	s18 =	sadd.s32 $0x20, s30  }
0x27a: {  	[hbm4b:s18+s3] =	stream.linear.scatter [tilespmem:s2], [sflag:$0x9], $0x80, $0x38;
	[tilespmem:$0x1A800] =	vst v63  }
0x27b: {  	s2 =	sadd.s32 $0x16598, s1;
	s18 =	sadd.s32 $0x30, s30  }
0x27c: {  	[hbm4b:s18+s3] =	stream.linear.scatter [tilespmem:s2], [sflag:$0x9], $0x80, $0x38;
	[tilespmem:$0x1A800] =	vst v63  }
0x27d: {  	s2 =	sadd.s32 $0x16620, s1;
	s18 =	sadd.s32 $0x40, s30  }
0x27e: {  	[hbm4b:s18+s3] =	stream.linear.scatter [tilespmem:s2], [sflag:$0x9], $0x80, $0x38;
	[tilespmem:$0x1A800] =	vst v63  }
0x27f: {  	s2 =	sadd.s32 $0x166A8, s1;
	s18 =	sadd.s32 $0x50, s30  }
0x280: {  	[hbm4b:s18+s3] =	stream.linear.scatter [tilespmem:s2], [sflag:$0x9], $0x80, $0x38;
	[tilespmem:$0x1A800] =	vst v63  }
.Ltmp10:
0x281: {  	_ = 	snop;
	(pc) =	sbr.rel @p1 .LBB2_17-.Ltmp10, $4  }
0x282: {  	s2 =	sadd.s32 $0x16730, s1;
	s18 =	sadd.s32 $0x60, s30  }
0x283: {  	[hbm4b:s18+s3] =	stream.linear.scatter [tilespmem:s2], [sflag:$0x9], $0x80, $0x38;
	[tilespmem:$0x1A800] =	vst v63  }
0x284: {  	s2 =	sadd.s32 $0x167B8, s1  }
0x285: {  	s1 =	sadd.s32 $0x70, s30;
	s30 =	sadd.s32 $0x1000, s30;
	s18 =	smov.u32 s15  }
0x286: {  	[hbm4b:s1+s3] =	stream.linear.scatter [tilespmem:s2], [sflag:$0x9], $0x80, $0x38;
	[tilespmem:$0x1A800] =	vst v63  }
0x287: {  	s2 =	sadd.s32 $0x16400, s17  }
0x288: {  	[hbm4b:s30+s3] =	stream.linear.scatter [tilespmem:s2], [sflag:$0x9], $0x80, $0x38;
	[tilespmem:$0x1A800] =	vst v63  }
0x289: {  	s15 =	sadd.s32 $0x16488, s17;
	s18 =	sadd.s32 $0x10, s30  }
0x28a: {  	[hbm4b:s18+s3] =	stream.linear.scatter [tilespmem:s15], [sflag:$0x9], $0x80, $0x38;
	[tilespmem:$0x1A800] =	vst v63  }
0x28b: {  	s15 =	sadd.s32 $0x16510, s17;
	s18 =	sadd.s32 $0x20, s30  }
0x28c: {  	[hbm4b:s18+s3] =	stream.linear.scatter [tilespmem:s15], [sflag:$0x9], $0x80, $0x38;
	[tilespmem:$0x1A800] =	vst v63  }
0x28d: {  	s15 =	sadd.s32 $0x16598, s17;
	s18 =	sadd.s32 $0x30, s30  }
0x28e: {  	[hbm4b:s18+s3] =	stream.linear.scatter [tilespmem:s15], [sflag:$0x9], $0x80, $0x38;
	[tilespmem:$0x1A800] =	vst v63  }
0x28f: {  	s15 =	sadd.s32 $0x16620, s17;
	s18 =	sadd.s32 $0x40, s30  }
0x290: {  	[hbm4b:s18+s3] =	stream.linear.scatter [tilespmem:s15], [sflag:$0x9], $0x80, $0x38;
	[tilespmem:$0x1A800] =	vst v63  }
0x291: {  	s15 =	sadd.s32 $0x166A8, s17;
	s18 =	sadd.s32 $0x50, s30  }
0x292: {  	[hbm4b:s18+s3] =	stream.linear.scatter [tilespmem:s15], [sflag:$0x9], $0x80, $0x38;
	[tilespmem:$0x1A800] =	vst v63  }
0x293: {  	s2 =	sadd.s32 $0x16730, s17;
	s15 =	sadd.s32 $0x60, s30  }
0x294: {  	[hbm4b:s15+s3] =	stream.linear.scatter [tilespmem:s2], [sflag:$0x9], $0x80, $0x38;
	[tilespmem:$0x1A800] =	vst v63  }
0x295: {  	s17 =	sadd.s32 $0x167B8, s17;
	s18 =	sadd.s32 $0x70, s30  }
0x296: {  	[hbm4b:s18+s3] =	stream.linear.scatter [tilespmem:s17], [sflag:$0x9], $0x80, $0x38;
	[tilespmem:$0x1A800] =	vst v63  }
0x297: {  	s1 =	sadd.s32 @!p0 $0x500, s14;
	s2 =	simm.s32 @!p0 $0x80;
	s15 =	simm.s32 @!p0 $0xA400  }
0x298: {  	[tilespmem:s15], [sflag:$0x3] =	stream.indirect.gather @!p0 [hbm4b:s4+s2], $0x40, s1, s2, $0xb8;
	[tilespmem:$0x1A800] =	vst v63  }
0x299: {  	_ =	swait.ge [sflag:s24], $0x2000  }
0x29a: {  	[sflag:s24] =	ssyncset.done $0x0  }
0x29b: {  	s17 =	simm.s32 $0x2;
	s18 =	simm.s32 $0x3;
	[sflag:s24] =	ssyncadd.s32 $0xFFFFE000  }
0x29c: {  	v3 =	vmov s17;
	v4 =	vmov s18;
	s17 =	simm.s32 $0x5;
	_ =	swait.ge [sflag:s20], $0x2000  }
0x29d: {  	s2 =	simm.s32 $0x0;
	s15 =	simm.s32 $0x1;
	v33 =	vmov s17;
	s17 =	simm.s32 $0x7;
	v4 =	vshrl.u32 v4, $0x3;
	v22 =	vld [tilespmem:$0x1FFD0]  }
0x29e: {  	v0 =	vmov s2;
	v2 =	vmov s15;
	v35 =	vmov s17;
	v6 =	vld [tilespmem:$0x1FE60]  }
0x29f: {  	v4 =	vshll.u32 v4, v1;
	v0 =	vshrl.u32 v0, $0x3;
	v2 =	vshrl.u32 v2, $0x3;
	[sflag:s20] =	ssyncset.done $0x0;
	v7 =	vld [tilespmem:$0x1FEA0]  }
0x2a0: {  	s17 =	simm.s32 $0xC500;
	v35 =	vshrl.u32 v35, $0x3;
	v36 =	vbroadcast v4, $0x0;
	v0 =	vshll.u32 v0, v1;
	v4 =	vld [tilespmem:$0x1FEE0];
	[sflag:s20] =	ssyncadd.s32 $0xFFFFE000  }
0x2a1: {  	v35 =	vshll.u32 v35, v1;
	v2 =	vshll.u32 v2, v1;
	v39 =	vbroadcast v0, $0x0;
	v0 =	vld [tilespmem:s17+$0xC0]  }
0x2a2: {  	v41 =	vbroadcast v35, $0x0;
	v40 =	vbroadcast v2, $0x0;
	v38 =	vld [tilespmem:s17+$0xFFFFFF00]  }
0x2a3: {  	v42 =	vld [tilespmem:s17+$0xFFFFFF40]  }
0x2a4: {  	s15 =	simm.s32 $0x4;
	v2 =	vadd.s32 v22, v41;
	v45 =	vadd.s32 v7, v40;
	v7 =	vld [tilespmem:$0x1FF10]  }
0x2a5: {  	v3 =	vshrl.u32 v3, $0x3;
	v5 =	vmov s15;
	v44 =	vld [tilespmem:s17+$0xFFFFFF80];
	v43 =	vadd.s32 v6, v39  }
0x2a6: {  	v3 =	vshll.u32 v3, v1;
	v5 =	vshrl.u32 v5, $0x3;
	v46 =	vld [tilespmem:s17+$0xFFFFFFC0]  }
0x2a7: {  	s18 =	simm.s32 $0x6;
	v37 =	vbroadcast v3, $0x0;
	v5 =	vshll.u32 v5, v1;
	v47 =	vld [tilespmem:s17+$0x0];
	v0 =	vmul.f32 $8.000000000e+00, v0  }
0x2a8: {  	v34 =	vmov s18;
	v35 =	vbroadcast v5, $0x0;
	v48 =	vld [tilespmem:s17+$0x40];
	v5 =	vmul.f32 $8.000000000e+00, v38  }
0x2a9: {  	v34 =	vshrl.u32 v34, $0x3;
	v4 =	vadd.s32 v4, v37;
	v56 =	vadd.s32 v7, v36;
	v7 =	vld [tilespmem:$0x1FF40];
	[tilespmem:v2+s21+$0x0] =	vst.idx.msk $0xffff, v0  }
0x2aa: {  	v3 =	vshll.u32 v34, v1;
	v50 =	vld [tilespmem:s17+$0x80];
	v42 =	vmul.f32 $8.000000000e+00, v42;
	[tilespmem:v43+s21+$0x0] =	vst.idx.msk $0xffff, v5  }
0x2ab: {  	v34 =	vbroadcast v3, $0x0;
	v3 =	vld [tilespmem:$0x1FF70]  }
0x2ac: {  	v33 =	vshrl.u32 v33, $0x3;
	v2 =	vmul.f32 $8.000000000e+00, v44;
	v5 =	vld [tilespmem:s17+$0xD0];
	[tilespmem:v45+s21+$0x0] =	vst.idx.msk $0xffff, v42  }
0x2ad: {  	v33 =	vshll.u32 v33, v1;
	v30 =	vld [tilespmem:$0x1FFA0]  }
0x2ae: {  	v33 =	vbroadcast v33, $0x0;
	v57 =	vmul.f32 $8.000000000e+00, v46;
	v43 =	vld [tilespmem:s17+$0xFFFFFF10];
	[tilespmem:v4+s21+$0x0] =	vst.idx.msk $0xffff, v2;
	v49 =	vadd.s32 v7, v35  }
0x2af: {  	v7 =	vld [tilespmem:$0x1FE70]  }
0x2b0: {  	v59 =	vld [tilespmem:s17+$0xFFFFFF50];
	[tilespmem:v56+s21+$0x0] =	vst.idx.msk $0xffff, v57;
	v3 =	vadd.s32 v3, v33  }
0x2b1: {  	v2 =	vmul.f32 $8.000000000e+00, v47;
	v11 =	vld [tilespmem:$0x1FEB0]  }
0x2b2: {  	v52 =	vld [tilespmem:s17+$0xFFFFFF90];
	v58 =	vadd.s32 v30, v34  }
0x2b3: {  	v60 =	vmul.f32 $8.000000000e+00, v48;
	v4 =	vadd.s32 v63, v41;
	v53 =	vld [tilespmem:s17+$0xFFFFFFD0];
	[tilespmem:v49+s21+$0x0] =	vst.idx.msk $0xffff, v2  }
0x2b4: {  	v51 =	vadd.s32 v7, v39;
	v15 =	vld [tilespmem:$0x1FEF0]  }
0x2b5: {  	v2 =	vmul.f32 $8.000000000e+00, v50;
	v54 =	vld [tilespmem:s17+$0x10];
	[tilespmem:v3+s21+$0x0] =	vst.idx.msk $0xffff, v60  }
0x2b6: {  	v48 =	vadd.s32 v11, v40;
	v3 =	vmul.f32 $8.000000000e+00, v5;
	v19 =	vld [tilespmem:$0x1FF20]  }
0x2b7: {  	v61 =	vmul.f32 $8.000000000e+00, v43;
	v55 =	vld [tilespmem:s17+$0x50];
	[tilespmem:v58+s21+$0x0] =	vst.idx.msk $0xffff, v2  }
0x2b8: {  	v23 =	vld [tilespmem:$0x1FF50];
	[tilespmem:v4+s21+$0x0] =	vst.idx.msk $0xffff, v3  }
0x2b9: {  	v32 =	vmul.f32 $8.000000000e+00, v59;
	v56 =	vld [tilespmem:s17+$0x90];
	[tilespmem:v51+s21+$0x0] =	vst.idx.msk $0xffff, v61;
	v50 =	vadd.s32 v15, v37  }
0x2ba: {  	v27 =	vld [tilespmem:$0x1FF80]  }
0x2bb: {  	v60 =	vld [tilespmem:s17+$0xE0];
	[tilespmem:v48+s21+$0x0] =	vst.idx.msk $0xffff, v32;
	v62 =	vadd.s32 v19, v36  }
0x2bc: {  	s15 =	simm.s32 $0xA;
	v3 =	vmul.f32 $8.000000000e+00, v52;
	v31 =	vld [tilespmem:$0x1FFB0]  }
0x2bd: {  	v47 =	vmov s15;
	v51 =	vld [tilespmem:s17+$0xFFFFFF20];
	v46 =	vadd.s32 v23, v35  }
0x2be: {  	v52 =	vshrl.u32 v47, $0x3;
	v61 =	vmul.f32 $8.000000000e+00, v53;
	v47 =	vld [tilespmem:s17+$0xFFFFFF60];
	[tilespmem:v50+s21+$0x0] =	vst.idx.msk $0xffff, v3  }
0x2bf: {  	v4 =	vadd.s32 v27, v33;
	v8 =	vld [tilespmem:$0x1FE80]  }
0x2c0: {  	v3 =	vmul.f32 $8.000000000e+00, v54;
	v57 =	vld [tilespmem:s17+$0xFFFFFFA0];
	[tilespmem:v62+s21+$0x0] =	vst.idx.msk $0xffff, v61  }
0x2c1: {  	v48 =	vadd.s32 v31, v34;
	v12 =	vld [tilespmem:$0x1FEC0]  }
0x2c2: {  	v62 =	vmul.f32 $8.000000000e+00, v55;
	v58 =	vld [tilespmem:s17+$0xFFFFFFE0];
	[tilespmem:v46+s21+$0x0] =	vst.idx.msk $0xffff, v3  }
0x2c3: {  	s18 =	simm.s32 $0x8;
	v50 =	vadd.s32 v9, v41;
	v16 =	vld [tilespmem:$0x1FF00]  }
0x2c4: {  	v0 =	vmov s18;
	s18 =	simm.s32 $0xB;
	v3 =	vmul.f32 $8.000000000e+00, v56;
	v59 =	vld [tilespmem:s17+$0x20];
	[tilespmem:v4+s21+$0x0] =	vst.idx.msk $0xffff, v62;
	v54 =	vadd.s32 v8, v39  }
0x2c5: {  	v0 =	vshrl.u32 v0, $0x3;
	v42 =	vmov s18;
	s18 =	simm.s32 $0xE;
	v20 =	vld [tilespmem:$0x1FF30]  }
0x2c6: {  	v2 =	vmov s18;
	v4 =	vmul.f32 $8.000000000e+00, v60;
	v61 =	vld [tilespmem:s17+$0x60];
	[tilespmem:v48+s21+$0x0] =	vst.idx.msk $0xffff, v3;
	v32 =	vadd.s32 v12, v40  }
0x2c7: {  	v53 =	vshrl.u32 v42, $0x3;
	v42 =	vshrl.u32 v2, $0x3;
	v2 =	vmul.f32 $8.000000000e+00, v51;
	v24 =	vld [tilespmem:$0x1FF60]  }
0x2c8: {  	v0 =	vshll.u32 v0, v1;
	v62 =	vld [tilespmem:s17+$0xA0];
	[tilespmem:v50+s21+$0x0] =	vst.idx.msk $0xffff, v4;
	v46 =	vadd.s32 v16, v37  }
0x2c9: {  	v38 =	vbroadcast v0, $0x0;
	v0 =	vmul.f32 $8.000000000e+00, v47;
	v56 =	vld [tilespmem:s17+$0xF0];
	[tilespmem:v54+s21+$0x0] =	vst.idx.msk $0xffff, v2  }
0x2ca: {  	v28 =	vld [tilespmem:$0x1FF90]  }
0x2cb: {  	v60 =	vadd.s32 v20, v36;
	v2 =	vmul.f32 $8.000000000e+00, v57;
	v50 =	vld [tilespmem:s17+$0xFFFFFF30];
	[tilespmem:v32+s21+$0x0] =	vst.idx.msk $0xffff, v0  }
0x2cc: {  	v32 =	vld [tilespmem:$0x1FFC0]  }
0x2cd: {  	s2 =	simm.s32 $0x9;
	v44 =	vshll.u32 v52, v1;
	v3 =	vadd.s32 v24, v35;
	v52 =	vld [tilespmem:s17+$0xFFFFFF70];
	[tilespmem:v46+s21+$0x0] =	vst.idx.msk $0xffff, v2  }
0x2ce: {  	v45 =	vmov s2;
	s2 =	simm.s32 $0xC;
	v0 =	vmul.f32 $8.000000000e+00, v58;
	v26 =	vld [tilespmem:$0x1FFE0]  }
0x2cf: {  	v49 =	vmov s2;
	v10 =	vld [tilespmem:$0x1FE90]  }
0x2d0: {  	v43 =	vshrl.u32 v49, $0x3;
	v2 =	vmul.f32 $8.000000000e+00, v59;
	v49 =	vld [tilespmem:s17+$0xFFFFFFB0];
	[tilespmem:v60+s21+$0x0] =	vst.idx.msk $0xffff, v0  }
0x2d1: {  	v13 =	vld [tilespmem:$0x1FED0]  }
0x2d2: {  	s15 =	simm.s32 $0xD;
	v54 =	vld [tilespmem:s17+$0xFFFFFFF0];
	[tilespmem:v3+s21+$0x0] =	vst.idx.msk $0xffff, v2  }
0x2d3: {  	v45 =	vshrl.u32 v45, $0x3;
	v5 =	vmov s15;
	v17 =	vld [tilespmem:$0x1FE10]  }
0x2d4: {  	v5 =	vshrl.u32 v5, $0x3;
	v47 =	vshll.u32 v45, v1;
	v45 =	vshll.u32 v53, v1;
	v21 =	vld [tilespmem:$0x1FE20]  }
0x2d5: {  	v46 =	vshll.u32 v43, v1;
	v43 =	vshll.u32 v5, v1;
	v55 =	vadd.s32 v28, v33;
	v25 =	vld [tilespmem:$0x1FE30]  }
0x2d6: {  	v51 =	vadd.s32 v32, v34;
	v29 =	vld [tilespmem:$0x1FE40];
	v53 =	vadd.s32 v26, v41;
	v48 =	vadd.s32 v10, v39  }
0x2d7: {  	s30 =	simm.s32 $0x10;
	s18 =	simm.s32 $0xF;
	v18 =	vld [tilespmem:$0x1FE50];
	v39 =	vmul.f32 $8.000000000e+00, v61;
	v41 =	vadd.s32 v13, v40;
	v40 =	vmul.f32 $8.000000000e+00, v62  }
.LBB2_19:
0x2d8: {  	v0 =	vmov s18  }
0x2d9: {  	v2 =	vadd.s32 v17, v37;
	v3 =	vld [tilespmem:s17+$0x30];
	v0 =	vshrl.u32 v0, $0x3  }
0x2da: {  	v61 =	vld [tilespmem:$0x1FEA0];
	[tilespmem:v55+s21+$0x0] =	vst.idx.msk $0xffff, v39;
	v0 =	vshll.u32 v0, v1;
	v5 =	vmul.f32 $8.000000000e+00, v50  }
0x2db: {  	[tilespmem:v51+s21+$0x0] =	vst.idx.msk $0xffff, v40;
	v62 =	vld [tilespmem:s17+$0x70];
	v40 =	vbroadcast v0, $0x0  }
0x2dc: {  	v4 =	vmul.f32 $8.000000000e+00, v56;
	v56 =	vld [tilespmem:s17+$0xB0];
	s17 =	sadd.s32 $0x200, s17;
	v0 =	vmul.f32 $8.000000000e+00, v49;
	[tilespmem:v48+s21+$0x0] =	vst.idx.msk $0xffff, v5  }
0x2dd: {  	v5 =	vadd.s32 v29, v33;
	v57 =	vld [tilespmem:s17+$0xFFFFFF00]  }
0x2de: {  	v36 =	vadd.s32 v21, v36;
	v39 =	vmov v38;
	v55 =	vmul.f32 $8.000000000e+00, v52;
	v52 =	vld [tilespmem:$0x1FEE0];
	[tilespmem:v2+s21+$0x0] =	vst.idx.msk $0xffff, v0  }
0x2df: {  	[tilespmem:v53+s21+$0x0] =	vst.idx.msk $0xffff, v4;
	v0 =	vmul.f32 $8.000000000e+00, v3;
	v2 =	vadd.s32 v6, v39;
	v3 =	vld [tilespmem:s17+$0xFFFFFF80]  }
0x2e0: {  	v35 =	vadd.s32 v25, v35;
	[tilespmem:v41+s21+$0x0] =	vst.idx.msk $0xffff, v55;
	v55 =	vld [tilespmem:$0x1FF10];
	v38 =	vmul.f32 $8.000000000e+00, v62  }
0x2e1: {  	v58 =	vmul.f32 $8.000000000e+00, v54;
	v4 =	vld [tilespmem:s17+$0xC0]  }
0x2e2: {  	v34 =	vadd.s32 v18, v34;
	v59 =	vld [tilespmem:s17+$0xFFFFFF40];
	[tilespmem:v5+s21+$0x0] =	vst.idx.msk $0xffff, v38;
	v5 =	vmul.f32 $8.000000000e+00, v57  }
0x2e3: {  	v60 =	vadd.s32 v22, v40;
	v41 =	vbroadcast v47, $0x0;
	[tilespmem:v36+s21+$0x0] =	vst.idx.msk $0xffff, v58;
	v57 =	vld [tilespmem:$0x1FF40]  }
0x2e4: {  	v37 =	vbroadcast v44, $0x0;
	[tilespmem:v2+s21+$0x0] =	vst.idx.msk $0xffff, v5;
	v2 =	vmul.f32 $8.000000000e+00, v3;
	v3 =	vld [tilespmem:$0x1FF70]  }
0x2e5: {  	v36 =	vbroadcast v45, $0x0;
	v48 =	vld [tilespmem:s17+$0xFFFFFFC0];
	v62 =	vadd.s32 v61, v41;
	[tilespmem:v35+s21+$0x0] =	vst.idx.msk $0xffff, v0;
	v0 =	vmul.f32 $8.000000000e+00, v56  }
0x2e6: {  	v35 =	vbroadcast v46, $0x0;
	v53 =	vadd.s32 v52, v37;
	v54 =	vld [tilespmem:s17+$0x0];
	v4 =	vmul.f32 $8.000000000e+00, v4  }
0x2e7: {  	v42 =	vshll.u32 v42, v1;
	v33 =	vbroadcast v43, $0x0;
	v38 =	vadd.s32 v55, v36;
	[tilespmem:v34+s21+$0x0] =	vst.idx.msk $0xffff, v0;
	v56 =	vld [tilespmem:s17+$0x40]  }
0x2e8: {  	s15 =	sadd.s32 $0x2, s30;
	v34 =	vbroadcast v42, $0x0;
	v0 =	vmul.f32 $8.000000000e+00, v59;
	v59 =	vld [tilespmem:s17+$0x80];
	[tilespmem:v60+s21+$0x0] =	vst.idx.msk $0xffff, v4;
	v58 =	vadd.s32 v57, v35  }
0x2e9: {  	v51 =	vadd.s32 v7, v39;
	v50 =	vmov s15;
	v5 =	vld [tilespmem:s17+$0xD0];
	v3 =	vadd.s32 v3, v33  }
0x2ea: {  	v49 =	vadd.s32 v15, v37;
	v61 =	vadd.s32 v30, v34;
	[tilespmem:v62+s21+$0x0] =	vst.idx.msk $0xffff, v0;
	v0 =	vmul.f32 $8.000000000e+00, v48;
	v60 =	vld [tilespmem:s17+$0xFFFFFF10]  }
0x2eb: {  	s1 =	sadd.s32 $0x1, s30;
	s2 =	sadd.s32 $0x4, s30;
	v50 =	vshrl.u32 v50, $0x3;
	v45 =	vadd.s32 v63, v40;
	v62 =	vld [tilespmem:s17+$0xFFFFFF50];
	[tilespmem:v53+s21+$0x0] =	vst.idx.msk $0xffff, v2;
	v2 =	vmul.f32 $8.000000000e+00, v54  }
0x2ec: {  	v47 =	vmov s1;
	v43 =	vmov s2;
	[tilespmem:v38+s21+$0x0] =	vst.idx.msk $0xffff, v0;
	v52 =	vld [tilespmem:s17+$0xFFFFFF90];
	v0 =	vmul.f32 $8.000000000e+00, v56  }
0x2ed: {  	v44 =	vshll.u32 v50, v1;
	v46 =	vadd.s32 v11, v41;
	v63 =	vld [tilespmem:s17+$0xFFFFFFD0];
	[tilespmem:v58+s21+$0x0] =	vst.idx.msk $0xffff, v2;
	v2 =	vmul.f32 $8.000000000e+00, v59  }
0x2ee: {  	v47 =	vshrl.u32 v47, $0x3;
	v43 =	vshrl.u32 v43, $0x3;
	v54 =	vld [tilespmem:s17+$0x10];
	[tilespmem:v3+s21+$0x0] =	vst.idx.msk $0xffff, v0;
	v0 =	vmul.f32 $8.000000000e+00, v5  }
0x2ef: {  	v42 =	vadd.s32 v19, v36;
	v4 =	vmov s30;
	v5 =	vmul.f32 $8.000000000e+00, v60;
	[tilespmem:v61+s21+$0x0] =	vst.idx.msk $0xffff, v2;
	v55 =	vld [tilespmem:s17+$0x50]  }
0x2f0: {  	v4 =	vshrl.u32 v4, $0x3;
	v60 =	vmul.f32 $8.000000000e+00, v62;
	v61 =	vadd.s32 v23, v35;
	v62 =	vld [tilespmem:s17+$0x90];
	[tilespmem:v45+s21+$0x0] =	vst.idx.msk $0xffff, v0  }
0x2f1: {  	v0 =	vshll.u32 v4, v1;
	[tilespmem:v51+s21+$0x0] =	vst.idx.msk $0xffff, v5;
	v4 =	vmul.f32 $8.000000000e+00, v52;
	v5 =	vadd.s32 v27, v33;
	v45 =	vld [tilespmem:s17+$0xE0]  }
0x2f2: {  	v47 =	vshll.u32 v47, v1;
	v63 =	vmul.f32 $8.000000000e+00, v63;
	[tilespmem:v46+s21+$0x0] =	vst.idx.msk $0xffff, v60;
	v46 =	vadd.s32 v31, v34;
	v51 =	vld [tilespmem:s17+$0xFFFFFF20]  }
0x2f3: {  	s18 =	sadd.s32 $0x3, s30;
	v48 =	vadd.s32 v16, v37;
	v52 =	vld [tilespmem:s17+$0xFFFFFF60];
	[tilespmem:v49+s21+$0x0] =	vst.idx.msk $0xffff, v4;
	v4 =	vmul.f32 $8.000000000e+00, v54;
	v49 =	vadd.s32 v9, v40  }
0x2f4: {  	v38 =	vmov s18;
	[tilespmem:v42+s21+$0x0] =	vst.idx.msk $0xffff, v63;
	v54 =	vadd.s32 v8, v39;
	v57 =	vld [tilespmem:s17+$0xFFFFFFA0];
	v55 =	vmul.f32 $8.000000000e+00, v55  }
0x2f5: {  	s15 =	sadd.s32 $0x5, s30;
	s18 =	sadd.s32 $0x6, s30;
	v53 =	vshrl.u32 v38, $0x3;
	v58 =	vadd.s32 v12, v41;
	v59 =	vld [tilespmem:s17+$0xFFFFFFE0];
	[tilespmem:v61+s21+$0x0] =	vst.idx.msk $0xffff, v4;
	v4 =	vmul.f32 $8.000000000e+00, v62  }
0x2f6: {  	v3 =	vmov s15;
	v2 =	vmov s18;
	v60 =	vld [tilespmem:s17+$0x20];
	[tilespmem:v5+s21+$0x0] =	vst.idx.msk $0xffff, v55;
	v5 =	vmul.f32 $8.000000000e+00, v45  }
0x2f7: {  	v42 =	vshrl.u32 v2, $0x3;
	v61 =	vadd.s32 v20, v36;
	v2 =	vmul.f32 $8.000000000e+00, v51;
	[tilespmem:v46+s21+$0x0] =	vst.idx.msk $0xffff, v4;
	v62 =	vld [tilespmem:s17+$0x60]  }
0x2f8: {  	p1 =	slt.u32 s30, $0x78;
	v38 =	vbroadcast v0, $0x0;
	v0 =	vmul.f32 $8.000000000e+00, v52;
	v4 =	vadd.s32 v24, v35;
	v63 =	vld [tilespmem:s17+$0xA0];
	[tilespmem:v49+s21+$0x0] =	vst.idx.msk $0xffff, v5  }
.Ltmp11:
0x2f9: {  	v41 =	vadd.s32 v13, v41;
	v3 =	vshrl.u32 v3, $0x3;
	[tilespmem:v54+s21+$0x0] =	vst.idx.msk $0xffff, v2;
	v2 =	vmul.f32 $8.000000000e+00, v57;
	v56 =	vld [tilespmem:s17+$0xF0];
	(pc) =	sbr.rel @p1 .LBB2_19-.Ltmp11, $4  }
0x2fa: {  	v55 =	vadd.s32 v28, v33;
	v51 =	vadd.s32 v32, v34;
	[tilespmem:v58+s21+$0x0] =	vst.idx.msk $0xffff, v0;
	v0 =	vmul.f32 $8.000000000e+00, v59;
	v50 =	vld [tilespmem:s17+$0xFFFFFF30]  }
0x2fb: {  	v45 =	vshll.u32 v53, v1;
	v53 =	vadd.s32 v26, v40;
	v52 =	vld [tilespmem:s17+$0xFFFFFF70];
	[tilespmem:v48+s21+$0x0] =	vst.idx.msk $0xffff, v2;
	v2 =	vmul.f32 $8.000000000e+00, v60  }
0x2fc: {  	v46 =	vshll.u32 v43, v1;
	v43 =	vshll.u32 v3, v1;
	[tilespmem:v61+s21+$0x0] =	vst.idx.msk $0xffff, v0;
	v49 =	vld [tilespmem:s17+$0xFFFFFFB0]  }
0x2fd: {  	s18 =	sadd.s32 $0x7, s30;
	s30 =	sadd.s32 $0x8, s30;
	v48 =	vadd.s32 v10, v39;
	v54 =	vld [tilespmem:s17+$0xFFFFFFF0];
	v39 =	vmul.f32 $8.000000000e+00, v62;
	[tilespmem:v4+s21+$0x0] =	vst.idx.msk $0xffff, v2;
	v40 =	vmul.f32 $8.000000000e+00, v63;
	v63 =	vmovc v14  }
0x2fe: {  	_ =	sdelay $0x3  }
0x2ff: {  	v0 =	vmov s18;
	v2 =	vadd.s32 v17, v37;
	v3 =	vld [tilespmem:s17+$0x30];
	v4 =	vmul.f32 $8.000000000e+00, v56;
	[tilespmem:v55+s21+$0x0] =	vst.idx.msk $0xffff, v39  }
0x300: {  	v36 =	vadd.s32 v21, v36;
	v0 =	vshrl.u32 v0, $0x3;
	v5 =	vmul.f32 $8.000000000e+00, v50;
	[tilespmem:v51+s21+$0x0] =	vst.idx.msk $0xffff, v40;
	v56 =	vld [tilespmem:s17+$0x70]  }
0x301: {  	v35 =	vadd.s32 v25, v35;
	s15 =	sadd.s32 $0x200, s17;
	v0 =	vshll.u32 v0, v1;
	v57 =	vmul.f32 $8.000000000e+00, v52;
	v40 =	vld [tilespmem:s17+$0xB0];
	[tilespmem:v53+s21+$0x0] =	vst.idx.msk $0xffff, v4  }
0x302: {  	v33 =	vadd.s32 v29, v33;
	v58 =	vld [tilespmem:s15+$0xC0];
	v0 =	vbroadcast v0, $0x0;
	[tilespmem:v48+s21+$0x0] =	vst.idx.msk $0xffff, v5;
	v59 =	vmul.f32 $8.000000000e+00, v49  }
0x303: {  	v34 =	vadd.s32 v18, v34;
	v60 =	vld [tilespmem:s15+$0xFFFFFF00];
	[tilespmem:v41+s21+$0x0] =	vst.idx.msk $0xffff, v57;
	v61 =	vmul.f32 $8.000000000e+00, v54  }
0x304: {  	v49 =	vadd.s32 v22, v0;
	[tilespmem:v2+s21+$0x0] =	vst.idx.msk $0xffff, v59;
	v2 =	vmul.f32 $8.000000000e+00, v3  }
0x305: {  	v62 =	vld [tilespmem:s15+$0xFFFFFF40];
	v3 =	vadd.s32 v6, v38;
	[tilespmem:v36+s21+$0x0] =	vst.idx.msk $0xffff, v61;
	v51 =	vmul.f32 $8.000000000e+00, v56  }
0x306: {  	v52 =	vld [tilespmem:$0x1FEA0];
	[tilespmem:v35+s21+$0x0] =	vst.idx.msk $0xffff, v2;
	v2 =	vmul.f32 $8.000000000e+00, v40  }
0x307: {  	v4 =	vmul.f32 $8.000000000e+00, v58;
	v54 =	vld [tilespmem:$0x1FEE0];
	[tilespmem:v33+s21+$0x0] =	vst.idx.msk $0xffff, v51  }
0x308: {  	v57 =	vmul.f32 $8.000000000e+00, v60;
	v58 =	vld [tilespmem:$0x1FF10];
	[tilespmem:v34+s21+$0x0] =	vst.idx.msk $0xffff, v2  }
0x309: {  	v61 =	vld [tilespmem:$0x1FF40];
	[tilespmem:v49+s21+$0x0] =	vst.idx.msk $0xffff, v4  }
0x30a: {  	v47 =	vbroadcast v47, $0x0;
	v5 =	vld [tilespmem:s15+$0xFFFFFF80];
	[tilespmem:v3+s21+$0x0] =	vst.idx.msk $0xffff, v57  }
0x30b: {  	v44 =	vbroadcast v44, $0x0;
	v4 =	vld [tilespmem:$0x1FF70]  }
0x30c: {  	v45 =	vbroadcast v45, $0x0;
	v53 =	vld [tilespmem:s15+$0xFFFFFFC0];
	v37 =	vadd.s32 v52, v47  }
0x30d: {  	v46 =	vbroadcast v46, $0x0;
	v56 =	vld [tilespmem:s15+$0x0];
	v55 =	vadd.s32 v54, v44  }
0x30e: {  	v42 =	vshll.u32 v42, v1;
	v43 =	vbroadcast v43, $0x0;
	v60 =	vld [tilespmem:s15+$0x40];
	v59 =	vadd.s32 v58, v45  }
0x30f: {  	v42 =	vbroadcast v42, $0x0;
	v22 =	vld [tilespmem:s15+$0x80];
	v2 =	vmul.f32 $8.000000000e+00, v62;
	v62 =	vadd.s32 v61, v46  }
0x310: {  	v3 =	vmul.f32 $8.000000000e+00, v5;
	v33 =	vld [tilespmem:s15+$0xFFFFFF10];
	v4 =	vadd.s32 v4, v43  }
0x311: {  	v52 =	vld [tilespmem:s15+$0xD0];
	[tilespmem:v37+s21+$0x0] =	vst.idx.msk $0xffff, v2;
	v2 =	vmul.f32 $8.000000000e+00, v53;
	v53 =	vadd.s32 v30, v42  }
0x312: {  	v54 =	vld [tilespmem:s15+$0xFFFFFF50];
	[tilespmem:v55+s21+$0x0] =	vst.idx.msk $0xffff, v3;
	v3 =	vmul.f32 $8.000000000e+00, v56;
	v56 =	vadd.s32 v7, v38  }
0x313: {  	v55 =	vadd.s32 v63, v0;
	v57 =	vld [tilespmem:s15+$0xFFFFFF90];
	[tilespmem:v59+s21+$0x0] =	vst.idx.msk $0xffff, v2;
	v2 =	vmul.f32 $8.000000000e+00, v60  }
0x314: {  	v58 =	vadd.s32 v11, v47;
	v59 =	vld [tilespmem:s15+$0xFFFFFFD0];
	[tilespmem:v62+s21+$0x0] =	vst.idx.msk $0xffff, v3;
	v3 =	vmul.f32 $8.000000000e+00, v22  }
0x315: {  	v60 =	vadd.s32 v15, v44;
	v62 =	vmul.f32 $8.000000000e+00, v33;
	v61 =	vld [tilespmem:s15+$0x10];
	[tilespmem:v4+s21+$0x0] =	vst.idx.msk $0xffff, v2  }
0x316: {  	v22 =	vadd.s32 v19, v45;
	v2 =	vmul.f32 $8.000000000e+00, v52;
	v30 =	vld [tilespmem:s15+$0x50];
	[tilespmem:v53+s21+$0x0] =	vst.idx.msk $0xffff, v3  }
0x317: {  	v52 =	vadd.s32 v23, v46;
	v3 =	vmul.f32 $8.000000000e+00, v54;
	[tilespmem:v56+s21+$0x0] =	vst.idx.msk $0xffff, v62;
	v53 =	vld [tilespmem:s15+$0x90]  }
0x318: {  	v54 =	vadd.s32 v27, v43;
	[tilespmem:v55+s21+$0x0] =	vst.idx.msk $0xffff, v2;
	v2 =	vmul.f32 $8.000000000e+00, v57;
	v40 =	vld [tilespmem:s15+$0xFFFFFF20]  }
0x319: {  	v55 =	vadd.s32 v31, v42;
	v35 =	vld [tilespmem:s15+$0xE0];
	[tilespmem:v58+s21+$0x0] =	vst.idx.msk $0xffff, v3;
	v3 =	vmul.f32 $8.000000000e+00, v59  }
0x31a: {  	v58 =	vadd.s32 v8, v38;
	v56 =	vld [tilespmem:s15+$0xFFFFFF60];
	[tilespmem:v60+s21+$0x0] =	vst.idx.msk $0xffff, v2;
	v2 =	vmul.f32 $8.000000000e+00, v61  }
0x31b: {  	v57 =	vadd.s32 v9, v0;
	v59 =	vld [tilespmem:s15+$0xFFFFFFA0];
	[tilespmem:v22+s21+$0x0] =	vst.idx.msk $0xffff, v3;
	v3 =	vmul.f32 $8.000000000e+00, v30  }
0x31c: {  	v60 =	vadd.s32 v12, v47;
	v61 =	vld [tilespmem:s15+$0xFFFFFFE0];
	[tilespmem:v52+s21+$0x0] =	vst.idx.msk $0xffff, v2;
	v2 =	vmul.f32 $8.000000000e+00, v53  }
0x31d: {  	v62 =	vadd.s32 v16, v44;
	v19 =	vmul.f32 $8.000000000e+00, v40;
	v16 =	vld [tilespmem:s15+$0x20];
	[tilespmem:v54+s21+$0x0] =	vst.idx.msk $0xffff, v3  }
0x31e: {  	v22 =	vadd.s32 v20, v45;
	v3 =	vmul.f32 $8.000000000e+00, v35;
	v23 =	vld [tilespmem:s15+$0x60];
	[tilespmem:v55+s21+$0x0] =	vst.idx.msk $0xffff, v2  }
0x31f: {  	v27 =	vadd.s32 v24, v46;
	v2 =	vmul.f32 $8.000000000e+00, v56;
	[tilespmem:v58+s21+$0x0] =	vst.idx.msk $0xffff, v19;
	v30 =	vld [tilespmem:s15+$0xA0]  }
0x320: {  	v31 =	vadd.s32 v28, v43;
	[tilespmem:v57+s21+$0x0] =	vst.idx.msk $0xffff, v3;
	v3 =	vmul.f32 $8.000000000e+00, v59;
	v41 =	vld [tilespmem:s15+$0xFFFFFF30]  }
0x321: {  	v49 =	vadd.s32 v32, v42;
	v34 =	vld [tilespmem:s15+$0xF0];
	[tilespmem:v60+s21+$0x0] =	vst.idx.msk $0xffff, v2;
	v2 =	vmul.f32 $8.000000000e+00, v61  }
0x322: {  	v51 =	vadd.s32 v10, v38;
	v50 =	vld [tilespmem:s15+$0xFFFFFF70];
	[tilespmem:v62+s21+$0x0] =	vst.idx.msk $0xffff, v3;
	v3 =	vmul.f32 $8.000000000e+00, v16  }
0x323: {  	v0 =	vadd.s32 v26, v0;
	v52 =	vld [tilespmem:s15+$0xFFFFFFB0];
	[tilespmem:v22+s21+$0x0] =	vst.idx.msk $0xffff, v2;
	v2 =	vmul.f32 $8.000000000e+00, v23  }
0x324: {  	v53 =	vadd.s32 v13, v47;
	v54 =	vld [tilespmem:s15+$0xFFFFFFF0];
	[tilespmem:v27+s21+$0x0] =	vst.idx.msk $0xffff, v3;
	v3 =	vmul.f32 $8.000000000e+00, v30  }
0x325: {  	v55 =	vadd.s32 v17, v44;
	v57 =	vmul.f32 $8.000000000e+00, v41;
	v56 =	vld [tilespmem:s15+$0x30];
	[tilespmem:v31+s21+$0x0] =	vst.idx.msk $0xffff, v2  }
0x326: {  	v58 =	vadd.s32 v21, v45;
	v2 =	vmul.f32 $8.000000000e+00, v34;
	v59 =	vld [tilespmem:s15+$0x70];
	[tilespmem:v49+s21+$0x0] =	vst.idx.msk $0xffff, v3  }
0x327: {  	v60 =	vadd.s32 v25, v46;
	v3 =	vmul.f32 $8.000000000e+00, v50;
	[tilespmem:v51+s21+$0x0] =	vst.idx.msk $0xffff, v57;
	v61 =	vld [tilespmem:s15+$0xB0]  }
0x328: {  	[tilespmem:v0+s21+$0x0] =	vst.idx.msk $0xffff, v2;
	v0 =	vmul.f32 $8.000000000e+00, v52;
	v2 =	vadd.s32 v29, v43  }
0x329: {  	v62 =	vadd.s32 v18, v42;
	[tilespmem:v53+s21+$0x0] =	vst.idx.msk $0xffff, v3;
	v3 =	vmul.f32 $8.000000000e+00, v54  }
0x32a: {  	[tilespmem:v55+s21+$0x0] =	vst.idx.msk $0xffff, v0;
	v0 =	vmul.f32 $8.000000000e+00, v56  }
0x32b: {  	[tilespmem:v58+s21+$0x0] =	vst.idx.msk $0xffff, v3;
	v3 =	vmul.f32 $8.000000000e+00, v59  }
0x32c: {  	[tilespmem:v60+s21+$0x0] =	vst.idx.msk $0xffff, v0;
	v0 =	vmul.f32 $8.000000000e+00, v61  }
0x32d: {  	[tilespmem:v2+s21+$0x0] =	vst.idx.msk $0xffff, v3  }
0x32e: {  	s1 =	simm.s32 $0x18600;
	s15 =	sadd.s32 s5, s9;
	[tilespmem:v62+s21+$0x0] =	vst.idx.msk $0xffff, v0  }
0x32f: {  	[hbm4b:s15+s3] =	stream.linear.scatter [tilespmem:s1], [sflag:$0xA], $0x80, $0x38;
	[tilespmem:$0x1A800] =	vst v63  }
0x330: {  	s18 =	simm.s32 $0x18688;
	s2 =	sadd.s32 $0x10, s15  }
0x331: {  	[hbm4b:s2+s3] =	stream.linear.scatter [tilespmem:s18], [sflag:$0xA], $0x80, $0x38;
	[tilespmem:$0x1A800] =	vst v63  }
0x332: {  	s17 =	simm.s32 $0x18710;
	s18 =	sadd.s32 $0x20, s15  }
0x333: {  	[hbm4b:s18+s3] =	stream.linear.scatter [tilespmem:s17], [sflag:$0xA], $0x80, $0x38;
	[tilespmem:$0x1A800] =	vst v63  }
0x334: {  	s17 =	simm.s32 $0x18798;
	s18 =	sadd.s32 $0x30, s15  }
0x335: {  	[hbm4b:s18+s3] =	stream.linear.scatter [tilespmem:s17], [sflag:$0xA], $0x80, $0x38;
	[tilespmem:$0x1A800] =	vst v63  }
0x336: {  	s17 =	simm.s32 $0x18820;
	s18 =	sadd.s32 $0x40, s15  }
0x337: {  	[hbm4b:s18+s3] =	stream.linear.scatter [tilespmem:s17], [sflag:$0xA], $0x80, $0x38;
	[tilespmem:$0x1A800] =	vst v63  }
0x338: {  	s30 =	sadd.s32 $0x1000, s15;
	s17 =	simm.s32 $0x188A8;
	s18 =	sadd.s32 $0x50, s15  }
0x339: {  	[hbm4b:s18+s3] =	stream.linear.scatter [tilespmem:s17], [sflag:$0xA], $0x80, $0x38;
	[tilespmem:$0x1A800] =	vst v63  }
0x33a: {  	s1 =	sadd.s32 $0x70, s15;
	s17 =	simm.s32 $0x18930;
	s18 =	sadd.s32 $0x60, s15  }
0x33b: {  	[hbm4b:s18+s3] =	stream.linear.scatter [tilespmem:s17], [sflag:$0xA], $0x80, $0x38;
	[tilespmem:$0x1A800] =	vst v63  }
0x33c: {  	s2 =	simm.s32 $0x189B8;
	s17 =	simm.s32 $0x440;
	s18 =	simm.s32 $0x2200  }
.LBB2_21:
0x33d: {  	[hbm4b:s1+s3] =	stream.linear.scatter [tilespmem:s2], [sflag:$0xA], $0x80, $0x38;
	[tilespmem:$0x1A800] =	vst v63  }
0x33e: {  	s1 =	smov.u32 s17;
	s2 =	smov.u32 s18  }
0x33f: {  	s15 =	sadd.s32 $0x1100, s18;
	s17 =	sshra.s32 s2, $0x2;
	s2 =	sadd.s32 $0x18600, s1  }
0x340: {  	[hbm4b:s30+s3] =	stream.linear.scatter [tilespmem:s2], [sflag:$0xA], $0x80, $0x38;
	[tilespmem:$0x1A800] =	vst v63  }
0x341: {  	p1 =	sne.s32 s18, $0x7700;
	s18 =	sadd.s32 $0x10, s30;
	s2 =	sadd.s32 $0x18688, s1  }
0x342: {  	[hbm4b:s18+s3] =	stream.linear.scatter [tilespmem:s2], [sflag:$0xA], $0x80, $0x38;
	[tilespmem:$0x1A800] =	vst v63  }
0x343: {  	s2 =	sadd.s32 $0x18710, s1;
	s18 =	sadd.s32 $0x20, s30  }
0x344: {  	[hbm4b:s18+s3] =	stream.linear.scatter [tilespmem:s2], [sflag:$0xA], $0x80, $0x38;
	[tilespmem:$0x1A800] =	vst v63  }
0x345: {  	s2 =	sadd.s32 $0x18798, s1;
	s18 =	sadd.s32 $0x30, s30  }
0x346: {  	[hbm4b:s18+s3] =	stream.linear.scatter [tilespmem:s2], [sflag:$0xA], $0x80, $0x38;
	[tilespmem:$0x1A800] =	vst v63  }
0x347: {  	s2 =	sadd.s32 $0x18820, s1;
	s18 =	sadd.s32 $0x40, s30  }
0x348: {  	[hbm4b:s18+s3] =	stream.linear.scatter [tilespmem:s2], [sflag:$0xA], $0x80, $0x38;
	[tilespmem:$0x1A800] =	vst v63  }
0x349: {  	s2 =	sadd.s32 $0x188A8, s1;
	s18 =	sadd.s32 $0x50, s30  }
0x34a: {  	[hbm4b:s18+s3] =	stream.linear.scatter [tilespmem:s2], [sflag:$0xA], $0x80, $0x38;
	[tilespmem:$0x1A800] =	vst v63  }
.Ltmp12:
0x34b: {  	_ = 	snop;
	(pc) =	sbr.rel @p1 .LBB2_21-.Ltmp12, $4  }
0x34c: {  	s2 =	sadd.s32 $0x18930, s1;
	s18 =	sadd.s32 $0x60, s30  }
0x34d: {  	[hbm4b:s18+s3] =	stream.linear.scatter [tilespmem:s2], [sflag:$0xA], $0x80, $0x38;
	[tilespmem:$0x1A800] =	vst v63  }
0x34e: {  	s2 =	sadd.s32 $0x189B8, s1  }
0x34f: {  	s1 =	sadd.s32 $0x70, s30;
	s30 =	sadd.s32 $0x1000, s30;
	s18 =	smov.u32 s15  }
0x350: {  	[hbm4b:s1+s3] =	stream.linear.scatter [tilespmem:s2], [sflag:$0xA], $0x80, $0x38;
	[tilespmem:$0x1A800] =	vst v63  }
0x351: {  	s2 =	sadd.s32 $0x18600, s17  }
0x352: {  	[hbm4b:s30+s3] =	stream.linear.scatter [tilespmem:s2], [sflag:$0xA], $0x80, $0x38;
	[tilespmem:$0x1A800] =	vst v63  }
0x353: {  	s15 =	sadd.s32 $0x18688, s17;
	s18 =	sadd.s32 $0x10, s30  }
0x354: {  	[hbm4b:s18+s3] =	stream.linear.scatter [tilespmem:s15], [sflag:$0xA], $0x80, $0x38;
	[tilespmem:$0x1A800] =	vst v63  }
0x355: {  	s15 =	sadd.s32 $0x18710, s17;
	s18 =	sadd.s32 $0x20, s30  }
0x356: {  	[hbm4b:s18+s3] =	stream.linear.scatter [tilespmem:s15], [sflag:$0xA], $0x80, $0x38;
	[tilespmem:$0x1A800] =	vst v63  }
0x357: {  	s15 =	sadd.s32 $0x18798, s17;
	s18 =	sadd.s32 $0x30, s30  }
0x358: {  	[hbm4b:s18+s3] =	stream.linear.scatter [tilespmem:s15], [sflag:$0xA], $0x80, $0x38;
	[tilespmem:$0x1A800] =	vst v63  }
0x359: {  	s15 =	sadd.s32 $0x18820, s17;
	s18 =	sadd.s32 $0x40, s30  }
0x35a: {  	[hbm4b:s18+s3] =	stream.linear.scatter [tilespmem:s15], [sflag:$0xA], $0x80, $0x38;
	[tilespmem:$0x1A800] =	vst v63  }
0x35b: {  	s15 =	sadd.s32 $0x188A8, s17;
	s18 =	sadd.s32 $0x50, s30  }
0x35c: {  	[hbm4b:s18+s3] =	stream.linear.scatter [tilespmem:s15], [sflag:$0xA], $0x80, $0x38;
	[tilespmem:$0x1A800] =	vst v63  }
0x35d: {  	s2 =	sadd.s32 $0x18930, s17;
	s15 =	sadd.s32 $0x60, s30  }
0x35e: {  	[hbm4b:s15+s3] =	stream.linear.scatter [tilespmem:s2], [sflag:$0xA], $0x80, $0x38;
	[tilespmem:$0x1A800] =	vst v63  }
0x35f: {  	s17 =	sadd.s32 $0x189B8, s17;
	s18 =	sadd.s32 $0x70, s30  }
0x360: {  	[hbm4b:s18+s3] =	stream.linear.scatter [tilespmem:s17], [sflag:$0xA], $0x80, $0x38;
	[tilespmem:$0x1A800] =	vst v63  }
0x361: {  	s1 =	sadd.s32 @!p0 $0x580, s14;
	s2 =	simm.s32 @!p0 $0x80;
	s15 =	simm.s32 @!p0 $0xC400  }
0x362: {  	[tilespmem:s15], [sflag:$0x4] =	stream.indirect.gather @!p0 [hbm4b:s4+s2], $0x40, s1, s2, $0xb8;
	[tilespmem:$0x1A800] =	vst v63  }
0x363: {  	_ =	swait.ge [sflag:s25], $0x2000  }
0x364: {  	[sflag:s25] =	ssyncset.done $0x0  }
0x365: {  	s17 =	simm.s32 $0x2;
	s18 =	simm.s32 $0x3;
	[sflag:s25] =	ssyncadd.s32 $0xFFFFE000  }
0x366: {  	v3 =	vmov s17;
	v4 =	vmov s18;
	s17 =	simm.s32 $0x5;
	_ =	swait.ge [sflag:s23], $0x2000  }
0x367: {  	s2 =	simm.s32 $0x0;
	s15 =	simm.s32 $0x1;
	v33 =	vmov s17;
	s17 =	simm.s32 $0x7;
	v4 =	vshrl.u32 v4, $0x3;
	v22 =	vld [tilespmem:$0x1FFD0]  }
0x368: {  	v0 =	vmov s2;
	v2 =	vmov s15;
	v35 =	vmov s17;
	v6 =	vld [tilespmem:$0x1FE60]  }
0x369: {  	v4 =	vshll.u32 v4, v1;
	v0 =	vshrl.u32 v0, $0x3;
	v2 =	vshrl.u32 v2, $0x3;
	[sflag:s23] =	ssyncset.done $0x0;
	v7 =	vld [tilespmem:$0x1FEA0]  }
0x36a: {  	s17 =	simm.s32 $0xE500;
	v35 =	vshrl.u32 v35, $0x3;
	v36 =	vbroadcast v4, $0x0;
	v0 =	vshll.u32 v0, v1;
	v4 =	vld [tilespmem:$0x1FEE0];
	[sflag:s23] =	ssyncadd.s32 $0xFFFFE000  }
0x36b: {  	v35 =	vshll.u32 v35, v1;
	v2 =	vshll.u32 v2, v1;
	v39 =	vbroadcast v0, $0x0;
	v0 =	vld [tilespmem:s17+$0xC0]  }
0x36c: {  	v41 =	vbroadcast v35, $0x0;
	v40 =	vbroadcast v2, $0x0;
	v38 =	vld [tilespmem:s17+$0xFFFFFF00]  }
0x36d: {  	v42 =	vld [tilespmem:s17+$0xFFFFFF40]  }
0x36e: {  	s15 =	simm.s32 $0x4;
	v2 =	vadd.s32 v22, v41;
	v45 =	vadd.s32 v7, v40;
	v7 =	vld [tilespmem:$0x1FF10]  }
0x36f: {  	v3 =	vshrl.u32 v3, $0x3;
	v5 =	vmov s15;
	v44 =	vld [tilespmem:s17+$0xFFFFFF80];
	v43 =	vadd.s32 v6, v39  }
0x370: {  	v3 =	vshll.u32 v3, v1;
	v5 =	vshrl.u32 v5, $0x3;
	v46 =	vld [tilespmem:s17+$0xFFFFFFC0]  }
0x371: {  	s18 =	simm.s32 $0x6;
	v37 =	vbroadcast v3, $0x0;
	v5 =	vshll.u32 v5, v1;
	v47 =	vld [tilespmem:s17+$0x0];
	v0 =	vmul.f32 $8.000000000e+00, v0  }
0x372: {  	v34 =	vmov s18;
	v35 =	vbroadcast v5, $0x0;
	v48 =	vld [tilespmem:s17+$0x40];
	v5 =	vmul.f32 $8.000000000e+00, v38  }
0x373: {  	v34 =	vshrl.u32 v34, $0x3;
	v4 =	vadd.s32 v4, v37;
	v56 =	vadd.s32 v7, v36;
	v7 =	vld [tilespmem:$0x1FF40];
	[tilespmem:v2+s16+$0x0] =	vst.idx.msk $0xffff, v0  }
0x374: {  	v3 =	vshll.u32 v34, v1;
	v50 =	vld [tilespmem:s17+$0x80];
	v42 =	vmul.f32 $8.000000000e+00, v42;
	[tilespmem:v43+s16+$0x0] =	vst.idx.msk $0xffff, v5  }
0x375: {  	v34 =	vbroadcast v3, $0x0;
	v3 =	vld [tilespmem:$0x1FF70]  }
0x376: {  	v33 =	vshrl.u32 v33, $0x3;
	v2 =	vmul.f32 $8.000000000e+00, v44;
	v5 =	vld [tilespmem:s17+$0xD0];
	[tilespmem:v45+s16+$0x0] =	vst.idx.msk $0xffff, v42  }
0x377: {  	v33 =	vshll.u32 v33, v1;
	v30 =	vld [tilespmem:$0x1FFA0]  }
0x378: {  	v33 =	vbroadcast v33, $0x0;
	v57 =	vmul.f32 $8.000000000e+00, v46;
	v43 =	vld [tilespmem:s17+$0xFFFFFF10];
	[tilespmem:v4+s16+$0x0] =	vst.idx.msk $0xffff, v2;
	v49 =	vadd.s32 v7, v35  }
0x379: {  	v7 =	vld [tilespmem:$0x1FE70]  }
0x37a: {  	v59 =	vld [tilespmem:s17+$0xFFFFFF50];
	[tilespmem:v56+s16+$0x0] =	vst.idx.msk $0xffff, v57;
	v3 =	vadd.s32 v3, v33  }
0x37b: {  	v2 =	vmul.f32 $8.000000000e+00, v47;
	v11 =	vld [tilespmem:$0x1FEB0]  }
0x37c: {  	v52 =	vld [tilespmem:s17+$0xFFFFFF90];
	v58 =	vadd.s32 v30, v34  }
0x37d: {  	v60 =	vmul.f32 $8.000000000e+00, v48;
	v4 =	vadd.s32 v63, v41;
	v53 =	vld [tilespmem:s17+$0xFFFFFFD0];
	[tilespmem:v49+s16+$0x0] =	vst.idx.msk $0xffff, v2  }
0x37e: {  	v51 =	vadd.s32 v7, v39;
	v15 =	vld [tilespmem:$0x1FEF0]  }
0x37f: {  	v2 =	vmul.f32 $8.000000000e+00, v50;
	v54 =	vld [tilespmem:s17+$0x10];
	[tilespmem:v3+s16+$0x0] =	vst.idx.msk $0xffff, v60  }
0x380: {  	v48 =	vadd.s32 v11, v40;
	v3 =	vmul.f32 $8.000000000e+00, v5;
	v19 =	vld [tilespmem:$0x1FF20]  }
0x381: {  	v61 =	vmul.f32 $8.000000000e+00, v43;
	v55 =	vld [tilespmem:s17+$0x50];
	[tilespmem:v58+s16+$0x0] =	vst.idx.msk $0xffff, v2  }
0x382: {  	v23 =	vld [tilespmem:$0x1FF50];
	[tilespmem:v4+s16+$0x0] =	vst.idx.msk $0xffff, v3  }
0x383: {  	v32 =	vmul.f32 $8.000000000e+00, v59;
	v56 =	vld [tilespmem:s17+$0x90];
	[tilespmem:v51+s16+$0x0] =	vst.idx.msk $0xffff, v61;
	v50 =	vadd.s32 v15, v37  }
0x384: {  	v27 =	vld [tilespmem:$0x1FF80]  }
0x385: {  	v60 =	vld [tilespmem:s17+$0xE0];
	[tilespmem:v48+s16+$0x0] =	vst.idx.msk $0xffff, v32;
	v62 =	vadd.s32 v19, v36  }
0x386: {  	s15 =	simm.s32 $0xA;
	v3 =	vmul.f32 $8.000000000e+00, v52;
	v31 =	vld [tilespmem:$0x1FFB0]  }
0x387: {  	v47 =	vmov s15;
	v51 =	vld [tilespmem:s17+$0xFFFFFF20];
	v46 =	vadd.s32 v23, v35  }
0x388: {  	v52 =	vshrl.u32 v47, $0x3;
	v61 =	vmul.f32 $8.000000000e+00, v53;
	v47 =	vld [tilespmem:s17+$0xFFFFFF60];
	[tilespmem:v50+s16+$0x0] =	vst.idx.msk $0xffff, v3  }
0x389: {  	v4 =	vadd.s32 v27, v33;
	v8 =	vld [tilespmem:$0x1FE80]  }
0x38a: {  	v3 =	vmul.f32 $8.000000000e+00, v54;
	v57 =	vld [tilespmem:s17+$0xFFFFFFA0];
	[tilespmem:v62+s16+$0x0] =	vst.idx.msk $0xffff, v61  }
0x38b: {  	v48 =	vadd.s32 v31, v34;
	v12 =	vld [tilespmem:$0x1FEC0]  }
0x38c: {  	v62 =	vmul.f32 $8.000000000e+00, v55;
	v58 =	vld [tilespmem:s17+$0xFFFFFFE0];
	[tilespmem:v46+s16+$0x0] =	vst.idx.msk $0xffff, v3  }
0x38d: {  	s18 =	simm.s32 $0x8;
	v50 =	vadd.s32 v9, v41;
	v16 =	vld [tilespmem:$0x1FF00]  }
0x38e: {  	v0 =	vmov s18;
	s18 =	simm.s32 $0xB;
	v3 =	vmul.f32 $8.000000000e+00, v56;
	v59 =	vld [tilespmem:s17+$0x20];
	[tilespmem:v4+s16+$0x0] =	vst.idx.msk $0xffff, v62;
	v54 =	vadd.s32 v8, v39  }
0x38f: {  	v0 =	vshrl.u32 v0, $0x3;
	v42 =	vmov s18;
	s18 =	simm.s32 $0xE;
	v20 =	vld [tilespmem:$0x1FF30]  }
0x390: {  	v2 =	vmov s18;
	v4 =	vmul.f32 $8.000000000e+00, v60;
	v61 =	vld [tilespmem:s17+$0x60];
	[tilespmem:v48+s16+$0x0] =	vst.idx.msk $0xffff, v3;
	v32 =	vadd.s32 v12, v40  }
0x391: {  	v53 =	vshrl.u32 v42, $0x3;
	v42 =	vshrl.u32 v2, $0x3;
	v2 =	vmul.f32 $8.000000000e+00, v51;
	v24 =	vld [tilespmem:$0x1FF60]  }
0x392: {  	v0 =	vshll.u32 v0, v1;
	v62 =	vld [tilespmem:s17+$0xA0];
	[tilespmem:v50+s16+$0x0] =	vst.idx.msk $0xffff, v4;
	v46 =	vadd.s32 v16, v37  }
0x393: {  	v38 =	vbroadcast v0, $0x0;
	v0 =	vmul.f32 $8.000000000e+00, v47;
	v56 =	vld [tilespmem:s17+$0xF0];
	[tilespmem:v54+s16+$0x0] =	vst.idx.msk $0xffff, v2  }
0x394: {  	v28 =	vld [tilespmem:$0x1FF90]  }
0x395: {  	v60 =	vadd.s32 v20, v36;
	v2 =	vmul.f32 $8.000000000e+00, v57;
	v50 =	vld [tilespmem:s17+$0xFFFFFF30];
	[tilespmem:v32+s16+$0x0] =	vst.idx.msk $0xffff, v0  }
0x396: {  	v32 =	vld [tilespmem:$0x1FFC0]  }
0x397: {  	s2 =	simm.s32 $0x9;
	v44 =	vshll.u32 v52, v1;
	v3 =	vadd.s32 v24, v35;
	v52 =	vld [tilespmem:s17+$0xFFFFFF70];
	[tilespmem:v46+s16+$0x0] =	vst.idx.msk $0xffff, v2  }
0x398: {  	v45 =	vmov s2;
	s2 =	simm.s32 $0xC;
	v0 =	vmul.f32 $8.000000000e+00, v58;
	v26 =	vld [tilespmem:$0x1FFE0]  }
0x399: {  	v49 =	vmov s2;
	v10 =	vld [tilespmem:$0x1FE90]  }
0x39a: {  	v43 =	vshrl.u32 v49, $0x3;
	v2 =	vmul.f32 $8.000000000e+00, v59;
	v49 =	vld [tilespmem:s17+$0xFFFFFFB0];
	[tilespmem:v60+s16+$0x0] =	vst.idx.msk $0xffff, v0  }
0x39b: {  	v13 =	vld [tilespmem:$0x1FED0]  }
0x39c: {  	s15 =	simm.s32 $0xD;
	v54 =	vld [tilespmem:s17+$0xFFFFFFF0];
	[tilespmem:v3+s16+$0x0] =	vst.idx.msk $0xffff, v2  }
0x39d: {  	v45 =	vshrl.u32 v45, $0x3;
	v5 =	vmov s15;
	v17 =	vld [tilespmem:$0x1FE10]  }
0x39e: {  	v5 =	vshrl.u32 v5, $0x3;
	v47 =	vshll.u32 v45, v1;
	v45 =	vshll.u32 v53, v1;
	v21 =	vld [tilespmem:$0x1FE20]  }
0x39f: {  	v46 =	vshll.u32 v43, v1;
	v43 =	vshll.u32 v5, v1;
	v55 =	vadd.s32 v28, v33;
	v25 =	vld [tilespmem:$0x1FE30]  }
0x3a0: {  	v51 =	vadd.s32 v32, v34;
	v29 =	vld [tilespmem:$0x1FE40];
	v53 =	vadd.s32 v26, v41;
	v48 =	vadd.s32 v10, v39  }
0x3a1: {  	s30 =	simm.s32 $0x10;
	s18 =	simm.s32 $0xF;
	v18 =	vld [tilespmem:$0x1FE50];
	v39 =	vmul.f32 $8.000000000e+00, v61;
	v41 =	vadd.s32 v13, v40;
	v40 =	vmul.f32 $8.000000000e+00, v62  }
.LBB2_23:
0x3a2: {  	v0 =	vmov s18  }
0x3a3: {  	v2 =	vadd.s32 v17, v37;
	v3 =	vld [tilespmem:s17+$0x30];
	v0 =	vshrl.u32 v0, $0x3  }
0x3a4: {  	v61 =	vld [tilespmem:$0x1FEA0];
	[tilespmem:v55+s16+$0x0] =	vst.idx.msk $0xffff, v39;
	v0 =	vshll.u32 v0, v1;
	v5 =	vmul.f32 $8.000000000e+00, v50  }
0x3a5: {  	[tilespmem:v51+s16+$0x0] =	vst.idx.msk $0xffff, v40;
	v62 =	vld [tilespmem:s17+$0x70];
	v40 =	vbroadcast v0, $0x0  }
0x3a6: {  	v4 =	vmul.f32 $8.000000000e+00, v56;
	v56 =	vld [tilespmem:s17+$0xB0];
	s17 =	sadd.s32 $0x200, s17;
	v0 =	vmul.f32 $8.000000000e+00, v49;
	[tilespmem:v48+s16+$0x0] =	vst.idx.msk $0xffff, v5  }
0x3a7: {  	v5 =	vadd.s32 v29, v33;
	v57 =	vld [tilespmem:s17+$0xFFFFFF00]  }
0x3a8: {  	v36 =	vadd.s32 v21, v36;
	v39 =	vmov v38;
	v55 =	vmul.f32 $8.000000000e+00, v52;
	v52 =	vld [tilespmem:$0x1FEE0];
	[tilespmem:v2+s16+$0x0] =	vst.idx.msk $0xffff, v0  }
0x3a9: {  	[tilespmem:v53+s16+$0x0] =	vst.idx.msk $0xffff, v4;
	v0 =	vmul.f32 $8.000000000e+00, v3;
	v2 =	vadd.s32 v6, v39;
	v3 =	vld [tilespmem:s17+$0xFFFFFF80]  }
0x3aa: {  	v35 =	vadd.s32 v25, v35;
	[tilespmem:v41+s16+$0x0] =	vst.idx.msk $0xffff, v55;
	v55 =	vld [tilespmem:$0x1FF10];
	v38 =	vmul.f32 $8.000000000e+00, v62  }
0x3ab: {  	v58 =	vmul.f32 $8.000000000e+00, v54;
	v4 =	vld [tilespmem:s17+$0xC0]  }
0x3ac: {  	v34 =	vadd.s32 v18, v34;
	v59 =	vld [tilespmem:s17+$0xFFFFFF40];
	[tilespmem:v5+s16+$0x0] =	vst.idx.msk $0xffff, v38;
	v5 =	vmul.f32 $8.000000000e+00, v57  }
0x3ad: {  	v60 =	vadd.s32 v22, v40;
	v41 =	vbroadcast v47, $0x0;
	[tilespmem:v36+s16+$0x0] =	vst.idx.msk $0xffff, v58;
	v57 =	vld [tilespmem:$0x1FF40]  }
0x3ae: {  	v37 =	vbroadcast v44, $0x0;
	[tilespmem:v2+s16+$0x0] =	vst.idx.msk $0xffff, v5;
	v2 =	vmul.f32 $8.000000000e+00, v3;
	v3 =	vld [tilespmem:$0x1FF70]  }
0x3af: {  	v36 =	vbroadcast v45, $0x0;
	v48 =	vld [tilespmem:s17+$0xFFFFFFC0];
	v62 =	vadd.s32 v61, v41;
	[tilespmem:v35+s16+$0x0] =	vst.idx.msk $0xffff, v0;
	v0 =	vmul.f32 $8.000000000e+00, v56  }
0x3b0: {  	v35 =	vbroadcast v46, $0x0;
	v53 =	vadd.s32 v52, v37;
	v54 =	vld [tilespmem:s17+$0x0];
	v4 =	vmul.f32 $8.000000000e+00, v4  }
0x3b1: {  	v42 =	vshll.u32 v42, v1;
	v33 =	vbroadcast v43, $0x0;
	v38 =	vadd.s32 v55, v36;
	[tilespmem:v34+s16+$0x0] =	vst.idx.msk $0xffff, v0;
	v56 =	vld [tilespmem:s17+$0x40]  }
0x3b2: {  	s15 =	sadd.s32 $0x2, s30;
	v34 =	vbroadcast v42, $0x0;
	v0 =	vmul.f32 $8.000000000e+00, v59;
	v59 =	vld [tilespmem:s17+$0x80];
	[tilespmem:v60+s16+$0x0] =	vst.idx.msk $0xffff, v4;
	v58 =	vadd.s32 v57, v35  }
0x3b3: {  	v51 =	vadd.s32 v7, v39;
	v50 =	vmov s15;
	v5 =	vld [tilespmem:s17+$0xD0];
	v3 =	vadd.s32 v3, v33  }
0x3b4: {  	v49 =	vadd.s32 v15, v37;
	v61 =	vadd.s32 v30, v34;
	[tilespmem:v62+s16+$0x0] =	vst.idx.msk $0xffff, v0;
	v0 =	vmul.f32 $8.000000000e+00, v48;
	v60 =	vld [tilespmem:s17+$0xFFFFFF10]  }
0x3b5: {  	s1 =	sadd.s32 $0x1, s30;
	s2 =	sadd.s32 $0x4, s30;
	v50 =	vshrl.u32 v50, $0x3;
	v45 =	vadd.s32 v63, v40;
	v62 =	vld [tilespmem:s17+$0xFFFFFF50];
	[tilespmem:v53+s16+$0x0] =	vst.idx.msk $0xffff, v2;
	v2 =	vmul.f32 $8.000000000e+00, v54  }
0x3b6: {  	v47 =	vmov s1;
	v43 =	vmov s2;
	[tilespmem:v38+s16+$0x0] =	vst.idx.msk $0xffff, v0;
	v52 =	vld [tilespmem:s17+$0xFFFFFF90];
	v0 =	vmul.f32 $8.000000000e+00, v56  }
0x3b7: {  	v44 =	vshll.u32 v50, v1;
	v46 =	vadd.s32 v11, v41;
	v63 =	vld [tilespmem:s17+$0xFFFFFFD0];
	[tilespmem:v58+s16+$0x0] =	vst.idx.msk $0xffff, v2;
	v2 =	vmul.f32 $8.000000000e+00, v59  }
0x3b8: {  	v47 =	vshrl.u32 v47, $0x3;
	v43 =	vshrl.u32 v43, $0x3;
	v54 =	vld [tilespmem:s17+$0x10];
	[tilespmem:v3+s16+$0x0] =	vst.idx.msk $0xffff, v0;
	v0 =	vmul.f32 $8.000000000e+00, v5  }
0x3b9: {  	v42 =	vadd.s32 v19, v36;
	v4 =	vmov s30;
	v5 =	vmul.f32 $8.000000000e+00, v60;
	[tilespmem:v61+s16+$0x0] =	vst.idx.msk $0xffff, v2;
	v55 =	vld [tilespmem:s17+$0x50]  }
0x3ba: {  	v4 =	vshrl.u32 v4, $0x3;
	v60 =	vmul.f32 $8.000000000e+00, v62;
	v61 =	vadd.s32 v23, v35;
	v62 =	vld [tilespmem:s17+$0x90];
	[tilespmem:v45+s16+$0x0] =	vst.idx.msk $0xffff, v0  }
0x3bb: {  	v0 =	vshll.u32 v4, v1;
	[tilespmem:v51+s16+$0x0] =	vst.idx.msk $0xffff, v5;
	v4 =	vmul.f32 $8.000000000e+00, v52;
	v5 =	vadd.s32 v27, v33;
	v45 =	vld [tilespmem:s17+$0xE0]  }
0x3bc: {  	v47 =	vshll.u32 v47, v1;
	v63 =	vmul.f32 $8.000000000e+00, v63;
	[tilespmem:v46+s16+$0x0] =	vst.idx.msk $0xffff, v60;
	v46 =	vadd.s32 v31, v34;
	v51 =	vld [tilespmem:s17+$0xFFFFFF20]  }
0x3bd: {  	s18 =	sadd.s32 $0x3, s30;
	v48 =	vadd.s32 v16, v37;
	v52 =	vld [tilespmem:s17+$0xFFFFFF60];
	[tilespmem:v49+s16+$0x0] =	vst.idx.msk $0xffff, v4;
	v4 =	vmul.f32 $8.000000000e+00, v54;
	v49 =	vadd.s32 v9, v40  }
0x3be: {  	v38 =	vmov s18;
	[tilespmem:v42+s16+$0x0] =	vst.idx.msk $0xffff, v63;
	v54 =	vadd.s32 v8, v39;
	v57 =	vld [tilespmem:s17+$0xFFFFFFA0];
	v55 =	vmul.f32 $8.000000000e+00, v55  }
0x3bf: {  	s15 =	sadd.s32 $0x5, s30;
	s18 =	sadd.s32 $0x6, s30;
	v53 =	vshrl.u32 v38, $0x3;
	v58 =	vadd.s32 v12, v41;
	v59 =	vld [tilespmem:s17+$0xFFFFFFE0];
	[tilespmem:v61+s16+$0x0] =	vst.idx.msk $0xffff, v4;
	v4 =	vmul.f32 $8.000000000e+00, v62  }
0x3c0: {  	v3 =	vmov s15;
	v2 =	vmov s18;
	v60 =	vld [tilespmem:s17+$0x20];
	[tilespmem:v5+s16+$0x0] =	vst.idx.msk $0xffff, v55;
	v5 =	vmul.f32 $8.000000000e+00, v45  }
0x3c1: {  	v42 =	vshrl.u32 v2, $0x3;
	v61 =	vadd.s32 v20, v36;
	v2 =	vmul.f32 $8.000000000e+00, v51;
	[tilespmem:v46+s16+$0x0] =	vst.idx.msk $0xffff, v4;
	v62 =	vld [tilespmem:s17+$0x60]  }
0x3c2: {  	p1 =	slt.u32 s30, $0x78;
	v38 =	vbroadcast v0, $0x0;
	v0 =	vmul.f32 $8.000000000e+00, v52;
	v4 =	vadd.s32 v24, v35;
	v63 =	vld [tilespmem:s17+$0xA0];
	[tilespmem:v49+s16+$0x0] =	vst.idx.msk $0xffff, v5  }
.Ltmp13:
0x3c3: {  	v41 =	vadd.s32 v13, v41;
	v3 =	vshrl.u32 v3, $0x3;
	[tilespmem:v54+s16+$0x0] =	vst.idx.msk $0xffff, v2;
	v2 =	vmul.f32 $8.000000000e+00, v57;
	v56 =	vld [tilespmem:s17+$0xF0];
	(pc) =	sbr.rel @p1 .LBB2_23-.Ltmp13, $4  }
0x3c4: {  	v55 =	vadd.s32 v28, v33;
	v51 =	vadd.s32 v32, v34;
	[tilespmem:v58+s16+$0x0] =	vst.idx.msk $0xffff, v0;
	v0 =	vmul.f32 $8.000000000e+00, v59;
	v50 =	vld [tilespmem:s17+$0xFFFFFF30]  }
0x3c5: {  	v45 =	vshll.u32 v53, v1;
	v53 =	vadd.s32 v26, v40;
	v52 =	vld [tilespmem:s17+$0xFFFFFF70];
	[tilespmem:v48+s16+$0x0] =	vst.idx.msk $0xffff, v2;
	v2 =	vmul.f32 $8.000000000e+00, v60  }
0x3c6: {  	v46 =	vshll.u32 v43, v1;
	v43 =	vshll.u32 v3, v1;
	[tilespmem:v61+s16+$0x0] =	vst.idx.msk $0xffff, v0;
	v49 =	vld [tilespmem:s17+$0xFFFFFFB0]  }
0x3c7: {  	s18 =	sadd.s32 $0x7, s30;
	s30 =	sadd.s32 $0x8, s30;
	v48 =	vadd.s32 v10, v39;
	v54 =	vld [tilespmem:s17+$0xFFFFFFF0];
	v39 =	vmul.f32 $8.000000000e+00, v62;
	[tilespmem:v4+s16+$0x0] =	vst.idx.msk $0xffff, v2;
	v40 =	vmul.f32 $8.000000000e+00, v63;
	v63 =	vmovc v14  }
0x3c8: {  	_ =	sdelay $0x3  }
0x3c9: {  	v0 =	vmov s18;
	v2 =	vadd.s32 v17, v37;
	v3 =	vld [tilespmem:s17+$0x30];
	v4 =	vmul.f32 $8.000000000e+00, v56;
	[tilespmem:v55+s16+$0x0] =	vst.idx.msk $0xffff, v39  }
0x3ca: {  	v36 =	vadd.s32 v21, v36;
	v0 =	vshrl.u32 v0, $0x3;
	v5 =	vmul.f32 $8.000000000e+00, v50;
	[tilespmem:v51+s16+$0x0] =	vst.idx.msk $0xffff, v40;
	v56 =	vld [tilespmem:s17+$0x70]  }
0x3cb: {  	v35 =	vadd.s32 v25, v35;
	s15 =	sadd.s32 $0x200, s17;
	v0 =	vshll.u32 v0, v1;
	v57 =	vmul.f32 $8.000000000e+00, v52;
	v40 =	vld [tilespmem:s17+$0xB0];
	[tilespmem:v53+s16+$0x0] =	vst.idx.msk $0xffff, v4  }
0x3cc: {  	v33 =	vadd.s32 v29, v33;
	v58 =	vld [tilespmem:s15+$0xC0];
	v0 =	vbroadcast v0, $0x0;
	[tilespmem:v48+s16+$0x0] =	vst.idx.msk $0xffff, v5;
	v59 =	vmul.f32 $8.000000000e+00, v49  }
0x3cd: {  	v34 =	vadd.s32 v18, v34;
	v60 =	vld [tilespmem:s15+$0xFFFFFF00];
	[tilespmem:v41+s16+$0x0] =	vst.idx.msk $0xffff, v57;
	v61 =	vmul.f32 $8.000000000e+00, v54  }
0x3ce: {  	v49 =	vadd.s32 v22, v0;
	[tilespmem:v2+s16+$0x0] =	vst.idx.msk $0xffff, v59;
	v2 =	vmul.f32 $8.000000000e+00, v3  }
0x3cf: {  	v62 =	vld [tilespmem:s15+$0xFFFFFF40];
	v3 =	vadd.s32 v6, v38;
	[tilespmem:v36+s16+$0x0] =	vst.idx.msk $0xffff, v61;
	v51 =	vmul.f32 $8.000000000e+00, v56  }
0x3d0: {  	v52 =	vld [tilespmem:$0x1FEA0];
	[tilespmem:v35+s16+$0x0] =	vst.idx.msk $0xffff, v2;
	v2 =	vmul.f32 $8.000000000e+00, v40  }
0x3d1: {  	v4 =	vmul.f32 $8.000000000e+00, v58;
	v54 =	vld [tilespmem:$0x1FEE0];
	[tilespmem:v33+s16+$0x0] =	vst.idx.msk $0xffff, v51  }
0x3d2: {  	v57 =	vmul.f32 $8.000000000e+00, v60;
	v58 =	vld [tilespmem:$0x1FF10];
	[tilespmem:v34+s16+$0x0] =	vst.idx.msk $0xffff, v2  }
0x3d3: {  	v61 =	vld [tilespmem:$0x1FF40];
	[tilespmem:v49+s16+$0x0] =	vst.idx.msk $0xffff, v4  }
0x3d4: {  	v47 =	vbroadcast v47, $0x0;
	v5 =	vld [tilespmem:s15+$0xFFFFFF80];
	[tilespmem:v3+s16+$0x0] =	vst.idx.msk $0xffff, v57  }
0x3d5: {  	v44 =	vbroadcast v44, $0x0;
	v4 =	vld [tilespmem:$0x1FF70]  }
0x3d6: {  	v45 =	vbroadcast v45, $0x0;
	v53 =	vld [tilespmem:s15+$0xFFFFFFC0];
	v37 =	vadd.s32 v52, v47  }
0x3d7: {  	v46 =	vbroadcast v46, $0x0;
	v56 =	vld [tilespmem:s15+$0x0];
	v55 =	vadd.s32 v54, v44  }
0x3d8: {  	v42 =	vshll.u32 v42, v1;
	v43 =	vbroadcast v43, $0x0;
	v60 =	vld [tilespmem:s15+$0x40];
	v59 =	vadd.s32 v58, v45  }
0x3d9: {  	v42 =	vbroadcast v42, $0x0;
	v22 =	vld [tilespmem:s15+$0x80];
	v2 =	vmul.f32 $8.000000000e+00, v62;
	v62 =	vadd.s32 v61, v46  }
0x3da: {  	v3 =	vmul.f32 $8.000000000e+00, v5;
	v33 =	vld [tilespmem:s15+$0xFFFFFF10];
	v4 =	vadd.s32 v4, v43  }
0x3db: {  	v52 =	vld [tilespmem:s15+$0xD0];
	[tilespmem:v37+s16+$0x0] =	vst.idx.msk $0xffff, v2;
	v2 =	vmul.f32 $8.000000000e+00, v53;
	v53 =	vadd.s32 v30, v42  }
0x3dc: {  	v54 =	vld [tilespmem:s15+$0xFFFFFF50];
	[tilespmem:v55+s16+$0x0] =	vst.idx.msk $0xffff, v3;
	v3 =	vmul.f32 $8.000000000e+00, v56;
	v56 =	vadd.s32 v7, v38  }
0x3dd: {  	v55 =	vadd.s32 v63, v0;
	v57 =	vld [tilespmem:s15+$0xFFFFFF90];
	[tilespmem:v59+s16+$0x0] =	vst.idx.msk $0xffff, v2;
	v2 =	vmul.f32 $8.000000000e+00, v60  }
0x3de: {  	v58 =	vadd.s32 v11, v47;
	v59 =	vld [tilespmem:s15+$0xFFFFFFD0];
	[tilespmem:v62+s16+$0x0] =	vst.idx.msk $0xffff, v3;
	v3 =	vmul.f32 $8.000000000e+00, v22  }
0x3df: {  	v60 =	vadd.s32 v15, v44;
	v62 =	vmul.f32 $8.000000000e+00, v33;
	v61 =	vld [tilespmem:s15+$0x10];
	[tilespmem:v4+s16+$0x0] =	vst.idx.msk $0xffff, v2  }
0x3e0: {  	v22 =	vadd.s32 v19, v45;
	v2 =	vmul.f32 $8.000000000e+00, v52;
	v30 =	vld [tilespmem:s15+$0x50];
	[tilespmem:v53+s16+$0x0] =	vst.idx.msk $0xffff, v3  }
0x3e1: {  	v52 =	vadd.s32 v23, v46;
	v3 =	vmul.f32 $8.000000000e+00, v54;
	[tilespmem:v56+s16+$0x0] =	vst.idx.msk $0xffff, v62;
	v53 =	vld [tilespmem:s15+$0x90]  }
0x3e2: {  	v54 =	vadd.s32 v27, v43;
	[tilespmem:v55+s16+$0x0] =	vst.idx.msk $0xffff, v2;
	v2 =	vmul.f32 $8.000000000e+00, v57;
	v40 =	vld [tilespmem:s15+$0xFFFFFF20]  }
0x3e3: {  	v55 =	vadd.s32 v31, v42;
	v35 =	vld [tilespmem:s15+$0xE0];
	[tilespmem:v58+s16+$0x0] =	vst.idx.msk $0xffff, v3;
	v3 =	vmul.f32 $8.000000000e+00, v59  }
0x3e4: {  	v58 =	vadd.s32 v8, v38;
	v56 =	vld [tilespmem:s15+$0xFFFFFF60];
	[tilespmem:v60+s16+$0x0] =	vst.idx.msk $0xffff, v2;
	v2 =	vmul.f32 $8.000000000e+00, v61  }
0x3e5: {  	v57 =	vadd.s32 v9, v0;
	v59 =	vld [tilespmem:s15+$0xFFFFFFA0];
	[tilespmem:v22+s16+$0x0] =	vst.idx.msk $0xffff, v3;
	v3 =	vmul.f32 $8.000000000e+00, v30  }
0x3e6: {  	v60 =	vadd.s32 v12, v47;
	v61 =	vld [tilespmem:s15+$0xFFFFFFE0];
	[tilespmem:v52+s16+$0x0] =	vst.idx.msk $0xffff, v2;
	v2 =	vmul.f32 $8.000000000e+00, v53  }
0x3e7: {  	v62 =	vadd.s32 v16, v44;
	v19 =	vmul.f32 $8.000000000e+00, v40;
	v16 =	vld [tilespmem:s15+$0x20];
	[tilespmem:v54+s16+$0x0] =	vst.idx.msk $0xffff, v3  }
0x3e8: {  	v22 =	vadd.s32 v20, v45;
	v3 =	vmul.f32 $8.000000000e+00, v35;
	v23 =	vld [tilespmem:s15+$0x60];
	[tilespmem:v55+s16+$0x0] =	vst.idx.msk $0xffff, v2  }
0x3e9: {  	v27 =	vadd.s32 v24, v46;
	v2 =	vmul.f32 $8.000000000e+00, v56;
	[tilespmem:v58+s16+$0x0] =	vst.idx.msk $0xffff, v19;
	v30 =	vld [tilespmem:s15+$0xA0]  }
0x3ea: {  	v31 =	vadd.s32 v28, v43;
	[tilespmem:v57+s16+$0x0] =	vst.idx.msk $0xffff, v3;
	v3 =	vmul.f32 $8.000000000e+00, v59;
	v41 =	vld [tilespmem:s15+$0xFFFFFF30]  }
0x3eb: {  	v49 =	vadd.s32 v32, v42;
	v34 =	vld [tilespmem:s15+$0xF0];
	[tilespmem:v60+s16+$0x0] =	vst.idx.msk $0xffff, v2;
	v2 =	vmul.f32 $8.000000000e+00, v61  }
0x3ec: {  	v51 =	vadd.s32 v10, v38;
	v50 =	vld [tilespmem:s15+$0xFFFFFF70];
	[tilespmem:v62+s16+$0x0] =	vst.idx.msk $0xffff, v3;
	v3 =	vmul.f32 $8.000000000e+00, v16  }
0x3ed: {  	v0 =	vadd.s32 v26, v0;
	v52 =	vld [tilespmem:s15+$0xFFFFFFB0];
	[tilespmem:v22+s16+$0x0] =	vst.idx.msk $0xffff, v2;
	v2 =	vmul.f32 $8.000000000e+00, v23  }
0x3ee: {  	v53 =	vadd.s32 v13, v47;
	v54 =	vld [tilespmem:s15+$0xFFFFFFF0];
	[tilespmem:v27+s16+$0x0] =	vst.idx.msk $0xffff, v3;
	v3 =	vmul.f32 $8.000000000e+00, v30  }
0x3ef: {  	v55 =	vadd.s32 v17, v44;
	v57 =	vmul.f32 $8.000000000e+00, v41;
	v56 =	vld [tilespmem:s15+$0x30];
	[tilespmem:v31+s16+$0x0] =	vst.idx.msk $0xffff, v2  }
0x3f0: {  	v58 =	vadd.s32 v21, v45;
	v2 =	vmul.f32 $8.000000000e+00, v34;
	v59 =	vld [tilespmem:s15+$0x70];
	[tilespmem:v49+s16+$0x0] =	vst.idx.msk $0xffff, v3  }
0x3f1: {  	v60 =	vadd.s32 v25, v46;
	v3 =	vmul.f32 $8.000000000e+00, v50;
	[tilespmem:v51+s16+$0x0] =	vst.idx.msk $0xffff, v57;
	v61 =	vld [tilespmem:s15+$0xB0]  }
0x3f2: {  	[tilespmem:v0+s16+$0x0] =	vst.idx.msk $0xffff, v2;
	v0 =	vmul.f32 $8.000000000e+00, v52;
	v2 =	vadd.s32 v29, v43  }
0x3f3: {  	v62 =	vadd.s32 v18, v42;
	[tilespmem:v53+s16+$0x0] =	vst.idx.msk $0xffff, v3;
	v3 =	vmul.f32 $8.000000000e+00, v54  }
0x3f4: {  	[tilespmem:v55+s16+$0x0] =	vst.idx.msk $0xffff, v0;
	v0 =	vmul.f32 $8.000000000e+00, v56  }
0x3f5: {  	[tilespmem:v58+s16+$0x0] =	vst.idx.msk $0xffff, v3;
	v3 =	vmul.f32 $8.000000000e+00, v59  }
0x3f6: {  	[tilespmem:v60+s16+$0x0] =	vst.idx.msk $0xffff, v0;
	v0 =	vmul.f32 $8.000000000e+00, v61  }
0x3f7: {  	[tilespmem:v2+s16+$0x0] =	vst.idx.msk $0xffff, v3  }
0x3f8: {  	s1 =	simm.s32 $0x16400;
	s15 =	sadd.s32 s5, s10;
	[tilespmem:v62+s16+$0x0] =	vst.idx.msk $0xffff, v0  }
0x3f9: {  	[hbm4b:s15+s3] =	stream.linear.scatter [tilespmem:s1], [sflag:$0x9], $0x80, $0x38;
	[tilespmem:$0x1A800] =	vst v63  }
0x3fa: {  	s18 =	simm.s32 $0x16488;
	s2 =	sadd.s32 $0x10, s15  }
0x3fb: {  	[hbm4b:s2+s3] =	stream.linear.scatter [tilespmem:s18], [sflag:$0x9], $0x80, $0x38;
	[tilespmem:$0x1A800] =	vst v63  }
0x3fc: {  	s17 =	simm.s32 $0x16510;
	s18 =	sadd.s32 $0x20, s15  }
0x3fd: {  	[hbm4b:s18+s3] =	stream.linear.scatter [tilespmem:s17], [sflag:$0x9], $0x80, $0x38;
	[tilespmem:$0x1A800] =	vst v63  }
0x3fe: {  	s17 =	simm.s32 $0x16598;
	s18 =	sadd.s32 $0x30, s15  }
0x3ff: {  	[hbm4b:s18+s3] =	stream.linear.scatter [tilespmem:s17], [sflag:$0x9], $0x80, $0x38;
	[tilespmem:$0x1A800] =	vst v63  }
0x400: {  	s17 =	simm.s32 $0x16620;
	s18 =	sadd.s32 $0x40, s15  }
0x401: {  	[hbm4b:s18+s3] =	stream.linear.scatter [tilespmem:s17], [sflag:$0x9], $0x80, $0x38;
	[tilespmem:$0x1A800] =	vst v63  }
0x402: {  	s30 =	sadd.s32 $0x1000, s15;
	s17 =	simm.s32 $0x166A8;
	s18 =	sadd.s32 $0x50, s15  }
0x403: {  	[hbm4b:s18+s3] =	stream.linear.scatter [tilespmem:s17], [sflag:$0x9], $0x80, $0x38;
	[tilespmem:$0x1A800] =	vst v63  }
0x404: {  	s1 =	sadd.s32 $0x70, s15;
	s17 =	simm.s32 $0x16730;
	s18 =	sadd.s32 $0x60, s15  }
0x405: {  	[hbm4b:s18+s3] =	stream.linear.scatter [tilespmem:s17], [sflag:$0x9], $0x80, $0x38;
	[tilespmem:$0x1A800] =	vst v63  }
0x406: {  	s2 =	simm.s32 $0x167B8;
	s17 =	simm.s32 $0x440;
	s18 =	simm.s32 $0x2200  }
.LBB2_25:
0x407: {  	[hbm4b:s1+s3] =	stream.linear.scatter [tilespmem:s2], [sflag:$0x9], $0x80, $0x38;
	[tilespmem:$0x1A800] =	vst v63  }
0x408: {  	s1 =	smov.u32 s17;
	s2 =	smov.u32 s18  }
0x409: {  	s15 =	sadd.s32 $0x1100, s18;
	s17 =	sshra.s32 s2, $0x2;
	s2 =	sadd.s32 $0x16400, s1  }
0x40a: {  	[hbm4b:s30+s3] =	stream.linear.scatter [tilespmem:s2], [sflag:$0x9], $0x80, $0x38;
	[tilespmem:$0x1A800] =	vst v63  }
0x40b: {  	p1 =	sne.s32 s18, $0x7700;
	s18 =	sadd.s32 $0x10, s30;
	s2 =	sadd.s32 $0x16488, s1  }
0x40c: {  	[hbm4b:s18+s3] =	stream.linear.scatter [tilespmem:s2], [sflag:$0x9], $0x80, $0x38;
	[tilespmem:$0x1A800] =	vst v63  }
0x40d: {  	s2 =	sadd.s32 $0x16510, s1;
	s18 =	sadd.s32 $0x20, s30  }
0x40e: {  	[hbm4b:s18+s3] =	stream.linear.scatter [tilespmem:s2], [sflag:$0x9], $0x80, $0x38;
	[tilespmem:$0x1A800] =	vst v63  }
0x40f: {  	s2 =	sadd.s32 $0x16598, s1;
	s18 =	sadd.s32 $0x30, s30  }
0x410: {  	[hbm4b:s18+s3] =	stream.linear.scatter [tilespmem:s2], [sflag:$0x9], $0x80, $0x38;
	[tilespmem:$0x1A800] =	vst v63  }
0x411: {  	s2 =	sadd.s32 $0x16620, s1;
	s18 =	sadd.s32 $0x40, s30  }
0x412: {  	[hbm4b:s18+s3] =	stream.linear.scatter [tilespmem:s2], [sflag:$0x9], $0x80, $0x38;
	[tilespmem:$0x1A800] =	vst v63  }
0x413: {  	s2 =	sadd.s32 $0x166A8, s1;
	s18 =	sadd.s32 $0x50, s30  }
0x414: {  	[hbm4b:s18+s3] =	stream.linear.scatter [tilespmem:s2], [sflag:$0x9], $0x80, $0x38;
	[tilespmem:$0x1A800] =	vst v63  }
.Ltmp14:
0x415: {  	_ = 	snop;
	(pc) =	sbr.rel @p1 .LBB2_25-.Ltmp14, $4  }
0x416: {  	s2 =	sadd.s32 $0x16730, s1;
	s18 =	sadd.s32 $0x60, s30  }
0x417: {  	[hbm4b:s18+s3] =	stream.linear.scatter [tilespmem:s2], [sflag:$0x9], $0x80, $0x38;
	[tilespmem:$0x1A800] =	vst v63  }
0x418: {  	s2 =	sadd.s32 $0x167B8, s1  }
0x419: {  	s1 =	sadd.s32 $0x70, s30;
	s30 =	sadd.s32 $0x1000, s30;
	s18 =	smov.u32 s15  }
0x41a: {  	[hbm4b:s1+s3] =	stream.linear.scatter [tilespmem:s2], [sflag:$0x9], $0x80, $0x38;
	[tilespmem:$0x1A800] =	vst v63  }
0x41b: {  	s2 =	sadd.s32 $0x16400, s17  }
0x41c: {  	[hbm4b:s30+s3] =	stream.linear.scatter [tilespmem:s2], [sflag:$0x9], $0x80, $0x38;
	[tilespmem:$0x1A800] =	vst v63  }
0x41d: {  	s15 =	sadd.s32 $0x16488, s17;
	s18 =	sadd.s32 $0x10, s30  }
0x41e: {  	[hbm4b:s18+s3] =	stream.linear.scatter [tilespmem:s15], [sflag:$0x9], $0x80, $0x38;
	[tilespmem:$0x1A800] =	vst v63  }
0x41f: {  	s15 =	sadd.s32 $0x16510, s17;
	s18 =	sadd.s32 $0x20, s30  }
0x420: {  	[hbm4b:s18+s3] =	stream.linear.scatter [tilespmem:s15], [sflag:$0x9], $0x80, $0x38;
	[tilespmem:$0x1A800] =	vst v63  }
0x421: {  	s15 =	sadd.s32 $0x16598, s17;
	s18 =	sadd.s32 $0x30, s30  }
0x422: {  	[hbm4b:s18+s3] =	stream.linear.scatter [tilespmem:s15], [sflag:$0x9], $0x80, $0x38;
	[tilespmem:$0x1A800] =	vst v63  }
0x423: {  	s15 =	sadd.s32 $0x16620, s17;
	s18 =	sadd.s32 $0x40, s30  }
0x424: {  	[hbm4b:s18+s3] =	stream.linear.scatter [tilespmem:s15], [sflag:$0x9], $0x80, $0x38;
	[tilespmem:$0x1A800] =	vst v63  }
0x425: {  	s15 =	sadd.s32 $0x166A8, s17;
	s18 =	sadd.s32 $0x50, s30  }
0x426: {  	[hbm4b:s18+s3] =	stream.linear.scatter [tilespmem:s15], [sflag:$0x9], $0x80, $0x38;
	[tilespmem:$0x1A800] =	vst v63  }
0x427: {  	s2 =	sadd.s32 $0x16730, s17;
	s15 =	sadd.s32 $0x60, s30  }
0x428: {  	[hbm4b:s15+s3] =	stream.linear.scatter [tilespmem:s2], [sflag:$0x9], $0x80, $0x38;
	[tilespmem:$0x1A800] =	vst v63  }
0x429: {  	s17 =	sadd.s32 $0x167B8, s17;
	s18 =	sadd.s32 $0x70, s30  }
0x42a: {  	[hbm4b:s18+s3] =	stream.linear.scatter [tilespmem:s17], [sflag:$0x9], $0x80, $0x38;
	[tilespmem:$0x1A800] =	vst v63  }
0x42b: {  	s1 =	sadd.s32 @!p0 $0x600, s14;
	s2 =	simm.s32 @!p0 $0x80;
	s15 =	simm.s32 @!p0 $0xE400  }
0x42c: {  	[tilespmem:s15], [sflag:$0x5] =	stream.indirect.gather @!p0 [hbm4b:s4+s2], $0x40, s1, s2, $0xb8;
	[tilespmem:$0x1A800] =	vst v63  }
0x42d: {  	_ =	swait.ge [sflag:s26], $0x2000  }
0x42e: {  	[sflag:s26] =	ssyncset.done $0x0  }
0x42f: {  	s17 =	simm.s32 $0x2;
	s18 =	simm.s32 $0x3;
	[sflag:s26] =	ssyncadd.s32 $0xFFFFE000  }
0x430: {  	v3 =	vmov s17;
	v4 =	vmov s18;
	s17 =	simm.s32 $0x5;
	_ =	swait.ge [sflag:s20], $0x2000  }
0x431: {  	s2 =	simm.s32 $0x0;
	s15 =	simm.s32 $0x1;
	v33 =	vmov s17;
	s17 =	simm.s32 $0x7;
	v4 =	vshrl.u32 v4, $0x3;
	v22 =	vld [tilespmem:$0x1FFD0]  }
0x432: {  	v0 =	vmov s2;
	v2 =	vmov s15;
	v35 =	vmov s17;
	v6 =	vld [tilespmem:$0x1FE60]  }
0x433: {  	v4 =	vshll.u32 v4, v1;
	v0 =	vshrl.u32 v0, $0x3;
	v2 =	vshrl.u32 v2, $0x3;
	[sflag:s20] =	ssyncset.done $0x0;
	v7 =	vld [tilespmem:$0x1FEA0]  }
0x434: {  	s17 =	simm.s32 $0x10500;
	v35 =	vshrl.u32 v35, $0x3;
	v36 =	vbroadcast v4, $0x0;
	v0 =	vshll.u32 v0, v1;
	v4 =	vld [tilespmem:$0x1FEE0];
	[sflag:s20] =	ssyncadd.s32 $0xFFFFE000  }
0x435: {  	v35 =	vshll.u32 v35, v1;
	v2 =	vshll.u32 v2, v1;
	v39 =	vbroadcast v0, $0x0;
	v0 =	vld [tilespmem:s17+$0xC0]  }
0x436: {  	v41 =	vbroadcast v35, $0x0;
	v40 =	vbroadcast v2, $0x0;
	v38 =	vld [tilespmem:s17+$0xFFFFFF00]  }
0x437: {  	v42 =	vld [tilespmem:s17+$0xFFFFFF40]  }
0x438: {  	s15 =	simm.s32 $0x4;
	v2 =	vadd.s32 v22, v41;
	v45 =	vadd.s32 v7, v40;
	v7 =	vld [tilespmem:$0x1FF10]  }
0x439: {  	v3 =	vshrl.u32 v3, $0x3;
	v5 =	vmov s15;
	v44 =	vld [tilespmem:s17+$0xFFFFFF80];
	v43 =	vadd.s32 v6, v39  }
0x43a: {  	v3 =	vshll.u32 v3, v1;
	v5 =	vshrl.u32 v5, $0x3;
	v46 =	vld [tilespmem:s17+$0xFFFFFFC0]  }
0x43b: {  	s18 =	simm.s32 $0x6;
	v37 =	vbroadcast v3, $0x0;
	v5 =	vshll.u32 v5, v1;
	v47 =	vld [tilespmem:s17+$0x0];
	v0 =	vmul.f32 $8.000000000e+00, v0  }
0x43c: {  	v34 =	vmov s18;
	v35 =	vbroadcast v5, $0x0;
	v48 =	vld [tilespmem:s17+$0x40];
	v5 =	vmul.f32 $8.000000000e+00, v38  }
0x43d: {  	v34 =	vshrl.u32 v34, $0x3;
	v4 =	vadd.s32 v4, v37;
	v56 =	vadd.s32 v7, v36;
	v7 =	vld [tilespmem:$0x1FF40];
	[tilespmem:v2+s21+$0x0] =	vst.idx.msk $0xffff, v0  }
0x43e: {  	v3 =	vshll.u32 v34, v1;
	v50 =	vld [tilespmem:s17+$0x80];
	v42 =	vmul.f32 $8.000000000e+00, v42;
	[tilespmem:v43+s21+$0x0] =	vst.idx.msk $0xffff, v5  }
0x43f: {  	v34 =	vbroadcast v3, $0x0;
	v3 =	vld [tilespmem:$0x1FF70]  }
0x440: {  	v33 =	vshrl.u32 v33, $0x3;
	v2 =	vmul.f32 $8.000000000e+00, v44;
	v5 =	vld [tilespmem:s17+$0xD0];
	[tilespmem:v45+s21+$0x0] =	vst.idx.msk $0xffff, v42  }
0x441: {  	v33 =	vshll.u32 v33, v1;
	v30 =	vld [tilespmem:$0x1FFA0]  }
0x442: {  	v33 =	vbroadcast v33, $0x0;
	v57 =	vmul.f32 $8.000000000e+00, v46;
	v43 =	vld [tilespmem:s17+$0xFFFFFF10];
	[tilespmem:v4+s21+$0x0] =	vst.idx.msk $0xffff, v2;
	v49 =	vadd.s32 v7, v35  }
0x443: {  	v7 =	vld [tilespmem:$0x1FE70]  }
0x444: {  	v59 =	vld [tilespmem:s17+$0xFFFFFF50];
	[tilespmem:v56+s21+$0x0] =	vst.idx.msk $0xffff, v57;
	v3 =	vadd.s32 v3, v33  }
0x445: {  	v2 =	vmul.f32 $8.000000000e+00, v47;
	v11 =	vld [tilespmem:$0x1FEB0]  }
0x446: {  	v52 =	vld [tilespmem:s17+$0xFFFFFF90];
	v58 =	vadd.s32 v30, v34  }
0x447: {  	v60 =	vmul.f32 $8.000000000e+00, v48;
	v4 =	vadd.s32 v63, v41;
	v53 =	vld [tilespmem:s17+$0xFFFFFFD0];
	[tilespmem:v49+s21+$0x0] =	vst.idx.msk $0xffff, v2  }
0x448: {  	v51 =	vadd.s32 v7, v39;
	v15 =	vld [tilespmem:$0x1FEF0]  }
0x449: {  	v2 =	vmul.f32 $8.000000000e+00, v50;
	v54 =	vld [tilespmem:s17+$0x10];
	[tilespmem:v3+s21+$0x0] =	vst.idx.msk $0xffff, v60  }
0x44a: {  	v48 =	vadd.s32 v11, v40;
	v3 =	vmul.f32 $8.000000000e+00, v5;
	v19 =	vld [tilespmem:$0x1FF20]  }
0x44b: {  	v61 =	vmul.f32 $8.000000000e+00, v43;
	v55 =	vld [tilespmem:s17+$0x50];
	[tilespmem:v58+s21+$0x0] =	vst.idx.msk $0xffff, v2  }
0x44c: {  	v23 =	vld [tilespmem:$0x1FF50];
	[tilespmem:v4+s21+$0x0] =	vst.idx.msk $0xffff, v3  }
0x44d: {  	v32 =	vmul.f32 $8.000000000e+00, v59;
	v56 =	vld [tilespmem:s17+$0x90];
	[tilespmem:v51+s21+$0x0] =	vst.idx.msk $0xffff, v61;
	v50 =	vadd.s32 v15, v37  }
0x44e: {  	v27 =	vld [tilespmem:$0x1FF80]  }
0x44f: {  	v60 =	vld [tilespmem:s17+$0xE0];
	[tilespmem:v48+s21+$0x0] =	vst.idx.msk $0xffff, v32;
	v62 =	vadd.s32 v19, v36  }
0x450: {  	s15 =	simm.s32 $0xA;
	v3 =	vmul.f32 $8.000000000e+00, v52;
	v31 =	vld [tilespmem:$0x1FFB0]  }
0x451: {  	v47 =	vmov s15;
	v51 =	vld [tilespmem:s17+$0xFFFFFF20];
	v46 =	vadd.s32 v23, v35  }
0x452: {  	v52 =	vshrl.u32 v47, $0x3;
	v61 =	vmul.f32 $8.000000000e+00, v53;
	v47 =	vld [tilespmem:s17+$0xFFFFFF60];
	[tilespmem:v50+s21+$0x0] =	vst.idx.msk $0xffff, v3  }
0x453: {  	v4 =	vadd.s32 v27, v33;
	v8 =	vld [tilespmem:$0x1FE80]  }
0x454: {  	v3 =	vmul.f32 $8.000000000e+00, v54;
	v57 =	vld [tilespmem:s17+$0xFFFFFFA0];
	[tilespmem:v62+s21+$0x0] =	vst.idx.msk $0xffff, v61  }
0x455: {  	v48 =	vadd.s32 v31, v34;
	v12 =	vld [tilespmem:$0x1FEC0]  }
0x456: {  	v62 =	vmul.f32 $8.000000000e+00, v55;
	v58 =	vld [tilespmem:s17+$0xFFFFFFE0];
	[tilespmem:v46+s21+$0x0] =	vst.idx.msk $0xffff, v3  }
0x457: {  	s18 =	simm.s32 $0x8;
	v50 =	vadd.s32 v9, v41;
	v16 =	vld [tilespmem:$0x1FF00]  }
0x458: {  	v0 =	vmov s18;
	s18 =	simm.s32 $0xB;
	v3 =	vmul.f32 $8.000000000e+00, v56;
	v59 =	vld [tilespmem:s17+$0x20];
	[tilespmem:v4+s21+$0x0] =	vst.idx.msk $0xffff, v62;
	v54 =	vadd.s32 v8, v39  }
0x459: {  	v0 =	vshrl.u32 v0, $0x3;
	v42 =	vmov s18;
	s18 =	simm.s32 $0xE;
	v20 =	vld [tilespmem:$0x1FF30]  }
0x45a: {  	v2 =	vmov s18;
	v4 =	vmul.f32 $8.000000000e+00, v60;
	v61 =	vld [tilespmem:s17+$0x60];
	[tilespmem:v48+s21+$0x0] =	vst.idx.msk $0xffff, v3;
	v32 =	vadd.s32 v12, v40  }
0x45b: {  	v53 =	vshrl.u32 v42, $0x3;
	v42 =	vshrl.u32 v2, $0x3;
	v2 =	vmul.f32 $8.000000000e+00, v51;
	v24 =	vld [tilespmem:$0x1FF60]  }
0x45c: {  	v0 =	vshll.u32 v0, v1;
	v62 =	vld [tilespmem:s17+$0xA0];
	[tilespmem:v50+s21+$0x0] =	vst.idx.msk $0xffff, v4;
	v46 =	vadd.s32 v16, v37  }
0x45d: {  	v38 =	vbroadcast v0, $0x0;
	v0 =	vmul.f32 $8.000000000e+00, v47;
	v56 =	vld [tilespmem:s17+$0xF0];
	[tilespmem:v54+s21+$0x0] =	vst.idx.msk $0xffff, v2  }
0x45e: {  	v28 =	vld [tilespmem:$0x1FF90]  }
0x45f: {  	v60 =	vadd.s32 v20, v36;
	v2 =	vmul.f32 $8.000000000e+00, v57;
	v50 =	vld [tilespmem:s17+$0xFFFFFF30];
	[tilespmem:v32+s21+$0x0] =	vst.idx.msk $0xffff, v0  }
0x460: {  	v32 =	vld [tilespmem:$0x1FFC0]  }
0x461: {  	s2 =	simm.s32 $0x9;
	v44 =	vshll.u32 v52, v1;
	v3 =	vadd.s32 v24, v35;
	v52 =	vld [tilespmem:s17+$0xFFFFFF70];
	[tilespmem:v46+s21+$0x0] =	vst.idx.msk $0xffff, v2  }
0x462: {  	v45 =	vmov s2;
	s2 =	simm.s32 $0xC;
	v0 =	vmul.f32 $8.000000000e+00, v58;
	v26 =	vld [tilespmem:$0x1FFE0]  }
0x463: {  	v49 =	vmov s2;
	v10 =	vld [tilespmem:$0x1FE90]  }
0x464: {  	v43 =	vshrl.u32 v49, $0x3;
	v2 =	vmul.f32 $8.000000000e+00, v59;
	v49 =	vld [tilespmem:s17+$0xFFFFFFB0];
	[tilespmem:v60+s21+$0x0] =	vst.idx.msk $0xffff, v0  }
0x465: {  	v13 =	vld [tilespmem:$0x1FED0]  }
0x466: {  	s15 =	simm.s32 $0xD;
	v54 =	vld [tilespmem:s17+$0xFFFFFFF0];
	[tilespmem:v3+s21+$0x0] =	vst.idx.msk $0xffff, v2  }
0x467: {  	v45 =	vshrl.u32 v45, $0x3;
	v5 =	vmov s15;
	v17 =	vld [tilespmem:$0x1FE10]  }
0x468: {  	v5 =	vshrl.u32 v5, $0x3;
	v47 =	vshll.u32 v45, v1;
	v45 =	vshll.u32 v53, v1;
	v21 =	vld [tilespmem:$0x1FE20]  }
0x469: {  	v46 =	vshll.u32 v43, v1;
	v43 =	vshll.u32 v5, v1;
	v55 =	vadd.s32 v28, v33;
	v25 =	vld [tilespmem:$0x1FE30]  }
0x46a: {  	v51 =	vadd.s32 v32, v34;
	v29 =	vld [tilespmem:$0x1FE40];
	v53 =	vadd.s32 v26, v41;
	v48 =	vadd.s32 v10, v39  }
0x46b: {  	s30 =	simm.s32 $0x10;
	s18 =	simm.s32 $0xF;
	v18 =	vld [tilespmem:$0x1FE50];
	v39 =	vmul.f32 $8.000000000e+00, v61;
	v41 =	vadd.s32 v13, v40;
	v40 =	vmul.f32 $8.000000000e+00, v62  }
.LBB2_27:
0x46c: {  	v0 =	vmov s18  }
0x46d: {  	v2 =	vadd.s32 v17, v37;
	v3 =	vld [tilespmem:s17+$0x30];
	v0 =	vshrl.u32 v0, $0x3  }
0x46e: {  	v61 =	vld [tilespmem:$0x1FEA0];
	[tilespmem:v55+s21+$0x0] =	vst.idx.msk $0xffff, v39;
	v0 =	vshll.u32 v0, v1;
	v5 =	vmul.f32 $8.000000000e+00, v50  }
0x46f: {  	[tilespmem:v51+s21+$0x0] =	vst.idx.msk $0xffff, v40;
	v62 =	vld [tilespmem:s17+$0x70];
	v40 =	vbroadcast v0, $0x0  }
0x470: {  	v4 =	vmul.f32 $8.000000000e+00, v56;
	v56 =	vld [tilespmem:s17+$0xB0];
	s17 =	sadd.s32 $0x200, s17;
	v0 =	vmul.f32 $8.000000000e+00, v49;
	[tilespmem:v48+s21+$0x0] =	vst.idx.msk $0xffff, v5  }
0x471: {  	v5 =	vadd.s32 v29, v33;
	v57 =	vld [tilespmem:s17+$0xFFFFFF00]  }
0x472: {  	v36 =	vadd.s32 v21, v36;
	v39 =	vmov v38;
	v55 =	vmul.f32 $8.000000000e+00, v52;
	v52 =	vld [tilespmem:$0x1FEE0];
	[tilespmem:v2+s21+$0x0] =	vst.idx.msk $0xffff, v0  }
0x473: {  	[tilespmem:v53+s21+$0x0] =	vst.idx.msk $0xffff, v4;
	v0 =	vmul.f32 $8.000000000e+00, v3;
	v2 =	vadd.s32 v6, v39;
	v3 =	vld [tilespmem:s17+$0xFFFFFF80]  }
0x474: {  	v35 =	vadd.s32 v25, v35;
	[tilespmem:v41+s21+$0x0] =	vst.idx.msk $0xffff, v55;
	v55 =	vld [tilespmem:$0x1FF10];
	v38 =	vmul.f32 $8.000000000e+00, v62  }
0x475: {  	v58 =	vmul.f32 $8.000000000e+00, v54;
	v4 =	vld [tilespmem:s17+$0xC0]  }
0x476: {  	v34 =	vadd.s32 v18, v34;
	v59 =	vld [tilespmem:s17+$0xFFFFFF40];
	[tilespmem:v5+s21+$0x0] =	vst.idx.msk $0xffff, v38;
	v5 =	vmul.f32 $8.000000000e+00, v57  }
0x477: {  	v60 =	vadd.s32 v22, v40;
	v41 =	vbroadcast v47, $0x0;
	[tilespmem:v36+s21+$0x0] =	vst.idx.msk $0xffff, v58;
	v57 =	vld [tilespmem:$0x1FF40]  }
0x478: {  	v37 =	vbroadcast v44, $0x0;
	[tilespmem:v2+s21+$0x0] =	vst.idx.msk $0xffff, v5;
	v2 =	vmul.f32 $8.000000000e+00, v3;
	v3 =	vld [tilespmem:$0x1FF70]  }
0x479: {  	v36 =	vbroadcast v45, $0x0;
	v48 =	vld [tilespmem:s17+$0xFFFFFFC0];
	v62 =	vadd.s32 v61, v41;
	[tilespmem:v35+s21+$0x0] =	vst.idx.msk $0xffff, v0;
	v0 =	vmul.f32 $8.000000000e+00, v56  }
0x47a: {  	v35 =	vbroadcast v46, $0x0;
	v53 =	vadd.s32 v52, v37;
	v54 =	vld [tilespmem:s17+$0x0];
	v4 =	vmul.f32 $8.000000000e+00, v4  }
0x47b: {  	v42 =	vshll.u32 v42, v1;
	v33 =	vbroadcast v43, $0x0;
	v38 =	vadd.s32 v55, v36;
	[tilespmem:v34+s21+$0x0] =	vst.idx.msk $0xffff, v0;
	v56 =	vld [tilespmem:s17+$0x40]  }
0x47c: {  	s15 =	sadd.s32 $0x2, s30;
	v34 =	vbroadcast v42, $0x0;
	v0 =	vmul.f32 $8.000000000e+00, v59;
	v59 =	vld [tilespmem:s17+$0x80];
	[tilespmem:v60+s21+$0x0] =	vst.idx.msk $0xffff, v4;
	v58 =	vadd.s32 v57, v35  }
0x47d: {  	v51 =	vadd.s32 v7, v39;
	v50 =	vmov s15;
	v5 =	vld [tilespmem:s17+$0xD0];
	v3 =	vadd.s32 v3, v33  }
0x47e: {  	v49 =	vadd.s32 v15, v37;
	v61 =	vadd.s32 v30, v34;
	[tilespmem:v62+s21+$0x0] =	vst.idx.msk $0xffff, v0;
	v0 =	vmul.f32 $8.000000000e+00, v48;
	v60 =	vld [tilespmem:s17+$0xFFFFFF10]  }
0x47f: {  	s1 =	sadd.s32 $0x1, s30;
	s2 =	sadd.s32 $0x4, s30;
	v50 =	vshrl.u32 v50, $0x3;
	v45 =	vadd.s32 v63, v40;
	v62 =	vld [tilespmem:s17+$0xFFFFFF50];
	[tilespmem:v53+s21+$0x0] =	vst.idx.msk $0xffff, v2;
	v2 =	vmul.f32 $8.000000000e+00, v54  }
0x480: {  	v47 =	vmov s1;
	v43 =	vmov s2;
	[tilespmem:v38+s21+$0x0] =	vst.idx.msk $0xffff, v0;
	v52 =	vld [tilespmem:s17+$0xFFFFFF90];
	v0 =	vmul.f32 $8.000000000e+00, v56  }
0x481: {  	v44 =	vshll.u32 v50, v1;
	v46 =	vadd.s32 v11, v41;
	v63 =	vld [tilespmem:s17+$0xFFFFFFD0];
	[tilespmem:v58+s21+$0x0] =	vst.idx.msk $0xffff, v2;
	v2 =	vmul.f32 $8.000000000e+00, v59  }
0x482: {  	v47 =	vshrl.u32 v47, $0x3;
	v43 =	vshrl.u32 v43, $0x3;
	v54 =	vld [tilespmem:s17+$0x10];
	[tilespmem:v3+s21+$0x0] =	vst.idx.msk $0xffff, v0;
	v0 =	vmul.f32 $8.000000000e+00, v5  }
0x483: {  	v42 =	vadd.s32 v19, v36;
	v4 =	vmov s30;
	v5 =	vmul.f32 $8.000000000e+00, v60;
	[tilespmem:v61+s21+$0x0] =	vst.idx.msk $0xffff, v2;
	v55 =	vld [tilespmem:s17+$0x50]  }
0x484: {  	v4 =	vshrl.u32 v4, $0x3;
	v60 =	vmul.f32 $8.000000000e+00, v62;
	v61 =	vadd.s32 v23, v35;
	v62 =	vld [tilespmem:s17+$0x90];
	[tilespmem:v45+s21+$0x0] =	vst.idx.msk $0xffff, v0  }
0x485: {  	v0 =	vshll.u32 v4, v1;
	[tilespmem:v51+s21+$0x0] =	vst.idx.msk $0xffff, v5;
	v4 =	vmul.f32 $8.000000000e+00, v52;
	v5 =	vadd.s32 v27, v33;
	v45 =	vld [tilespmem:s17+$0xE0]  }
0x486: {  	v47 =	vshll.u32 v47, v1;
	v63 =	vmul.f32 $8.000000000e+00, v63;
	[tilespmem:v46+s21+$0x0] =	vst.idx.msk $0xffff, v60;
	v46 =	vadd.s32 v31, v34;
	v51 =	vld [tilespmem:s17+$0xFFFFFF20]  }
0x487: {  	s18 =	sadd.s32 $0x3, s30;
	v48 =	vadd.s32 v16, v37;
	v52 =	vld [tilespmem:s17+$0xFFFFFF60];
	[tilespmem:v49+s21+$0x0] =	vst.idx.msk $0xffff, v4;
	v4 =	vmul.f32 $8.000000000e+00, v54;
	v49 =	vadd.s32 v9, v40  }
0x488: {  	v38 =	vmov s18;
	[tilespmem:v42+s21+$0x0] =	vst.idx.msk $0xffff, v63;
	v54 =	vadd.s32 v8, v39;
	v57 =	vld [tilespmem:s17+$0xFFFFFFA0];
	v55 =	vmul.f32 $8.000000000e+00, v55  }
0x489: {  	s15 =	sadd.s32 $0x5, s30;
	s18 =	sadd.s32 $0x6, s30;
	v53 =	vshrl.u32 v38, $0x3;
	v58 =	vadd.s32 v12, v41;
	v59 =	vld [tilespmem:s17+$0xFFFFFFE0];
	[tilespmem:v61+s21+$0x0] =	vst.idx.msk $0xffff, v4;
	v4 =	vmul.f32 $8.000000000e+00, v62  }
0x48a: {  	v3 =	vmov s15;
	v2 =	vmov s18;
	v60 =	vld [tilespmem:s17+$0x20];
	[tilespmem:v5+s21+$0x0] =	vst.idx.msk $0xffff, v55;
	v5 =	vmul.f32 $8.000000000e+00, v45  }
0x48b: {  	v42 =	vshrl.u32 v2, $0x3;
	v61 =	vadd.s32 v20, v36;
	v2 =	vmul.f32 $8.000000000e+00, v51;
	[tilespmem:v46+s21+$0x0] =	vst.idx.msk $0xffff, v4;
	v62 =	vld [tilespmem:s17+$0x60]  }
0x48c: {  	p1 =	slt.u32 s30, $0x78;
	v38 =	vbroadcast v0, $0x0;
	v0 =	vmul.f32 $8.000000000e+00, v52;
	v4 =	vadd.s32 v24, v35;
	v63 =	vld [tilespmem:s17+$0xA0];
	[tilespmem:v49+s21+$0x0] =	vst.idx.msk $0xffff, v5  }
.Ltmp15:
0x48d: {  	v41 =	vadd.s32 v13, v41;
	v3 =	vshrl.u32 v3, $0x3;
	[tilespmem:v54+s21+$0x0] =	vst.idx.msk $0xffff, v2;
	v2 =	vmul.f32 $8.000000000e+00, v57;
	v56 =	vld [tilespmem:s17+$0xF0];
	(pc) =	sbr.rel @p1 .LBB2_27-.Ltmp15, $4  }
0x48e: {  	v55 =	vadd.s32 v28, v33;
	v51 =	vadd.s32 v32, v34;
	[tilespmem:v58+s21+$0x0] =	vst.idx.msk $0xffff, v0;
	v0 =	vmul.f32 $8.000000000e+00, v59;
	v50 =	vld [tilespmem:s17+$0xFFFFFF30]  }
0x48f: {  	v45 =	vshll.u32 v53, v1;
	v53 =	vadd.s32 v26, v40;
	v52 =	vld [tilespmem:s17+$0xFFFFFF70];
	[tilespmem:v48+s21+$0x0] =	vst.idx.msk $0xffff, v2;
	v2 =	vmul.f32 $8.000000000e+00, v60  }
0x490: {  	v46 =	vshll.u32 v43, v1;
	v43 =	vshll.u32 v3, v1;
	[tilespmem:v61+s21+$0x0] =	vst.idx.msk $0xffff, v0;
	v49 =	vld [tilespmem:s17+$0xFFFFFFB0]  }
0x491: {  	s18 =	sadd.s32 $0x7, s30;
	s30 =	sadd.s32 $0x8, s30;
	v48 =	vadd.s32 v10, v39;
	v54 =	vld [tilespmem:s17+$0xFFFFFFF0];
	v39 =	vmul.f32 $8.000000000e+00, v62;
	[tilespmem:v4+s21+$0x0] =	vst.idx.msk $0xffff, v2;
	v40 =	vmul.f32 $8.000000000e+00, v63;
	v63 =	vmovc v14  }
0x492: {  	_ =	sdelay $0x3  }
0x493: {  	v0 =	vmov s18;
	v2 =	vadd.s32 v17, v37;
	v3 =	vld [tilespmem:s17+$0x30];
	v4 =	vmul.f32 $8.000000000e+00, v56;
	[tilespmem:v55+s21+$0x0] =	vst.idx.msk $0xffff, v39  }
0x494: {  	v36 =	vadd.s32 v21, v36;
	v0 =	vshrl.u32 v0, $0x3;
	v5 =	vmul.f32 $8.000000000e+00, v50;
	[tilespmem:v51+s21+$0x0] =	vst.idx.msk $0xffff, v40;
	v56 =	vld [tilespmem:s17+$0x70]  }
0x495: {  	v35 =	vadd.s32 v25, v35;
	s15 =	sadd.s32 $0x200, s17;
	v0 =	vshll.u32 v0, v1;
	v57 =	vmul.f32 $8.000000000e+00, v52;
	v40 =	vld [tilespmem:s17+$0xB0];
	[tilespmem:v53+s21+$0x0] =	vst.idx.msk $0xffff, v4  }
0x496: {  	v33 =	vadd.s32 v29, v33;
	v58 =	vld [tilespmem:s15+$0xC0];
	v0 =	vbroadcast v0, $0x0;
	[tilespmem:v48+s21+$0x0] =	vst.idx.msk $0xffff, v5;
	v59 =	vmul.f32 $8.000000000e+00, v49  }
0x497: {  	v34 =	vadd.s32 v18, v34;
	v60 =	vld [tilespmem:s15+$0xFFFFFF00];
	[tilespmem:v41+s21+$0x0] =	vst.idx.msk $0xffff, v57;
	v61 =	vmul.f32 $8.000000000e+00, v54  }
0x498: {  	v49 =	vadd.s32 v22, v0;
	[tilespmem:v2+s21+$0x0] =	vst.idx.msk $0xffff, v59;
	v2 =	vmul.f32 $8.000000000e+00, v3  }
0x499: {  	v62 =	vld [tilespmem:s15+$0xFFFFFF40];
	v3 =	vadd.s32 v6, v38;
	[tilespmem:v36+s21+$0x0] =	vst.idx.msk $0xffff, v61;
	v51 =	vmul.f32 $8.000000000e+00, v56  }
0x49a: {  	v52 =	vld [tilespmem:$0x1FEA0];
	[tilespmem:v35+s21+$0x0] =	vst.idx.msk $0xffff, v2;
	v2 =	vmul.f32 $8.000000000e+00, v40  }
0x49b: {  	v4 =	vmul.f32 $8.000000000e+00, v58;
	v54 =	vld [tilespmem:$0x1FEE0];
	[tilespmem:v33+s21+$0x0] =	vst.idx.msk $0xffff, v51  }
0x49c: {  	v57 =	vmul.f32 $8.000000000e+00, v60;
	v58 =	vld [tilespmem:$0x1FF10];
	[tilespmem:v34+s21+$0x0] =	vst.idx.msk $0xffff, v2  }
0x49d: {  	v61 =	vld [tilespmem:$0x1FF40];
	[tilespmem:v49+s21+$0x0] =	vst.idx.msk $0xffff, v4  }
0x49e: {  	v47 =	vbroadcast v47, $0x0;
	v5 =	vld [tilespmem:s15+$0xFFFFFF80];
	[tilespmem:v3+s21+$0x0] =	vst.idx.msk $0xffff, v57  }
0x49f: {  	v44 =	vbroadcast v44, $0x0;
	v4 =	vld [tilespmem:$0x1FF70]  }
0x4a0: {  	v45 =	vbroadcast v45, $0x0;
	v53 =	vld [tilespmem:s15+$0xFFFFFFC0];
	v37 =	vadd.s32 v52, v47  }
0x4a1: {  	v46 =	vbroadcast v46, $0x0;
	v56 =	vld [tilespmem:s15+$0x0];
	v55 =	vadd.s32 v54, v44  }
0x4a2: {  	v42 =	vshll.u32 v42, v1;
	v43 =	vbroadcast v43, $0x0;
	v60 =	vld [tilespmem:s15+$0x40];
	v59 =	vadd.s32 v58, v45  }
0x4a3: {  	v42 =	vbroadcast v42, $0x0;
	v22 =	vld [tilespmem:s15+$0x80];
	v2 =	vmul.f32 $8.000000000e+00, v62;
	v62 =	vadd.s32 v61, v46  }
0x4a4: {  	v3 =	vmul.f32 $8.000000000e+00, v5;
	v33 =	vld [tilespmem:s15+$0xFFFFFF10];
	v4 =	vadd.s32 v4, v43  }
0x4a5: {  	v52 =	vld [tilespmem:s15+$0xD0];
	[tilespmem:v37+s21+$0x0] =	vst.idx.msk $0xffff, v2;
	v2 =	vmul.f32 $8.000000000e+00, v53;
	v53 =	vadd.s32 v30, v42  }
0x4a6: {  	v54 =	vld [tilespmem:s15+$0xFFFFFF50];
	[tilespmem:v55+s21+$0x0] =	vst.idx.msk $0xffff, v3;
	v3 =	vmul.f32 $8.000000000e+00, v56;
	v56 =	vadd.s32 v7, v38  }
0x4a7: {  	v55 =	vadd.s32 v63, v0;
	v57 =	vld [tilespmem:s15+$0xFFFFFF90];
	[tilespmem:v59+s21+$0x0] =	vst.idx.msk $0xffff, v2;
	v2 =	vmul.f32 $8.000000000e+00, v60  }
0x4a8: {  	v58 =	vadd.s32 v11, v47;
	v59 =	vld [tilespmem:s15+$0xFFFFFFD0];
	[tilespmem:v62+s21+$0x0] =	vst.idx.msk $0xffff, v3;
	v3 =	vmul.f32 $8.000000000e+00, v22  }
0x4a9: {  	v60 =	vadd.s32 v15, v44;
	v62 =	vmul.f32 $8.000000000e+00, v33;
	v61 =	vld [tilespmem:s15+$0x10];
	[tilespmem:v4+s21+$0x0] =	vst.idx.msk $0xffff, v2  }
0x4aa: {  	v22 =	vadd.s32 v19, v45;
	v2 =	vmul.f32 $8.000000000e+00, v52;
	v30 =	vld [tilespmem:s15+$0x50];
	[tilespmem:v53+s21+$0x0] =	vst.idx.msk $0xffff, v3  }
0x4ab: {  	v52 =	vadd.s32 v23, v46;
	v3 =	vmul.f32 $8.000000000e+00, v54;
	[tilespmem:v56+s21+$0x0] =	vst.idx.msk $0xffff, v62;
	v53 =	vld [tilespmem:s15+$0x90]  }
0x4ac: {  	v54 =	vadd.s32 v27, v43;
	[tilespmem:v55+s21+$0x0] =	vst.idx.msk $0xffff, v2;
	v2 =	vmul.f32 $8.000000000e+00, v57;
	v40 =	vld [tilespmem:s15+$0xFFFFFF20]  }
0x4ad: {  	v55 =	vadd.s32 v31, v42;
	v35 =	vld [tilespmem:s15+$0xE0];
	[tilespmem:v58+s21+$0x0] =	vst.idx.msk $0xffff, v3;
	v3 =	vmul.f32 $8.000000000e+00, v59  }
0x4ae: {  	v58 =	vadd.s32 v8, v38;
	v56 =	vld [tilespmem:s15+$0xFFFFFF60];
	[tilespmem:v60+s21+$0x0] =	vst.idx.msk $0xffff, v2;
	v2 =	vmul.f32 $8.000000000e+00, v61  }
0x4af: {  	v57 =	vadd.s32 v9, v0;
	v59 =	vld [tilespmem:s15+$0xFFFFFFA0];
	[tilespmem:v22+s21+$0x0] =	vst.idx.msk $0xffff, v3;
	v3 =	vmul.f32 $8.000000000e+00, v30  }
0x4b0: {  	v60 =	vadd.s32 v12, v47;
	v61 =	vld [tilespmem:s15+$0xFFFFFFE0];
	[tilespmem:v52+s21+$0x0] =	vst.idx.msk $0xffff, v2;
	v2 =	vmul.f32 $8.000000000e+00, v53  }
0x4b1: {  	v62 =	vadd.s32 v16, v44;
	v19 =	vmul.f32 $8.000000000e+00, v40;
	v16 =	vld [tilespmem:s15+$0x20];
	[tilespmem:v54+s21+$0x0] =	vst.idx.msk $0xffff, v3  }
0x4b2: {  	v22 =	vadd.s32 v20, v45;
	v3 =	vmul.f32 $8.000000000e+00, v35;
	v23 =	vld [tilespmem:s15+$0x60];
	[tilespmem:v55+s21+$0x0] =	vst.idx.msk $0xffff, v2  }
0x4b3: {  	v27 =	vadd.s32 v24, v46;
	v2 =	vmul.f32 $8.000000000e+00, v56;
	[tilespmem:v58+s21+$0x0] =	vst.idx.msk $0xffff, v19;
	v30 =	vld [tilespmem:s15+$0xA0]  }
0x4b4: {  	v31 =	vadd.s32 v28, v43;
	[tilespmem:v57+s21+$0x0] =	vst.idx.msk $0xffff, v3;
	v3 =	vmul.f32 $8.000000000e+00, v59;
	v41 =	vld [tilespmem:s15+$0xFFFFFF30]  }
0x4b5: {  	v49 =	vadd.s32 v32, v42;
	v34 =	vld [tilespmem:s15+$0xF0];
	[tilespmem:v60+s21+$0x0] =	vst.idx.msk $0xffff, v2;
	v2 =	vmul.f32 $8.000000000e+00, v61  }
0x4b6: {  	v51 =	vadd.s32 v10, v38;
	v50 =	vld [tilespmem:s15+$0xFFFFFF70];
	[tilespmem:v62+s21+$0x0] =	vst.idx.msk $0xffff, v3;
	v3 =	vmul.f32 $8.000000000e+00, v16  }
0x4b7: {  	v0 =	vadd.s32 v26, v0;
	v52 =	vld [tilespmem:s15+$0xFFFFFFB0];
	[tilespmem:v22+s21+$0x0] =	vst.idx.msk $0xffff, v2;
	v2 =	vmul.f32 $8.000000000e+00, v23  }
0x4b8: {  	v53 =	vadd.s32 v13, v47;
	v54 =	vld [tilespmem:s15+$0xFFFFFFF0];
	[tilespmem:v27+s21+$0x0] =	vst.idx.msk $0xffff, v3;
	v3 =	vmul.f32 $8.000000000e+00, v30  }
0x4b9: {  	v55 =	vadd.s32 v17, v44;
	v57 =	vmul.f32 $8.000000000e+00, v41;
	v56 =	vld [tilespmem:s15+$0x30];
	[tilespmem:v31+s21+$0x0] =	vst.idx.msk $0xffff, v2  }
0x4ba: {  	v58 =	vadd.s32 v21, v45;
	v2 =	vmul.f32 $8.000000000e+00, v34;
	v59 =	vld [tilespmem:s15+$0x70];
	[tilespmem:v49+s21+$0x0] =	vst.idx.msk $0xffff, v3  }
0x4bb: {  	v60 =	vadd.s32 v25, v46;
	v3 =	vmul.f32 $8.000000000e+00, v50;
	[tilespmem:v51+s21+$0x0] =	vst.idx.msk $0xffff, v57;
	v61 =	vld [tilespmem:s15+$0xB0]  }
0x4bc: {  	[tilespmem:v0+s21+$0x0] =	vst.idx.msk $0xffff, v2;
	v0 =	vmul.f32 $8.000000000e+00, v52;
	v2 =	vadd.s32 v29, v43  }
0x4bd: {  	v62 =	vadd.s32 v18, v42;
	[tilespmem:v53+s21+$0x0] =	vst.idx.msk $0xffff, v3;
	v3 =	vmul.f32 $8.000000000e+00, v54  }
0x4be: {  	[tilespmem:v55+s21+$0x0] =	vst.idx.msk $0xffff, v0;
	v0 =	vmul.f32 $8.000000000e+00, v56  }
0x4bf: {  	[tilespmem:v58+s21+$0x0] =	vst.idx.msk $0xffff, v3;
	v3 =	vmul.f32 $8.000000000e+00, v59  }
0x4c0: {  	[tilespmem:v60+s21+$0x0] =	vst.idx.msk $0xffff, v0;
	v0 =	vmul.f32 $8.000000000e+00, v61  }
0x4c1: {  	[tilespmem:v2+s21+$0x0] =	vst.idx.msk $0xffff, v3  }
0x4c2: {  	s1 =	simm.s32 $0x18600;
	s15 =	sadd.s32 s5, s11;
	[tilespmem:v62+s21+$0x0] =	vst.idx.msk $0xffff, v0  }
0x4c3: {  	[hbm4b:s15+s3] =	stream.linear.scatter [tilespmem:s1], [sflag:$0xA], $0x80, $0x38;
	[tilespmem:$0x1A800] =	vst v63  }
0x4c4: {  	s18 =	simm.s32 $0x18688;
	s2 =	sadd.s32 $0x10, s15  }
0x4c5: {  	[hbm4b:s2+s3] =	stream.linear.scatter [tilespmem:s18], [sflag:$0xA], $0x80, $0x38;
	[tilespmem:$0x1A800] =	vst v63  }
0x4c6: {  	s17 =	simm.s32 $0x18710;
	s18 =	sadd.s32 $0x20, s15  }
0x4c7: {  	[hbm4b:s18+s3] =	stream.linear.scatter [tilespmem:s17], [sflag:$0xA], $0x80, $0x38;
	[tilespmem:$0x1A800] =	vst v63  }
0x4c8: {  	s17 =	simm.s32 $0x18798;
	s18 =	sadd.s32 $0x30, s15  }
0x4c9: {  	[hbm4b:s18+s3] =	stream.linear.scatter [tilespmem:s17], [sflag:$0xA], $0x80, $0x38;
	[tilespmem:$0x1A800] =	vst v63  }
0x4ca: {  	s17 =	simm.s32 $0x18820;
	s18 =	sadd.s32 $0x40, s15  }
0x4cb: {  	[hbm4b:s18+s3] =	stream.linear.scatter [tilespmem:s17], [sflag:$0xA], $0x80, $0x38;
	[tilespmem:$0x1A800] =	vst v63  }
0x4cc: {  	s30 =	sadd.s32 $0x1000, s15;
	s17 =	simm.s32 $0x188A8;
	s18 =	sadd.s32 $0x50, s15  }
0x4cd: {  	[hbm4b:s18+s3] =	stream.linear.scatter [tilespmem:s17], [sflag:$0xA], $0x80, $0x38;
	[tilespmem:$0x1A800] =	vst v63  }
0x4ce: {  	s1 =	sadd.s32 $0x70, s15;
	s17 =	simm.s32 $0x18930;
	s18 =	sadd.s32 $0x60, s15  }
0x4cf: {  	[hbm4b:s18+s3] =	stream.linear.scatter [tilespmem:s17], [sflag:$0xA], $0x80, $0x38;
	[tilespmem:$0x1A800] =	vst v63  }
0x4d0: {  	s2 =	simm.s32 $0x189B8;
	s17 =	simm.s32 $0x440;
	s18 =	simm.s32 $0x2200  }
.LBB2_29:
0x4d1: {  	[hbm4b:s1+s3] =	stream.linear.scatter [tilespmem:s2], [sflag:$0xA], $0x80, $0x38;
	[tilespmem:$0x1A800] =	vst v63  }
0x4d2: {  	s1 =	smov.u32 s17;
	s2 =	smov.u32 s18  }
0x4d3: {  	s15 =	sadd.s32 $0x1100, s18;
	s17 =	sshra.s32 s2, $0x2;
	s2 =	sadd.s32 $0x18600, s1  }
0x4d4: {  	[hbm4b:s30+s3] =	stream.linear.scatter [tilespmem:s2], [sflag:$0xA], $0x80, $0x38;
	[tilespmem:$0x1A800] =	vst v63  }
0x4d5: {  	p1 =	sne.s32 s18, $0x7700;
	s18 =	sadd.s32 $0x10, s30;
	s2 =	sadd.s32 $0x18688, s1  }
0x4d6: {  	[hbm4b:s18+s3] =	stream.linear.scatter [tilespmem:s2], [sflag:$0xA], $0x80, $0x38;
	[tilespmem:$0x1A800] =	vst v63  }
0x4d7: {  	s2 =	sadd.s32 $0x18710, s1;
	s18 =	sadd.s32 $0x20, s30  }
0x4d8: {  	[hbm4b:s18+s3] =	stream.linear.scatter [tilespmem:s2], [sflag:$0xA], $0x80, $0x38;
	[tilespmem:$0x1A800] =	vst v63  }
0x4d9: {  	s2 =	sadd.s32 $0x18798, s1;
	s18 =	sadd.s32 $0x30, s30  }
0x4da: {  	[hbm4b:s18+s3] =	stream.linear.scatter [tilespmem:s2], [sflag:$0xA], $0x80, $0x38;
	[tilespmem:$0x1A800] =	vst v63  }
0x4db: {  	s2 =	sadd.s32 $0x18820, s1;
	s18 =	sadd.s32 $0x40, s30  }
0x4dc: {  	[hbm4b:s18+s3] =	stream.linear.scatter [tilespmem:s2], [sflag:$0xA], $0x80, $0x38;
	[tilespmem:$0x1A800] =	vst v63  }
0x4dd: {  	s2 =	sadd.s32 $0x188A8, s1;
	s18 =	sadd.s32 $0x50, s30  }
0x4de: {  	[hbm4b:s18+s3] =	stream.linear.scatter [tilespmem:s2], [sflag:$0xA], $0x80, $0x38;
	[tilespmem:$0x1A800] =	vst v63  }
.Ltmp16:
0x4df: {  	_ = 	snop;
	(pc) =	sbr.rel @p1 .LBB2_29-.Ltmp16, $4  }
0x4e0: {  	s2 =	sadd.s32 $0x18930, s1;
	s18 =	sadd.s32 $0x60, s30  }
0x4e1: {  	[hbm4b:s18+s3] =	stream.linear.scatter [tilespmem:s2], [sflag:$0xA], $0x80, $0x38;
	[tilespmem:$0x1A800] =	vst v63  }
0x4e2: {  	s2 =	sadd.s32 $0x189B8, s1  }
0x4e3: {  	s1 =	sadd.s32 $0x70, s30;
	s30 =	sadd.s32 $0x1000, s30;
	s18 =	smov.u32 s15  }
0x4e4: {  	[hbm4b:s1+s3] =	stream.linear.scatter [tilespmem:s2], [sflag:$0xA], $0x80, $0x38;
	[tilespmem:$0x1A800] =	vst v63  }
0x4e5: {  	s2 =	sadd.s32 $0x18600, s17  }
0x4e6: {  	[hbm4b:s30+s3] =	stream.linear.scatter [tilespmem:s2], [sflag:$0xA], $0x80, $0x38;
	[tilespmem:$0x1A800] =	vst v63  }
0x4e7: {  	s15 =	sadd.s32 $0x18688, s17;
	s18 =	sadd.s32 $0x10, s30  }
0x4e8: {  	[hbm4b:s18+s3] =	stream.linear.scatter [tilespmem:s15], [sflag:$0xA], $0x80, $0x38;
	[tilespmem:$0x1A800] =	vst v63  }
0x4e9: {  	s15 =	sadd.s32 $0x18710, s17;
	s18 =	sadd.s32 $0x20, s30  }
0x4ea: {  	[hbm4b:s18+s3] =	stream.linear.scatter [tilespmem:s15], [sflag:$0xA], $0x80, $0x38;
	[tilespmem:$0x1A800] =	vst v63  }
0x4eb: {  	s15 =	sadd.s32 $0x18798, s17;
	s18 =	sadd.s32 $0x30, s30  }
0x4ec: {  	[hbm4b:s18+s3] =	stream.linear.scatter [tilespmem:s15], [sflag:$0xA], $0x80, $0x38;
	[tilespmem:$0x1A800] =	vst v63  }
0x4ed: {  	s15 =	sadd.s32 $0x18820, s17;
	s18 =	sadd.s32 $0x40, s30  }
0x4ee: {  	[hbm4b:s18+s3] =	stream.linear.scatter [tilespmem:s15], [sflag:$0xA], $0x80, $0x38;
	[tilespmem:$0x1A800] =	vst v63  }
0x4ef: {  	s15 =	sadd.s32 $0x188A8, s17;
	s18 =	sadd.s32 $0x50, s30  }
0x4f0: {  	[hbm4b:s18+s3] =	stream.linear.scatter [tilespmem:s15], [sflag:$0xA], $0x80, $0x38;
	[tilespmem:$0x1A800] =	vst v63  }
0x4f1: {  	s2 =	sadd.s32 $0x18930, s17;
	s15 =	sadd.s32 $0x60, s30  }
0x4f2: {  	[hbm4b:s15+s3] =	stream.linear.scatter [tilespmem:s2], [sflag:$0xA], $0x80, $0x38;
	[tilespmem:$0x1A800] =	vst v63  }
0x4f3: {  	s17 =	sadd.s32 $0x189B8, s17;
	s18 =	sadd.s32 $0x70, s30  }
0x4f4: {  	[hbm4b:s18+s3] =	stream.linear.scatter [tilespmem:s17], [sflag:$0xA], $0x80, $0x38;
	[tilespmem:$0x1A800] =	vst v63  }
0x4f5: {  	s1 =	sadd.s32 @!p0 $0x680, s14;
	s2 =	simm.s32 @!p0 $0x80;
	s15 =	simm.s32 @!p0 $0x10400  }
0x4f6: {  	[tilespmem:s15], [sflag:$0x6] =	stream.indirect.gather @!p0 [hbm4b:s4+s2], $0x40, s1, s2, $0xb8;
	[tilespmem:$0x1A800] =	vst v63  }
0x4f7: {  	_ =	swait.ge [sflag:s28], $0x2000  }
0x4f8: {  	[sflag:s28] =	ssyncset.done $0x0  }
0x4f9: {  	s17 =	simm.s32 $0x2;
	s18 =	simm.s32 $0x3;
	[sflag:s28] =	ssyncadd.s32 $0xFFFFE000  }
0x4fa: {  	v3 =	vmov s17;
	v4 =	vmov s18;
	s17 =	simm.s32 $0x5;
	_ =	swait.ge [sflag:s23], $0x2000  }
0x4fb: {  	s2 =	simm.s32 $0x0;
	s15 =	simm.s32 $0x1;
	v33 =	vmov s17;
	s17 =	simm.s32 $0x7;
	v4 =	vshrl.u32 v4, $0x3;
	v22 =	vld [tilespmem:$0x1FFD0]  }
0x4fc: {  	v0 =	vmov s2;
	v2 =	vmov s15;
	v35 =	vmov s17;
	v6 =	vld [tilespmem:$0x1FE60]  }
0x4fd: {  	v4 =	vshll.u32 v4, v1;
	v0 =	vshrl.u32 v0, $0x3;
	v2 =	vshrl.u32 v2, $0x3;
	[sflag:s23] =	ssyncset.done $0x0;
	v7 =	vld [tilespmem:$0x1FEA0]  }
0x4fe: {  	s17 =	simm.s32 $0x12500;
	v35 =	vshrl.u32 v35, $0x3;
	v36 =	vbroadcast v4, $0x0;
	v0 =	vshll.u32 v0, v1;
	v4 =	vld [tilespmem:$0x1FEE0];
	[sflag:s23] =	ssyncadd.s32 $0xFFFFE000  }
0x4ff: {  	v35 =	vshll.u32 v35, v1;
	v2 =	vshll.u32 v2, v1;
	v39 =	vbroadcast v0, $0x0;
	v0 =	vld [tilespmem:s17+$0xC0]  }
0x500: {  	v41 =	vbroadcast v35, $0x0;
	v40 =	vbroadcast v2, $0x0;
	v38 =	vld [tilespmem:s17+$0xFFFFFF00]  }
0x501: {  	v42 =	vld [tilespmem:s17+$0xFFFFFF40]  }
0x502: {  	s15 =	simm.s32 $0x4;
	v2 =	vadd.s32 v22, v41;
	v45 =	vadd.s32 v7, v40;
	v7 =	vld [tilespmem:$0x1FF10]  }
0x503: {  	v3 =	vshrl.u32 v3, $0x3;
	v5 =	vmov s15;
	v44 =	vld [tilespmem:s17+$0xFFFFFF80];
	v43 =	vadd.s32 v6, v39  }
0x504: {  	v3 =	vshll.u32 v3, v1;
	v5 =	vshrl.u32 v5, $0x3;
	v46 =	vld [tilespmem:s17+$0xFFFFFFC0]  }
0x505: {  	s18 =	simm.s32 $0x6;
	v37 =	vbroadcast v3, $0x0;
	v5 =	vshll.u32 v5, v1;
	v47 =	vld [tilespmem:s17+$0x0];
	v0 =	vmul.f32 $8.000000000e+00, v0  }
0x506: {  	v34 =	vmov s18;
	v35 =	vbroadcast v5, $0x0;
	v48 =	vld [tilespmem:s17+$0x40];
	v5 =	vmul.f32 $8.000000000e+00, v38  }
0x507: {  	v34 =	vshrl.u32 v34, $0x3;
	v4 =	vadd.s32 v4, v37;
	v56 =	vadd.s32 v7, v36;
	v7 =	vld [tilespmem:$0x1FF40];
	[tilespmem:v2+s16+$0x0] =	vst.idx.msk $0xffff, v0  }
0x508: {  	v3 =	vshll.u32 v34, v1;
	v50 =	vld [tilespmem:s17+$0x80];
	v42 =	vmul.f32 $8.000000000e+00, v42;
	[tilespmem:v43+s16+$0x0] =	vst.idx.msk $0xffff, v5  }
0x509: {  	v34 =	vbroadcast v3, $0x0;
	v3 =	vld [tilespmem:$0x1FF70]  }
0x50a: {  	v33 =	vshrl.u32 v33, $0x3;
	v2 =	vmul.f32 $8.000000000e+00, v44;
	v5 =	vld [tilespmem:s17+$0xD0];
	[tilespmem:v45+s16+$0x0] =	vst.idx.msk $0xffff, v42  }
0x50b: {  	v33 =	vshll.u32 v33, v1;
	v30 =	vld [tilespmem:$0x1FFA0]  }
0x50c: {  	v33 =	vbroadcast v33, $0x0;
	v57 =	vmul.f32 $8.000000000e+00, v46;
	v43 =	vld [tilespmem:s17+$0xFFFFFF10];
	[tilespmem:v4+s16+$0x0] =	vst.idx.msk $0xffff, v2;
	v49 =	vadd.s32 v7, v35  }
0x50d: {  	v7 =	vld [tilespmem:$0x1FE70]  }
0x50e: {  	v59 =	vld [tilespmem:s17+$0xFFFFFF50];
	[tilespmem:v56+s16+$0x0] =	vst.idx.msk $0xffff, v57;
	v3 =	vadd.s32 v3, v33  }
0x50f: {  	v2 =	vmul.f32 $8.000000000e+00, v47;
	v11 =	vld [tilespmem:$0x1FEB0]  }
0x510: {  	v52 =	vld [tilespmem:s17+$0xFFFFFF90];
	v58 =	vadd.s32 v30, v34  }
0x511: {  	v60 =	vmul.f32 $8.000000000e+00, v48;
	v4 =	vadd.s32 v63, v41;
	v53 =	vld [tilespmem:s17+$0xFFFFFFD0];
	[tilespmem:v49+s16+$0x0] =	vst.idx.msk $0xffff, v2  }
0x512: {  	v51 =	vadd.s32 v7, v39;
	v15 =	vld [tilespmem:$0x1FEF0]  }
0x513: {  	v2 =	vmul.f32 $8.000000000e+00, v50;
	v54 =	vld [tilespmem:s17+$0x10];
	[tilespmem:v3+s16+$0x0] =	vst.idx.msk $0xffff, v60  }
0x514: {  	v48 =	vadd.s32 v11, v40;
	v3 =	vmul.f32 $8.000000000e+00, v5;
	v19 =	vld [tilespmem:$0x1FF20]  }
0x515: {  	v61 =	vmul.f32 $8.000000000e+00, v43;
	v55 =	vld [tilespmem:s17+$0x50];
	[tilespmem:v58+s16+$0x0] =	vst.idx.msk $0xffff, v2  }
0x516: {  	v23 =	vld [tilespmem:$0x1FF50];
	[tilespmem:v4+s16+$0x0] =	vst.idx.msk $0xffff, v3  }
0x517: {  	v32 =	vmul.f32 $8.000000000e+00, v59;
	v56 =	vld [tilespmem:s17+$0x90];
	[tilespmem:v51+s16+$0x0] =	vst.idx.msk $0xffff, v61;
	v50 =	vadd.s32 v15, v37  }
0x518: {  	v27 =	vld [tilespmem:$0x1FF80]  }
0x519: {  	v60 =	vld [tilespmem:s17+$0xE0];
	[tilespmem:v48+s16+$0x0] =	vst.idx.msk $0xffff, v32;
	v62 =	vadd.s32 v19, v36  }
0x51a: {  	s15 =	simm.s32 $0xA;
	v3 =	vmul.f32 $8.000000000e+00, v52;
	v31 =	vld [tilespmem:$0x1FFB0]  }
0x51b: {  	v47 =	vmov s15;
	v51 =	vld [tilespmem:s17+$0xFFFFFF20];
	v46 =	vadd.s32 v23, v35  }
0x51c: {  	v52 =	vshrl.u32 v47, $0x3;
	v61 =	vmul.f32 $8.000000000e+00, v53;
	v47 =	vld [tilespmem:s17+$0xFFFFFF60];
	[tilespmem:v50+s16+$0x0] =	vst.idx.msk $0xffff, v3  }
0x51d: {  	v4 =	vadd.s32 v27, v33;
	v8 =	vld [tilespmem:$0x1FE80]  }
0x51e: {  	v3 =	vmul.f32 $8.000000000e+00, v54;
	v57 =	vld [tilespmem:s17+$0xFFFFFFA0];
	[tilespmem:v62+s16+$0x0] =	vst.idx.msk $0xffff, v61  }
0x51f: {  	v48 =	vadd.s32 v31, v34;
	v12 =	vld [tilespmem:$0x1FEC0]  }
0x520: {  	v62 =	vmul.f32 $8.000000000e+00, v55;
	v58 =	vld [tilespmem:s17+$0xFFFFFFE0];
	[tilespmem:v46+s16+$0x0] =	vst.idx.msk $0xffff, v3  }
0x521: {  	s18 =	simm.s32 $0x8;
	v50 =	vadd.s32 v9, v41;
	v16 =	vld [tilespmem:$0x1FF00]  }
0x522: {  	v0 =	vmov s18;
	s18 =	simm.s32 $0xB;
	v3 =	vmul.f32 $8.000000000e+00, v56;
	v59 =	vld [tilespmem:s17+$0x20];
	[tilespmem:v4+s16+$0x0] =	vst.idx.msk $0xffff, v62;
	v54 =	vadd.s32 v8, v39  }
0x523: {  	v0 =	vshrl.u32 v0, $0x3;
	v42 =	vmov s18;
	s18 =	simm.s32 $0xE;
	v20 =	vld [tilespmem:$0x1FF30]  }
0x524: {  	v2 =	vmov s18;
	v4 =	vmul.f32 $8.000000000e+00, v60;
	v61 =	vld [tilespmem:s17+$0x60];
	[tilespmem:v48+s16+$0x0] =	vst.idx.msk $0xffff, v3;
	v32 =	vadd.s32 v12, v40  }
0x525: {  	v53 =	vshrl.u32 v42, $0x3;
	v42 =	vshrl.u32 v2, $0x3;
	v2 =	vmul.f32 $8.000000000e+00, v51;
	v24 =	vld [tilespmem:$0x1FF60]  }
0x526: {  	v0 =	vshll.u32 v0, v1;
	v62 =	vld [tilespmem:s17+$0xA0];
	[tilespmem:v50+s16+$0x0] =	vst.idx.msk $0xffff, v4;
	v46 =	vadd.s32 v16, v37  }
0x527: {  	v38 =	vbroadcast v0, $0x0;
	v0 =	vmul.f32 $8.000000000e+00, v47;
	v56 =	vld [tilespmem:s17+$0xF0];
	[tilespmem:v54+s16+$0x0] =	vst.idx.msk $0xffff, v2  }
0x528: {  	v28 =	vld [tilespmem:$0x1FF90]  }
0x529: {  	v60 =	vadd.s32 v20, v36;
	v2 =	vmul.f32 $8.000000000e+00, v57;
	v50 =	vld [tilespmem:s17+$0xFFFFFF30];
	[tilespmem:v32+s16+$0x0] =	vst.idx.msk $0xffff, v0  }
0x52a: {  	v32 =	vld [tilespmem:$0x1FFC0]  }
0x52b: {  	s2 =	simm.s32 $0x9;
	v44 =	vshll.u32 v52, v1;
	v3 =	vadd.s32 v24, v35;
	v52 =	vld [tilespmem:s17+$0xFFFFFF70];
	[tilespmem:v46+s16+$0x0] =	vst.idx.msk $0xffff, v2  }
0x52c: {  	v45 =	vmov s2;
	s2 =	simm.s32 $0xC;
	v0 =	vmul.f32 $8.000000000e+00, v58;
	v26 =	vld [tilespmem:$0x1FFE0]  }
0x52d: {  	v49 =	vmov s2;
	v10 =	vld [tilespmem:$0x1FE90]  }
0x52e: {  	v43 =	vshrl.u32 v49, $0x3;
	v2 =	vmul.f32 $8.000000000e+00, v59;
	v49 =	vld [tilespmem:s17+$0xFFFFFFB0];
	[tilespmem:v60+s16+$0x0] =	vst.idx.msk $0xffff, v0  }
0x52f: {  	v13 =	vld [tilespmem:$0x1FED0]  }
0x530: {  	s15 =	simm.s32 $0xD;
	v54 =	vld [tilespmem:s17+$0xFFFFFFF0];
	[tilespmem:v3+s16+$0x0] =	vst.idx.msk $0xffff, v2  }
0x531: {  	v45 =	vshrl.u32 v45, $0x3;
	v5 =	vmov s15;
	v17 =	vld [tilespmem:$0x1FE10]  }
0x532: {  	v5 =	vshrl.u32 v5, $0x3;
	v47 =	vshll.u32 v45, v1;
	v45 =	vshll.u32 v53, v1;
	v21 =	vld [tilespmem:$0x1FE20]  }
0x533: {  	v46 =	vshll.u32 v43, v1;
	v43 =	vshll.u32 v5, v1;
	v55 =	vadd.s32 v28, v33;
	v25 =	vld [tilespmem:$0x1FE30]  }
0x534: {  	v51 =	vadd.s32 v32, v34;
	v29 =	vld [tilespmem:$0x1FE40];
	v53 =	vadd.s32 v26, v41;
	v48 =	vadd.s32 v10, v39  }
0x535: {  	s30 =	simm.s32 $0x10;
	s18 =	simm.s32 $0xF;
	v18 =	vld [tilespmem:$0x1FE50];
	v39 =	vmul.f32 $8.000000000e+00, v61;
	v41 =	vadd.s32 v13, v40;
	v40 =	vmul.f32 $8.000000000e+00, v62  }
.LBB2_31:
0x536: {  	v0 =	vmov s18  }
0x537: {  	v2 =	vadd.s32 v17, v37;
	v3 =	vld [tilespmem:s17+$0x30];
	v0 =	vshrl.u32 v0, $0x3  }
0x538: {  	v61 =	vld [tilespmem:$0x1FEA0];
	[tilespmem:v55+s16+$0x0] =	vst.idx.msk $0xffff, v39;
	v0 =	vshll.u32 v0, v1;
	v5 =	vmul.f32 $8.000000000e+00, v50  }
0x539: {  	[tilespmem:v51+s16+$0x0] =	vst.idx.msk $0xffff, v40;
	v62 =	vld [tilespmem:s17+$0x70];
	v40 =	vbroadcast v0, $0x0  }
0x53a: {  	v4 =	vmul.f32 $8.000000000e+00, v56;
	v56 =	vld [tilespmem:s17+$0xB0];
	s17 =	sadd.s32 $0x200, s17;
	v0 =	vmul.f32 $8.000000000e+00, v49;
	[tilespmem:v48+s16+$0x0] =	vst.idx.msk $0xffff, v5  }
0x53b: {  	v5 =	vadd.s32 v29, v33;
	v57 =	vld [tilespmem:s17+$0xFFFFFF00]  }
0x53c: {  	v36 =	vadd.s32 v21, v36;
	v39 =	vmov v38;
	v55 =	vmul.f32 $8.000000000e+00, v52;
	v52 =	vld [tilespmem:$0x1FEE0];
	[tilespmem:v2+s16+$0x0] =	vst.idx.msk $0xffff, v0  }
0x53d: {  	[tilespmem:v53+s16+$0x0] =	vst.idx.msk $0xffff, v4;
	v0 =	vmul.f32 $8.000000000e+00, v3;
	v2 =	vadd.s32 v6, v39;
	v3 =	vld [tilespmem:s17+$0xFFFFFF80]  }
0x53e: {  	v35 =	vadd.s32 v25, v35;
	[tilespmem:v41+s16+$0x0] =	vst.idx.msk $0xffff, v55;
	v55 =	vld [tilespmem:$0x1FF10];
	v38 =	vmul.f32 $8.000000000e+00, v62  }
0x53f: {  	v58 =	vmul.f32 $8.000000000e+00, v54;
	v4 =	vld [tilespmem:s17+$0xC0]  }
0x540: {  	v34 =	vadd.s32 v18, v34;
	v59 =	vld [tilespmem:s17+$0xFFFFFF40];
	[tilespmem:v5+s16+$0x0] =	vst.idx.msk $0xffff, v38;
	v5 =	vmul.f32 $8.000000000e+00, v57  }
0x541: {  	v60 =	vadd.s32 v22, v40;
	v41 =	vbroadcast v47, $0x0;
	[tilespmem:v36+s16+$0x0] =	vst.idx.msk $0xffff, v58;
	v57 =	vld [tilespmem:$0x1FF40]  }
0x542: {  	v37 =	vbroadcast v44, $0x0;
	[tilespmem:v2+s16+$0x0] =	vst.idx.msk $0xffff, v5;
	v2 =	vmul.f32 $8.000000000e+00, v3;
	v3 =	vld [tilespmem:$0x1FF70]  }
0x543: {  	v36 =	vbroadcast v45, $0x0;
	v48 =	vld [tilespmem:s17+$0xFFFFFFC0];
	v62 =	vadd.s32 v61, v41;
	[tilespmem:v35+s16+$0x0] =	vst.idx.msk $0xffff, v0;
	v0 =	vmul.f32 $8.000000000e+00, v56  }
0x544: {  	v35 =	vbroadcast v46, $0x0;
	v53 =	vadd.s32 v52, v37;
	v54 =	vld [tilespmem:s17+$0x0];
	v4 =	vmul.f32 $8.000000000e+00, v4  }
0x545: {  	v42 =	vshll.u32 v42, v1;
	v33 =	vbroadcast v43, $0x0;
	v38 =	vadd.s32 v55, v36;
	[tilespmem:v34+s16+$0x0] =	vst.idx.msk $0xffff, v0;
	v56 =	vld [tilespmem:s17+$0x40]  }
0x546: {  	s15 =	sadd.s32 $0x2, s30;
	v34 =	vbroadcast v42, $0x0;
	v0 =	vmul.f32 $8.000000000e+00, v59;
	v59 =	vld [tilespmem:s17+$0x80];
	[tilespmem:v60+s16+$0x0] =	vst.idx.msk $0xffff, v4;
	v58 =	vadd.s32 v57, v35  }
0x547: {  	v51 =	vadd.s32 v7, v39;
	v50 =	vmov s15;
	v5 =	vld [tilespmem:s17+$0xD0];
	v3 =	vadd.s32 v3, v33  }
0x548: {  	v49 =	vadd.s32 v15, v37;
	v61 =	vadd.s32 v30, v34;
	[tilespmem:v62+s16+$0x0] =	vst.idx.msk $0xffff, v0;
	v0 =	vmul.f32 $8.000000000e+00, v48;
	v60 =	vld [tilespmem:s17+$0xFFFFFF10]  }
0x549: {  	s1 =	sadd.s32 $0x1, s30;
	s2 =	sadd.s32 $0x4, s30;
	v50 =	vshrl.u32 v50, $0x3;
	v45 =	vadd.s32 v63, v40;
	v62 =	vld [tilespmem:s17+$0xFFFFFF50];
	[tilespmem:v53+s16+$0x0] =	vst.idx.msk $0xffff, v2;
	v2 =	vmul.f32 $8.000000000e+00, v54  }
0x54a: {  	v47 =	vmov s1;
	v43 =	vmov s2;
	[tilespmem:v38+s16+$0x0] =	vst.idx.msk $0xffff, v0;
	v52 =	vld [tilespmem:s17+$0xFFFFFF90];
	v0 =	vmul.f32 $8.000000000e+00, v56  }
0x54b: {  	v44 =	vshll.u32 v50, v1;
	v46 =	vadd.s32 v11, v41;
	v63 =	vld [tilespmem:s17+$0xFFFFFFD0];
	[tilespmem:v58+s16+$0x0] =	vst.idx.msk $0xffff, v2;
	v2 =	vmul.f32 $8.000000000e+00, v59  }
0x54c: {  	v47 =	vshrl.u32 v47, $0x3;
	v43 =	vshrl.u32 v43, $0x3;
	v54 =	vld [tilespmem:s17+$0x10];
	[tilespmem:v3+s16+$0x0] =	vst.idx.msk $0xffff, v0;
	v0 =	vmul.f32 $8.000000000e+00, v5  }
0x54d: {  	v42 =	vadd.s32 v19, v36;
	v4 =	vmov s30;
	v5 =	vmul.f32 $8.000000000e+00, v60;
	[tilespmem:v61+s16+$0x0] =	vst.idx.msk $0xffff, v2;
	v55 =	vld [tilespmem:s17+$0x50]  }
0x54e: {  	v4 =	vshrl.u32 v4, $0x3;
	v60 =	vmul.f32 $8.000000000e+00, v62;
	v61 =	vadd.s32 v23, v35;
	v62 =	vld [tilespmem:s17+$0x90];
	[tilespmem:v45+s16+$0x0] =	vst.idx.msk $0xffff, v0  }
0x54f: {  	v0 =	vshll.u32 v4, v1;
	[tilespmem:v51+s16+$0x0] =	vst.idx.msk $0xffff, v5;
	v4 =	vmul.f32 $8.000000000e+00, v52;
	v5 =	vadd.s32 v27, v33;
	v45 =	vld [tilespmem:s17+$0xE0]  }
0x550: {  	v47 =	vshll.u32 v47, v1;
	v63 =	vmul.f32 $8.000000000e+00, v63;
	[tilespmem:v46+s16+$0x0] =	vst.idx.msk $0xffff, v60;
	v46 =	vadd.s32 v31, v34;
	v51 =	vld [tilespmem:s17+$0xFFFFFF20]  }
0x551: {  	s18 =	sadd.s32 $0x3, s30;
	v48 =	vadd.s32 v16, v37;
	v52 =	vld [tilespmem:s17+$0xFFFFFF60];
	[tilespmem:v49+s16+$0x0] =	vst.idx.msk $0xffff, v4;
	v4 =	vmul.f32 $8.000000000e+00, v54;
	v49 =	vadd.s32 v9, v40  }
0x552: {  	v38 =	vmov s18;
	[tilespmem:v42+s16+$0x0] =	vst.idx.msk $0xffff, v63;
	v54 =	vadd.s32 v8, v39;
	v57 =	vld [tilespmem:s17+$0xFFFFFFA0];
	v55 =	vmul.f32 $8.000000000e+00, v55  }
0x553: {  	s15 =	sadd.s32 $0x5, s30;
	s18 =	sadd.s32 $0x6, s30;
	v53 =	vshrl.u32 v38, $0x3;
	v58 =	vadd.s32 v12, v41;
	v59 =	vld [tilespmem:s17+$0xFFFFFFE0];
	[tilespmem:v61+s16+$0x0] =	vst.idx.msk $0xffff, v4;
	v4 =	vmul.f32 $8.000000000e+00, v62  }
0x554: {  	v3 =	vmov s15;
	v2 =	vmov s18;
	v60 =	vld [tilespmem:s17+$0x20];
	[tilespmem:v5+s16+$0x0] =	vst.idx.msk $0xffff, v55;
	v5 =	vmul.f32 $8.000000000e+00, v45  }
0x555: {  	v42 =	vshrl.u32 v2, $0x3;
	v61 =	vadd.s32 v20, v36;
	v2 =	vmul.f32 $8.000000000e+00, v51;
	[tilespmem:v46+s16+$0x0] =	vst.idx.msk $0xffff, v4;
	v62 =	vld [tilespmem:s17+$0x60]  }
0x556: {  	p1 =	slt.u32 s30, $0x78;
	v38 =	vbroadcast v0, $0x0;
	v0 =	vmul.f32 $8.000000000e+00, v52;
	v4 =	vadd.s32 v24, v35;
	v63 =	vld [tilespmem:s17+$0xA0];
	[tilespmem:v49+s16+$0x0] =	vst.idx.msk $0xffff, v5  }
.Ltmp17:
0x557: {  	v41 =	vadd.s32 v13, v41;
	v3 =	vshrl.u32 v3, $0x3;
	[tilespmem:v54+s16+$0x0] =	vst.idx.msk $0xffff, v2;
	v2 =	vmul.f32 $8.000000000e+00, v57;
	v56 =	vld [tilespmem:s17+$0xF0];
	(pc) =	sbr.rel @p1 .LBB2_31-.Ltmp17, $4  }
0x558: {  	v55 =	vadd.s32 v28, v33;
	v51 =	vadd.s32 v32, v34;
	[tilespmem:v58+s16+$0x0] =	vst.idx.msk $0xffff, v0;
	v0 =	vmul.f32 $8.000000000e+00, v59;
	v50 =	vld [tilespmem:s17+$0xFFFFFF30]  }
0x559: {  	v45 =	vshll.u32 v53, v1;
	v53 =	vadd.s32 v26, v40;
	v52 =	vld [tilespmem:s17+$0xFFFFFF70];
	[tilespmem:v48+s16+$0x0] =	vst.idx.msk $0xffff, v2;
	v2 =	vmul.f32 $8.000000000e+00, v60  }
0x55a: {  	v46 =	vshll.u32 v43, v1;
	v43 =	vshll.u32 v3, v1;
	[tilespmem:v61+s16+$0x0] =	vst.idx.msk $0xffff, v0;
	v49 =	vld [tilespmem:s17+$0xFFFFFFB0]  }
0x55b: {  	s18 =	sadd.s32 $0x7, s30;
	s30 =	sadd.s32 $0x8, s30;
	v48 =	vadd.s32 v10, v39;
	v54 =	vld [tilespmem:s17+$0xFFFFFFF0];
	v39 =	vmul.f32 $8.000000000e+00, v62;
	[tilespmem:v4+s16+$0x0] =	vst.idx.msk $0xffff, v2;
	v40 =	vmul.f32 $8.000000000e+00, v63;
	v63 =	vmovc v14  }
0x55c: {  	_ =	sdelay $0x3  }
0x55d: {  	v0 =	vmov s18;
	v2 =	vadd.s32 v17, v37;
	v3 =	vld [tilespmem:s17+$0x30];
	v4 =	vmul.f32 $8.000000000e+00, v56;
	[tilespmem:v55+s16+$0x0] =	vst.idx.msk $0xffff, v39  }
0x55e: {  	v36 =	vadd.s32 v21, v36;
	v0 =	vshrl.u32 v0, $0x3;
	v5 =	vmul.f32 $8.000000000e+00, v50;
	[tilespmem:v51+s16+$0x0] =	vst.idx.msk $0xffff, v40;
	v56 =	vld [tilespmem:s17+$0x70]  }
0x55f: {  	v35 =	vadd.s32 v25, v35;
	s15 =	sadd.s32 $0x200, s17;
	v0 =	vshll.u32 v0, v1;
	v57 =	vmul.f32 $8.000000000e+00, v52;
	v40 =	vld [tilespmem:s17+$0xB0];
	[tilespmem:v53+s16+$0x0] =	vst.idx.msk $0xffff, v4  }
0x560: {  	v33 =	vadd.s32 v29, v33;
	v58 =	vld [tilespmem:s15+$0xC0];
	v0 =	vbroadcast v0, $0x0;
	[tilespmem:v48+s16+$0x0] =	vst.idx.msk $0xffff, v5;
	v59 =	vmul.f32 $8.000000000e+00, v49  }
0x561: {  	v34 =	vadd.s32 v18, v34;
	v60 =	vld [tilespmem:s15+$0xFFFFFF00];
	[tilespmem:v41+s16+$0x0] =	vst.idx.msk $0xffff, v57;
	v61 =	vmul.f32 $8.000000000e+00, v54  }
0x562: {  	v49 =	vadd.s32 v22, v0;
	[tilespmem:v2+s16+$0x0] =	vst.idx.msk $0xffff, v59;
	v2 =	vmul.f32 $8.000000000e+00, v3  }
0x563: {  	v62 =	vld [tilespmem:s15+$0xFFFFFF40];
	v3 =	vadd.s32 v6, v38;
	[tilespmem:v36+s16+$0x0] =	vst.idx.msk $0xffff, v61;
	v51 =	vmul.f32 $8.000000000e+00, v56  }
0x564: {  	v52 =	vld [tilespmem:$0x1FEA0];
	[tilespmem:v35+s16+$0x0] =	vst.idx.msk $0xffff, v2;
	v2 =	vmul.f32 $8.000000000e+00, v40  }
0x565: {  	v4 =	vmul.f32 $8.000000000e+00, v58;
	v54 =	vld [tilespmem:$0x1FEE0];
	[tilespmem:v33+s16+$0x0] =	vst.idx.msk $0xffff, v51  }
0x566: {  	v57 =	vmul.f32 $8.000000000e+00, v60;
	v58 =	vld [tilespmem:$0x1FF10];
	[tilespmem:v34+s16+$0x0] =	vst.idx.msk $0xffff, v2  }
0x567: {  	v61 =	vld [tilespmem:$0x1FF40];
	[tilespmem:v49+s16+$0x0] =	vst.idx.msk $0xffff, v4  }
0x568: {  	v47 =	vbroadcast v47, $0x0;
	v5 =	vld [tilespmem:s15+$0xFFFFFF80];
	[tilespmem:v3+s16+$0x0] =	vst.idx.msk $0xffff, v57  }
0x569: {  	v44 =	vbroadcast v44, $0x0;
	v4 =	vld [tilespmem:$0x1FF70]  }
0x56a: {  	v45 =	vbroadcast v45, $0x0;
	v53 =	vld [tilespmem:s15+$0xFFFFFFC0];
	v37 =	vadd.s32 v52, v47  }
0x56b: {  	v46 =	vbroadcast v46, $0x0;
	v56 =	vld [tilespmem:s15+$0x0];
	v55 =	vadd.s32 v54, v44  }
0x56c: {  	v42 =	vshll.u32 v42, v1;
	v43 =	vbroadcast v43, $0x0;
	v60 =	vld [tilespmem:s15+$0x40];
	v59 =	vadd.s32 v58, v45  }
0x56d: {  	v42 =	vbroadcast v42, $0x0;
	v22 =	vld [tilespmem:s15+$0x80];
	v2 =	vmul.f32 $8.000000000e+00, v62;
	v62 =	vadd.s32 v61, v46  }
0x56e: {  	v3 =	vmul.f32 $8.000000000e+00, v5;
	v33 =	vld [tilespmem:s15+$0xFFFFFF10];
	v4 =	vadd.s32 v4, v43  }
0x56f: {  	v52 =	vld [tilespmem:s15+$0xD0];
	[tilespmem:v37+s16+$0x0] =	vst.idx.msk $0xffff, v2;
	v2 =	vmul.f32 $8.000000000e+00, v53;
	v53 =	vadd.s32 v30, v42  }
0x570: {  	v54 =	vld [tilespmem:s15+$0xFFFFFF50];
	[tilespmem:v55+s16+$0x0] =	vst.idx.msk $0xffff, v3;
	v3 =	vmul.f32 $8.000000000e+00, v56;
	v56 =	vadd.s32 v7, v38  }
0x571: {  	v55 =	vadd.s32 v63, v0;
	v57 =	vld [tilespmem:s15+$0xFFFFFF90];
	[tilespmem:v59+s16+$0x0] =	vst.idx.msk $0xffff, v2;
	v2 =	vmul.f32 $8.000000000e+00, v60  }
0x572: {  	v58 =	vadd.s32 v11, v47;
	v59 =	vld [tilespmem:s15+$0xFFFFFFD0];
	[tilespmem:v62+s16+$0x0] =	vst.idx.msk $0xffff, v3;
	v3 =	vmul.f32 $8.000000000e+00, v22  }
0x573: {  	v60 =	vadd.s32 v15, v44;
	v62 =	vmul.f32 $8.000000000e+00, v33;
	v61 =	vld [tilespmem:s15+$0x10];
	[tilespmem:v4+s16+$0x0] =	vst.idx.msk $0xffff, v2  }
0x574: {  	v22 =	vadd.s32 v19, v45;
	v2 =	vmul.f32 $8.000000000e+00, v52;
	v30 =	vld [tilespmem:s15+$0x50];
	[tilespmem:v53+s16+$0x0] =	vst.idx.msk $0xffff, v3  }
0x575: {  	v52 =	vadd.s32 v23, v46;
	v3 =	vmul.f32 $8.000000000e+00, v54;
	[tilespmem:v56+s16+$0x0] =	vst.idx.msk $0xffff, v62;
	v53 =	vld [tilespmem:s15+$0x90]  }
0x576: {  	v54 =	vadd.s32 v27, v43;
	[tilespmem:v55+s16+$0x0] =	vst.idx.msk $0xffff, v2;
	v2 =	vmul.f32 $8.000000000e+00, v57;
	v40 =	vld [tilespmem:s15+$0xFFFFFF20]  }
0x577: {  	v55 =	vadd.s32 v31, v42;
	v35 =	vld [tilespmem:s15+$0xE0];
	[tilespmem:v58+s16+$0x0] =	vst.idx.msk $0xffff, v3;
	v3 =	vmul.f32 $8.000000000e+00, v59  }
0x578: {  	v58 =	vadd.s32 v8, v38;
	v56 =	vld [tilespmem:s15+$0xFFFFFF60];
	[tilespmem:v60+s16+$0x0] =	vst.idx.msk $0xffff, v2;
	v2 =	vmul.f32 $8.000000000e+00, v61  }
0x579: {  	v57 =	vadd.s32 v9, v0;
	v59 =	vld [tilespmem:s15+$0xFFFFFFA0];
	[tilespmem:v22+s16+$0x0] =	vst.idx.msk $0xffff, v3;
	v3 =	vmul.f32 $8.000000000e+00, v30  }
0x57a: {  	v60 =	vadd.s32 v12, v47;
	v61 =	vld [tilespmem:s15+$0xFFFFFFE0];
	[tilespmem:v52+s16+$0x0] =	vst.idx.msk $0xffff, v2;
	v2 =	vmul.f32 $8.000000000e+00, v53  }
0x57b: {  	v62 =	vadd.s32 v16, v44;
	v19 =	vmul.f32 $8.000000000e+00, v40;
	v16 =	vld [tilespmem:s15+$0x20];
	[tilespmem:v54+s16+$0x0] =	vst.idx.msk $0xffff, v3  }
0x57c: {  	v22 =	vadd.s32 v20, v45;
	v3 =	vmul.f32 $8.000000000e+00, v35;
	v23 =	vld [tilespmem:s15+$0x60];
	[tilespmem:v55+s16+$0x0] =	vst.idx.msk $0xffff, v2  }
0x57d: {  	v27 =	vadd.s32 v24, v46;
	v2 =	vmul.f32 $8.000000000e+00, v56;
	[tilespmem:v58+s16+$0x0] =	vst.idx.msk $0xffff, v19;
	v30 =	vld [tilespmem:s15+$0xA0]  }
0x57e: {  	v31 =	vadd.s32 v28, v43;
	[tilespmem:v57+s16+$0x0] =	vst.idx.msk $0xffff, v3;
	v3 =	vmul.f32 $8.000000000e+00, v59;
	v41 =	vld [tilespmem:s15+$0xFFFFFF30]  }
0x57f: {  	v49 =	vadd.s32 v32, v42;
	v34 =	vld [tilespmem:s15+$0xF0];
	[tilespmem:v60+s16+$0x0] =	vst.idx.msk $0xffff, v2;
	v2 =	vmul.f32 $8.000000000e+00, v61  }
0x580: {  	v51 =	vadd.s32 v10, v38;
	v50 =	vld [tilespmem:s15+$0xFFFFFF70];
	[tilespmem:v62+s16+$0x0] =	vst.idx.msk $0xffff, v3;
	v3 =	vmul.f32 $8.000000000e+00, v16  }
0x581: {  	v0 =	vadd.s32 v26, v0;
	v52 =	vld [tilespmem:s15+$0xFFFFFFB0];
	[tilespmem:v22+s16+$0x0] =	vst.idx.msk $0xffff, v2;
	v2 =	vmul.f32 $8.000000000e+00, v23  }
0x582: {  	v53 =	vadd.s32 v13, v47;
	v54 =	vld [tilespmem:s15+$0xFFFFFFF0];
	[tilespmem:v27+s16+$0x0] =	vst.idx.msk $0xffff, v3;
	v3 =	vmul.f32 $8.000000000e+00, v30  }
0x583: {  	v55 =	vadd.s32 v17, v44;
	v57 =	vmul.f32 $8.000000000e+00, v41;
	v56 =	vld [tilespmem:s15+$0x30];
	[tilespmem:v31+s16+$0x0] =	vst.idx.msk $0xffff, v2  }
0x584: {  	v58 =	vadd.s32 v21, v45;
	v2 =	vmul.f32 $8.000000000e+00, v34;
	v59 =	vld [tilespmem:s15+$0x70];
	[tilespmem:v49+s16+$0x0] =	vst.idx.msk $0xffff, v3  }
0x585: {  	v60 =	vadd.s32 v25, v46;
	v3 =	vmul.f32 $8.000000000e+00, v50;
	[tilespmem:v51+s16+$0x0] =	vst.idx.msk $0xffff, v57;
	v61 =	vld [tilespmem:s15+$0xB0]  }
0x586: {  	[tilespmem:v0+s16+$0x0] =	vst.idx.msk $0xffff, v2;
	v0 =	vmul.f32 $8.000000000e+00, v52;
	v2 =	vadd.s32 v29, v43  }
0x587: {  	v62 =	vadd.s32 v18, v42;
	[tilespmem:v53+s16+$0x0] =	vst.idx.msk $0xffff, v3;
	v3 =	vmul.f32 $8.000000000e+00, v54  }
0x588: {  	[tilespmem:v55+s16+$0x0] =	vst.idx.msk $0xffff, v0;
	v0 =	vmul.f32 $8.000000000e+00, v56  }
0x589: {  	[tilespmem:v58+s16+$0x0] =	vst.idx.msk $0xffff, v3;
	v3 =	vmul.f32 $8.000000000e+00, v59  }
0x58a: {  	[tilespmem:v60+s16+$0x0] =	vst.idx.msk $0xffff, v0;
	v0 =	vmul.f32 $8.000000000e+00, v61  }
0x58b: {  	[tilespmem:v2+s16+$0x0] =	vst.idx.msk $0xffff, v3  }
0x58c: {  	s1 =	simm.s32 $0x16400;
	s15 =	sadd.s32 s5, s12;
	[tilespmem:v62+s16+$0x0] =	vst.idx.msk $0xffff, v0  }
0x58d: {  	[hbm4b:s15+s3] =	stream.linear.scatter [tilespmem:s1], [sflag:$0x9], $0x80, $0x38;
	[tilespmem:$0x1A800] =	vst v63  }
0x58e: {  	s18 =	simm.s32 $0x16488;
	s2 =	sadd.s32 $0x10, s15  }
0x58f: {  	[hbm4b:s2+s3] =	stream.linear.scatter [tilespmem:s18], [sflag:$0x9], $0x80, $0x38;
	[tilespmem:$0x1A800] =	vst v63  }
0x590: {  	s17 =	simm.s32 $0x16510;
	s18 =	sadd.s32 $0x20, s15  }
0x591: {  	[hbm4b:s18+s3] =	stream.linear.scatter [tilespmem:s17], [sflag:$0x9], $0x80, $0x38;
	[tilespmem:$0x1A800] =	vst v63  }
0x592: {  	s17 =	simm.s32 $0x16598;
	s18 =	sadd.s32 $0x30, s15  }
0x593: {  	[hbm4b:s18+s3] =	stream.linear.scatter [tilespmem:s17], [sflag:$0x9], $0x80, $0x38;
	[tilespmem:$0x1A800] =	vst v63  }
0x594: {  	s17 =	simm.s32 $0x16620;
	s18 =	sadd.s32 $0x40, s15  }
0x595: {  	[hbm4b:s18+s3] =	stream.linear.scatter [tilespmem:s17], [sflag:$0x9], $0x80, $0x38;
	[tilespmem:$0x1A800] =	vst v63  }
0x596: {  	s30 =	sadd.s32 $0x1000, s15;
	s17 =	simm.s32 $0x166A8;
	s18 =	sadd.s32 $0x50, s15  }
0x597: {  	[hbm4b:s18+s3] =	stream.linear.scatter [tilespmem:s17], [sflag:$0x9], $0x80, $0x38;
	[tilespmem:$0x1A800] =	vst v63  }
0x598: {  	s1 =	sadd.s32 $0x70, s15;
	s17 =	simm.s32 $0x16730;
	s18 =	sadd.s32 $0x60, s15  }
0x599: {  	[hbm4b:s18+s3] =	stream.linear.scatter [tilespmem:s17], [sflag:$0x9], $0x80, $0x38;
	[tilespmem:$0x1A800] =	vst v63  }
0x59a: {  	s2 =	simm.s32 $0x167B8;
	s17 =	simm.s32 $0x440;
	s18 =	simm.s32 $0x2200  }
.LBB2_33:
0x59b: {  	[hbm4b:s1+s3] =	stream.linear.scatter [tilespmem:s2], [sflag:$0x9], $0x80, $0x38;
	[tilespmem:$0x1A800] =	vst v63  }
0x59c: {  	s1 =	smov.u32 s17;
	s2 =	smov.u32 s18  }
0x59d: {  	s15 =	sadd.s32 $0x1100, s18;
	s17 =	sshra.s32 s2, $0x2;
	s2 =	sadd.s32 $0x16400, s1  }
0x59e: {  	[hbm4b:s30+s3] =	stream.linear.scatter [tilespmem:s2], [sflag:$0x9], $0x80, $0x38;
	[tilespmem:$0x1A800] =	vst v63  }
0x59f: {  	p1 =	sne.s32 s18, $0x7700;
	s18 =	sadd.s32 $0x10, s30;
	s2 =	sadd.s32 $0x16488, s1  }
0x5a0: {  	[hbm4b:s18+s3] =	stream.linear.scatter [tilespmem:s2], [sflag:$0x9], $0x80, $0x38;
	[tilespmem:$0x1A800] =	vst v63  }
0x5a1: {  	s2 =	sadd.s32 $0x16510, s1;
	s18 =	sadd.s32 $0x20, s30  }
0x5a2: {  	[hbm4b:s18+s3] =	stream.linear.scatter [tilespmem:s2], [sflag:$0x9], $0x80, $0x38;
	[tilespmem:$0x1A800] =	vst v63  }
0x5a3: {  	s2 =	sadd.s32 $0x16598, s1;
	s18 =	sadd.s32 $0x30, s30  }
0x5a4: {  	[hbm4b:s18+s3] =	stream.linear.scatter [tilespmem:s2], [sflag:$0x9], $0x80, $0x38;
	[tilespmem:$0x1A800] =	vst v63  }
0x5a5: {  	s2 =	sadd.s32 $0x16620, s1;
	s18 =	sadd.s32 $0x40, s30  }
0x5a6: {  	[hbm4b:s18+s3] =	stream.linear.scatter [tilespmem:s2], [sflag:$0x9], $0x80, $0x38;
	[tilespmem:$0x1A800] =	vst v63  }
0x5a7: {  	s2 =	sadd.s32 $0x166A8, s1;
	s18 =	sadd.s32 $0x50, s30  }
0x5a8: {  	[hbm4b:s18+s3] =	stream.linear.scatter [tilespmem:s2], [sflag:$0x9], $0x80, $0x38;
	[tilespmem:$0x1A800] =	vst v63  }
.Ltmp18:
0x5a9: {  	_ = 	snop;
	(pc) =	sbr.rel @p1 .LBB2_33-.Ltmp18, $4  }
0x5aa: {  	s2 =	sadd.s32 $0x16730, s1;
	s18 =	sadd.s32 $0x60, s30  }
0x5ab: {  	[hbm4b:s18+s3] =	stream.linear.scatter [tilespmem:s2], [sflag:$0x9], $0x80, $0x38;
	[tilespmem:$0x1A800] =	vst v63  }
0x5ac: {  	s2 =	sadd.s32 $0x167B8, s1  }
0x5ad: {  	s1 =	sadd.s32 $0x70, s30;
	s30 =	sadd.s32 $0x1000, s30;
	s18 =	smov.u32 s15  }
0x5ae: {  	[hbm4b:s1+s3] =	stream.linear.scatter [tilespmem:s2], [sflag:$0x9], $0x80, $0x38;
	[tilespmem:$0x1A800] =	vst v63  }
0x5af: {  	s2 =	sadd.s32 $0x16400, s17  }
0x5b0: {  	[hbm4b:s30+s3] =	stream.linear.scatter [tilespmem:s2], [sflag:$0x9], $0x80, $0x38;
	[tilespmem:$0x1A800] =	vst v63  }
0x5b1: {  	s15 =	sadd.s32 $0x16488, s17;
	s18 =	sadd.s32 $0x10, s30  }
0x5b2: {  	[hbm4b:s18+s3] =	stream.linear.scatter [tilespmem:s15], [sflag:$0x9], $0x80, $0x38;
	[tilespmem:$0x1A800] =	vst v63  }
0x5b3: {  	s15 =	sadd.s32 $0x16510, s17;
	s18 =	sadd.s32 $0x20, s30  }
0x5b4: {  	[hbm4b:s18+s3] =	stream.linear.scatter [tilespmem:s15], [sflag:$0x9], $0x80, $0x38;
	[tilespmem:$0x1A800] =	vst v63  }
0x5b5: {  	s15 =	sadd.s32 $0x16598, s17;
	s18 =	sadd.s32 $0x30, s30  }
0x5b6: {  	[hbm4b:s18+s3] =	stream.linear.scatter [tilespmem:s15], [sflag:$0x9], $0x80, $0x38;
	[tilespmem:$0x1A800] =	vst v63  }
0x5b7: {  	s15 =	sadd.s32 $0x16620, s17;
	s18 =	sadd.s32 $0x40, s30  }
0x5b8: {  	[hbm4b:s18+s3] =	stream.linear.scatter [tilespmem:s15], [sflag:$0x9], $0x80, $0x38;
	[tilespmem:$0x1A800] =	vst v63  }
0x5b9: {  	s15 =	sadd.s32 $0x166A8, s17;
	s18 =	sadd.s32 $0x50, s30  }
0x5ba: {  	[hbm4b:s18+s3] =	stream.linear.scatter [tilespmem:s15], [sflag:$0x9], $0x80, $0x38;
	[tilespmem:$0x1A800] =	vst v63  }
0x5bb: {  	s2 =	sadd.s32 $0x16730, s17;
	s15 =	sadd.s32 $0x60, s30  }
0x5bc: {  	[hbm4b:s15+s3] =	stream.linear.scatter [tilespmem:s2], [sflag:$0x9], $0x80, $0x38;
	[tilespmem:$0x1A800] =	vst v63  }
0x5bd: {  	s18 =	sadd.s32 $0x167B8, s17;
	s30 =	sadd.s32 $0x70, s30  }
0x5be: {  	[hbm4b:s30+s3] =	stream.linear.scatter [tilespmem:s18], [sflag:$0x9], $0x80, $0x38;
	[tilespmem:$0x1A800] =	vst v63  }
0x5bf: {  	s1 =	sadd.s32 @!p0 $0x700, s14;
	s14 =	simm.s32 @!p0 $0x12400;
	s2 =	simm.s32 @!p0 $0x80  }
0x5c0: {  	[tilespmem:s14], [sflag:$0x7] =	stream.indirect.gather @!p0 [hbm4b:s4+s2], $0x40, s1, s2, $0xb8;
	[tilespmem:$0x1A800] =	vst v63  }
0x5c1: {  	_ =	swait.ge [sflag:s29], $0x2000  }
0x5c2: {  	[sflag:s29] =	ssyncset.done $0x0  }
0x5c3: {  	[sflag:s29] =	ssyncadd.s32 $0xFFFFE000  }
0x5c4: {  	s17 =	simm.s32 $0x1;
	s30 =	simm.s32 $0x3;
	_ =	swait.ge [sflag:s20], $0x2000  }
0x5c5: {  	v2 =	vmov s17;
	s17 =	simm.s32 $0x7;
	v4 =	vmov s30;
	v20 =	vld [tilespmem:$0x1FFD0]  }
0x5c6: {  	s15 =	simm.s32 $0x0;
	v2 =	vshrl.u32 v2, $0x3;
	v35 =	vmov s17;
	v4 =	vshrl.u32 v4, $0x3;
	v27 =	vld [tilespmem:$0x1FE60]  }
0x5c7: {  	v0 =	vmov s15;
	v35 =	vshrl.u32 v35, $0x3;
	v4 =	vshll.u32 v4, v1;
	v31 =	vld [tilespmem:$0x1FEA0]  }
0x5c8: {  	v2 =	vshll.u32 v2, v1;
	v0 =	vshrl.u32 v0, $0x3;
	s14 =	simm.s32 $0x5;
	v36 =	vbroadcast v4, $0x0;
	[sflag:s20] =	ssyncset.done $0x0;
	v4 =	vld [tilespmem:$0x1FEE0]  }
0x5c9: {  	s18 =	simm.s32 $0x2;
	v35 =	vshll.u32 v35, v1;
	v0 =	vshll.u32 v0, v1;
	v33 =	vmov s14;
	s14 =	simm.s32 $0x14500;
	v6 =	vld [tilespmem:$0x1FF10];
	[sflag:s20] =	ssyncadd.s32 $0xFFFFE000  }
0x5ca: {  	v3 =	vmov s18;
	v41 =	vbroadcast v35, $0x0;
	v39 =	vbroadcast v0, $0x0;
	v0 =	vld [tilespmem:s14+$0xC0]  }
0x5cb: {  	v40 =	vbroadcast v2, $0x0;
	s2 =	simm.s32 $0x4;
	v3 =	vshrl.u32 v3, $0x3;
	v38 =	vld [tilespmem:s14+$0xFFFFFF00]  }
0x5cc: {  	v5 =	vmov s2;
	v3 =	vshll.u32 v3, v1;
	v42 =	vld [tilespmem:s14+$0xFFFFFF40];
	v2 =	vadd.s32 v20, v41  }
0x5cd: {  	v5 =	vshrl.u32 v5, $0x3;
	v37 =	vbroadcast v3, $0x0;
	v44 =	vld [tilespmem:s14+$0xFFFFFF80];
	v43 =	vadd.s32 v27, v39  }
0x5ce: {  	v5 =	vshll.u32 v5, v1;
	v45 =	vadd.s32 v31, v40  }
0x5cf: {  	s15 =	simm.s32 $0x6;
	v4 =	vadd.s32 v4, v37;
	v56 =	vadd.s32 v6, v36;
	v6 =	vld [tilespmem:$0x1FF40];
	v0 =	vmul.f32 $8.000000000e+00, v0  }
0x5d0: {  	v34 =	vmov s15;
	v35 =	vbroadcast v5, $0x0;
	v5 =	vmul.f32 $8.000000000e+00, v38  }
0x5d1: {  	v34 =	vshrl.u32 v34, $0x3;
	v42 =	vmul.f32 $8.000000000e+00, v42;
	[tilespmem:v2+s21+$0x0] =	vst.idx.msk $0xffff, v0  }
0x5d2: {  	v3 =	vshll.u32 v34, v1;
	v46 =	vld [tilespmem:s14+$0xFFFFFFC0];
	[tilespmem:v43+s21+$0x0] =	vst.idx.msk $0xffff, v5;
	v2 =	vmul.f32 $8.000000000e+00, v44  }
0x5d3: {  	v34 =	vbroadcast v3, $0x0;
	v3 =	vld [tilespmem:$0x1FF70];
	[tilespmem:v45+s21+$0x0] =	vst.idx.msk $0xffff, v42  }
0x5d4: {  	v49 =	vadd.s32 v6, v35;
	v6 =	vld [tilespmem:$0x1FFA0];
	[tilespmem:v4+s21+$0x0] =	vst.idx.msk $0xffff, v2  }
0x5d5: {  	v7 =	vld [tilespmem:$0x1FE70];
	_ =	sdelay $0x1  }
0x5d6: {  	v47 =	vld [tilespmem:s14+$0x0];
	v57 =	vmul.f32 $8.000000000e+00, v46;
	_ =	sdelay $0x1  }
0x5d7: {  	v48 =	vld [tilespmem:s14+$0x40];
	[tilespmem:v56+s21+$0x0] =	vst.idx.msk $0xffff, v57  }
0x5d8: {  	v33 =	vshrl.u32 v33, $0x3;
	v58 =	vadd.s32 v6, v34;
	v6 =	vmovc v7;
	v51 =	vadd.s32 v7, v39;
	v7 =	vld [tilespmem:$0x1FEB0]  }
0x5d9: {  	v33 =	vshll.u32 v33, v1  }
0x5da: {  	v33 =	vbroadcast v33, $0x0;
	v2 =	vmul.f32 $8.000000000e+00, v47;
	_ =	sdelay $0x1  }
0x5db: {  	v50 =	vld [tilespmem:s14+$0x80];
	v3 =	vadd.s32 v3, v33;
	[tilespmem:v49+s21+$0x0] =	vst.idx.msk $0xffff, v2  }
0x5dc: {  	v60 =	vmul.f32 $8.000000000e+00, v48;
	v10 =	vmov v7;
	v48 =	vadd.s32 v7, v40;
	v7 =	vld [tilespmem:$0x1FEF0];
	_ =	sdelay $0x3  }
0x5dd: {  	v5 =	vld [tilespmem:s14+$0xD0];
	[tilespmem:v3+s21+$0x0] =	vst.idx.msk $0xffff, v60  }
0x5de: {  	v2 =	vmul.f32 $8.000000000e+00, v50;
	v13 =	vmov v7;
	v50 =	vadd.s32 v7, v37;
	v7 =	vld [tilespmem:$0x1FF20]  }
0x5df: {  	v43 =	vld [tilespmem:s14+$0xFFFFFF10]  }
0x5e0: {  	v59 =	vld [tilespmem:s14+$0xFFFFFF50];
	v4 =	vadd.s32 v63, v41;
	_ =	sdelay $0x1  }
0x5e1: {  	[tilespmem:v58+s21+$0x0] =	vst.idx.msk $0xffff, v2  }
0x5e2: {  	v3 =	vmul.f32 $8.000000000e+00, v5;
	v8 =	vmov v7;
	v62 =	vadd.s32 v7, v36;
	v7 =	vld [tilespmem:$0x1FF50]  }
0x5e3: {  	v61 =	vmul.f32 $8.000000000e+00, v43  }
0x5e4: {  	v52 =	vld [tilespmem:s14+$0xFFFFFF90];
	v32 =	vmul.f32 $8.000000000e+00, v59;
	[tilespmem:v4+s21+$0x0] =	vst.idx.msk $0xffff, v3  }
0x5e5: {  	v53 =	vld [tilespmem:s14+$0xFFFFFFD0];
	[tilespmem:v51+s21+$0x0] =	vst.idx.msk $0xffff, v61  }
0x5e6: {  	v4 =	vld [tilespmem:$0x1FF80];
	[tilespmem:v48+s21+$0x0] =	vst.idx.msk $0xffff, v32  }
0x5e7: {  	v19 =	vmov v7;
	v46 =	vadd.s32 v7, v35;
	v7 =	vld [tilespmem:$0x1FFB0]  }
0x5e8: {  	v54 =	vld [tilespmem:s14+$0x10]  }
0x5e9: {  	v55 =	vld [tilespmem:s14+$0x50];
	v3 =	vmul.f32 $8.000000000e+00, v52  }
0x5ea: {  	v56 =	vld [tilespmem:s14+$0x90]  }
0x5eb: {  	v60 =	vld [tilespmem:s14+$0xE0];
	[tilespmem:v50+s21+$0x0] =	vst.idx.msk $0xffff, v3  }
0x5ec: {  	s2 =	simm.s32 $0xA;
	v30 =	vmov v7;
	v48 =	vadd.s32 v7, v34;
	v7 =	vld [tilespmem:$0x1FE80]  }
0x5ed: {  	v47 =	vmov s2;
	v61 =	vmul.f32 $8.000000000e+00, v53;
	v51 =	vld [tilespmem:s14+$0xFFFFFF20]  }
0x5ee: {  	v52 =	vshrl.u32 v47, $0x3;
	v47 =	vld [tilespmem:s14+$0xFFFFFF60];
	v17 =	vmov v4;
	v4 =	vadd.s32 v4, v33  }
0x5ef: {  	v3 =	vmul.f32 $8.000000000e+00, v54;
	v57 =	vld [tilespmem:s14+$0xFFFFFFA0];
	[tilespmem:v62+s21+$0x0] =	vst.idx.msk $0xffff, v61  }
0x5f0: {  	v50 =	vadd.s32 v9, v41;
	v11 =	vld [tilespmem:$0x1FEC0]  }
0x5f1: {  	s15 =	simm.s32 $0xB;
	s30 =	simm.s32 $0x9;
	v62 =	vmul.f32 $8.000000000e+00, v55;
	v58 =	vld [tilespmem:s14+$0xFFFFFFE0];
	[tilespmem:v46+s21+$0x0] =	vst.idx.msk $0xffff, v3;
	v54 =	vadd.s32 v7, v39  }
0x5f2: {  	s17 =	simm.s32 $0xC;
	v45 =	vmov s30;
	v42 =	vmov s15;
	s30 =	simm.s32 $0xE;
	v3 =	vmul.f32 $8.000000000e+00, v56;
	v16 =	vld [tilespmem:$0x1FF00]  }
0x5f3: {  	v49 =	vmov s17;
	v2 =	vmov s30;
	v59 =	vld [tilespmem:s14+$0x20];
	[tilespmem:v4+s21+$0x0] =	vst.idx.msk $0xffff, v62;
	v4 =	vmul.f32 $8.000000000e+00, v60  }
0x5f4: {  	s18 =	simm.s32 $0x8;
	v53 =	vshrl.u32 v42, $0x3;
	v42 =	vshrl.u32 v2, $0x3;
	v2 =	vmul.f32 $8.000000000e+00, v51;
	v32 =	vmovc v7;
	v7 =	vld [tilespmem:$0x1FF30];
	[tilespmem:v48+s21+$0x0] =	vst.idx.msk $0xffff, v3  }
0x5f5: {  	v0 =	vmov s18;
	v43 =	vshrl.u32 v49, $0x3;
	v49 =	vadd.s32 v11, v40;
	v3 =	vld [tilespmem:$0x1FF60];
	[tilespmem:v50+s21+$0x0] =	vst.idx.msk $0xffff, v4  }
0x5f6: {  	v0 =	vshrl.u32 v0, $0x3;
	v61 =	vld [tilespmem:s14+$0x60];
	[tilespmem:v54+s21+$0x0] =	vst.idx.msk $0xffff, v2  }
0x5f7: {  	v0 =	vshll.u32 v0, v1;
	v46 =	vadd.s32 v16, v37;
	v4 =	vld [tilespmem:$0x1FF90]  }
0x5f8: {  	v38 =	vbroadcast v0, $0x0;
	v0 =	vmul.f32 $8.000000000e+00, v47;
	v62 =	vld [tilespmem:s14+$0xA0]  }
0x5f9: {  	v56 =	vld [tilespmem:s14+$0xF0]  }
0x5fa: {  	v60 =	vadd.s32 v7, v36;
	v2 =	vmul.f32 $8.000000000e+00, v57;
	v50 =	vld [tilespmem:s14+$0xFFFFFF30];
	[tilespmem:v49+s21+$0x0] =	vst.idx.msk $0xffff, v0  }
0x5fb: {  	v44 =	vshll.u32 v52, v1;
	v22 =	vmov v3;
	v52 =	vld [tilespmem:s14+$0xFFFFFF70]  }
0x5fc: {  	v3 =	vadd.s32 v3, v35;
	v26 =	vmov v4;
	v55 =	vadd.s32 v4, v33;
	v4 =	vld [tilespmem:$0x1FFC0];
	[tilespmem:v46+s21+$0x0] =	vst.idx.msk $0xffff, v2  }
0x5fd: {  	v0 =	vmul.f32 $8.000000000e+00, v58;
	v23 =	vld [tilespmem:$0x1FFE0]  }
0x5fe: {  	v15 =	vld [tilespmem:$0x1FE90]  }
0x5ff: {  	v2 =	vmul.f32 $8.000000000e+00, v59;
	v49 =	vld [tilespmem:s14+$0xFFFFFFB0];
	[tilespmem:v60+s21+$0x0] =	vst.idx.msk $0xffff, v0  }
0x600: {  	v0 =	vld [tilespmem:$0x1FED0]  }
0x601: {  	s18 =	simm.s32 $0xD;
	v54 =	vld [tilespmem:s14+$0xFFFFFFF0];
	[tilespmem:v3+s21+$0x0] =	vst.idx.msk $0xffff, v2  }
0x602: {  	v45 =	vshrl.u32 v45, $0x3;
	v5 =	vmov s18;
	v28 =	vld [tilespmem:$0x1FE10]  }
0x603: {  	v5 =	vshrl.u32 v5, $0x3;
	v47 =	vshll.u32 v45, v1;
	v21 =	vld [tilespmem:$0x1FE20]  }
0x604: {  	v45 =	vshll.u32 v53, v1;
	v46 =	vshll.u32 v43, v1;
	v25 =	vld [tilespmem:$0x1FE30];
	v51 =	vadd.s32 v4, v34  }
0x605: {  	v18 =	vmovc v7;
	v43 =	vshll.u32 v5, v1;
	v29 =	vld [tilespmem:$0x1FE40];
	v53 =	vadd.s32 v23, v41;
	v48 =	vadd.s32 v15, v39  }
0x606: {  	s17 =	simm.s32 $0x10;
	s18 =	simm.s32 $0xF;
	v7 =	vld [tilespmem:$0x1FE50];
	v12 =	vmovc v4;
	v39 =	vmul.f32 $8.000000000e+00, v61;
	v24 =	vmovc v0;
	v41 =	vadd.s32 v0, v40;
	v40 =	vmul.f32 $8.000000000e+00, v62  }
.LBB2_35:
0x607: {  	v0 =	vmov s18  }
0x608: {  	v2 =	vadd.s32 v28, v37;
	v3 =	vld [tilespmem:s14+$0x30];
	[tilespmem:v55+s21+$0x0] =	vst.idx.msk $0xffff, v39;
	v0 =	vshrl.u32 v0, $0x3  }
0x609: {  	[tilespmem:v51+s21+$0x0] =	vst.idx.msk $0xffff, v40;
	v55 =	vld [tilespmem:s14+$0x70];
	v0 =	vshll.u32 v0, v1;
	v5 =	vmul.f32 $8.000000000e+00, v50  }
0x60a: {  	v36 =	vadd.s32 v21, v36;
	v57 =	vld [tilespmem:s14+$0xB0];
	v40 =	vbroadcast v0, $0x0;
	v4 =	vmul.f32 $8.000000000e+00, v56  }
0x60b: {  	s14 =	sadd.s32 $0x200, s14;
	v56 =	vmul.f32 $8.000000000e+00, v52;
	v0 =	vmul.f32 $8.000000000e+00, v49;
	v52 =	vld [tilespmem:$0x1FEE0];
	[tilespmem:v48+s21+$0x0] =	vst.idx.msk $0xffff, v5  }
0x60c: {  	[tilespmem:v53+s21+$0x0] =	vst.idx.msk $0xffff, v4;
	v5 =	vadd.s32 v29, v33;
	v58 =	vld [tilespmem:s14+$0xFFFFFF00]  }
0x60d: {  	v35 =	vadd.s32 v25, v35;
	v39 =	vmov v38;
	v59 =	vmul.f32 $8.000000000e+00, v54;
	[tilespmem:v2+s21+$0x0] =	vst.idx.msk $0xffff, v0;
	v4 =	vld [tilespmem:s14+$0xC0]  }
0x60e: {  	[tilespmem:v41+s21+$0x0] =	vst.idx.msk $0xffff, v56;
	v0 =	vmul.f32 $8.000000000e+00, v3;
	v2 =	vadd.s32 v27, v39;
	v3 =	vld [tilespmem:s14+$0xFFFFFF80]  }
0x60f: {  	v61 =	vadd.s32 v20, v40;
	[tilespmem:v36+s21+$0x0] =	vst.idx.msk $0xffff, v59;
	v60 =	vld [tilespmem:s14+$0xFFFFFF40];
	v38 =	vmul.f32 $8.000000000e+00, v55  }
0x610: {  	v48 =	vld [tilespmem:s14+$0xFFFFFFC0]  }
0x611: {  	v34 =	vadd.s32 v7, v34;
	v41 =	vbroadcast v47, $0x0;
	v55 =	vld [tilespmem:$0x1FF10];
	[tilespmem:v5+s21+$0x0] =	vst.idx.msk $0xffff, v38;
	v5 =	vmul.f32 $8.000000000e+00, v58  }
0x612: {  	[tilespmem:v35+s21+$0x0] =	vst.idx.msk $0xffff, v0;
	v0 =	vmul.f32 $8.000000000e+00, v57;
	v57 =	vld [tilespmem:$0x1FF40];
	v4 =	vmul.f32 $8.000000000e+00, v4  }
0x613: {  	v37 =	vbroadcast v44, $0x0;
	[tilespmem:v2+s21+$0x0] =	vst.idx.msk $0xffff, v5;
	v2 =	vmul.f32 $8.000000000e+00, v3;
	v3 =	vld [tilespmem:$0x1FF70]  }
0x614: {  	v36 =	vbroadcast v45, $0x0;
	v62 =	vadd.s32 v31, v41;
	[tilespmem:v61+s21+$0x0] =	vst.idx.msk $0xffff, v4;
	v61 =	vld [tilespmem:$0x1FFA0]  }
0x615: {  	v35 =	vbroadcast v46, $0x0;
	v53 =	vadd.s32 v52, v37;
	v54 =	vld [tilespmem:s14+$0x0]  }
0x616: {  	v42 =	vshll.u32 v42, v1;
	v33 =	vbroadcast v43, $0x0;
	[tilespmem:v34+s21+$0x0] =	vst.idx.msk $0xffff, v0;
	v38 =	vadd.s32 v55, v36;
	v56 =	vld [tilespmem:s14+$0x40]  }
0x617: {  	s30 =	sadd.s32 $0x2, s17;
	v34 =	vbroadcast v42, $0x0;
	v59 =	vld [tilespmem:s14+$0x80];
	v0 =	vmul.f32 $8.000000000e+00, v60;
	v58 =	vadd.s32 v57, v35  }
0x618: {  	v51 =	vadd.s32 v6, v39;
	v50 =	vmov s30;
	v5 =	vld [tilespmem:s14+$0xD0];
	v3 =	vadd.s32 v3, v33  }
0x619: {  	v49 =	vadd.s32 v13, v37;
	[tilespmem:v62+s21+$0x0] =	vst.idx.msk $0xffff, v0;
	v0 =	vmul.f32 $8.000000000e+00, v48;
	v60 =	vld [tilespmem:s14+$0xFFFFFF10];
	v44 =	vadd.s32 v61, v34  }
0x61a: {  	s1 =	sadd.s32 $0x1, s17;
	s15 =	sadd.s32 $0x4, s17;
	v50 =	vshrl.u32 v50, $0x3;
	v45 =	vadd.s32 v63, v40;
	v62 =	vld [tilespmem:s14+$0xFFFFFF50];
	[tilespmem:v53+s21+$0x0] =	vst.idx.msk $0xffff, v2;
	v2 =	vmul.f32 $8.000000000e+00, v54  }
0x61b: {  	v47 =	vmov s1;
	v43 =	vmov s15;
	v52 =	vld [tilespmem:s14+$0xFFFFFF90];
	[tilespmem:v38+s21+$0x0] =	vst.idx.msk $0xffff, v0;
	v0 =	vmul.f32 $8.000000000e+00, v56  }
0x61c: {  	v47 =	vshrl.u32 v47, $0x3;
	v46 =	vadd.s32 v10, v41;
	v63 =	vld [tilespmem:s14+$0xFFFFFFD0];
	[tilespmem:v58+s21+$0x0] =	vst.idx.msk $0xffff, v2;
	v2 =	vmul.f32 $8.000000000e+00, v59  }
0x61d: {  	v43 =	vshrl.u32 v43, $0x3;
	v47 =	vshll.u32 v47, v1;
	v54 =	vld [tilespmem:s14+$0x10];
	[tilespmem:v3+s21+$0x0] =	vst.idx.msk $0xffff, v0;
	v0 =	vmul.f32 $8.000000000e+00, v5  }
0x61e: {  	v42 =	vadd.s32 v8, v36;
	v4 =	vmov s17;
	v5 =	vmul.f32 $8.000000000e+00, v60;
	[tilespmem:v44+s21+$0x0] =	vst.idx.msk $0xffff, v2;
	v55 =	vld [tilespmem:s14+$0x50]  }
0x61f: {  	v4 =	vshrl.u32 v4, $0x3;
	v61 =	vadd.s32 v19, v35;
	v60 =	vmul.f32 $8.000000000e+00, v62;
	v62 =	vld [tilespmem:s14+$0x90];
	[tilespmem:v45+s21+$0x0] =	vst.idx.msk $0xffff, v0  }
0x620: {  	v0 =	vshll.u32 v4, v1;
	[tilespmem:v51+s21+$0x0] =	vst.idx.msk $0xffff, v5;
	v4 =	vmul.f32 $8.000000000e+00, v52;
	v5 =	vadd.s32 v17, v33;
	v45 =	vld [tilespmem:s14+$0xE0]  }
0x621: {  	s2 =	sadd.s32 $0x3, s17;
	v48 =	vadd.s32 v16, v37;
	v63 =	vmul.f32 $8.000000000e+00, v63;
	[tilespmem:v46+s21+$0x0] =	vst.idx.msk $0xffff, v60;
	v46 =	vadd.s32 v30, v34;
	v51 =	vld [tilespmem:s14+$0xFFFFFF20]  }
0x622: {  	v38 =	vmov s2;
	v52 =	vld [tilespmem:s14+$0xFFFFFF60];
	[tilespmem:v49+s21+$0x0] =	vst.idx.msk $0xffff, v4;
	v4 =	vmul.f32 $8.000000000e+00, v54;
	v49 =	vadd.s32 v9, v40  }
0x623: {  	v53 =	vshrl.u32 v38, $0x3;
	[tilespmem:v42+s21+$0x0] =	vst.idx.msk $0xffff, v63;
	v54 =	vadd.s32 v32, v39;
	v57 =	vld [tilespmem:s14+$0xFFFFFFA0];
	v55 =	vmul.f32 $8.000000000e+00, v55  }
0x624: {  	s18 =	sadd.s32 $0x5, s17;
	s30 =	sadd.s32 $0x6, s17;
	v58 =	vadd.s32 v11, v41;
	v41 =	vadd.s32 v24, v41;
	v59 =	vld [tilespmem:s14+$0xFFFFFFE0];
	[tilespmem:v61+s21+$0x0] =	vst.idx.msk $0xffff, v4;
	v4 =	vmul.f32 $8.000000000e+00, v62  }
0x625: {  	v3 =	vmov s18;
	v2 =	vmov s30;
	v60 =	vld [tilespmem:s14+$0x20];
	[tilespmem:v5+s21+$0x0] =	vst.idx.msk $0xffff, v55;
	v5 =	vmul.f32 $8.000000000e+00, v45  }
0x626: {  	v42 =	vshrl.u32 v2, $0x3;
	v61 =	vadd.s32 v18, v36;
	v2 =	vmul.f32 $8.000000000e+00, v51;
	[tilespmem:v46+s21+$0x0] =	vst.idx.msk $0xffff, v4;
	v62 =	vld [tilespmem:s14+$0x60]  }
0x627: {  	p1 =	slt.u32 s17, $0x78;
	v38 =	vbroadcast v0, $0x0;
	v0 =	vmul.f32 $8.000000000e+00, v52;
	v4 =	vadd.s32 v22, v35;
	v63 =	vld [tilespmem:s14+$0xA0];
	[tilespmem:v49+s21+$0x0] =	vst.idx.msk $0xffff, v5  }
.Ltmp19:
0x628: {  	v44 =	vshll.u32 v50, v1;
	v3 =	vshrl.u32 v3, $0x3;
	[tilespmem:v54+s21+$0x0] =	vst.idx.msk $0xffff, v2;
	v2 =	vmul.f32 $8.000000000e+00, v57;
	v56 =	vld [tilespmem:s14+$0xF0];
	(pc) =	sbr.rel @p1 .LBB2_35-.Ltmp19, $4  }
0x629: {  	v55 =	vadd.s32 v26, v33;
	v51 =	vadd.s32 v12, v34;
	[tilespmem:v58+s21+$0x0] =	vst.idx.msk $0xffff, v0;
	v0 =	vmul.f32 $8.000000000e+00, v59;
	v50 =	vld [tilespmem:s14+$0xFFFFFF30]  }
0x62a: {  	v45 =	vshll.u32 v53, v1;
	v53 =	vadd.s32 v23, v40;
	v52 =	vld [tilespmem:s14+$0xFFFFFF70];
	[tilespmem:v48+s21+$0x0] =	vst.idx.msk $0xffff, v2;
	v2 =	vmul.f32 $8.000000000e+00, v60  }
0x62b: {  	v46 =	vshll.u32 v43, v1;
	v43 =	vshll.u32 v3, v1;
	[tilespmem:v61+s21+$0x0] =	vst.idx.msk $0xffff, v0;
	v49 =	vld [tilespmem:s14+$0xFFFFFFB0]  }
0x62c: {  	s18 =	sadd.s32 $0x7, s17;
	s17 =	sadd.s32 $0x8, s17;
	v48 =	vadd.s32 v15, v39;
	v54 =	vld [tilespmem:s14+$0xFFFFFFF0];
	v39 =	vmul.f32 $8.000000000e+00, v62;
	[tilespmem:v4+s21+$0x0] =	vst.idx.msk $0xffff, v2;
	v40 =	vmul.f32 $8.000000000e+00, v63;
	v63 =	vmovc v14  }
0x62d: {  	_ =	sdelay $0x3  }
0x62e: {  	v2 =	vadd.s32 v28, v37;
	v3 =	vld [tilespmem:s14+$0x30];
	v4 =	vmul.f32 $8.000000000e+00, v56;
	[tilespmem:v55+s21+$0x0] =	vst.idx.msk $0xffff, v39  }
0x62f: {  	v36 =	vadd.s32 v21, v36;
	v5 =	vmul.f32 $8.000000000e+00, v50;
	[tilespmem:v51+s21+$0x0] =	vst.idx.msk $0xffff, v40  }
0x630: {  	v35 =	vadd.s32 v25, v35;
	v58 =	vmul.f32 $8.000000000e+00, v52;
	[tilespmem:v53+s21+$0x0] =	vst.idx.msk $0xffff, v4  }
0x631: {  	[tilespmem:v48+s21+$0x0] =	vst.idx.msk $0xffff, v5;
	v5 =	vmul.f32 $8.000000000e+00, v49  }
0x632: {  	[tilespmem:v41+s21+$0x0] =	vst.idx.msk $0xffff, v58;
	v60 =	vmul.f32 $8.000000000e+00, v54  }
0x633: {  	v57 =	vld [tilespmem:s14+$0x70];
	[tilespmem:v2+s21+$0x0] =	vst.idx.msk $0xffff, v5;
	v2 =	vmul.f32 $8.000000000e+00, v3  }
0x634: {  	[tilespmem:v36+s21+$0x0] =	vst.idx.msk $0xffff, v60  }
0x635: {  	v33 =	vadd.s32 v29, v33;
	[tilespmem:v35+s21+$0x0] =	vst.idx.msk $0xffff, v2  }
0x636: {  	v14 =	vld [tilespmem:$0x1FEE0];
	_ =	sdelay $0x1  }
0x637: {  	v0 =	vmov s18;
	v40 =	vld [tilespmem:s14+$0xB0];
	v52 =	vmul.f32 $8.000000000e+00, v57  }
0x638: {  	s2 =	sadd.s32 $0x200, s14;
	v44 =	vbroadcast v44, $0x0;
	v0 =	vshrl.u32 v0, $0x3  }
0x639: {  	v34 =	vadd.s32 v7, v34;
	v0 =	vshll.u32 v0, v1;
	v4 =	vld [tilespmem:s2+$0xC0];
	[tilespmem:v33+s21+$0x0] =	vst.idx.msk $0xffff, v52  }
0x63a: {  	v0 =	vbroadcast v0, $0x0;
	v55 =	vadd.s32 v14, v44;
	v14 =	vld [tilespmem:$0x1FF10]  }
0x63b: {  	v59 =	vld [tilespmem:s2+$0xFFFFFF00]  }
0x63c: {  	v47 =	vbroadcast v47, $0x0;
	v61 =	vld [tilespmem:s2+$0xFFFFFF40];
	v62 =	vadd.s32 v20, v0;
	v2 =	vmul.f32 $8.000000000e+00, v40  }
0x63d: {  	v45 =	vbroadcast v45, $0x0;
	v3 =	vadd.s32 v27, v38  }
0x63e: {  	v53 =	vadd.s32 v31, v47;
	[tilespmem:v34+s21+$0x0] =	vst.idx.msk $0xffff, v2  }
0x63f: {  	v4 =	vmul.f32 $8.000000000e+00, v4;
	v58 =	vadd.s32 v14, v45;
	v14 =	vld [tilespmem:$0x1FF40]  }
0x640: {  	v57 =	vmul.f32 $8.000000000e+00, v59  }
0x641: {  	v54 =	vld [tilespmem:s2+$0xFFFFFFC0];
	v2 =	vmul.f32 $8.000000000e+00, v61;
	[tilespmem:v62+s21+$0x0] =	vst.idx.msk $0xffff, v4  }
0x642: {  	v46 =	vbroadcast v46, $0x0;
	v5 =	vld [tilespmem:s2+$0xFFFFFF80];
	[tilespmem:v3+s21+$0x0] =	vst.idx.msk $0xffff, v57  }
0x643: {  	v4 =	vld [tilespmem:$0x1FF70];
	[tilespmem:v53+s21+$0x0] =	vst.idx.msk $0xffff, v2  }
0x644: {  	v60 =	vadd.s32 v14, v46;
	v14 =	vld [tilespmem:$0x1FFA0]  }
0x645: {  	v56 =	vld [tilespmem:s2+$0x0]  }
0x646: {  	v42 =	vshll.u32 v42, v1;
	v43 =	vbroadcast v43, $0x0;
	v59 =	vld [tilespmem:s2+$0x40]  }
0x647: {  	v42 =	vbroadcast v42, $0x0;
	v61 =	vld [tilespmem:s2+$0x80]  }
0x648: {  	v3 =	vmul.f32 $8.000000000e+00, v5;
	v5 =	vld [tilespmem:s2+$0xD0];
	v4 =	vadd.s32 v4, v43  }
0x649: {  	v33 =	vld [tilespmem:s2+$0xFFFFFF10];
	v2 =	vmul.f32 $8.000000000e+00, v54;
	v62 =	vadd.s32 v14, v42  }
0x64a: {  	v53 =	vadd.s32 v63, v0;
	v52 =	vld [tilespmem:s2+$0xFFFFFF50];
	[tilespmem:v55+s21+$0x0] =	vst.idx.msk $0xffff, v3;
	v3 =	vmul.f32 $8.000000000e+00, v56  }
0x64b: {  	v54 =	vadd.s32 v6, v38;
	[tilespmem:v58+s21+$0x0] =	vst.idx.msk $0xffff, v2;
	v2 =	vmul.f32 $8.000000000e+00, v59;
	v55 =	vld [tilespmem:s2+$0xFFFFFF90]  }
0x64c: {  	v56 =	vadd.s32 v10, v47;
	v57 =	vld [tilespmem:s2+$0xFFFFFFD0];
	[tilespmem:v60+s21+$0x0] =	vst.idx.msk $0xffff, v3;
	v3 =	vmul.f32 $8.000000000e+00, v61  }
0x64d: {  	v58 =	vadd.s32 v13, v44;
	v59 =	vld [tilespmem:s2+$0x10];
	[tilespmem:v4+s21+$0x0] =	vst.idx.msk $0xffff, v2;
	v2 =	vmul.f32 $8.000000000e+00, v5  }
0x64e: {  	v4 =	vmul.f32 $8.000000000e+00, v33;
	v5 =	vadd.s32 v8, v45;
	v60 =	vld [tilespmem:s2+$0x50];
	[tilespmem:v62+s21+$0x0] =	vst.idx.msk $0xffff, v3  }
0x64f: {  	v61 =	vadd.s32 v19, v46;
	[tilespmem:v53+s21+$0x0] =	vst.idx.msk $0xffff, v2;
	v3 =	vmul.f32 $8.000000000e+00, v52;
	v62 =	vld [tilespmem:s2+$0x90]  }
0x650: {  	[tilespmem:v54+s21+$0x0] =	vst.idx.msk $0xffff, v4;
	v2 =	vmul.f32 $8.000000000e+00, v55;
	v4 =	vadd.s32 v17, v43;
	v35 =	vld [tilespmem:s2+$0xE0]  }
0x651: {  	v40 =	vld [tilespmem:s2+$0xFFFFFF20];
	v52 =	vadd.s32 v30, v42;
	[tilespmem:v56+s21+$0x0] =	vst.idx.msk $0xffff, v3;
	v3 =	vmul.f32 $8.000000000e+00, v57  }
0x652: {  	v54 =	vadd.s32 v9, v0;
	[tilespmem:v58+s21+$0x0] =	vst.idx.msk $0xffff, v2;
	v2 =	vmul.f32 $8.000000000e+00, v59;
	v53 =	vld [tilespmem:s2+$0xFFFFFF60]  }
0x653: {  	v55 =	vadd.s32 v32, v38;
	v56 =	vld [tilespmem:s2+$0xFFFFFFA0];
	[tilespmem:v5+s21+$0x0] =	vst.idx.msk $0xffff, v3;
	v3 =	vmul.f32 $8.000000000e+00, v60  }
0x654: {  	[tilespmem:v61+s21+$0x0] =	vst.idx.msk $0xffff, v2;
	v5 =	vadd.s32 v11, v47;
	v57 =	vld [tilespmem:s2+$0xFFFFFFE0];
	v2 =	vmul.f32 $8.000000000e+00, v62  }
0x655: {  	v58 =	vadd.s32 v16, v44;
	v59 =	vld [tilespmem:s2+$0x20];
	[tilespmem:v4+s21+$0x0] =	vst.idx.msk $0xffff, v3;
	v3 =	vmul.f32 $8.000000000e+00, v35  }
0x656: {  	v60 =	vadd.s32 v18, v45;
	v4 =	vmul.f32 $8.000000000e+00, v40;
	v61 =	vld [tilespmem:s2+$0x60];
	[tilespmem:v52+s21+$0x0] =	vst.idx.msk $0xffff, v2  }
0x657: {  	v62 =	vadd.s32 v22, v46;
	v2 =	vmul.f32 $8.000000000e+00, v53;
	[tilespmem:v54+s21+$0x0] =	vst.idx.msk $0xffff, v3;
	v52 =	vld [tilespmem:s2+$0xA0]  }
0x658: {  	[tilespmem:v55+s21+$0x0] =	vst.idx.msk $0xffff, v4;
	v3 =	vmul.f32 $8.000000000e+00, v56;
	v4 =	vadd.s32 v26, v43;
	v34 =	vld [tilespmem:s2+$0xF0]  }
0x659: {  	v41 =	vld [tilespmem:s2+$0xFFFFFF30];
	[tilespmem:v5+s21+$0x0] =	vst.idx.msk $0xffff, v2;
	v2 =	vmul.f32 $8.000000000e+00, v57;
	v5 =	vadd.s32 v12, v42  }
0x65a: {  	v0 =	vadd.s32 v23, v0;
	[tilespmem:v58+s21+$0x0] =	vst.idx.msk $0xffff, v3;
	v3 =	vmul.f32 $8.000000000e+00, v59;
	v53 =	vld [tilespmem:s2+$0xFFFFFF70]  }
0x65b: {  	v54 =	vadd.s32 v15, v38;
	v55 =	vld [tilespmem:s2+$0xFFFFFFB0];
	[tilespmem:v60+s21+$0x0] =	vst.idx.msk $0xffff, v2;
	v2 =	vmul.f32 $8.000000000e+00, v61  }
0x65c: {  	v56 =	vadd.s32 v24, v47;
	[tilespmem:v62+s21+$0x0] =	vst.idx.msk $0xffff, v3;
	v57 =	vld [tilespmem:s2+$0xFFFFFFF0];
	v3 =	vmul.f32 $8.000000000e+00, v52  }
0x65d: {  	v58 =	vadd.s32 v28, v44;
	v59 =	vld [tilespmem:s2+$0x30];
	[tilespmem:v4+s21+$0x0] =	vst.idx.msk $0xffff, v2;
	v2 =	vmul.f32 $8.000000000e+00, v34  }
0x65e: {  	v60 =	vadd.s32 v21, v45;
	v4 =	vmul.f32 $8.000000000e+00, v41;
	v61 =	vld [tilespmem:s2+$0x70];
	[tilespmem:v5+s21+$0x0] =	vst.idx.msk $0xffff, v3  }
0x65f: {  	v3 =	vmul.f32 $8.000000000e+00, v53;
	v5 =	vadd.s32 v25, v46;
	[tilespmem:v0+s21+$0x0] =	vst.idx.msk $0xffff, v2;
	v62 =	vld [tilespmem:s2+$0xB0]  }
0x660: {  	[tilespmem:v54+s21+$0x0] =	vst.idx.msk $0xffff, v4;
	v0 =	vmul.f32 $8.000000000e+00, v55;
	v2 =	vadd.s32 v29, v43  }
0x661: {  	v4 =	vadd.s32 v7, v42;
	[tilespmem:v56+s21+$0x0] =	vst.idx.msk $0xffff, v3;
	v3 =	vmul.f32 $8.000000000e+00, v57  }
0x662: {  	[tilespmem:v58+s21+$0x0] =	vst.idx.msk $0xffff, v0;
	v0 =	vmul.f32 $8.000000000e+00, v59  }
0x663: {  	[tilespmem:v60+s21+$0x0] =	vst.idx.msk $0xffff, v3;
	v3 =	vmul.f32 $8.000000000e+00, v61  }
0x664: {  	[tilespmem:v5+s21+$0x0] =	vst.idx.msk $0xffff, v0;
	v0 =	vmul.f32 $8.000000000e+00, v62  }
0x665: {  	[tilespmem:v2+s21+$0x0] =	vst.idx.msk $0xffff, v3  }
0x666: {  	s1 =	simm.s32 $0x18600;
	s14 =	sadd.s32 s5, s13;
	[tilespmem:v4+s21+$0x0] =	vst.idx.msk $0xffff, v0  }
0x667: {  	[hbm4b:s14+s3] =	stream.linear.scatter [tilespmem:s1], [sflag:$0xA], $0x80, $0x38;
	[tilespmem:$0x1A800] =	vst v63  }
0x668: {  	s5 =	simm.s32 $0x18688;
	s2 =	sadd.s32 $0x10, s14  }
0x669: {  	[hbm4b:s2+s3] =	stream.linear.scatter [tilespmem:s5], [sflag:$0xA], $0x80, $0x38;
	[tilespmem:$0x1A800] =	vst v63  }
0x66a: {  	s15 =	simm.s32 $0x18710;
	s18 =	simm.s32 $0x18798;
	s17 =	sadd.s32 $0x20, s14  }
0x66b: {  	[hbm4b:s17+s3] =	stream.linear.scatter [tilespmem:s15], [sflag:$0xA], $0x80, $0x38;
	[tilespmem:$0x1A800] =	vst v63  }
0x66c: {  	s30 =	sadd.s32 $0x30, s14;
	s1 =	sadd.s32 $0x70, s14;
	s2 =	simm.s32 $0x18820  }
0x66d: {  	[hbm4b:s30+s3] =	stream.linear.scatter [tilespmem:s18], [sflag:$0xA], $0x80, $0x38;
	[tilespmem:$0x1A800] =	vst v63  }
0x66e: {  	s5 =	sadd.s32 $0x40, s14;
	s15 =	simm.s32 $0x188A8;
	s17 =	sadd.s32 $0x50, s14  }
0x66f: {  	[hbm4b:s5+s3] =	stream.linear.scatter [tilespmem:s2], [sflag:$0xA], $0x80, $0x38;
	[tilespmem:$0x1A800] =	vst v63  }
0x670: {  	s18 =	simm.s32 $0x18930;
	s30 =	sadd.s32 $0x60, s14;
	s14 =	sadd.s32 $0x1000, s14  }
0x671: {  	[hbm4b:s17+s3] =	stream.linear.scatter [tilespmem:s15], [sflag:$0xA], $0x80, $0x38;
	[tilespmem:$0x1A800] =	vst v63  }
0x672: {  	v14 =	vmov v32;
	v21 =	vmov v13;
	s5 =	simm.s32 $0x440;
	s2 =	simm.s32 $0x189B8;
	s17 =	simm.s32 $0x2200  }
0x673: {  	v25 =	vmovc v8;
	v29 =	vmovc v19;
	v5 =	vmov v17;
	v0 =	vmov v6;
	v6 =	vmov v9;
	[hbm4b:s30+s3] =	stream.linear.scatter [tilespmem:s18], [sflag:$0xA], $0x80, $0x38;
	[tilespmem:$0x1A800] =	vst v63  }
.LBB2_37:
0x674: {  	[hbm4b:s1+s3] =	stream.linear.scatter [tilespmem:s2], [sflag:$0xA], $0x80, $0x38;
	[tilespmem:$0x1A800] =	vst v63  }
0x675: {  	s1 =	smov.u32 s5;
	s2 =	smov.u32 s17  }
0x676: {  	s15 =	sadd.s32 $0x1100, s17;
	s5 =	sshra.s32 s2, $0x2;
	s2 =	sadd.s32 $0x18600, s1  }
0x677: {  	[hbm4b:s14+s3] =	stream.linear.scatter [tilespmem:s2], [sflag:$0xA], $0x80, $0x38;
	[tilespmem:$0x1A800] =	vst v63  }
0x678: {  	p1 =	sne.s32 s17, $0x7700;
	s17 =	sadd.s32 $0x10, s14;
	s2 =	sadd.s32 $0x18688, s1  }
0x679: {  	[hbm4b:s17+s3] =	stream.linear.scatter [tilespmem:s2], [sflag:$0xA], $0x80, $0x38;
	[tilespmem:$0x1A800] =	vst v63  }
0x67a: {  	s2 =	sadd.s32 $0x18710, s1;
	s17 =	sadd.s32 $0x20, s14  }
0x67b: {  	[hbm4b:s17+s3] =	stream.linear.scatter [tilespmem:s2], [sflag:$0xA], $0x80, $0x38;
	[tilespmem:$0x1A800] =	vst v63  }
0x67c: {  	s2 =	sadd.s32 $0x18798, s1;
	s17 =	sadd.s32 $0x30, s14  }
0x67d: {  	[hbm4b:s17+s3] =	stream.linear.scatter [tilespmem:s2], [sflag:$0xA], $0x80, $0x38;
	[tilespmem:$0x1A800] =	vst v63  }
0x67e: {  	s2 =	sadd.s32 $0x18820, s1;
	s17 =	sadd.s32 $0x40, s14  }
0x67f: {  	[hbm4b:s17+s3] =	stream.linear.scatter [tilespmem:s2], [sflag:$0xA], $0x80, $0x38;
	[tilespmem:$0x1A800] =	vst v63  }
0x680: {  	s2 =	sadd.s32 $0x188A8, s1;
	s17 =	sadd.s32 $0x50, s14  }
0x681: {  	[hbm4b:s17+s3] =	stream.linear.scatter [tilespmem:s2], [sflag:$0xA], $0x80, $0x38;
	[tilespmem:$0x1A800] =	vst v63  }
.Ltmp20:
0x682: {  	_ = 	snop;
	(pc) =	sbr.rel @p1 .LBB2_37-.Ltmp20, $4  }
0x683: {  	s2 =	sadd.s32 $0x18930, s1;
	s17 =	sadd.s32 $0x60, s14  }
0x684: {  	[hbm4b:s17+s3] =	stream.linear.scatter [tilespmem:s2], [sflag:$0xA], $0x80, $0x38;
	[tilespmem:$0x1A800] =	vst v63  }
0x685: {  	s2 =	sadd.s32 $0x189B8, s1  }
0x686: {  	s1 =	sadd.s32 $0x70, s14;
	s14 =	sadd.s32 $0x1000, s14;
	s17 =	smov.u32 s15  }
0x687: {  	[hbm4b:s1+s3] =	stream.linear.scatter [tilespmem:s2], [sflag:$0xA], $0x80, $0x38;
	[tilespmem:$0x1A800] =	vst v63  }
0x688: {  	s17 =	sadd.s32 $0x18600, s5  }
0x689: {  	[hbm4b:s14+s3] =	stream.linear.scatter [tilespmem:s17], [sflag:$0xA], $0x80, $0x38;
	[tilespmem:$0x1A800] =	vst v63  }
0x68a: {  	s18 =	sadd.s32 $0x18688, s5;
	s30 =	sadd.s32 $0x10, s14  }
0x68b: {  	[hbm4b:s30+s3] =	stream.linear.scatter [tilespmem:s18], [sflag:$0xA], $0x80, $0x38;
	[tilespmem:$0x1A800] =	vst v63  }
0x68c: {  	s15 =	sadd.s32 $0x18710, s5;
	s17 =	sadd.s32 $0x20, s14  }
0x68d: {  	[hbm4b:s17+s3] =	stream.linear.scatter [tilespmem:s15], [sflag:$0xA], $0x80, $0x38;
	[tilespmem:$0x1A800] =	vst v63  }
0x68e: {  	s18 =	sadd.s32 $0x18798, s5;
	s30 =	sadd.s32 $0x30, s14  }
0x68f: {  	[hbm4b:s30+s3] =	stream.linear.scatter [tilespmem:s18], [sflag:$0xA], $0x80, $0x38;
	[tilespmem:$0x1A800] =	vst v63  }
0x690: {  	s15 =	sadd.s32 $0x18820, s5;
	s17 =	sadd.s32 $0x40, s14  }
0x691: {  	[hbm4b:s17+s3] =	stream.linear.scatter [tilespmem:s15], [sflag:$0xA], $0x80, $0x38;
	[tilespmem:$0x1A800] =	vst v63  }
0x692: {  	s18 =	sadd.s32 $0x188A8, s5;
	s30 =	sadd.s32 $0x50, s14  }
0x693: {  	[hbm4b:s30+s3] =	stream.linear.scatter [tilespmem:s18], [sflag:$0xA], $0x80, $0x38;
	[tilespmem:$0x1A800] =	vst v63  }
.Ltmp21:
0x694: {  	_ = 	snop;
	(pc) =	sbr.rel @p0 .LBB2_40-.Ltmp21, $4  }
0x695: {  	s15 =	sadd.s32 $0x18930, s5;
	s17 =	sadd.s32 $0x60, s14  }
0x696: {  	[hbm4b:s17+s3] =	stream.linear.scatter [tilespmem:s15], [sflag:$0xA], $0x80, $0x38;
	[tilespmem:$0x1A800] =	vst v63  }
0x697: {  	s18 =	sadd.s32 $0x189B8, s5;
	s30 =	sadd.s32 $0x70, s14  }
0x698: {  	[hbm4b:s30+s3] =	stream.linear.scatter [tilespmem:s18], [sflag:$0xA], $0x80, $0x38;
	[tilespmem:$0x1A800] =	vst v63  }
0x699: {  	v9 =	vld [tilespmem:$0x1FE60]  }
0x69a: {  	v3 =	vld [tilespmem:$0x1FE90]  }
0x69b: {  	v8 =	vld [tilespmem:$0x1FEA0]  }
0x69c: {  	v62 =	vld [tilespmem:$0x1FEC0]  }
0x69d: {  	v28 =	vld [tilespmem:$0x1FEE0]  }
0x69e: {  	v20 =	vld [tilespmem:$0x1FF10]  }
0x69f: {  	v54 =	vld [tilespmem:$0x1FF40]  }
.Ltmp22:
0x6a0: {  	v32 =	vld [tilespmem:$0x1FF70];
	(pc) =	sbr.rel .LBB2_2-.Ltmp22, $4  }
0x6a1: {  	s1 =	sshll.u32 s31, $0xA;
	v31 =	vld [tilespmem:$0x1FFA0]  }
0x6a2: {  	s2 =	simm.s32 $0x80;
	v15 =	vld [tilespmem:$0x1FE50];
	s1 =	sand.u32 $0x3FFFFC00, s1  }
0x6a3: {  	s5 =	simm.s32 $0x14400;
	s31 =	sadd.s32 $0x1, s31;
	v19 =	vld [tilespmem:$0x1FFD0];
	s1 =	sadd.s32 $0x780, s1  }
0x6a4: {  	v12 =	vmov v26;
	v26 =	vmov v22;
	v22 =	vmov v18;
	v2 =	vld [tilespmem:$0x1FFE0];
	[tilespmem:s5], [sflag:$0x8] =	stream.indirect.gather [hbm4b:s4+s2], $0x40, s1, s2, $0xb8  }
.LBB2_41:
0x6a5: {  	_ =	sfence.sel $0x180000  }
0x6a6: {  	[bflag:$0x0] =	sbarrier.arrive $0xFFFF  }
0x6a7: {  	_ =	strace $0x90000047  }
0x6a8: {  	s0 =	stileid.u32;
	[bflag:$0x2] =	sbarrier.arrive $0xFFFF  }
0x6a9: {  	p0 =	sne.s32 s0, $0x0;
	s0 =	rddreg [dreg:$0x2]  }
0x6aa: {  	s0 =	sadd.s32 @!p0 $0x100000, s0  }
0x6ab: {  	[sflag:s0] =	ssyncadd.tile.s32 @!p0 $0x1;
	_ =	shalt  }
.Lfunc_end2:
_tile_overlayer_lowered:
.L_overlay_start_2:
0x6ac: {  	(tag) =	ssettag $0x2  }
0x6ad: {  	s0 =	rddreg [dreg:$0x0];
	s2 =	stileid.u32  }
0x6ae: {  	s1 =	rddreg [dreg:$0x1];
	p0 =	sne.s32 s2, $0x0  }
0x6af: {  	s3 =	rddreg [dreg:$0x2];
	[bflag:$0x3] =	sbarrier.arrive $0xFFFF;
	s2 =	simm.s32 @!p0 $0x1C0B  }
0x6b0: {  	[timem:s3], [sflag:s2] =	dma.local @!p0 [hbm:s0], s1  }
0x6b1: {  	s0 =	simm.s32 @!p0 $0xB  }
0x6b2: {  	_ =	swait.ge @!p0 [sflag:s0], s1  }
0x6b3: {  	s1 =	ssub.s32 @!p0 $0x0, s1;
	[sflag:s0] =	ssyncset.done @!p0 $0x0  }
0x6b4: {  	[sflag:s0] =	ssyncadd.s32 @!p0 s1  }
0x6b5: {  	[bflag:$0x3] =	sbarrier.arrive $0xFFFF  }
0x6b6: {  	_ =	shalt  }

</sc_bundles>
